<compile_context>
chip_gen: v7x
topology: tpu7x:2x2x1
jax: 0.10.2.dev20260603
libtpu: 0.0.44.dev20260713+nightly
codegen_flags: <defaults>
</compile_context>

<pallas_src>
import functools

import jax
import jax.numpy as jnp
from jax import lax
from jax.experimental import pallas as pl
from jax.experimental.pallas import tpu as pltpu
from jax.experimental.pallas import tpu_sc as plsc

NC = 2
NS = 16
NW = NC * NS
CHUNK = 128
NB = 4
RB = 2000



def _sc_mesh():
    return plsc.VectorSubcoreMesh(core_axis_name="c", subcore_axis_name="s")


def _make_spmm(n_acc, nch, width, nb=2):
    rpt = n_acc // NS
    if nb == 1:
        nwin = 1
    elif nb == 3 and nch % 3 == 0:
        nwin = 3
    else:
        nwin = 2 if nch % 2 == 0 else 1
    win = nch // nwin
    assert win % nb == 0

    @functools.partial(
        pl.kernel,
        mesh=_sc_mesh(),
        out_type=jax.ShapeDtypeStruct((NC, n_acc, width), jnp.float32),
        scratch_types=(
            [pltpu.VMEM((win, CHUNK), jnp.int32),
             pltpu.VMEM((win, CHUNK), jnp.int32)]
            + [pltpu.VMEM((CHUNK, width), jnp.float32)] * nb
            + [pltpu.VMEM_SHARED((n_acc, width), jnp.float32)]
            + [pltpu.SemaphoreType.DMA] * (2 * nb)
        ),
    )
    def spmm(table, src3, dst3, zeros, out, srcv, dstv, *rest):
        rows = rest[:nb]
        acc = rest[nb]
        gsem = rest[nb + 1:nb + 1 + nb]
        ssem = rest[nb + 1 + nb:]
        cid = lax.axis_index("c")
        sid = lax.axis_index("s")
        wid = sid * NC + cid
        sl = pl.ds(sid * rpt, rpt)
        pltpu.sync_copy(zeros.at[sl], acc.at[sl])
        plsc.subcore_barrier()

        for w in range(nwin):
            if nwin == 1:
                pltpu.sync_copy(src3.at[wid], srcv)
                pltpu.sync_copy(dst3.at[wid], dstv)
            else:
                pltpu.sync_copy(src3.at[wid, pl.ds(w * win, win)], srcv)
                pltpu.sync_copy(dst3.at[wid, pl.ds(w * win, win)], dstv)

            if nb == 1:
                def body(j, carry):
                    pltpu.async_copy(
                        table.at[srcv.at[j]], rows[0], gsem[0]).wait()
                    pltpu.sync_copy(rows[0], acc.at[dstv.at[j]], add=True)
                    return carry

                lax.fori_loop(0, win, body, 0)
            else:
                for b in range(nb):
                    pltpu.async_copy(table.at[srcv.at[b]], rows[b], gsem[b])

                def group(gi, carry):
                    for b in range(nb):
                        j = gi * nb + b
                        pltpu.make_async_copy(
                            table.at[srcv.at[j]], rows[b], gsem[b]).wait()
                        pltpu.async_copy(
                            rows[b], acc.at[dstv.at[j]], ssem[b], add=True)
                    for b in range(nb):
                        j = gi * nb + b
                        pltpu.make_async_copy(
                            rows[b], acc.at[dstv.at[j]], ssem[b]).wait()
                        jn = jnp.minimum(j + nb, win - 1)
                        pltpu.async_copy(
                            table.at[srcv.at[jn]], rows[b], gsem[b])
                    return carry

                lax.fori_loop(0, win // nb, group, 0)
                for b in range(nb):
                    pltpu.make_async_copy(
                        table.at[srcv.at[0]], rows[b], gsem[b]).wait()

        plsc.subcore_barrier()
        pltpu.sync_copy(acc.at[sl], out.at[cid, sl])

    return spmm


def _make_deg(n_acc, nch):
    rpt = n_acc // NS

    @functools.partial(
        pl.kernel,
        mesh=_sc_mesh(),
        out_type=jax.ShapeDtypeStruct((NC, n_acc, 128), jnp.float32),
        scratch_types=[
            pltpu.VMEM((nch, CHUNK), jnp.int32),
            pltpu.VMEM((CHUNK, 128), jnp.float32),
            pltpu.VMEM_SHARED((n_acc, 128), jnp.float32),
            pltpu.SemaphoreType.DMA,
        ],
    )
    def deg(dst3, ones, zeros, out, dstv, onesv, acc, sem):
        cid = lax.axis_index("c")
        sid = lax.axis_index("s")
        wid = sid * NC + cid
        sl = pl.ds(sid * rpt, rpt)
        pltpu.sync_copy(zeros.at[sl], acc.at[sl])
        pltpu.sync_copy(dst3.at[wid], dstv)
        pltpu.sync_copy(ones, onesv)
        plsc.subcore_barrier()

        k = next(d for d in (10, 9, 8, 7, 6, 5, 4, 3, 2, 1) if nch % d == 0)
        def group(gi, carry):
            for b in range(k):
                pltpu.async_copy(
                    onesv, acc.at[dstv.at[gi * k + b]], sem, add=True)
            for b in range(k):
                pltpu.make_async_copy(
                    onesv, acc.at[dstv.at[0]], sem).wait()
            return carry

        lax.fori_loop(0, nch // k, group, 0)
        plsc.subcore_barrier()
        pltpu.sync_copy(acc.at[sl], out.at[cid, sl])

    return deg



def _tc_prescale(degp, x):
    n = x.shape[0]

    def body(degp_ref, x_ref, dinv_ref, xs_ref):
        d = degp_ref[0, :, 0:1] + degp_ref[1, :, 0:1] + 1.0
        dinv = lax.rsqrt(d)
        dinv_ref[...] = dinv
        xs_ref[...] = x_ref[...] * dinv

    return pl.pallas_call(
        body,
        grid=(n // RB,),
        in_specs=[
            pl.BlockSpec((NC, RB, 128), lambda i: (0, i, 0)),
            pl.BlockSpec((RB, 128), lambda i: (i, 0)),
        ],
        out_specs=[
            pl.BlockSpec((RB, 1), lambda i: (i, 0)),
            pl.BlockSpec((RB, 128), lambda i: (i, 0)),
        ],
        out_shape=[
            jax.ShapeDtypeStruct((n, 1), jnp.float32),
            jax.ShapeDtypeStruct((n, 128), jnp.float32),
        ],
    )(degp, x)


def _tc_layer(partials, base, dinv, w, b, g, be, res=None):
    n, kdim = base.shape
    hout = w.shape[1]
    nblk = n // RB
    inv_n = 1.0 / n

    def body(p_ref, base_ref, dinv_ref, w_ref, b_ref, g_ref, be_ref,
             *rest):
        if res is None:
            y_ref, ys_ref, pre_scr, stats_scr = rest
            res_ref = None
        else:
            res_ref, y_ref, ys_ref, pre_scr, stats_scr = rest
        ph = pl.program_id(0)
        i = pl.program_id(1)

        @pl.when(ph == 0)
        def _():
            s = (p_ref[0] + p_ref[1] + base_ref[...]) * dinv_ref[...]
            pre = jnp.dot(s, w_ref[...], preferred_element_type=jnp.float32)
            pre = pre + b_ref[...]
            pre_scr[pl.ds(i * RB, RB), :] = pre
            su = jnp.sum(pre, axis=0, keepdims=True)
            sq = jnp.sum(pre * pre, axis=0, keepdims=True)
            upd = jnp.concatenate([su, sq], axis=0)

            @pl.when(i == 0)
            def _():
                stats_scr[...] = upd

            @pl.when(i > 0)
            def _():
                stats_scr[...] += upd

        @pl.when(ph == 1)
        def _():
            pre = pre_scr[pl.ds(i * RB, RB), :]
            mean = stats_scr[0:1, :] * inv_n
            var = stats_scr[1:2, :] * inv_n - mean * mean
            yn = (pre - mean) * lax.rsqrt(var + 1e-5) * g_ref[...]
            y = jnp.maximum(yn + be_ref[...], 0.0)
            if res_ref is not None:
                y = y + res_ref[...]
            y_ref[...] = y
            ys_ref[...] = y * dinv_ref[...]

    last = nblk - 1
    in_specs = [
        pl.BlockSpec((NC, RB, 128),
                     lambda p, i: (0, jnp.where(p == 0, i, last), 0)),
        pl.BlockSpec((RB, 128),
                     lambda p, i: (jnp.where(p == 0, i, last), 0)),
        pl.BlockSpec((RB, 1), lambda p, i: (i, 0)),
        pl.BlockSpec((kdim, hout), lambda p, i: (0, 0)),
        pl.BlockSpec((1, hout), lambda p, i: (0, 0)),
        pl.BlockSpec((1, hout), lambda p, i: (0, 0)),
        pl.BlockSpec((1, hout), lambda p, i: (0, 0)),
    ]
    args = [partials, base, dinv, w, b.reshape(1, hout),
            g.reshape(1, hout), be.reshape(1, hout)]
    if res is not None:
        in_specs.append(
            pl.BlockSpec((RB, hout),
                         lambda p, i: (jnp.where(p == 1, i, 0), 0)))
        args.append(res)
    return pl.pallas_call(
        body,
        grid=(2, nblk),
        in_specs=in_specs,
        out_specs=[
            pl.BlockSpec((RB, hout), lambda p, i: (i, 0)),
            pl.BlockSpec((RB, hout), lambda p, i: (i, 0)),
        ],
        out_shape=[
            jax.ShapeDtypeStruct((n, hout), jnp.float32),
            jax.ShapeDtypeStruct((n, hout), jnp.float32),
        ],
        scratch_shapes=[
            pltpu.VMEM((n, hout), jnp.float32),
            pltpu.VMEM((2, hout), jnp.float32),
        ],
    )(*args)


def _tc_heads(partials, base, dinv, wm, bm, ws, bs, eps):
    n = base.shape[0]
    lat = wm.shape[1]

    def body(p_ref, base_ref, dinv_ref, wm_ref, bm_ref, ws_ref, bs_ref,
             eps_ref, qz_ref, qm_ref, qs_ref):
        p = (p_ref[0] + p_ref[1] + base_ref[...]) * dinv_ref[...]
        qm = jnp.dot(p, wm_ref[...], preferred_element_type=jnp.float32)
        qm = qm + bm_ref[...]
        qs = jnp.dot(p, ws_ref[...], preferred_element_type=jnp.float32)
        qs = qs + bs_ref[...]
        std = jnp.logaddexp(qs, 0.0) + 1e-6
        qm_ref[...] = qm
        qs_ref[...] = qs
        qz_ref[...] = qm + std * eps_ref[...]

    return pl.pallas_call(
        body,
        grid=(n // RB,),
        in_specs=[
            pl.BlockSpec((NC, RB, 128), lambda i: (0, i, 0)),
            pl.BlockSpec((RB, 128), lambda i: (i, 0)),
            pl.BlockSpec((RB, 1), lambda i: (i, 0)),
            pl.BlockSpec((128, lat), lambda i: (0, 0)),
            pl.BlockSpec((1, lat), lambda i: (0, 0)),
            pl.BlockSpec((128, lat), lambda i: (0, 0)),
            pl.BlockSpec((1, lat), lambda i: (0, 0)),
            pl.BlockSpec((RB, lat), lambda i: (i, 0)),
        ],
        out_specs=[
            pl.BlockSpec((RB, lat), lambda i: (i, 0)),
            pl.BlockSpec((RB, lat), lambda i: (i, 0)),
            pl.BlockSpec((RB, lat), lambda i: (i, 0)),
        ],
        out_shape=[
            jax.ShapeDtypeStruct((n, lat), jnp.float32),
            jax.ShapeDtypeStruct((n, lat), jnp.float32),
            jax.ShapeDtypeStruct((n, lat), jnp.float32),
        ],
    )(partials, base, dinv, wm, bm.reshape(1, lat), ws, bs.reshape(1, lat),
      eps)



def kernel(x, edge_index, W1, b1, g1, be1, W2, b2, g2, be2, Wm, bm, Ws, bs):
    n = x.shape[0]
    e = edge_index.shape[1]
    lat = Wm.shape[1]

    n_acc = -(-(n + 1) // (NS * 8)) * (NS * 8)
    unit = CHUNK * NB
    epw = -(-e // (NW * unit)) * unit
    nch = epw // CHUNK
    pad = NW * epw - e

    src = edge_index[0].astype(jnp.int32)
    dst = edge_index[1].astype(jnp.int32)
    pad_src = jnp.arange(pad, dtype=jnp.int32) * 79 % n
    src3 = jnp.concatenate([src, pad_src])
    src3 = src3.reshape(NW, nch, CHUNK)
    pad_dst = n + jnp.arange(pad, dtype=jnp.int32) % (n_acc - n)
    dst3 = jnp.concatenate([dst, pad_dst])
    dst3 = dst3.reshape(NW, nch, CHUNK)

    zeros_w = jnp.zeros((n_acc, 128), jnp.float32)
    ones_d = jnp.ones((CHUNK, 128), jnp.float32)

    deg_fn = _make_deg(n_acc, nch)
    spmm_fn = _make_spmm(n_acc, nch, 128)

    degp = deg_fn(dst3, ones_d, zeros_w)
    dinv, xs = _tc_prescale(degp, x)

    s1 = spmm_fn(xs, src3, dst3, zeros_w)
    res, res_s = _tc_layer(s1, xs, dinv, W1, b1, g1, be1)

    s2 = spmm_fn(res_s, src3, dst3, zeros_w)
    _, h_s = _tc_layer(s2, res_s, dinv, W2, b2, g2, be2, res=res)

    s3 = spmm_fn(h_s, src3, dst3, zeros_w)
    eps = jax.random.normal(jax.random.key(1), (n, lat), jnp.float32)
    q_z, q_m, q_s = _tc_heads(s3, h_s, dinv, Wm, bm, Ws, bs, eps)
    return (q_z, q_m, q_s)

# --- scband reference (transcript-rebuilt; emitter-appended) ---
"""Pipeline reference for scband-graph-encoder-stack-57114475102424 (READ-ONLY COPY).

The authoritative reference and input builder live on the scoring server;
editing this copy changes nothing except your own understanding.
"""

import jax, jax.numpy as jnp
import numpy as np

N, D, H, L, E = 10000, 128, 128, 64, 320000


def gcn_conv(x, src, dst, norm, W, b, n):
    h = x @ W
    msg = h[src] * norm[:, None]
    out = jnp.zeros((n, W.shape[1]), dtype=h.dtype).at[dst].add(msg)
    return out + b


def batchnorm(x, g, b):
    m = jnp.mean(x, axis=0)
    v = jnp.var(x, axis=0)
    return (x - m) / jnp.sqrt(v + 1e-5) * g + b


def setup_inputs(seed: int = 0):
    key = jax.random.key(seed)
    ks = jax.random.split(key, 16)
    x = jax.random.normal(ks[0], (N, D), dtype=jnp.float32)
    edge_index = jax.random.randint(ks[1], (2, E), 0, N)
    s = 1.0 / np.sqrt(D)
    sh = 1.0 / np.sqrt(H)
    return {
        'x': x,
        'edge_index': edge_index,
        'W1': jax.random.normal(ks[2], (D, H), dtype=jnp.float32) * s,
        'b1': jnp.zeros((H,), dtype=jnp.float32),
        'g1': jnp.ones((H,), dtype=jnp.float32),
        'be1': jnp.zeros((H,), dtype=jnp.float32),
        'W2': jax.random.normal(ks[3], (H, H), dtype=jnp.float32) * sh,
        'b2': jnp.zeros((H,), dtype=jnp.float32),
        'g2': jnp.ones((H,), dtype=jnp.float32),
        'be2': jnp.zeros((H,), dtype=jnp.float32),
        'Wm': jax.random.normal(ks[4], (H, L), dtype=jnp.float32) * sh,
        'bm': jnp.zeros((L,), dtype=jnp.float32),
        'Ws': jax.random.normal(ks[5], (H, L), dtype=jnp.float32) * sh,
        'bs': jnp.zeros((L,), dtype=jnp.float32),
    }


def reference(x, edge_index, W1, b1, g1, be1, W2, b2, g2, be2, Wm, bm, Ws, bs):
    n = x.shape[0]
    loop = jnp.arange(n)
    src = jnp.concatenate([edge_index[0], loop])
    dst = jnp.concatenate([edge_index[1], loop])
    deg = jnp.zeros((n,), dtype=x.dtype).at[dst].add(1.0)
    dinv = jax.lax.rsqrt(deg)
    norm = dinv[src] * dinv[dst]
    # layer 0
    h = gcn_conv(x, src, dst, norm, W1, b1, n)
    h = jax.nn.relu(batchnorm(h, g1, be1))
    res = h  # residual saved after first layer
    # layer 1
    h = gcn_conv(h, src, dst, norm, W2, b2, n)
    h = jax.nn.relu(batchnorm(h, g2, be2))
    h = h + res
    # heads
    q_m = gcn_conv(h, src, dst, norm, Wm, bm, n)
    q_s = gcn_conv(h, src, dst, norm, Ws, bs, n)
    std = jax.nn.softplus(q_s) + 1e-6
    eps = jax.random.normal(jax.random.key(1), q_m.shape, dtype=q_m.dtype)
    q_z = q_m + std * eps  # reparameterised sample
    return (q_z, q_m, q_s)

if __name__ == "__main__":
    import jax
    _d = setup_inputs()
    print(jax.jit(kernel)(*tuple(_d.values())))

</pallas_src>

<mosaic_0001>
#map = affine_map<(d0, d1) -> (0, 0, 0)>
#map1 = affine_map<(d0, d1) -> (0, 0)>
module attributes {stable_mosaic.version = 14 : i64} {
  func.func @deg(%arg0: i32, %arg1: i32, %arg2: memref<32x80x128xi32, #tpu.memory_space<hbm>>, %arg3: memref<128x128xf32, #tpu.memory_space<hbm>>, %arg4: memref<10112x128xf32, #tpu.memory_space<hbm>>, %arg5: memref<2x10112x128xf32, #tpu.memory_space<hbm>>, %arg6: memref<80x128xi32, #tpu.memory_space<vmem>>, %arg7: memref<128x128xf32, #tpu.memory_space<vmem>>, %arg8: memref<10112x128xf32, #tpu.memory_space<vmem_shared>>, %arg9: memref<!tpu.dma_semaphore, #tpu.memory_space<semaphore_mem>>) attributes {dimension_semantics = [#tpu.dimension_semantics<core_parallel>, #tpu.dimension_semantics<subcore_parallel>], iteration_bounds = array<i64: 2, 16>, scalar_prefetch = 0 : i64, scratch_operands = 4 : i64, tpu.core_type = #tpu.core_type<sc_vector_subcore>, window_params = [{transform_indices = #map}, {transform_indices = #map1}, {transform_indices = #map1}, {transform_indices = #map}]} {
    %mul3A = arith.constant 2 : i32
    %mul3A_0 = arith.muli %arg1, %mul3A : i32
    %add3A = arith.addi %mul3A_0, %arg0 : i32
    %mul3A_1 = arith.constant 632 : i32
    %mul3A_2 = arith.muli %arg1, %mul3A_1 : i32
    "tpu.region"() ({
      %run_scoped3A = tpu.sem_alloc : memref<!tpu.dma_semaphore, #tpu.memory_space<semaphore_mem>>
      %dma_start3A = arith.constant 0 : i32
      %dma_start3A_9 = tpu.memref_slice %arg8[%mul3A_2, %dma_start3A] : memref<10112x128xf32, #tpu.memory_space<vmem_shared>> -> memref<632x128xf32, #tpu.memory_space<vmem_shared>>
      %dma_start3A_10 = arith.constant 0 : i32
      %dma_start3A_11 = tpu.memref_slice %arg4[%mul3A_2, %dma_start3A_10] : memref<10112x128xf32, #tpu.memory_space<hbm>> -> memref<632x128xf32, #tpu.memory_space<hbm>>
      tpu.enqueue_dma source(%dma_start3A_11 : memref<632x128xf32, #tpu.memory_space<hbm>>) target(%dma_start3A_9 : memref<632x128xf32, #tpu.memory_space<vmem_shared>>) target_semaphore(%run_scoped3A : memref<!tpu.dma_semaphore, #tpu.memory_space<semaphore_mem>>)
      %dma_wait3A = arith.constant 0 : i32
      %dma_wait3A_12 = tpu.memref_slice %arg8[%mul3A_2, %dma_wait3A] : memref<10112x128xf32, #tpu.memory_space<vmem_shared>> -> memref<632x128xf32, #tpu.memory_space<vmem_shared>>
      %dma_wait3A_13 = arith.constant 0 : i32
      %dma_wait3A_14 = tpu.memref_slice %arg4[%mul3A_2, %dma_wait3A_13] : memref<10112x128xf32, #tpu.memory_space<hbm>> -> memref<632x128xf32, #tpu.memory_space<hbm>>
      tpu.wait_dma2 semaphore(%run_scoped3A : memref<!tpu.dma_semaphore, #tpu.memory_space<semaphore_mem>>) src(%dma_wait3A_14 : memref<632x128xf32, #tpu.memory_space<hbm>>) dst(%dma_wait3A_12 : memref<632x128xf32, #tpu.memory_space<vmem_shared>>)
      tpu.yield
    }) : () -> ()
    "tpu.region"() ({
      %run_scoped3A = tpu.sem_alloc : memref<!tpu.dma_semaphore, #tpu.memory_space<semaphore_mem>>
      %dma_start3A = arith.constant 0 : i32
      %dma_start3A_9 = arith.constant 0 : i32
      %dma_start3A_10 = tpu.memref_slice %arg2[%add3A, %dma_start3A, %dma_start3A_9] : memref<32x80x128xi32, #tpu.memory_space<hbm>> -> memref<1x80x128xi32, #tpu.memory_space<hbm>>
      %dma_start3A_11 = tpu.memref_squeeze %dma_start3A_10 : memref<1x80x128xi32, #tpu.memory_space<hbm>> -> memref<80x128xi32, #tpu.memory_space<hbm>>
      %dma_start3A_12 = arith.constant 0 : i32
      %dma_start3A_13 = arith.constant 0 : i32
      %dma_start3A_14 = tpu.memref_slice %arg2[%add3A, %dma_start3A_12, %dma_start3A_13] : memref<32x80x128xi32, #tpu.memory_space<hbm>> -> memref<1x80x128xi32, #tpu.memory_space<hbm>>
      %dma_start3A_15 = tpu.memref_squeeze %dma_start3A_14 : memref<1x80x128xi32, #tpu.memory_space<hbm>> -> memref<80x128xi32, #tpu.memory_space<hbm>>
      tpu.enqueue_dma source(%dma_start3A_15 : memref<80x128xi32, #tpu.memory_space<hbm>>) target(%arg6 : memref<80x128xi32, #tpu.memory_space<vmem>>) target_semaphore(%run_scoped3A : memref<!tpu.dma_semaphore, #tpu.memory_space<semaphore_mem>>)
      %dma_wait3A = arith.constant 0 : i32
      %dma_wait3A_16 = arith.constant 0 : i32
      %dma_wait3A_17 = tpu.memref_slice %arg2[%add3A, %dma_wait3A, %dma_wait3A_16] : memref<32x80x128xi32, #tpu.memory_space<hbm>> -> memref<1x80x128xi32, #tpu.memory_space<hbm>>
      %dma_wait3A_18 = tpu.memref_squeeze %dma_wait3A_17 : memref<1x80x128xi32, #tpu.memory_space<hbm>> -> memref<80x128xi32, #tpu.memory_space<hbm>>
      %dma_wait3A_19 = arith.constant 0 : i32
      %dma_wait3A_20 = arith.constant 0 : i32
      %dma_wait3A_21 = tpu.memref_slice %arg2[%add3A, %dma_wait3A_19, %dma_wait3A_20] : memref<32x80x128xi32, #tpu.memory_space<hbm>> -> memref<1x80x128xi32, #tpu.memory_space<hbm>>
      %dma_wait3A_22 = tpu.memref_squeeze %dma_wait3A_21 : memref<1x80x128xi32, #tpu.memory_space<hbm>> -> memref<80x128xi32, #tpu.memory_space<hbm>>
      tpu.wait_dma2 semaphore(%run_scoped3A : memref<!tpu.dma_semaphore, #tpu.memory_space<semaphore_mem>>) src(%dma_wait3A_22 : memref<80x128xi32, #tpu.memory_space<hbm>>) dst(%arg6 : memref<80x128xi32, #tpu.memory_space<vmem>>)
      tpu.yield
    }) : () -> ()
    "tpu.region"() ({
      %run_scoped3A = tpu.sem_alloc : memref<!tpu.dma_semaphore, #tpu.memory_space<semaphore_mem>>
      tpu.enqueue_dma source(%arg3 : memref<128x128xf32, #tpu.memory_space<hbm>>) target(%arg7 : memref<128x128xf32, #tpu.memory_space<vmem>>) target_semaphore(%run_scoped3A : memref<!tpu.dma_semaphore, #tpu.memory_space<semaphore_mem>>)
      tpu.wait_dma2 semaphore(%run_scoped3A : memref<!tpu.dma_semaphore, #tpu.memory_space<semaphore_mem>>) src(%arg3 : memref<128x128xf32, #tpu.memory_space<hbm>>) dst(%arg7 : memref<128x128xf32, #tpu.memory_space<vmem>>)
      tpu.yield
    }) : () -> ()
    %barrier3A = arith.constant 0 : index
    tpu.barrier barrier_id(%barrier3A)
    %scan3A = arith.constant 0 : i32
    %scan3A_3 = arith.constant 0 : i32
    %scan3A_4 = arith.constant 8 : i32
    %scan3A_5 = arith.addi %scan3A_3, %scan3A_4 : i32
    %scan3A_6 = arith.constant 1 : i32
    scf.for %scan3A_9 = %scan3A_3 to %scan3A_5 step %scan3A_6  : i32 {
      %mul3A_10 = arith.constant 10 : i32
      %mul3A_11 = arith.muli %scan3A_9, %mul3A_10 : i32
      %add3A_12 = arith.constant 0 : i32
      %add3A_13 = arith.addi %mul3A_11, %add3A_12 : i32
      %dma_start3A = arith.constant 0 : i32
      %dma_start3A_14 = tpu.memref_slice %arg6[%add3A_13, %dma_start3A] : memref<80x128xi32, #tpu.memory_space<vmem>> -> memref<1x128xi32, #tpu.memory_space<vmem>>
      %dma_start3A_15 = tpu.memref_squeeze %dma_start3A_14 : memref<1x128xi32, #tpu.memory_space<vmem>> -> memref<128xi32, #tpu.memory_space<vmem>>
      %dma_start3A_16 = arith.constant 0 : i32
      %dma_start3A_17 = arith.constant 0 : i32
      %dma_start3A_18 = tpu.memref_slice %arg8[%dma_start3A_16, %dma_start3A_17] : memref<10112x128xf32, #tpu.memory_space<vmem_shared>> -> memref<10112x128xf32, #tpu.memory_space<vmem_shared>>
      tpu.enqueue_indirect_dma source(%arg7 : memref<128x128xf32, #tpu.memory_space<vmem>>) target(%dma_start3A_18 : memref<10112x128xf32, #tpu.memory_space<vmem_shared>>) offsets(%dma_start3A_15 : memref<128xi32, #tpu.memory_space<vmem>>) semaphore(%arg9 : memref<!tpu.dma_semaphore, #tpu.memory_space<semaphore_mem>>) {add = true}
      %mul3A_19 = arith.constant 10 : i32
      %mul3A_20 = arith.muli %scan3A_9, %mul3A_19 : i32
      %add3A_21 = arith.constant 1 : i32
      %add3A_22 = arith.addi %mul3A_20, %add3A_21 : i32
      %dma_start3A_23 = arith.constant 0 : i32
      %dma_start3A_24 = tpu.memref_slice %arg6[%add3A_22, %dma_start3A_23] : memref<80x128xi32, #tpu.memory_space<vmem>> -> memref<1x128xi32, #tpu.memory_space<vmem>>
      %dma_start3A_25 = tpu.memref_squeeze %dma_start3A_24 : memref<1x128xi32, #tpu.memory_space<vmem>> -> memref<128xi32, #tpu.memory_space<vmem>>
      %dma_start3A_26 = arith.constant 0 : i32
      %dma_start3A_27 = arith.constant 0 : i32
      %dma_start3A_28 = tpu.memref_slice %arg8[%dma_start3A_26, %dma_start3A_27] : memref<10112x128xf32, #tpu.memory_space<vmem_shared>> -> memref<10112x128xf32, #tpu.memory_space<vmem_shared>>
      tpu.enqueue_indirect_dma source(%arg7 : memref<128x128xf32, #tpu.memory_space<vmem>>) target(%dma_start3A_28 : memref<10112x128xf32, #tpu.memory_space<vmem_shared>>) offsets(%dma_start3A_25 : memref<128xi32, #tpu.memory_space<vmem>>) semaphore(%arg9 : memref<!tpu.dma_semaphore, #tpu.memory_space<semaphore_mem>>) {add = true}
      %mul3A_29 = arith.constant 10 : i32
      %mul3A_30 = arith.muli %scan3A_9, %mul3A_29 : i32
      %add3A_31 = arith.constant 2 : i32
      %add3A_32 = arith.addi %mul3A_30, %add3A_31 : i32
      %dma_start3A_33 = arith.constant 0 : i32
      %dma_start3A_34 = tpu.memref_slice %arg6[%add3A_32, %dma_start3A_33] : memref<80x128xi32, #tpu.memory_space<vmem>> -> memref<1x128xi32, #tpu.memory_space<vmem>>
      %dma_start3A_35 = tpu.memref_squeeze %dma_start3A_34 : memref<1x128xi32, #tpu.memory_space<vmem>> -> memref<128xi32, #tpu.memory_space<vmem>>
      %dma_start3A_36 = arith.constant 0 : i32
      %dma_start3A_37 = arith.constant 0 : i32
      %dma_start3A_38 = tpu.memref_slice %arg8[%dma_start3A_36, %dma_start3A_37] : memref<10112x128xf32, #tpu.memory_space<vmem_shared>> -> memref<10112x128xf32, #tpu.memory_space<vmem_shared>>
      tpu.enqueue_indirect_dma source(%arg7 : memref<128x128xf32, #tpu.memory_space<vmem>>) target(%dma_start3A_38 : memref<10112x128xf32, #tpu.memory_space<vmem_shared>>) offsets(%dma_start3A_35 : memref<128xi32, #tpu.memory_space<vmem>>) semaphore(%arg9 : memref<!tpu.dma_semaphore, #tpu.memory_space<semaphore_mem>>) {add = true}
      %mul3A_39 = arith.constant 10 : i32
      %mul3A_40 = arith.muli %scan3A_9, %mul3A_39 : i32
      %add3A_41 = arith.constant 3 : i32
      %add3A_42 = arith.addi %mul3A_40, %add3A_41 : i32
      %dma_start3A_43 = arith.constant 0 : i32
      %dma_start3A_44 = tpu.memref_slice %arg6[%add3A_42, %dma_start3A_43] : memref<80x128xi32, #tpu.memory_space<vmem>> -> memref<1x128xi32, #tpu.memory_space<vmem>>
      %dma_start3A_45 = tpu.memref_squeeze %dma_start3A_44 : memref<1x128xi32, #tpu.memory_space<vmem>> -> memref<128xi32, #tpu.memory_space<vmem>>
      %dma_start3A_46 = arith.constant 0 : i32
      %dma_start3A_47 = arith.constant 0 : i32
      %dma_start3A_48 = tpu.memref_slice %arg8[%dma_start3A_46, %dma_start3A_47] : memref<10112x128xf32, #tpu.memory_space<vmem_shared>> -> memref<10112x128xf32, #tpu.memory_space<vmem_shared>>
      tpu.enqueue_indirect_dma source(%arg7 : memref<128x128xf32, #tpu.memory_space<vmem>>) target(%dma_start3A_48 : memref<10112x128xf32, #tpu.memory_space<vmem_shared>>) offsets(%dma_start3A_45 : memref<128xi32, #tpu.memory_space<vmem>>) semaphore(%arg9 : memref<!tpu.dma_semaphore, #tpu.memory_space<semaphore_mem>>) {add = true}
      %mul3A_49 = arith.constant 10 : i32
      %mul3A_50 = arith.muli %scan3A_9, %mul3A_49 : i32
      %add3A_51 = arith.constant 4 : i32
      %add3A_52 = arith.addi %mul3A_50, %add3A_51 : i32
      %dma_start3A_53 = arith.constant 0 : i32
      %dma_start3A_54 = tpu.memref_slice %arg6[%add3A_52, %dma_start3A_53] : memref<80x128xi32, #tpu.memory_space<vmem>> -> memref<1x128xi32, #tpu.memory_space<vmem>>
      %dma_start3A_55 = tpu.memref_squeeze %dma_start3A_54 : memref<1x128xi32, #tpu.memory_space<vmem>> -> memref<128xi32, #tpu.memory_space<vmem>>
      %dma_start3A_56 = arith.constant 0 : i32
      %dma_start3A_57 = arith.constant 0 : i32
      %dma_start3A_58 = tpu.memref_slice %arg8[%dma_start3A_56, %dma_start3A_57] : memref<10112x128xf32, #tpu.memory_space<vmem_shared>> -> memref<10112x128xf32, #tpu.memory_space<vmem_shared>>
      tpu.enqueue_indirect_dma source(%arg7 : memref<128x128xf32, #tpu.memory_space<vmem>>) target(%dma_start3A_58 : memref<10112x128xf32, #tpu.memory_space<vmem_shared>>) offsets(%dma_start3A_55 : memref<128xi32, #tpu.memory_space<vmem>>) semaphore(%arg9 : memref<!tpu.dma_semaphore, #tpu.memory_space<semaphore_mem>>) {add = true}
      %mul3A_59 = arith.constant 10 : i32
      %mul3A_60 = arith.muli %scan3A_9, %mul3A_59 : i32
      %add3A_61 = arith.constant 5 : i32
      %add3A_62 = arith.addi %mul3A_60, %add3A_61 : i32
      %dma_start3A_63 = arith.constant 0 : i32
      %dma_start3A_64 = tpu.memref_slice %arg6[%add3A_62, %dma_start3A_63] : memref<80x128xi32, #tpu.memory_space<vmem>> -> memref<1x128xi32, #tpu.memory_space<vmem>>
      %dma_start3A_65 = tpu.memref_squeeze %dma_start3A_64 : memref<1x128xi32, #tpu.memory_space<vmem>> -> memref<128xi32, #tpu.memory_space<vmem>>
      %dma_start3A_66 = arith.constant 0 : i32
      %dma_start3A_67 = arith.constant 0 : i32
      %dma_start3A_68 = tpu.memref_slice %arg8[%dma_start3A_66, %dma_start3A_67] : memref<10112x128xf32, #tpu.memory_space<vmem_shared>> -> memref<10112x128xf32, #tpu.memory_space<vmem_shared>>
      tpu.enqueue_indirect_dma source(%arg7 : memref<128x128xf32, #tpu.memory_space<vmem>>) target(%dma_start3A_68 : memref<10112x128xf32, #tpu.memory_space<vmem_shared>>) offsets(%dma_start3A_65 : memref<128xi32, #tpu.memory_space<vmem>>) semaphore(%arg9 : memref<!tpu.dma_semaphore, #tpu.memory_space<semaphore_mem>>) {add = true}
      %mul3A_69 = arith.constant 10 : i32
      %mul3A_70 = arith.muli %scan3A_9, %mul3A_69 : i32
      %add3A_71 = arith.constant 6 : i32
      %add3A_72 = arith.addi %mul3A_70, %add3A_71 : i32
      %dma_start3A_73 = arith.constant 0 : i32
      %dma_start3A_74 = tpu.memref_slice %arg6[%add3A_72, %dma_start3A_73] : memref<80x128xi32, #tpu.memory_space<vmem>> -> memref<1x128xi32, #tpu.memory_space<vmem>>
      %dma_start3A_75 = tpu.memref_squeeze %dma_start3A_74 : memref<1x128xi32, #tpu.memory_space<vmem>> -> memref<128xi32, #tpu.memory_space<vmem>>
      %dma_start3A_76 = arith.constant 0 : i32
      %dma_start3A_77 = arith.constant 0 : i32
      %dma_start3A_78 = tpu.memref_slice %arg8[%dma_start3A_76, %dma_start3A_77] : memref<10112x128xf32, #tpu.memory_space<vmem_shared>> -> memref<10112x128xf32, #tpu.memory_space<vmem_shared>>
      tpu.enqueue_indirect_dma source(%arg7 : memref<128x128xf32, #tpu.memory_space<vmem>>) target(%dma_start3A_78 : memref<10112x128xf32, #tpu.memory_space<vmem_shared>>) offsets(%dma_start3A_75 : memref<128xi32, #tpu.memory_space<vmem>>) semaphore(%arg9 : memref<!tpu.dma_semaphore, #tpu.memory_space<semaphore_mem>>) {add = true}
      %mul3A_79 = arith.constant 10 : i32
      %mul3A_80 = arith.muli %scan3A_9, %mul3A_79 : i32
      %add3A_81 = arith.constant 7 : i32
      %add3A_82 = arith.addi %mul3A_80, %add3A_81 : i32
      %dma_start3A_83 = arith.constant 0 : i32
      %dma_start3A_84 = tpu.memref_slice %arg6[%add3A_82, %dma_start3A_83] : memref<80x128xi32, #tpu.memory_space<vmem>> -> memref<1x128xi32, #tpu.memory_space<vmem>>
      %dma_start3A_85 = tpu.memref_squeeze %dma_start3A_84 : memref<1x128xi32, #tpu.memory_space<vmem>> -> memref<128xi32, #tpu.memory_space<vmem>>
      %dma_start3A_86 = arith.constant 0 : i32
      %dma_start3A_87 = arith.constant 0 : i32
      %dma_start3A_88 = tpu.memref_slice %arg8[%dma_start3A_86, %dma_start3A_87] : memref<10112x128xf32, #tpu.memory_space<vmem_shared>> -> memref<10112x128xf32, #tpu.memory_space<vmem_shared>>
      tpu.enqueue_indirect_dma source(%arg7 : memref<128x128xf32, #tpu.memory_space<vmem>>) target(%dma_start3A_88 : memref<10112x128xf32, #tpu.memory_space<vmem_shared>>) offsets(%dma_start3A_85 : memref<128xi32, #tpu.memory_space<vmem>>) semaphore(%arg9 : memref<!tpu.dma_semaphore, #tpu.memory_space<semaphore_mem>>) {add = true}
      %mul3A_89 = arith.constant 10 : i32
      %mul3A_90 = arith.muli %scan3A_9, %mul3A_89 : i32
      %add3A_91 = arith.constant 8 : i32
      %add3A_92 = arith.addi %mul3A_90, %add3A_91 : i32
      %dma_start3A_93 = arith.constant 0 : i32
      %dma_start3A_94 = tpu.memref_slice %arg6[%add3A_92, %dma_start3A_93] : memref<80x128xi32, #tpu.memory_space<vmem>> -> memref<1x128xi32, #tpu.memory_space<vmem>>
      %dma_start3A_95 = tpu.memref_squeeze %dma_start3A_94 : memref<1x128xi32, #tpu.memory_space<vmem>> -> memref<128xi32, #tpu.memory_space<vmem>>
      %dma_start3A_96 = arith.constant 0 : i32
      %dma_start3A_97 = arith.constant 0 : i32
      %dma_start3A_98 = tpu.memref_slice %arg8[%dma_start3A_96, %dma_start3A_97] : memref<10112x128xf32, #tpu.memory_space<vmem_shared>> -> memref<10112x128xf32, #tpu.memory_space<vmem_shared>>
      tpu.enqueue_indirect_dma source(%arg7 : memref<128x128xf32, #tpu.memory_space<vmem>>) target(%dma_start3A_98 : memref<10112x128xf32, #tpu.memory_space<vmem_shared>>) offsets(%dma_start3A_95 : memref<128xi32, #tpu.memory_space<vmem>>) semaphore(%arg9 : memref<!tpu.dma_semaphore, #tpu.memory_space<semaphore_mem>>) {add = true}
      %mul3A_99 = arith.constant 10 : i32
      %mul3A_100 = arith.muli %scan3A_9, %mul3A_99 : i32
      %add3A_101 = arith.constant 9 : i32
      %add3A_102 = arith.addi %mul3A_100, %add3A_101 : i32
      %dma_start3A_103 = arith.constant 0 : i32
      %dma_start3A_104 = tpu.memref_slice %arg6[%add3A_102, %dma_start3A_103] : memref<80x128xi32, #tpu.memory_space<vmem>> -> memref<1x128xi32, #tpu.memory_space<vmem>>
      %dma_start3A_105 = tpu.memref_squeeze %dma_start3A_104 : memref<1x128xi32, #tpu.memory_space<vmem>> -> memref<128xi32, #tpu.memory_space<vmem>>
      %dma_start3A_106 = arith.constant 0 : i32
      %dma_start3A_107 = arith.constant 0 : i32
      %dma_start3A_108 = tpu.memref_slice %arg8[%dma_start3A_106, %dma_start3A_107] : memref<10112x128xf32, #tpu.memory_space<vmem_shared>> -> memref<10112x128xf32, #tpu.memory_space<vmem_shared>>
      tpu.enqueue_indirect_dma source(%arg7 : memref<128x128xf32, #tpu.memory_space<vmem>>) target(%dma_start3A_108 : memref<10112x128xf32, #tpu.memory_space<vmem_shared>>) offsets(%dma_start3A_105 : memref<128xi32, #tpu.memory_space<vmem>>) semaphore(%arg9 : memref<!tpu.dma_semaphore, #tpu.memory_space<semaphore_mem>>) {add = true}
      %dma_wait3A = arith.constant 0 : i32
      %dma_wait3A_109 = arith.constant 0 : i32
      %dma_wait3A_110 = tpu.memref_slice %arg6[%dma_wait3A, %dma_wait3A_109] : memref<80x128xi32, #tpu.memory_space<vmem>> -> memref<1x128xi32, #tpu.memory_space<vmem>>
      %dma_wait3A_111 = tpu.memref_squeeze %dma_wait3A_110 : memref<1x128xi32, #tpu.memory_space<vmem>> -> memref<128xi32, #tpu.memory_space<vmem>>
      %dma_wait3A_112 = arith.constant 0 : i32
      %dma_wait3A_113 = arith.constant 0 : i32
      %dma_wait3A_114 = tpu.memref_slice %arg8[%dma_wait3A_112, %dma_wait3A_113] : memref<10112x128xf32, #tpu.memory_space<vmem_shared>> -> memref<10112x128xf32, #tpu.memory_space<vmem_shared>>
      tpu.wait_indirect_dma semaphore(%arg9 : memref<!tpu.dma_semaphore, #tpu.memory_space<semaphore_mem>>) src(%arg7 : memref<128x128xf32, #tpu.memory_space<vmem>>) dst(%dma_wait3A_114 : memref<10112x128xf32, #tpu.memory_space<vmem_shared>>)
      %dma_wait3A_115 = arith.constant 0 : i32
      %dma_wait3A_116 = arith.constant 0 : i32
      %dma_wait3A_117 = tpu.memref_slice %arg6[%dma_wait3A_115, %dma_wait3A_116] : memref<80x128xi32, #tpu.memory_space<vmem>> -> memref<1x128xi32, #tpu.memory_space<vmem>>
      %dma_wait3A_118 = tpu.memref_squeeze %dma_wait3A_117 : memref<1x128xi32, #tpu.memory_space<vmem>> -> memref<128xi32, #tpu.memory_space<vmem>>
      %dma_wait3A_119 = arith.constant 0 : i32
      %dma_wait3A_120 = arith.constant 0 : i32
      %dma_wait3A_121 = tpu.memref_slice %arg8[%dma_wait3A_119, %dma_wait3A_120] : memref<10112x128xf32, #tpu.memory_space<vmem_shared>> -> memref<10112x128xf32, #tpu.memory_space<vmem_shared>>
      tpu.wait_indirect_dma semaphore(%arg9 : memref<!tpu.dma_semaphore, #tpu.memory_space<semaphore_mem>>) src(%arg7 : memref<128x128xf32, #tpu.memory_space<vmem>>) dst(%dma_wait3A_121 : memref<10112x128xf32, #tpu.memory_space<vmem_shared>>)
      %dma_wait3A_122 = arith.constant 0 : i32
      %dma_wait3A_123 = arith.constant 0 : i32
      %dma_wait3A_124 = tpu.memref_slice %arg6[%dma_wait3A_122, %dma_wait3A_123] : memref<80x128xi32, #tpu.memory_space<vmem>> -> memref<1x128xi32, #tpu.memory_space<vmem>>
      %dma_wait3A_125 = tpu.memref_squeeze %dma_wait3A_124 : memref<1x128xi32, #tpu.memory_space<vmem>> -> memref<128xi32, #tpu.memory_space<vmem>>
      %dma_wait3A_126 = arith.constant 0 : i32
      %dma_wait3A_127 = arith.constant 0 : i32
      %dma_wait3A_128 = tpu.memref_slice %arg8[%dma_wait3A_126, %dma_wait3A_127] : memref<10112x128xf32, #tpu.memory_space<vmem_shared>> -> memref<10112x128xf32, #tpu.memory_space<vmem_shared>>
      tpu.wait_indirect_dma semaphore(%arg9 : memref<!tpu.dma_semaphore, #tpu.memory_space<semaphore_mem>>) src(%arg7 : memref<128x128xf32, #tpu.memory_space<vmem>>) dst(%dma_wait3A_128 : memref<10112x128xf32, #tpu.memory_space<vmem_shared>>)
      %dma_wait3A_129 = arith.constant 0 : i32
      %dma_wait3A_130 = arith.constant 0 : i32
      %dma_wait3A_131 = tpu.memref_slice %arg6[%dma_wait3A_129, %dma_wait3A_130] : memref<80x128xi32, #tpu.memory_space<vmem>> -> memref<1x128xi32, #tpu.memory_space<vmem>>
      %dma_wait3A_132 = tpu.memref_squeeze %dma_wait3A_131 : memref<1x128xi32, #tpu.memory_space<vmem>> -> memref<128xi32, #tpu.memory_space<vmem>>
      %dma_wait3A_133 = arith.constant 0 : i32
      %dma_wait3A_134 = arith.constant 0 : i32
      %dma_wait3A_135 = tpu.memref_slice %arg8[%dma_wait3A_133, %dma_wait3A_134] : memref<10112x128xf32, #tpu.memory_space<vmem_shared>> -> memref<10112x128xf32, #tpu.memory_space<vmem_shared>>
      tpu.wait_indirect_dma semaphore(%arg9 : memref<!tpu.dma_semaphore, #tpu.memory_space<semaphore_mem>>) src(%arg7 : memref<128x128xf32, #tpu.memory_space<vmem>>) dst(%dma_wait3A_135 : memref<10112x128xf32, #tpu.memory_space<vmem_shared>>)
      %dma_wait3A_136 = arith.constant 0 : i32
      %dma_wait3A_137 = arith.constant 0 : i32
      %dma_wait3A_138 = tpu.memref_slice %arg6[%dma_wait3A_136, %dma_wait3A_137] : memref<80x128xi32, #tpu.memory_space<vmem>> -> memref<1x128xi32, #tpu.memory_space<vmem>>
      %dma_wait3A_139 = tpu.memref_squeeze %dma_wait3A_138 : memref<1x128xi32, #tpu.memory_space<vmem>> -> memref<128xi32, #tpu.memory_space<vmem>>
      %dma_wait3A_140 = arith.constant 0 : i32
      %dma_wait3A_141 = arith.constant 0 : i32
      %dma_wait3A_142 = tpu.memref_slice %arg8[%dma_wait3A_140, %dma_wait3A_141] : memref<10112x128xf32, #tpu.memory_space<vmem_shared>> -> memref<10112x128xf32, #tpu.memory_space<vmem_shared>>
      tpu.wait_indirect_dma semaphore(%arg9 : memref<!tpu.dma_semaphore, #tpu.memory_space<semaphore_mem>>) src(%arg7 : memref<128x128xf32, #tpu.memory_space<vmem>>) dst(%dma_wait3A_142 : memref<10112x128xf32, #tpu.memory_space<vmem_shared>>)
      %dma_wait3A_143 = arith.constant 0 : i32
      %dma_wait3A_144 = arith.constant 0 : i32
      %dma_wait3A_145 = tpu.memref_slice %arg6[%dma_wait3A_143, %dma_wait3A_144] : memref<80x128xi32, #tpu.memory_space<vmem>> -> memref<1x128xi32, #tpu.memory_space<vmem>>
      %dma_wait3A_146 = tpu.memref_squeeze %dma_wait3A_145 : memref<1x128xi32, #tpu.memory_space<vmem>> -> memref<128xi32, #tpu.memory_space<vmem>>
      %dma_wait3A_147 = arith.constant 0 : i32
      %dma_wait3A_148 = arith.constant 0 : i32
      %dma_wait3A_149 = tpu.memref_slice %arg8[%dma_wait3A_147, %dma_wait3A_148] : memref<10112x128xf32, #tpu.memory_space<vmem_shared>> -> memref<10112x128xf32, #tpu.memory_space<vmem_shared>>
      tpu.wait_indirect_dma semaphore(%arg9 : memref<!tpu.dma_semaphore, #tpu.memory_space<semaphore_mem>>) src(%arg7 : memref<128x128xf32, #tpu.memory_space<vmem>>) dst(%dma_wait3A_149 : memref<10112x128xf32, #tpu.memory_space<vmem_shared>>)
      %dma_wait3A_150 = arith.constant 0 : i32
      %dma_wait3A_151 = arith.constant 0 : i32
      %dma_wait3A_152 = tpu.memref_slice %arg6[%dma_wait3A_150, %dma_wait3A_151] : memref<80x128xi32, #tpu.memory_space<vmem>> -> memref<1x128xi32, #tpu.memory_space<vmem>>
      %dma_wait3A_153 = tpu.memref_squeeze %dma_wait3A_152 : memref<1x128xi32, #tpu.memory_space<vmem>> -> memref<128xi32, #tpu.memory_space<vmem>>
      %dma_wait3A_154 = arith.constant 0 : i32
      %dma_wait3A_155 = arith.constant 0 : i32
      %dma_wait3A_156 = tpu.memref_slice %arg8[%dma_wait3A_154, %dma_wait3A_155] : memref<10112x128xf32, #tpu.memory_space<vmem_shared>> -> memref<10112x128xf32, #tpu.memory_space<vmem_shared>>
      tpu.wait_indirect_dma semaphore(%arg9 : memref<!tpu.dma_semaphore, #tpu.memory_space<semaphore_mem>>) src(%arg7 : memref<128x128xf32, #tpu.memory_space<vmem>>) dst(%dma_wait3A_156 : memref<10112x128xf32, #tpu.memory_space<vmem_shared>>)
      %dma_wait3A_157 = arith.constant 0 : i32
      %dma_wait3A_158 = arith.constant 0 : i32
      %dma_wait3A_159 = tpu.memref_slice %arg6[%dma_wait3A_157, %dma_wait3A_158] : memref<80x128xi32, #tpu.memory_space<vmem>> -> memref<1x128xi32, #tpu.memory_space<vmem>>
      %dma_wait3A_160 = tpu.memref_squeeze %dma_wait3A_159 : memref<1x128xi32, #tpu.memory_space<vmem>> -> memref<128xi32, #tpu.memory_space<vmem>>
      %dma_wait3A_161 = arith.constant 0 : i32
      %dma_wait3A_162 = arith.constant 0 : i32
      %dma_wait3A_163 = tpu.memref_slice %arg8[%dma_wait3A_161, %dma_wait3A_162] : memref<10112x128xf32, #tpu.memory_space<vmem_shared>> -> memref<10112x128xf32, #tpu.memory_space<vmem_shared>>
      tpu.wait_indirect_dma semaphore(%arg9 : memref<!tpu.dma_semaphore, #tpu.memory_space<semaphore_mem>>) src(%arg7 : memref<128x128xf32, #tpu.memory_space<vmem>>) dst(%dma_wait3A_163 : memref<10112x128xf32, #tpu.memory_space<vmem_shared>>)
      %dma_wait3A_164 = arith.constant 0 : i32
      %dma_wait3A_165 = arith.constant 0 : i32
      %dma_wait3A_166 = tpu.memref_slice %arg6[%dma_wait3A_164, %dma_wait3A_165] : memref<80x128xi32, #tpu.memory_space<vmem>> -> memref<1x128xi32, #tpu.memory_space<vmem>>
      %dma_wait3A_167 = tpu.memref_squeeze %dma_wait3A_166 : memref<1x128xi32, #tpu.memory_space<vmem>> -> memref<128xi32, #tpu.memory_space<vmem>>
      %dma_wait3A_168 = arith.constant 0 : i32
      %dma_wait3A_169 = arith.constant 0 : i32
      %dma_wait3A_170 = tpu.memref_slice %arg8[%dma_wait3A_168, %dma_wait3A_169] : memref<10112x128xf32, #tpu.memory_space<vmem_shared>> -> memref<10112x128xf32, #tpu.memory_space<vmem_shared>>
      tpu.wait_indirect_dma semaphore(%arg9 : memref<!tpu.dma_semaphore, #tpu.memory_space<semaphore_mem>>) src(%arg7 : memref<128x128xf32, #tpu.memory_space<vmem>>) dst(%dma_wait3A_170 : memref<10112x128xf32, #tpu.memory_space<vmem_shared>>)
      %dma_wait3A_171 = arith.constant 0 : i32
      %dma_wait3A_172 = arith.constant 0 : i32
      %dma_wait3A_173 = tpu.memref_slice %arg6[%dma_wait3A_171, %dma_wait3A_172] : memref<80x128xi32, #tpu.memory_space<vmem>> -> memref<1x128xi32, #tpu.memory_space<vmem>>
      %dma_wait3A_174 = tpu.memref_squeeze %dma_wait3A_173 : memref<1x128xi32, #tpu.memory_space<vmem>> -> memref<128xi32, #tpu.memory_space<vmem>>
      %dma_wait3A_175 = arith.constant 0 : i32
      %dma_wait3A_176 = arith.constant 0 : i32
      %dma_wait3A_177 = tpu.memref_slice %arg8[%dma_wait3A_175, %dma_wait3A_176] : memref<10112x128xf32, #tpu.memory_space<vmem_shared>> -> memref<10112x128xf32, #tpu.memory_space<vmem_shared>>
      tpu.wait_indirect_dma semaphore(%arg9 : memref<!tpu.dma_semaphore, #tpu.memory_space<semaphore_mem>>) src(%arg7 : memref<128x128xf32, #tpu.memory_space<vmem>>) dst(%dma_wait3A_177 : memref<10112x128xf32, #tpu.memory_space<vmem_shared>>)
    }
    %scan3A_7 = arith.constant 8 : i32
    %barrier3A_8 = arith.constant 0 : index
    tpu.barrier barrier_id(%barrier3A_8)
    "tpu.region"() ({
      %run_scoped3A = tpu.sem_alloc : memref<!tpu.dma_semaphore, #tpu.memory_space<semaphore_mem>>
      %dma_start3A = arith.constant 0 : i32
      %dma_start3A_9 = tpu.memref_slice %arg5[%arg0, %mul3A_2, %dma_start3A] : memref<2x10112x128xf32, #tpu.memory_space<hbm>> -> memref<1x632x128xf32, #tpu.memory_space<hbm>>
      %dma_start3A_10 = tpu.memref_squeeze %dma_start3A_9 : memref<1x632x128xf32, #tpu.memory_space<hbm>> -> memref<632x128xf32, #tpu.memory_space<hbm>>
      %dma_start3A_11 = arith.constant 0 : i32
      %dma_start3A_12 = tpu.memref_slice %arg8[%mul3A_2, %dma_start3A_11] : memref<10112x128xf32, #tpu.memory_space<vmem_shared>> -> memref<632x128xf32, #tpu.memory_space<vmem_shared>>
      tpu.enqueue_dma source(%dma_start3A_12 : memref<632x128xf32, #tpu.memory_space<vmem_shared>>) target(%dma_start3A_10 : memref<632x128xf32, #tpu.memory_space<hbm>>) target_semaphore(%run_scoped3A : memref<!tpu.dma_semaphore, #tpu.memory_space<semaphore_mem>>)
      %dma_wait3A = arith.constant 0 : i32
      %dma_wait3A_13 = tpu.memref_slice %arg5[%arg0, %mul3A_2, %dma_wait3A] : memref<2x10112x128xf32, #tpu.memory_space<hbm>> -> memref<1x632x128xf32, #tpu.memory_space<hbm>>
      %dma_wait3A_14 = tpu.memref_squeeze %dma_wait3A_13 : memref<1x632x128xf32, #tpu.memory_space<hbm>> -> memref<632x128xf32, #tpu.memory_space<hbm>>
      %dma_wait3A_15 = arith.constant 0 : i32
      %dma_wait3A_16 = tpu.memref_slice %arg8[%mul3A_2, %dma_wait3A_15] : memref<10112x128xf32, #tpu.memory_space<vmem_shared>> -> memref<632x128xf32, #tpu.memory_space<vmem_shared>>
      tpu.wait_dma2 semaphore(%run_scoped3A : memref<!tpu.dma_semaphore, #tpu.memory_space<semaphore_mem>>) src(%dma_wait3A_16 : memref<632x128xf32, #tpu.memory_space<vmem_shared>>) dst(%dma_wait3A_14 : memref<632x128xf32, #tpu.memory_space<hbm>>)
      tpu.yield
    }) : () -> ()
    return
  }
}

#map = affine_map<(d0, d1) -> (0, 0)>
#map1 = affine_map<(d0, d1) -> (0, 0, 0)>
module attributes {stable_mosaic.version = 14 : i64} {
  func.func @spmm(%arg0: i32, %arg1: i32, %arg2: memref<10000x128xf32, #tpu.memory_space<hbm>>, %arg3: memref<32x80x128xi32, #tpu.memory_space<hbm>>, %arg4: memref<32x80x128xi32, #tpu.memory_space<hbm>>, %arg5: memref<10112x128xf32, #tpu.memory_space<hbm>>, %arg6: memref<2x10112x128xf32, #tpu.memory_space<hbm>>, %arg7: memref<40x128xi32, #tpu.memory_space<vmem>>, %arg8: memref<40x128xi32, #tpu.memory_space<vmem>>, %arg9: memref<128x128xf32, #tpu.memory_space<vmem>>, %arg10: memref<128x128xf32, #tpu.memory_space<vmem>>, %arg11: memref<10112x128xf32, #tpu.memory_space<vmem_shared>>, %arg12: memref<!tpu.dma_semaphore, #tpu.memory_space<semaphore_mem>>, %arg13: memref<!tpu.dma_semaphore, #tpu.memory_space<semaphore_mem>>, %arg14: memref<!tpu.dma_semaphore, #tpu.memory_space<semaphore_mem>>, %arg15: memref<!tpu.dma_semaphore, #tpu.memory_space<semaphore_mem>>) attributes {dimension_semantics = [#tpu.dimension_semantics<core_parallel>, #tpu.dimension_semantics<subcore_parallel>], iteration_bounds = array<i64: 2, 16>, scalar_prefetch = 0 : i64, scratch_operands = 9 : i64, tpu.core_type = #tpu.core_type<sc_vector_subcore>, window_params = [{transform_indices = #map}, {transform_indices = #map1}, {transform_indices = #map1}, {transform_indices = #map}, {transform_indices = #map1}]} {
    %mul3A = arith.constant 2 : i32
    %mul3A_0 = arith.muli %arg1, %mul3A : i32
    %add3A = arith.addi %mul3A_0, %arg0 : i32
    %mul3A_1 = arith.constant 632 : i32
    %mul3A_2 = arith.muli %arg1, %mul3A_1 : i32
    "tpu.region"() ({
      %run_scoped3A = tpu.sem_alloc : memref<!tpu.dma_semaphore, #tpu.memory_space<semaphore_mem>>
      %dma_start3A_69 = arith.constant 0 : i32
      %dma_start3A_70 = tpu.memref_slice %arg11[%mul3A_2, %dma_start3A_69] : memref<10112x128xf32, #tpu.memory_space<vmem_shared>> -> memref<632x128xf32, #tpu.memory_space<vmem_shared>>
      %dma_start3A_71 = arith.constant 0 : i32
      %dma_start3A_72 = tpu.memref_slice %arg5[%mul3A_2, %dma_start3A_71] : memref<10112x128xf32, #tpu.memory_space<hbm>> -> memref<632x128xf32, #tpu.memory_space<hbm>>
      tpu.enqueue_dma source(%dma_start3A_72 : memref<632x128xf32, #tpu.memory_space<hbm>>) target(%dma_start3A_70 : memref<632x128xf32, #tpu.memory_space<vmem_shared>>) target_semaphore(%run_scoped3A : memref<!tpu.dma_semaphore, #tpu.memory_space<semaphore_mem>>)
      %dma_wait3A_73 = arith.constant 0 : i32
      %dma_wait3A_74 = tpu.memref_slice %arg11[%mul3A_2, %dma_wait3A_73] : memref<10112x128xf32, #tpu.memory_space<vmem_shared>> -> memref<632x128xf32, #tpu.memory_space<vmem_shared>>
      %dma_wait3A_75 = arith.constant 0 : i32
      %dma_wait3A_76 = tpu.memref_slice %arg5[%mul3A_2, %dma_wait3A_75] : memref<10112x128xf32, #tpu.memory_space<hbm>> -> memref<632x128xf32, #tpu.memory_space<hbm>>
      tpu.wait_dma2 semaphore(%run_scoped3A : memref<!tpu.dma_semaphore, #tpu.memory_space<semaphore_mem>>) src(%dma_wait3A_76 : memref<632x128xf32, #tpu.memory_space<hbm>>) dst(%dma_wait3A_74 : memref<632x128xf32, #tpu.memory_space<vmem_shared>>)
      tpu.yield
    }) : () -> ()
    %barrier3A = arith.constant 0 : index
    tpu.barrier barrier_id(%barrier3A)
    "tpu.region"() ({
      %run_scoped3A = tpu.sem_alloc : memref<!tpu.dma_semaphore, #tpu.memory_space<semaphore_mem>>
      %dma_start3A_69 = arith.constant 0 : i32
      %dma_start3A_70 = arith.constant 0 : i32
      %dma_start3A_71 = tpu.memref_slice %arg3[%add3A, %dma_start3A_69, %dma_start3A_70] : memref<32x80x128xi32, #tpu.memory_space<hbm>> -> memref<1x40x128xi32, #tpu.memory_space<hbm>>
      %dma_start3A_72 = tpu.memref_squeeze %dma_start3A_71 : memref<1x40x128xi32, #tpu.memory_space<hbm>> -> memref<40x128xi32, #tpu.memory_space<hbm>>
      %dma_start3A_73 = arith.constant 0 : i32
      %dma_start3A_74 = arith.constant 0 : i32
      %dma_start3A_75 = tpu.memref_slice %arg3[%add3A, %dma_start3A_73, %dma_start3A_74] : memref<32x80x128xi32, #tpu.memory_space<hbm>> -> memref<1x40x128xi32, #tpu.memory_space<hbm>>
      %dma_start3A_76 = tpu.memref_squeeze %dma_start3A_75 : memref<1x40x128xi32, #tpu.memory_space<hbm>> -> memref<40x128xi32, #tpu.memory_space<hbm>>
      tpu.enqueue_dma source(%dma_start3A_76 : memref<40x128xi32, #tpu.memory_space<hbm>>) target(%arg7 : memref<40x128xi32, #tpu.memory_space<vmem>>) target_semaphore(%run_scoped3A : memref<!tpu.dma_semaphore, #tpu.memory_space<semaphore_mem>>)
      %dma_wait3A_77 = arith.constant 0 : i32
      %dma_wait3A_78 = arith.constant 0 : i32
      %dma_wait3A_79 = tpu.memref_slice %arg3[%add3A, %dma_wait3A_77, %dma_wait3A_78] : memref<32x80x128xi32, #tpu.memory_space<hbm>> -> memref<1x40x128xi32, #tpu.memory_space<hbm>>
      %dma_wait3A_80 = tpu.memref_squeeze %dma_wait3A_79 : memref<1x40x128xi32, #tpu.memory_space<hbm>> -> memref<40x128xi32, #tpu.memory_space<hbm>>
      %dma_wait3A_81 = arith.constant 0 : i32
      %dma_wait3A_82 = arith.constant 0 : i32
      %dma_wait3A_83 = tpu.memref_slice %arg3[%add3A, %dma_wait3A_81, %dma_wait3A_82] : memref<32x80x128xi32, #tpu.memory_space<hbm>> -> memref<1x40x128xi32, #tpu.memory_space<hbm>>
      %dma_wait3A_84 = tpu.memref_squeeze %dma_wait3A_83 : memref<1x40x128xi32, #tpu.memory_space<hbm>> -> memref<40x128xi32, #tpu.memory_space<hbm>>
      tpu.wait_dma2 semaphore(%run_scoped3A : memref<!tpu.dma_semaphore, #tpu.memory_space<semaphore_mem>>) src(%dma_wait3A_84 : memref<40x128xi32, #tpu.memory_space<hbm>>) dst(%arg7 : memref<40x128xi32, #tpu.memory_space<vmem>>)
      tpu.yield
    }) : () -> ()
    "tpu.region"() ({
      %run_scoped3A = tpu.sem_alloc : memref<!tpu.dma_semaphore, #tpu.memory_space<semaphore_mem>>
      %dma_start3A_69 = arith.constant 0 : i32
      %dma_start3A_70 = arith.constant 0 : i32
      %dma_start3A_71 = tpu.memref_slice %arg4[%add3A, %dma_start3A_69, %dma_start3A_70] : memref<32x80x128xi32, #tpu.memory_space<hbm>> -> memref<1x40x128xi32, #tpu.memory_space<hbm>>
      %dma_start3A_72 = tpu.memref_squeeze %dma_start3A_71 : memref<1x40x128xi32, #tpu.memory_space<hbm>> -> memref<40x128xi32, #tpu.memory_space<hbm>>
      %dma_start3A_73 = arith.constant 0 : i32
      %dma_start3A_74 = arith.constant 0 : i32
      %dma_start3A_75 = tpu.memref_slice %arg4[%add3A, %dma_start3A_73, %dma_start3A_74] : memref<32x80x128xi32, #tpu.memory_space<hbm>> -> memref<1x40x128xi32, #tpu.memory_space<hbm>>
      %dma_start3A_76 = tpu.memref_squeeze %dma_start3A_75 : memref<1x40x128xi32, #tpu.memory_space<hbm>> -> memref<40x128xi32, #tpu.memory_space<hbm>>
      tpu.enqueue_dma source(%dma_start3A_76 : memref<40x128xi32, #tpu.memory_space<hbm>>) target(%arg8 : memref<40x128xi32, #tpu.memory_space<vmem>>) target_semaphore(%run_scoped3A : memref<!tpu.dma_semaphore, #tpu.memory_space<semaphore_mem>>)
      %dma_wait3A_77 = arith.constant 0 : i32
      %dma_wait3A_78 = arith.constant 0 : i32
      %dma_wait3A_79 = tpu.memref_slice %arg4[%add3A, %dma_wait3A_77, %dma_wait3A_78] : memref<32x80x128xi32, #tpu.memory_space<hbm>> -> memref<1x40x128xi32, #tpu.memory_space<hbm>>
      %dma_wait3A_80 = tpu.memref_squeeze %dma_wait3A_79 : memref<1x40x128xi32, #tpu.memory_space<hbm>> -> memref<40x128xi32, #tpu.memory_space<hbm>>
      %dma_wait3A_81 = arith.constant 0 : i32
      %dma_wait3A_82 = arith.constant 0 : i32
      %dma_wait3A_83 = tpu.memref_slice %arg4[%add3A, %dma_wait3A_81, %dma_wait3A_82] : memref<32x80x128xi32, #tpu.memory_space<hbm>> -> memref<1x40x128xi32, #tpu.memory_space<hbm>>
      %dma_wait3A_84 = tpu.memref_squeeze %dma_wait3A_83 : memref<1x40x128xi32, #tpu.memory_space<hbm>> -> memref<40x128xi32, #tpu.memory_space<hbm>>
      tpu.wait_dma2 semaphore(%run_scoped3A : memref<!tpu.dma_semaphore, #tpu.memory_space<semaphore_mem>>) src(%dma_wait3A_84 : memref<40x128xi32, #tpu.memory_space<hbm>>) dst(%arg8 : memref<40x128xi32, #tpu.memory_space<vmem>>)
      tpu.yield
    }) : () -> ()
    %dma_start3A = arith.constant 0 : i32
    %dma_start3A_3 = arith.constant 0 : i32
    %dma_start3A_4 = tpu.memref_slice %arg7[%dma_start3A, %dma_start3A_3] : memref<40x128xi32, #tpu.memory_space<vmem>> -> memref<1x128xi32, #tpu.memory_space<vmem>>
    %dma_start3A_5 = tpu.memref_squeeze %dma_start3A_4 : memref<1x128xi32, #tpu.memory_space<vmem>> -> memref<128xi32, #tpu.memory_space<vmem>>
    %dma_start3A_6 = arith.constant 0 : i32
    %dma_start3A_7 = arith.constant 0 : i32
    %dma_start3A_8 = tpu.memref_slice %arg2[%dma_start3A_6, %dma_start3A_7] : memref<10000x128xf32, #tpu.memory_space<hbm>> -> memref<10000x128xf32, #tpu.memory_space<hbm>>
    tpu.enqueue_indirect_dma source(%dma_start3A_8 : memref<10000x128xf32, #tpu.memory_space<hbm>>) target(%arg9 : memref<128x128xf32, #tpu.memory_space<vmem>>) offsets(%dma_start3A_5 : memref<128xi32, #tpu.memory_space<vmem>>) semaphore(%arg12 : memref<!tpu.dma_semaphore, #tpu.memory_space<semaphore_mem>>)
    %dma_start3A_9 = arith.constant 1 : i32
    %dma_start3A_10 = arith.constant 0 : i32
    %dma_start3A_11 = tpu.memref_slice %arg7[%dma_start3A_9, %dma_start3A_10] : memref<40x128xi32, #tpu.memory_space<vmem>> -> memref<1x128xi32, #tpu.memory_space<vmem>>
    %dma_start3A_12 = tpu.memref_squeeze %dma_start3A_11 : memref<1x128xi32, #tpu.memory_space<vmem>> -> memref<128xi32, #tpu.memory_space<vmem>>
    %dma_start3A_13 = arith.constant 0 : i32
    %dma_start3A_14 = arith.constant 0 : i32
    %dma_start3A_15 = tpu.memref_slice %arg2[%dma_start3A_13, %dma_start3A_14] : memref<10000x128xf32, #tpu.memory_space<hbm>> -> memref<10000x128xf32, #tpu.memory_space<hbm>>
    tpu.enqueue_indirect_dma source(%dma_start3A_15 : memref<10000x128xf32, #tpu.memory_space<hbm>>) target(%arg10 : memref<128x128xf32, #tpu.memory_space<vmem>>) offsets(%dma_start3A_12 : memref<128xi32, #tpu.memory_space<vmem>>) semaphore(%arg13 : memref<!tpu.dma_semaphore, #tpu.memory_space<semaphore_mem>>)
    %scan3A = arith.constant 0 : i32
    %scan3A_16 = arith.constant 0 : i32
    %scan3A_17 = arith.constant 20 : i32
    %scan3A_18 = arith.addi %scan3A_16, %scan3A_17 : i32
    %scan3A_19 = arith.constant 1 : i32
    scf.for %scan3A_69 = %scan3A_16 to %scan3A_18 step %scan3A_19  : i32 {
      %mul3A_70 = arith.constant 2 : i32
      %mul3A_71 = arith.muli %scan3A_69, %mul3A_70 : i32
      %add3A_72 = arith.constant 0 : i32
      %add3A_73 = arith.addi %mul3A_71, %add3A_72 : i32
      %dma_wait3A_74 = arith.constant 0 : i32
      %dma_wait3A_75 = tpu.memref_slice %arg7[%add3A_73, %dma_wait3A_74] : memref<40x128xi32, #tpu.memory_space<vmem>> -> memref<1x128xi32, #tpu.memory_space<vmem>>
      %dma_wait3A_76 = tpu.memref_squeeze %dma_wait3A_75 : memref<1x128xi32, #tpu.memory_space<vmem>> -> memref<128xi32, #tpu.memory_space<vmem>>
      %dma_wait3A_77 = arith.constant 0 : i32
      %dma_wait3A_78 = arith.constant 0 : i32
      %dma_wait3A_79 = tpu.memref_slice %arg2[%dma_wait3A_77, %dma_wait3A_78] : memref<10000x128xf32, #tpu.memory_space<hbm>> -> memref<10000x128xf32, #tpu.memory_space<hbm>>
      tpu.wait_indirect_dma semaphore(%arg12 : memref<!tpu.dma_semaphore, #tpu.memory_space<semaphore_mem>>) src(%dma_wait3A_79 : memref<10000x128xf32, #tpu.memory_space<hbm>>) dst(%arg9 : memref<128x128xf32, #tpu.memory_space<vmem>>)
      %dma_start3A_80 = arith.constant 0 : i32
      %dma_start3A_81 = tpu.memref_slice %arg8[%add3A_73, %dma_start3A_80] : memref<40x128xi32, #tpu.memory_space<vmem>> -> memref<1x128xi32, #tpu.memory_space<vmem>>
      %dma_start3A_82 = tpu.memref_squeeze %dma_start3A_81 : memref<1x128xi32, #tpu.memory_space<vmem>> -> memref<128xi32, #tpu.memory_space<vmem>>
      %dma_start3A_83 = arith.constant 0 : i32
      %dma_start3A_84 = arith.constant 0 : i32
      %dma_start3A_85 = tpu.memref_slice %arg11[%dma_start3A_83, %dma_start3A_84] : memref<10112x128xf32, #tpu.memory_space<vmem_shared>> -> memref<10112x128xf32, #tpu.memory_space<vmem_shared>>
      tpu.enqueue_indirect_dma source(%arg9 : memref<128x128xf32, #tpu.memory_space<vmem>>) target(%dma_start3A_85 : memref<10112x128xf32, #tpu.memory_space<vmem_shared>>) offsets(%dma_start3A_82 : memref<128xi32, #tpu.memory_space<vmem>>) semaphore(%arg14 : memref<!tpu.dma_semaphore, #tpu.memory_space<semaphore_mem>>) {add = true}
      %mul3A_86 = arith.constant 2 : i32
      %mul3A_87 = arith.muli %scan3A_69, %mul3A_86 : i32
      %add3A_88 = arith.constant 1 : i32
      %add3A_89 = arith.addi %mul3A_87, %add3A_88 : i32
      %dma_wait3A_90 = arith.constant 0 : i32
      %dma_wait3A_91 = tpu.memref_slice %arg7[%add3A_89, %dma_wait3A_90] : memref<40x128xi32, #tpu.memory_space<vmem>> -> memref<1x128xi32, #tpu.memory_space<vmem>>
      %dma_wait3A_92 = tpu.memref_squeeze %dma_wait3A_91 : memref<1x128xi32, #tpu.memory_space<vmem>> -> memref<128xi32, #tpu.memory_space<vmem>>
      %dma_wait3A_93 = arith.constant 0 : i32
      %dma_wait3A_94 = arith.constant 0 : i32
      %dma_wait3A_95 = tpu.memref_slice %arg2[%dma_wait3A_93, %dma_wait3A_94] : memref<10000x128xf32, #tpu.memory_space<hbm>> -> memref<10000x128xf32, #tpu.memory_space<hbm>>
      tpu.wait_indirect_dma semaphore(%arg13 : memref<!tpu.dma_semaphore, #tpu.memory_space<semaphore_mem>>) src(%dma_wait3A_95 : memref<10000x128xf32, #tpu.memory_space<hbm>>) dst(%arg10 : memref<128x128xf32, #tpu.memory_space<vmem>>)
      %dma_start3A_96 = arith.constant 0 : i32
      %dma_start3A_97 = tpu.memref_slice %arg8[%add3A_89, %dma_start3A_96] : memref<40x128xi32, #tpu.memory_space<vmem>> -> memref<1x128xi32, #tpu.memory_space<vmem>>
      %dma_start3A_98 = tpu.memref_squeeze %dma_start3A_97 : memref<1x128xi32, #tpu.memory_space<vmem>> -> memref<128xi32, #tpu.memory_space<vmem>>
      %dma_start3A_99 = arith.constant 0 : i32
      %dma_start3A_100 = arith.constant 0 : i32
      %dma_start3A_101 = tpu.memref_slice %arg11[%dma_start3A_99, %dma_start3A_100] : memref<10112x128xf32, #tpu.memory_space<vmem_shared>> -> memref<10112x128xf32, #tpu.memory_space<vmem_shared>>
      tpu.enqueue_indirect_dma source(%arg10 : memref<128x128xf32, #tpu.memory_space<vmem>>) target(%dma_start3A_101 : memref<10112x128xf32, #tpu.memory_space<vmem_shared>>) offsets(%dma_start3A_98 : memref<128xi32, #tpu.memory_space<vmem>>) semaphore(%arg15 : memref<!tpu.dma_semaphore, #tpu.memory_space<semaphore_mem>>) {add = true}
      %mul3A_102 = arith.constant 2 : i32
      %mul3A_103 = arith.muli %scan3A_69, %mul3A_102 : i32
      %add3A_104 = arith.constant 0 : i32
      %add3A_105 = arith.addi %mul3A_103, %add3A_104 : i32
      %dma_wait3A_106 = arith.constant 0 : i32
      %dma_wait3A_107 = tpu.memref_slice %arg8[%add3A_105, %dma_wait3A_106] : memref<40x128xi32, #tpu.memory_space<vmem>> -> memref<1x128xi32, #tpu.memory_space<vmem>>
      %dma_wait3A_108 = tpu.memref_squeeze %dma_wait3A_107 : memref<1x128xi32, #tpu.memory_space<vmem>> -> memref<128xi32, #tpu.memory_space<vmem>>
      %dma_wait3A_109 = arith.constant 0 : i32
      %dma_wait3A_110 = arith.constant 0 : i32
      %dma_wait3A_111 = tpu.memref_slice %arg11[%dma_wait3A_109, %dma_wait3A_110] : memref<10112x128xf32, #tpu.memory_space<vmem_shared>> -> memref<10112x128xf32, #tpu.memory_space<vmem_shared>>
      tpu.wait_indirect_dma semaphore(%arg14 : memref<!tpu.dma_semaphore, #tpu.memory_space<semaphore_mem>>) src(%arg9 : memref<128x128xf32, #tpu.memory_space<vmem>>) dst(%dma_wait3A_111 : memref<10112x128xf32, #tpu.memory_space<vmem_shared>>)
      %add3A_112 = arith.constant 2 : i32
      %add3A_113 = arith.addi %add3A_105, %add3A_112 : i32
      %min3A = arith.constant 39 : i32
      %min3A_114 = arith.minsi %add3A_113, %min3A : i32
      %dma_start3A_115 = arith.constant 0 : i32
      %dma_start3A_116 = tpu.memref_slice %arg7[%min3A_114, %dma_start3A_115] : memref<40x128xi32, #tpu.memory_space<vmem>> -> memref<1x128xi32, #tpu.memory_space<vmem>>
      %dma_start3A_117 = tpu.memref_squeeze %dma_start3A_116 : memref<1x128xi32, #tpu.memory_space<vmem>> -> memref<128xi32, #tpu.memory_space<vmem>>
      %dma_start3A_118 = arith.constant 0 : i32
      %dma_start3A_119 = arith.constant 0 : i32
      %dma_start3A_120 = tpu.memref_slice %arg2[%dma_start3A_118, %dma_start3A_119] : memref<10000x128xf32, #tpu.memory_space<hbm>> -> memref<10000x128xf32, #tpu.memory_space<hbm>>
      tpu.enqueue_indirect_dma source(%dma_start3A_120 : memref<10000x128xf32, #tpu.memory_space<hbm>>) target(%arg9 : memref<128x128xf32, #tpu.memory_space<vmem>>) offsets(%dma_start3A_117 : memref<128xi32, #tpu.memory_space<vmem>>) semaphore(%arg12 : memref<!tpu.dma_semaphore, #tpu.memory_space<semaphore_mem>>)
      %mul3A_121 = arith.constant 2 : i32
      %mul3A_122 = arith.muli %scan3A_69, %mul3A_121 : i32
      %add3A_123 = arith.constant 1 : i32
      %add3A_124 = arith.addi %mul3A_122, %add3A_123 : i32
      %dma_wait3A_125 = arith.constant 0 : i32
      %dma_wait3A_126 = tpu.memref_slice %arg8[%add3A_124, %dma_wait3A_125] : memref<40x128xi32, #tpu.memory_space<vmem>> -> memref<1x128xi32, #tpu.memory_space<vmem>>
      %dma_wait3A_127 = tpu.memref_squeeze %dma_wait3A_126 : memref<1x128xi32, #tpu.memory_space<vmem>> -> memref<128xi32, #tpu.memory_space<vmem>>
      %dma_wait3A_128 = arith.constant 0 : i32
      %dma_wait3A_129 = arith.constant 0 : i32
      %dma_wait3A_130 = tpu.memref_slice %arg11[%dma_wait3A_128, %dma_wait3A_129] : memref<10112x128xf32, #tpu.memory_space<vmem_shared>> -> memref<10112x128xf32, #tpu.memory_space<vmem_shared>>
      tpu.wait_indirect_dma semaphore(%arg15 : memref<!tpu.dma_semaphore, #tpu.memory_space<semaphore_mem>>) src(%arg10 : memref<128x128xf32, #tpu.memory_space<vmem>>) dst(%dma_wait3A_130 : memref<10112x128xf32, #tpu.memory_space<vmem_shared>>)
      %add3A_131 = arith.constant 2 : i32
      %add3A_132 = arith.addi %add3A_124, %add3A_131 : i32
      %min3A_133 = arith.constant 39 : i32
      %min3A_134 = arith.minsi %add3A_132, %min3A_133 : i32
      %dma_start3A_135 = arith.constant 0 : i32
      %dma_start3A_136 = tpu.memref_slice %arg7[%min3A_134, %dma_start3A_135] : memref<40x128xi32, #tpu.memory_space<vmem>> -> memref<1x128xi32, #tpu.memory_space<vmem>>
      %dma_start3A_137 = tpu.memref_squeeze %dma_start3A_136 : memref<1x128xi32, #tpu.memory_space<vmem>> -> memref<128xi32, #tpu.memory_space<vmem>>
      %dma_start3A_138 = arith.constant 0 : i32
      %dma_start3A_139 = arith.constant 0 : i32
      %dma_start3A_140 = tpu.memref_slice %arg2[%dma_start3A_138, %dma_start3A_139] : memref<10000x128xf32, #tpu.memory_space<hbm>> -> memref<10000x128xf32, #tpu.memory_space<hbm>>
      tpu.enqueue_indirect_dma source(%dma_start3A_140 : memref<10000x128xf32, #tpu.memory_space<hbm>>) target(%arg10 : memref<128x128xf32, #tpu.memory_space<vmem>>) offsets(%dma_start3A_137 : memref<128xi32, #tpu.memory_space<vmem>>) semaphore(%arg13 : memref<!tpu.dma_semaphore, #tpu.memory_space<semaphore_mem>>)
    }
    %scan3A_20 = arith.constant 20 : i32
    %dma_wait3A = arith.constant 0 : i32
    %dma_wait3A_21 = arith.constant 0 : i32
    %dma_wait3A_22 = tpu.memref_slice %arg7[%dma_wait3A, %dma_wait3A_21] : memref<40x128xi32, #tpu.memory_space<vmem>> -> memref<1x128xi32, #tpu.memory_space<vmem>>
    %dma_wait3A_23 = tpu.memref_squeeze %dma_wait3A_22 : memref<1x128xi32, #tpu.memory_space<vmem>> -> memref<128xi32, #tpu.memory_space<vmem>>
    %dma_wait3A_24 = arith.constant 0 : i32
    %dma_wait3A_25 = arith.constant 0 : i32
    %dma_wait3A_26 = tpu.memref_slice %arg2[%dma_wait3A_24, %dma_wait3A_25] : memref<10000x128xf32, #tpu.memory_space<hbm>> -> memref<10000x128xf32, #tpu.memory_space<hbm>>
    tpu.wait_indirect_dma semaphore(%arg12 : memref<!tpu.dma_semaphore, #tpu.memory_space<semaphore_mem>>) src(%dma_wait3A_26 : memref<10000x128xf32, #tpu.memory_space<hbm>>) dst(%arg9 : memref<128x128xf32, #tpu.memory_space<vmem>>)
    %dma_wait3A_27 = arith.constant 0 : i32
    %dma_wait3A_28 = arith.constant 0 : i32
    %dma_wait3A_29 = tpu.memref_slice %arg7[%dma_wait3A_27, %dma_wait3A_28] : memref<40x128xi32, #tpu.memory_space<vmem>> -> memref<1x128xi32, #tpu.memory_space<vmem>>
    %dma_wait3A_30 = tpu.memref_squeeze %dma_wait3A_29 : memref<1x128xi32, #tpu.memory_space<vmem>> -> memref<128xi32, #tpu.memory_space<vmem>>
    %dma_wait3A_31 = arith.constant 0 : i32
    %dma_wait3A_32 = arith.constant 0 : i32
    %dma_wait3A_33 = tpu.memref_slice %arg2[%dma_wait3A_31, %dma_wait3A_32] : memref<10000x128xf32, #tpu.memory_space<hbm>> -> memref<10000x128xf32, #tpu.memory_space<hbm>>
    tpu.wait_indirect_dma semaphore(%arg13 : memref<!tpu.dma_semaphore, #tpu.memory_space<semaphore_mem>>) src(%dma_wait3A_33 : memref<10000x128xf32, #tpu.memory_space<hbm>>) dst(%arg10 : memref<128x128xf32, #tpu.memory_space<vmem>>)
    "tpu.region"() ({
      %run_scoped3A = tpu.sem_alloc : memref<!tpu.dma_semaphore, #tpu.memory_space<semaphore_mem>>
      %dma_start3A_69 = arith.constant 40 : i32
      %dma_start3A_70 = arith.constant 0 : i32
      %dma_start3A_71 = tpu.memref_slice %arg3[%add3A, %dma_start3A_69, %dma_start3A_70] : memref<32x80x128xi32, #tpu.memory_space<hbm>> -> memref<1x40x128xi32, #tpu.memory_space<hbm>>
      %dma_start3A_72 = tpu.memref_squeeze %dma_start3A_71 : memref<1x40x128xi32, #tpu.memory_space<hbm>> -> memref<40x128xi32, #tpu.memory_space<hbm>>
      %dma_start3A_73 = arith.constant 40 : i32
      %dma_start3A_74 = arith.constant 0 : i32
      %dma_start3A_75 = tpu.memref_slice %arg3[%add3A, %dma_start3A_73, %dma_start3A_74] : memref<32x80x128xi32, #tpu.memory_space<hbm>> -> memref<1x40x128xi32, #tpu.memory_space<hbm>>
      %dma_start3A_76 = tpu.memref_squeeze %dma_start3A_75 : memref<1x40x128xi32, #tpu.memory_space<hbm>> -> memref<40x128xi32, #tpu.memory_space<hbm>>
      tpu.enqueue_dma source(%dma_start3A_76 : memref<40x128xi32, #tpu.memory_space<hbm>>) target(%arg7 : memref<40x128xi32, #tpu.memory_space<vmem>>) target_semaphore(%run_scoped3A : memref<!tpu.dma_semaphore, #tpu.memory_space<semaphore_mem>>)
      %dma_wait3A_77 = arith.constant 40 : i32
      %dma_wait3A_78 = arith.constant 0 : i32
      %dma_wait3A_79 = tpu.memref_slice %arg3[%add3A, %dma_wait3A_77, %dma_wait3A_78] : memref<32x80x128xi32, #tpu.memory_space<hbm>> -> memref<1x40x128xi32, #tpu.memory_space<hbm>>
      %dma_wait3A_80 = tpu.memref_squeeze %dma_wait3A_79 : memref<1x40x128xi32, #tpu.memory_space<hbm>> -> memref<40x128xi32, #tpu.memory_space<hbm>>
      %dma_wait3A_81 = arith.constant 40 : i32
      %dma_wait3A_82 = arith.constant 0 : i32
      %dma_wait3A_83 = tpu.memref_slice %arg3[%add3A, %dma_wait3A_81, %dma_wait3A_82] : memref<32x80x128xi32, #tpu.memory_space<hbm>> -> memref<1x40x128xi32, #tpu.memory_space<hbm>>
      %dma_wait3A_84 = tpu.memref_squeeze %dma_wait3A_83 : memref<1x40x128xi32, #tpu.memory_space<hbm>> -> memref<40x128xi32, #tpu.memory_space<hbm>>
      tpu.wait_dma2 semaphore(%run_scoped3A : memref<!tpu.dma_semaphore, #tpu.memory_space<semaphore_mem>>) src(%dma_wait3A_84 : memref<40x128xi32, #tpu.memory_space<hbm>>) dst(%arg7 : memref<40x128xi32, #tpu.memory_space<vmem>>)
      tpu.yield
    }) : () -> ()
    "tpu.region"() ({
      %run_scoped3A = tpu.sem_alloc : memref<!tpu.dma_semaphore, #tpu.memory_space<semaphore_mem>>
      %dma_start3A_69 = arith.constant 40 : i32
      %dma_start3A_70 = arith.constant 0 : i32
      %dma_start3A_71 = tpu.memref_slice %arg4[%add3A, %dma_start3A_69, %dma_start3A_70] : memref<32x80x128xi32, #tpu.memory_space<hbm>> -> memref<1x40x128xi32, #tpu.memory_space<hbm>>
      %dma_start3A_72 = tpu.memref_squeeze %dma_start3A_71 : memref<1x40x128xi32, #tpu.memory_space<hbm>> -> memref<40x128xi32, #tpu.memory_space<hbm>>
      %dma_start3A_73 = arith.constant 40 : i32
      %dma_start3A_74 = arith.constant 0 : i32
      %dma_start3A_75 = tpu.memref_slice %arg4[%add3A, %dma_start3A_73, %dma_start3A_74] : memref<32x80x128xi32, #tpu.memory_space<hbm>> -> memref<1x40x128xi32, #tpu.memory_space<hbm>>
      %dma_start3A_76 = tpu.memref_squeeze %dma_start3A_75 : memref<1x40x128xi32, #tpu.memory_space<hbm>> -> memref<40x128xi32, #tpu.memory_space<hbm>>
      tpu.enqueue_dma source(%dma_start3A_76 : memref<40x128xi32, #tpu.memory_space<hbm>>) target(%arg8 : memref<40x128xi32, #tpu.memory_space<vmem>>) target_semaphore(%run_scoped3A : memref<!tpu.dma_semaphore, #tpu.memory_space<semaphore_mem>>)
      %dma_wait3A_77 = arith.constant 40 : i32
      %dma_wait3A_78 = arith.constant 0 : i32
      %dma_wait3A_79 = tpu.memref_slice %arg4[%add3A, %dma_wait3A_77, %dma_wait3A_78] : memref<32x80x128xi32, #tpu.memory_space<hbm>> -> memref<1x40x128xi32, #tpu.memory_space<hbm>>
      %dma_wait3A_80 = tpu.memref_squeeze %dma_wait3A_79 : memref<1x40x128xi32, #tpu.memory_space<hbm>> -> memref<40x128xi32, #tpu.memory_space<hbm>>
      %dma_wait3A_81 = arith.constant 40 : i32
      %dma_wait3A_82 = arith.constant 0 : i32
      %dma_wait3A_83 = tpu.memref_slice %arg4[%add3A, %dma_wait3A_81, %dma_wait3A_82] : memref<32x80x128xi32, #tpu.memory_space<hbm>> -> memref<1x40x128xi32, #tpu.memory_space<hbm>>
      %dma_wait3A_84 = tpu.memref_squeeze %dma_wait3A_83 : memref<1x40x128xi32, #tpu.memory_space<hbm>> -> memref<40x128xi32, #tpu.memory_space<hbm>>
      tpu.wait_dma2 semaphore(%run_scoped3A : memref<!tpu.dma_semaphore, #tpu.memory_space<semaphore_mem>>) src(%dma_wait3A_84 : memref<40x128xi32, #tpu.memory_space<hbm>>) dst(%arg8 : memref<40x128xi32, #tpu.memory_space<vmem>>)
      tpu.yield
    }) : () -> ()
    %dma_start3A_34 = arith.constant 0 : i32
    %dma_start3A_35 = arith.constant 0 : i32
    %dma_start3A_36 = tpu.memref_slice %arg7[%dma_start3A_34, %dma_start3A_35] : memref<40x128xi32, #tpu.memory_space<vmem>> -> memref<1x128xi32, #tpu.memory_space<vmem>>
    %dma_start3A_37 = tpu.memref_squeeze %dma_start3A_36 : memref<1x128xi32, #tpu.memory_space<vmem>> -> memref<128xi32, #tpu.memory_space<vmem>>
    %dma_start3A_38 = arith.constant 0 : i32
    %dma_start3A_39 = arith.constant 0 : i32
    %dma_start3A_40 = tpu.memref_slice %arg2[%dma_start3A_38, %dma_start3A_39] : memref<10000x128xf32, #tpu.memory_space<hbm>> -> memref<10000x128xf32, #tpu.memory_space<hbm>>
    tpu.enqueue_indirect_dma source(%dma_start3A_40 : memref<10000x128xf32, #tpu.memory_space<hbm>>) target(%arg9 : memref<128x128xf32, #tpu.memory_space<vmem>>) offsets(%dma_start3A_37 : memref<128xi32, #tpu.memory_space<vmem>>) semaphore(%arg12 : memref<!tpu.dma_semaphore, #tpu.memory_space<semaphore_mem>>)
    %dma_start3A_41 = arith.constant 1 : i32
    %dma_start3A_42 = arith.constant 0 : i32
    %dma_start3A_43 = tpu.memref_slice %arg7[%dma_start3A_41, %dma_start3A_42] : memref<40x128xi32, #tpu.memory_space<vmem>> -> memref<1x128xi32, #tpu.memory_space<vmem>>
    %dma_start3A_44 = tpu.memref_squeeze %dma_start3A_43 : memref<1x128xi32, #tpu.memory_space<vmem>> -> memref<128xi32, #tpu.memory_space<vmem>>
    %dma_start3A_45 = arith.constant 0 : i32
    %dma_start3A_46 = arith.constant 0 : i32
    %dma_start3A_47 = tpu.memref_slice %arg2[%dma_start3A_45, %dma_start3A_46] : memref<10000x128xf32, #tpu.memory_space<hbm>> -> memref<10000x128xf32, #tpu.memory_space<hbm>>
    tpu.enqueue_indirect_dma source(%dma_start3A_47 : memref<10000x128xf32, #tpu.memory_space<hbm>>) target(%arg10 : memref<128x128xf32, #tpu.memory_space<vmem>>) offsets(%dma_start3A_44 : memref<128xi32, #tpu.memory_space<vmem>>) semaphore(%arg13 : memref<!tpu.dma_semaphore, #tpu.memory_space<semaphore_mem>>)
    %scan3A_48 = arith.constant 0 : i32
    %scan3A_49 = arith.constant 0 : i32
    %scan3A_50 = arith.constant 20 : i32
    %scan3A_51 = arith.addi %scan3A_49, %scan3A_50 : i32
    %scan3A_52 = arith.constant 1 : i32
    scf.for %scan3A_69 = %scan3A_49 to %scan3A_51 step %scan3A_52  : i32 {
      %mul3A_70 = arith.constant 2 : i32
      %mul3A_71 = arith.muli %scan3A_69, %mul3A_70 : i32
      %add3A_72 = arith.constant 0 : i32
      %add3A_73 = arith.addi %mul3A_71, %add3A_72 : i32
      %dma_wait3A_74 = arith.constant 0 : i32
      %dma_wait3A_75 = tpu.memref_slice %arg7[%add3A_73, %dma_wait3A_74] : memref<40x128xi32, #tpu.memory_space<vmem>> -> memref<1x128xi32, #tpu.memory_space<vmem>>
      %dma_wait3A_76 = tpu.memref_squeeze %dma_wait3A_75 : memref<1x128xi32, #tpu.memory_space<vmem>> -> memref<128xi32, #tpu.memory_space<vmem>>
      %dma_wait3A_77 = arith.constant 0 : i32
      %dma_wait3A_78 = arith.constant 0 : i32
      %dma_wait3A_79 = tpu.memref_slice %arg2[%dma_wait3A_77, %dma_wait3A_78] : memref<10000x128xf32, #tpu.memory_space<hbm>> -> memref<10000x128xf32, #tpu.memory_space<hbm>>
      tpu.wait_indirect_dma semaphore(%arg12 : memref<!tpu.dma_semaphore, #tpu.memory_space<semaphore_mem>>) src(%dma_wait3A_79 : memref<10000x128xf32, #tpu.memory_space<hbm>>) dst(%arg9 : memref<128x128xf32, #tpu.memory_space<vmem>>)
      %dma_start3A_80 = arith.constant 0 : i32
      %dma_start3A_81 = tpu.memref_slice %arg8[%add3A_73, %dma_start3A_80] : memref<40x128xi32, #tpu.memory_space<vmem>> -> memref<1x128xi32, #tpu.memory_space<vmem>>
      %dma_start3A_82 = tpu.memref_squeeze %dma_start3A_81 : memref<1x128xi32, #tpu.memory_space<vmem>> -> memref<128xi32, #tpu.memory_space<vmem>>
      %dma_start3A_83 = arith.constant 0 : i32
      %dma_start3A_84 = arith.constant 0 : i32
      %dma_start3A_85 = tpu.memref_slice %arg11[%dma_start3A_83, %dma_start3A_84] : memref<10112x128xf32, #tpu.memory_space<vmem_shared>> -> memref<10112x128xf32, #tpu.memory_space<vmem_shared>>
      tpu.enqueue_indirect_dma source(%arg9 : memref<128x128xf32, #tpu.memory_space<vmem>>) target(%dma_start3A_85 : memref<10112x128xf32, #tpu.memory_space<vmem_shared>>) offsets(%dma_start3A_82 : memref<128xi32, #tpu.memory_space<vmem>>) semaphore(%arg14 : memref<!tpu.dma_semaphore, #tpu.memory_space<semaphore_mem>>) {add = true}
      %mul3A_86 = arith.constant 2 : i32
      %mul3A_87 = arith.muli %scan3A_69, %mul3A_86 : i32
      %add3A_88 = arith.constant 1 : i32
      %add3A_89 = arith.addi %mul3A_87, %add3A_88 : i32
      %dma_wait3A_90 = arith.constant 0 : i32
      %dma_wait3A_91 = tpu.memref_slice %arg7[%add3A_89, %dma_wait3A_90] : memref<40x128xi32, #tpu.memory_space<vmem>> -> memref<1x128xi32, #tpu.memory_space<vmem>>
      %dma_wait3A_92 = tpu.memref_squeeze %dma_wait3A_91 : memref<1x128xi32, #tpu.memory_space<vmem>> -> memref<128xi32, #tpu.memory_space<vmem>>
      %dma_wait3A_93 = arith.constant 0 : i32
      %dma_wait3A_94 = arith.constant 0 : i32
      %dma_wait3A_95 = tpu.memref_slice %arg2[%dma_wait3A_93, %dma_wait3A_94] : memref<10000x128xf32, #tpu.memory_space<hbm>> -> memref<10000x128xf32, #tpu.memory_space<hbm>>
      tpu.wait_indirect_dma semaphore(%arg13 : memref<!tpu.dma_semaphore, #tpu.memory_space<semaphore_mem>>) src(%dma_wait3A_95 : memref<10000x128xf32, #tpu.memory_space<hbm>>) dst(%arg10 : memref<128x128xf32, #tpu.memory_space<vmem>>)
      %dma_start3A_96 = arith.constant 0 : i32
      %dma_start3A_97 = tpu.memref_slice %arg8[%add3A_89, %dma_start3A_96] : memref<40x128xi32, #tpu.memory_space<vmem>> -> memref<1x128xi32, #tpu.memory_space<vmem>>
      %dma_start3A_98 = tpu.memref_squeeze %dma_start3A_97 : memref<1x128xi32, #tpu.memory_space<vmem>> -> memref<128xi32, #tpu.memory_space<vmem>>
      %dma_start3A_99 = arith.constant 0 : i32
      %dma_start3A_100 = arith.constant 0 : i32
      %dma_start3A_101 = tpu.memref_slice %arg11[%dma_start3A_99, %dma_start3A_100] : memref<10112x128xf32, #tpu.memory_space<vmem_shared>> -> memref<10112x128xf32, #tpu.memory_space<vmem_shared>>
      tpu.enqueue_indirect_dma source(%arg10 : memref<128x128xf32, #tpu.memory_space<vmem>>) target(%dma_start3A_101 : memref<10112x128xf32, #tpu.memory_space<vmem_shared>>) offsets(%dma_start3A_98 : memref<128xi32, #tpu.memory_space<vmem>>) semaphore(%arg15 : memref<!tpu.dma_semaphore, #tpu.memory_space<semaphore_mem>>) {add = true}
      %mul3A_102 = arith.constant 2 : i32
      %mul3A_103 = arith.muli %scan3A_69, %mul3A_102 : i32
      %add3A_104 = arith.constant 0 : i32
      %add3A_105 = arith.addi %mul3A_103, %add3A_104 : i32
      %dma_wait3A_106 = arith.constant 0 : i32
      %dma_wait3A_107 = tpu.memref_slice %arg8[%add3A_105, %dma_wait3A_106] : memref<40x128xi32, #tpu.memory_space<vmem>> -> memref<1x128xi32, #tpu.memory_space<vmem>>
      %dma_wait3A_108 = tpu.memref_squeeze %dma_wait3A_107 : memref<1x128xi32, #tpu.memory_space<vmem>> -> memref<128xi32, #tpu.memory_space<vmem>>
      %dma_wait3A_109 = arith.constant 0 : i32
      %dma_wait3A_110 = arith.constant 0 : i32
      %dma_wait3A_111 = tpu.memref_slice %arg11[%dma_wait3A_109, %dma_wait3A_110] : memref<10112x128xf32, #tpu.memory_space<vmem_shared>> -> memref<10112x128xf32, #tpu.memory_space<vmem_shared>>
      tpu.wait_indirect_dma semaphore(%arg14 : memref<!tpu.dma_semaphore, #tpu.memory_space<semaphore_mem>>) src(%arg9 : memref<128x128xf32, #tpu.memory_space<vmem>>) dst(%dma_wait3A_111 : memref<10112x128xf32, #tpu.memory_space<vmem_shared>>)
      %add3A_112 = arith.constant 2 : i32
      %add3A_113 = arith.addi %add3A_105, %add3A_112 : i32
      %min3A = arith.constant 39 : i32
      %min3A_114 = arith.minsi %add3A_113, %min3A : i32
      %dma_start3A_115 = arith.constant 0 : i32
      %dma_start3A_116 = tpu.memref_slice %arg7[%min3A_114, %dma_start3A_115] : memref<40x128xi32, #tpu.memory_space<vmem>> -> memref<1x128xi32, #tpu.memory_space<vmem>>
      %dma_start3A_117 = tpu.memref_squeeze %dma_start3A_116 : memref<1x128xi32, #tpu.memory_space<vmem>> -> memref<128xi32, #tpu.memory_space<vmem>>
      %dma_start3A_118 = arith.constant 0 : i32
      %dma_start3A_119 = arith.constant 0 : i32
      %dma_start3A_120 = tpu.memref_slice %arg2[%dma_start3A_118, %dma_start3A_119] : memref<10000x128xf32, #tpu.memory_space<hbm>> -> memref<10000x128xf32, #tpu.memory_space<hbm>>
      tpu.enqueue_indirect_dma source(%dma_start3A_120 : memref<10000x128xf32, #tpu.memory_space<hbm>>) target(%arg9 : memref<128x128xf32, #tpu.memory_space<vmem>>) offsets(%dma_start3A_117 : memref<128xi32, #tpu.memory_space<vmem>>) semaphore(%arg12 : memref<!tpu.dma_semaphore, #tpu.memory_space<semaphore_mem>>)
      %mul3A_121 = arith.constant 2 : i32
      %mul3A_122 = arith.muli %scan3A_69, %mul3A_121 : i32
      %add3A_123 = arith.constant 1 : i32
      %add3A_124 = arith.addi %mul3A_122, %add3A_123 : i32
      %dma_wait3A_125 = arith.constant 0 : i32
      %dma_wait3A_126 = tpu.memref_slice %arg8[%add3A_124, %dma_wait3A_125] : memref<40x128xi32, #tpu.memory_space<vmem>> -> memref<1x128xi32, #tpu.memory_space<vmem>>
      %dma_wait3A_127 = tpu.memref_squeeze %dma_wait3A_126 : memref<1x128xi32, #tpu.memory_space<vmem>> -> memref<128xi32, #tpu.memory_space<vmem>>
      %dma_wait3A_128 = arith.constant 0 : i32
      %dma_wait3A_129 = arith.constant 0 : i32
      %dma_wait3A_130 = tpu.memref_slice %arg11[%dma_wait3A_128, %dma_wait3A_129] : memref<10112x128xf32, #tpu.memory_space<vmem_shared>> -> memref<10112x128xf32, #tpu.memory_space<vmem_shared>>
      tpu.wait_indirect_dma semaphore(%arg15 : memref<!tpu.dma_semaphore, #tpu.memory_space<semaphore_mem>>) src(%arg10 : memref<128x128xf32, #tpu.memory_space<vmem>>) dst(%dma_wait3A_130 : memref<10112x128xf32, #tpu.memory_space<vmem_shared>>)
      %add3A_131 = arith.constant 2 : i32
      %add3A_132 = arith.addi %add3A_124, %add3A_131 : i32
      %min3A_133 = arith.constant 39 : i32
      %min3A_134 = arith.minsi %add3A_132, %min3A_133 : i32
      %dma_start3A_135 = arith.constant 0 : i32
      %dma_start3A_136 = tpu.memref_slice %arg7[%min3A_134, %dma_start3A_135] : memref<40x128xi32, #tpu.memory_space<vmem>> -> memref<1x128xi32, #tpu.memory_space<vmem>>
      %dma_start3A_137 = tpu.memref_squeeze %dma_start3A_136 : memref<1x128xi32, #tpu.memory_space<vmem>> -> memref<128xi32, #tpu.memory_space<vmem>>
      %dma_start3A_138 = arith.constant 0 : i32
      %dma_start3A_139 = arith.constant 0 : i32
      %dma_start3A_140 = tpu.memref_slice %arg2[%dma_start3A_138, %dma_start3A_139] : memref<10000x128xf32, #tpu.memory_space<hbm>> -> memref<10000x128xf32, #tpu.memory_space<hbm>>
      tpu.enqueue_indirect_dma source(%dma_start3A_140 : memref<10000x128xf32, #tpu.memory_space<hbm>>) target(%arg10 : memref<128x128xf32, #tpu.memory_space<vmem>>) offsets(%dma_start3A_137 : memref<128xi32, #tpu.memory_space<vmem>>) semaphore(%arg13 : memref<!tpu.dma_semaphore, #tpu.memory_space<semaphore_mem>>)
    }
    %scan3A_53 = arith.constant 20 : i32
    %dma_wait3A_54 = arith.constant 0 : i32
    %dma_wait3A_55 = arith.constant 0 : i32
    %dma_wait3A_56 = tpu.memref_slice %arg7[%dma_wait3A_54, %dma_wait3A_55] : memref<40x128xi32, #tpu.memory_space<vmem>> -> memref<1x128xi32, #tpu.memory_space<vmem>>
    %dma_wait3A_57 = tpu.memref_squeeze %dma_wait3A_56 : memref<1x128xi32, #tpu.memory_space<vmem>> -> memref<128xi32, #tpu.memory_space<vmem>>
    %dma_wait3A_58 = arith.constant 0 : i32
    %dma_wait3A_59 = arith.constant 0 : i32
    %dma_wait3A_60 = tpu.memref_slice %arg2[%dma_wait3A_58, %dma_wait3A_59] : memref<10000x128xf32, #tpu.memory_space<hbm>> -> memref<10000x128xf32, #tpu.memory_space<hbm>>
    tpu.wait_indirect_dma semaphore(%arg12 : memref<!tpu.dma_semaphore, #tpu.memory_space<semaphore_mem>>) src(%dma_wait3A_60 : memref<10000x128xf32, #tpu.memory_space<hbm>>) dst(%arg9 : memref<128x128xf32, #tpu.memory_space<vmem>>)
    %dma_wait3A_61 = arith.constant 0 : i32
    %dma_wait3A_62 = arith.constant 0 : i32
    %dma_wait3A_63 = tpu.memref_slice %arg7[%dma_wait3A_61, %dma_wait3A_62] : memref<40x128xi32, #tpu.memory_space<vmem>> -> memref<1x128xi32, #tpu.memory_space<vmem>>
    %dma_wait3A_64 = tpu.memref_squeeze %dma_wait3A_63 : memref<1x128xi32, #tpu.memory_space<vmem>> -> memref<128xi32, #tpu.memory_space<vmem>>
    %dma_wait3A_65 = arith.constant 0 : i32
    %dma_wait3A_66 = arith.constant 0 : i32
    %dma_wait3A_67 = tpu.memref_slice %arg2[%dma_wait3A_65, %dma_wait3A_66] : memref<10000x128xf32, #tpu.memory_space<hbm>> -> memref<10000x128xf32, #tpu.memory_space<hbm>>
    tpu.wait_indirect_dma semaphore(%arg13 : memref<!tpu.dma_semaphore, #tpu.memory_space<semaphore_mem>>) src(%dma_wait3A_67 : memref<10000x128xf32, #tpu.memory_space<hbm>>) dst(%arg10 : memref<128x128xf32, #tpu.memory_space<vmem>>)
    %barrier3A_68 = arith.constant 0 : index
    tpu.barrier barrier_id(%barrier3A_68)
    "tpu.region"() ({
      %run_scoped3A = tpu.sem_alloc : memref<!tpu.dma_semaphore, #tpu.memory_space<semaphore_mem>>
      %dma_start3A_69 = arith.constant 0 : i32
      %dma_start3A_70 = tpu.memref_slice %arg6[%arg0, %mul3A_2, %dma_start3A_69] : memref<2x10112x128xf32, #tpu.memory_space<hbm>> -> memref<1x632x128xf32, #tpu.memory_space<hbm>>
      %dma_start3A_71 = tpu.memref_squeeze %dma_start3A_70 : memref<1x632x128xf32, #tpu.memory_space<hbm>> -> memref<632x128xf32, #tpu.memory_space<hbm>>
      %dma_start3A_72 = arith.constant 0 : i32
      %dma_start3A_73 = tpu.memref_slice %arg11[%mul3A_2, %dma_start3A_72] : memref<10112x128xf32, #tpu.memory_space<vmem_shared>> -> memref<632x128xf32, #tpu.memory_space<vmem_shared>>
      tpu.enqueue_dma source(%dma_start3A_73 : memref<632x128xf32, #tpu.memory_space<vmem_shared>>) target(%dma_start3A_71 : memref<632x128xf32, #tpu.memory_space<hbm>>) target_semaphore(%run_scoped3A : memref<!tpu.dma_semaphore, #tpu.memory_space<semaphore_mem>>)
      %dma_wait3A_74 = arith.constant 0 : i32
      %dma_wait3A_75 = tpu.memref_slice %arg6[%arg0, %mul3A_2, %dma_wait3A_74] : memref<2x10112x128xf32, #tpu.memory_space<hbm>> -> memref<1x632x128xf32, #tpu.memory_space<hbm>>
      %dma_wait3A_76 = tpu.memref_squeeze %dma_wait3A_75 : memref<1x632x128xf32, #tpu.memory_space<hbm>> -> memref<632x128xf32, #tpu.memory_space<hbm>>
      %dma_wait3A_77 = arith.constant 0 : i32
      %dma_wait3A_78 = tpu.memref_slice %arg11[%mul3A_2, %dma_wait3A_77] : memref<10112x128xf32, #tpu.memory_space<vmem_shared>> -> memref<632x128xf32, #tpu.memory_space<vmem_shared>>
      tpu.wait_dma2 semaphore(%run_scoped3A : memref<!tpu.dma_semaphore, #tpu.memory_space<semaphore_mem>>) src(%dma_wait3A_78 : memref<632x128xf32, #tpu.memory_space<vmem_shared>>) dst(%dma_wait3A_76 : memref<632x128xf32, #tpu.memory_space<hbm>>)
      tpu.yield
    }) : () -> ()
    return
  }
}

#map = affine_map<(d0, d1) -> (0, 0)>
#map1 = affine_map<(d0, d1) -> (0, 0, 0)>
module attributes {stable_mosaic.version = 14 : i64} {
  func.func @spmm(%arg0: i32, %arg1: i32, %arg2: memref<10000x128xf32, #tpu.memory_space<hbm>>, %arg3: memref<32x80x128xi32, #tpu.memory_space<hbm>>, %arg4: memref<32x80x128xi32, #tpu.memory_space<hbm>>, %arg5: memref<10112x128xf32, #tpu.memory_space<hbm>>, %arg6: memref<2x10112x128xf32, #tpu.memory_space<hbm>>, %arg7: memref<40x128xi32, #tpu.memory_space<vmem>>, %arg8: memref<40x128xi32, #tpu.memory_space<vmem>>, %arg9: memref<128x128xf32, #tpu.memory_space<vmem>>, %arg10: memref<128x128xf32, #tpu.memory_space<vmem>>, %arg11: memref<10112x128xf32, #tpu.memory_space<vmem_shared>>, %arg12: memref<!tpu.dma_semaphore, #tpu.memory_space<semaphore_mem>>, %arg13: memref<!tpu.dma_semaphore, #tpu.memory_space<semaphore_mem>>, %arg14: memref<!tpu.dma_semaphore, #tpu.memory_space<semaphore_mem>>, %arg15: memref<!tpu.dma_semaphore, #tpu.memory_space<semaphore_mem>>) attributes {dimension_semantics = [#tpu.dimension_semantics<core_parallel>, #tpu.dimension_semantics<subcore_parallel>], iteration_bounds = array<i64: 2, 16>, scalar_prefetch = 0 : i64, scratch_operands = 9 : i64, tpu.core_type = #tpu.core_type<sc_vector_subcore>, window_params = [{transform_indices = #map}, {transform_indices = #map1}, {transform_indices = #map1}, {transform_indices = #map}, {transform_indices = #map1}]} {
    %mul3A = arith.constant 2 : i32
    %mul3A_0 = arith.muli %arg1, %mul3A : i32
    %add3A = arith.addi %mul3A_0, %arg0 : i32
    %mul3A_1 = arith.constant 632 : i32
    %mul3A_2 = arith.muli %arg1, %mul3A_1 : i32
    "tpu.region"() ({
      %run_scoped3A = tpu.sem_alloc : memref<!tpu.dma_semaphore, #tpu.memory_space<semaphore_mem>>
      %dma_start3A_69 = arith.constant 0 : i32
      %dma_start3A_70 = tpu.memref_slice %arg11[%mul3A_2, %dma_start3A_69] : memref<10112x128xf32, #tpu.memory_space<vmem_shared>> -> memref<632x128xf32, #tpu.memory_space<vmem_shared>>
      %dma_start3A_71 = arith.constant 0 : i32
      %dma_start3A_72 = tpu.memref_slice %arg5[%mul3A_2, %dma_start3A_71] : memref<10112x128xf32, #tpu.memory_space<hbm>> -> memref<632x128xf32, #tpu.memory_space<hbm>>
      tpu.enqueue_dma source(%dma_start3A_72 : memref<632x128xf32, #tpu.memory_space<hbm>>) target(%dma_start3A_70 : memref<632x128xf32, #tpu.memory_space<vmem_shared>>) target_semaphore(%run_scoped3A : memref<!tpu.dma_semaphore, #tpu.memory_space<semaphore_mem>>)
      %dma_wait3A_73 = arith.constant 0 : i32
      %dma_wait3A_74 = tpu.memref_slice %arg11[%mul3A_2, %dma_wait3A_73] : memref<10112x128xf32, #tpu.memory_space<vmem_shared>> -> memref<632x128xf32, #tpu.memory_space<vmem_shared>>
      %dma_wait3A_75 = arith.constant 0 : i32
      %dma_wait3A_76 = tpu.memref_slice %arg5[%mul3A_2, %dma_wait3A_75] : memref<10112x128xf32, #tpu.memory_space<hbm>> -> memref<632x128xf32, #tpu.memory_space<hbm>>
      tpu.wait_dma2 semaphore(%run_scoped3A : memref<!tpu.dma_semaphore, #tpu.memory_space<semaphore_mem>>) src(%dma_wait3A_76 : memref<632x128xf32, #tpu.memory_space<hbm>>) dst(%dma_wait3A_74 : memref<632x128xf32, #tpu.memory_space<vmem_shared>>)
      tpu.yield
    }) : () -> ()
    %barrier3A = arith.constant 0 : index
    tpu.barrier barrier_id(%barrier3A)
    "tpu.region"() ({
      %run_scoped3A = tpu.sem_alloc : memref<!tpu.dma_semaphore, #tpu.memory_space<semaphore_mem>>
      %dma_start3A_69 = arith.constant 0 : i32
      %dma_start3A_70 = arith.constant 0 : i32
      %dma_start3A_71 = tpu.memref_slice %arg3[%add3A, %dma_start3A_69, %dma_start3A_70] : memref<32x80x128xi32, #tpu.memory_space<hbm>> -> memref<1x40x128xi32, #tpu.memory_space<hbm>>
      %dma_start3A_72 = tpu.memref_squeeze %dma_start3A_71 : memref<1x40x128xi32, #tpu.memory_space<hbm>> -> memref<40x128xi32, #tpu.memory_space<hbm>>
      %dma_start3A_73 = arith.constant 0 : i32
      %dma_start3A_74 = arith.constant 0 : i32
      %dma_start3A_75 = tpu.memref_slice %arg3[%add3A, %dma_start3A_73, %dma_start3A_74] : memref<32x80x128xi32, #tpu.memory_space<hbm>> -> memref<1x40x128xi32, #tpu.memory_space<hbm>>
      %dma_start3A_76 = tpu.memref_squeeze %dma_start3A_75 : memref<1x40x128xi32, #tpu.memory_space<hbm>> -> memref<40x128xi32, #tpu.memory_space<hbm>>
      tpu.enqueue_dma source(%dma_start3A_76 : memref<40x128xi32, #tpu.memory_space<hbm>>) target(%arg7 : memref<40x128xi32, #tpu.memory_space<vmem>>) target_semaphore(%run_scoped3A : memref<!tpu.dma_semaphore, #tpu.memory_space<semaphore_mem>>)
      %dma_wait3A_77 = arith.constant 0 : i32
      %dma_wait3A_78 = arith.constant 0 : i32
      %dma_wait3A_79 = tpu.memref_slice %arg3[%add3A, %dma_wait3A_77, %dma_wait3A_78] : memref<32x80x128xi32, #tpu.memory_space<hbm>> -> memref<1x40x128xi32, #tpu.memory_space<hbm>>
      %dma_wait3A_80 = tpu.memref_squeeze %dma_wait3A_79 : memref<1x40x128xi32, #tpu.memory_space<hbm>> -> memref<40x128xi32, #tpu.memory_space<hbm>>
      %dma_wait3A_81 = arith.constant 0 : i32
      %dma_wait3A_82 = arith.constant 0 : i32
      %dma_wait3A_83 = tpu.memref_slice %arg3[%add3A, %dma_wait3A_81, %dma_wait3A_82] : memref<32x80x128xi32, #tpu.memory_space<hbm>> -> memref<1x40x128xi32, #tpu.memory_space<hbm>>
      %dma_wait3A_84 = tpu.memref_squeeze %dma_wait3A_83 : memref<1x40x128xi32, #tpu.memory_space<hbm>> -> memref<40x128xi32, #tpu.memory_space<hbm>>
      tpu.wait_dma2 semaphore(%run_scoped3A : memref<!tpu.dma_semaphore, #tpu.memory_space<semaphore_mem>>) src(%dma_wait3A_84 : memref<40x128xi32, #tpu.memory_space<hbm>>) dst(%arg7 : memref<40x128xi32, #tpu.memory_space<vmem>>)
      tpu.yield
    }) : () -> ()
    "tpu.region"() ({
      %run_scoped3A = tpu.sem_alloc : memref<!tpu.dma_semaphore, #tpu.memory_space<semaphore_mem>>
      %dma_start3A_69 = arith.constant 0 : i32
      %dma_start3A_70 = arith.constant 0 : i32
      %dma_start3A_71 = tpu.memref_slice %arg4[%add3A, %dma_start3A_69, %dma_start3A_70] : memref<32x80x128xi32, #tpu.memory_space<hbm>> -> memref<1x40x128xi32, #tpu.memory_space<hbm>>
      %dma_start3A_72 = tpu.memref_squeeze %dma_start3A_71 : memref<1x40x128xi32, #tpu.memory_space<hbm>> -> memref<40x128xi32, #tpu.memory_space<hbm>>
      %dma_start3A_73 = arith.constant 0 : i32
      %dma_start3A_74 = arith.constant 0 : i32
      %dma_start3A_75 = tpu.memref_slice %arg4[%add3A, %dma_start3A_73, %dma_start3A_74] : memref<32x80x128xi32, #tpu.memory_space<hbm>> -> memref<1x40x128xi32, #tpu.memory_space<hbm>>
      %dma_start3A_76 = tpu.memref_squeeze %dma_start3A_75 : memref<1x40x128xi32, #tpu.memory_space<hbm>> -> memref<40x128xi32, #tpu.memory_space<hbm>>
      tpu.enqueue_dma source(%dma_start3A_76 : memref<40x128xi32, #tpu.memory_space<hbm>>) target(%arg8 : memref<40x128xi32, #tpu.memory_space<vmem>>) target_semaphore(%run_scoped3A : memref<!tpu.dma_semaphore, #tpu.memory_space<semaphore_mem>>)
      %dma_wait3A_77 = arith.constant 0 : i32
      %dma_wait3A_78 = arith.constant 0 : i32
      %dma_wait3A_79 = tpu.memref_slice %arg4[%add3A, %dma_wait3A_77, %dma_wait3A_78] : memref<32x80x128xi32, #tpu.memory_space<hbm>> -> memref<1x40x128xi32, #tpu.memory_space<hbm>>
      %dma_wait3A_80 = tpu.memref_squeeze %dma_wait3A_79 : memref<1x40x128xi32, #tpu.memory_space<hbm>> -> memref<40x128xi32, #tpu.memory_space<hbm>>
      %dma_wait3A_81 = arith.constant 0 : i32
      %dma_wait3A_82 = arith.constant 0 : i32
      %dma_wait3A_83 = tpu.memref_slice %arg4[%add3A, %dma_wait3A_81, %dma_wait3A_82] : memref<32x80x128xi32, #tpu.memory_space<hbm>> -> memref<1x40x128xi32, #tpu.memory_space<hbm>>
      %dma_wait3A_84 = tpu.memref_squeeze %dma_wait3A_83 : memref<1x40x128xi32, #tpu.memory_space<hbm>> -> memref<40x128xi32, #tpu.memory_space<hbm>>
      tpu.wait_dma2 semaphore(%run_scoped3A : memref<!tpu.dma_semaphore, #tpu.memory_space<semaphore_mem>>) src(%dma_wait3A_84 : memref<40x128xi32, #tpu.memory_space<hbm>>) dst(%arg8 : memref<40x128xi32, #tpu.memory_space<vmem>>)
      tpu.yield
    }) : () -> ()
    %dma_start3A = arith.constant 0 : i32
    %dma_start3A_3 = arith.constant 0 : i32
    %dma_start3A_4 = tpu.memref_slice %arg7[%dma_start3A, %dma_start3A_3] : memref<40x128xi32, #tpu.memory_space<vmem>> -> memref<1x128xi32, #tpu.memory_space<vmem>>
    %dma_start3A_5 = tpu.memref_squeeze %dma_start3A_4 : memref<1x128xi32, #tpu.memory_space<vmem>> -> memref<128xi32, #tpu.memory_space<vmem>>
    %dma_start3A_6 = arith.constant 0 : i32
    %dma_start3A_7 = arith.constant 0 : i32
    %dma_start3A_8 = tpu.memref_slice %arg2[%dma_start3A_6, %dma_start3A_7] : memref<10000x128xf32, #tpu.memory_space<hbm>> -> memref<10000x128xf32, #tpu.memory_space<hbm>>
    tpu.enqueue_indirect_dma source(%dma_start3A_8 : memref<10000x128xf32, #tpu.memory_space<hbm>>) target(%arg9 : memref<128x128xf32, #tpu.memory_space<vmem>>) offsets(%dma_start3A_5 : memref<128xi32, #tpu.memory_space<vmem>>) semaphore(%arg12 : memref<!tpu.dma_semaphore, #tpu.memory_space<semaphore_mem>>)
    %dma_start3A_9 = arith.constant 1 : i32
    %dma_start3A_10 = arith.constant 0 : i32
    %dma_start3A_11 = tpu.memref_slice %arg7[%dma_start3A_9, %dma_start3A_10] : memref<40x128xi32, #tpu.memory_space<vmem>> -> memref<1x128xi32, #tpu.memory_space<vmem>>
    %dma_start3A_12 = tpu.memref_squeeze %dma_start3A_11 : memref<1x128xi32, #tpu.memory_space<vmem>> -> memref<128xi32, #tpu.memory_space<vmem>>
    %dma_start3A_13 = arith.constant 0 : i32
    %dma_start3A_14 = arith.constant 0 : i32
    %dma_start3A_15 = tpu.memref_slice %arg2[%dma_start3A_13, %dma_start3A_14] : memref<10000x128xf32, #tpu.memory_space<hbm>> -> memref<10000x128xf32, #tpu.memory_space<hbm>>
    tpu.enqueue_indirect_dma source(%dma_start3A_15 : memref<10000x128xf32, #tpu.memory_space<hbm>>) target(%arg10 : memref<128x128xf32, #tpu.memory_space<vmem>>) offsets(%dma_start3A_12 : memref<128xi32, #tpu.memory_space<vmem>>) semaphore(%arg13 : memref<!tpu.dma_semaphore, #tpu.memory_space<semaphore_mem>>)
    %scan3A = arith.constant 0 : i32
    %scan3A_16 = arith.constant 0 : i32
    %scan3A_17 = arith.constant 20 : i32
    %scan3A_18 = arith.addi %scan3A_16, %scan3A_17 : i32
    %scan3A_19 = arith.constant 1 : i32
    scf.for %scan3A_69 = %scan3A_16 to %scan3A_18 step %scan3A_19  : i32 {
      %mul3A_70 = arith.constant 2 : i32
      %mul3A_71 = arith.muli %scan3A_69, %mul3A_70 : i32
      %add3A_72 = arith.constant 0 : i32
      %add3A_73 = arith.addi %mul3A_71, %add3A_72 : i32
      %dma_wait3A_74 = arith.constant 0 : i32
      %dma_wait3A_75 = tpu.memref_slice %arg7[%add3A_73, %dma_wait3A_74] : memref<40x128xi32, #tpu.memory_space<vmem>> -> memref<1x128xi32, #tpu.memory_space<vmem>>
      %dma_wait3A_76 = tpu.memref_squeeze %dma_wait3A_75 : memref<1x128xi32, #tpu.memory_space<vmem>> -> memref<128xi32, #tpu.memory_space<vmem>>
      %dma_wait3A_77 = arith.constant 0 : i32
      %dma_wait3A_78 = arith.constant 0 : i32
      %dma_wait3A_79 = tpu.memref_slice %arg2[%dma_wait3A_77, %dma_wait3A_78] : memref<10000x128xf32, #tpu.memory_space<hbm>> -> memref<10000x128xf32, #tpu.memory_space<hbm>>
      tpu.wait_indirect_dma semaphore(%arg12 : memref<!tpu.dma_semaphore, #tpu.memory_space<semaphore_mem>>) src(%dma_wait3A_79 : memref<10000x128xf32, #tpu.memory_space<hbm>>) dst(%arg9 : memref<128x128xf32, #tpu.memory_space<vmem>>)
      %dma_start3A_80 = arith.constant 0 : i32
      %dma_start3A_81 = tpu.memref_slice %arg8[%add3A_73, %dma_start3A_80] : memref<40x128xi32, #tpu.memory_space<vmem>> -> memref<1x128xi32, #tpu.memory_space<vmem>>
      %dma_start3A_82 = tpu.memref_squeeze %dma_start3A_81 : memref<1x128xi32, #tpu.memory_space<vmem>> -> memref<128xi32, #tpu.memory_space<vmem>>
      %dma_start3A_83 = arith.constant 0 : i32
      %dma_start3A_84 = arith.constant 0 : i32
      %dma_start3A_85 = tpu.memref_slice %arg11[%dma_start3A_83, %dma_start3A_84] : memref<10112x128xf32, #tpu.memory_space<vmem_shared>> -> memref<10112x128xf32, #tpu.memory_space<vmem_shared>>
      tpu.enqueue_indirect_dma source(%arg9 : memref<128x128xf32, #tpu.memory_space<vmem>>) target(%dma_start3A_85 : memref<10112x128xf32, #tpu.memory_space<vmem_shared>>) offsets(%dma_start3A_82 : memref<128xi32, #tpu.memory_space<vmem>>) semaphore(%arg14 : memref<!tpu.dma_semaphore, #tpu.memory_space<semaphore_mem>>) {add = true}
      %mul3A_86 = arith.constant 2 : i32
      %mul3A_87 = arith.muli %scan3A_69, %mul3A_86 : i32
      %add3A_88 = arith.constant 1 : i32
      %add3A_89 = arith.addi %mul3A_87, %add3A_88 : i32
      %dma_wait3A_90 = arith.constant 0 : i32
      %dma_wait3A_91 = tpu.memref_slice %arg7[%add3A_89, %dma_wait3A_90] : memref<40x128xi32, #tpu.memory_space<vmem>> -> memref<1x128xi32, #tpu.memory_space<vmem>>
      %dma_wait3A_92 = tpu.memref_squeeze %dma_wait3A_91 : memref<1x128xi32, #tpu.memory_space<vmem>> -> memref<128xi32, #tpu.memory_space<vmem>>
      %dma_wait3A_93 = arith.constant 0 : i32
      %dma_wait3A_94 = arith.constant 0 : i32
      %dma_wait3A_95 = tpu.memref_slice %arg2[%dma_wait3A_93, %dma_wait3A_94] : memref<10000x128xf32, #tpu.memory_space<hbm>> -> memref<10000x128xf32, #tpu.memory_space<hbm>>
      tpu.wait_indirect_dma semaphore(%arg13 : memref<!tpu.dma_semaphore, #tpu.memory_space<semaphore_mem>>) src(%dma_wait3A_95 : memref<10000x128xf32, #tpu.memory_space<hbm>>) dst(%arg10 : memref<128x128xf32, #tpu.memory_space<vmem>>)
      %dma_start3A_96 = arith.constant 0 : i32
      %dma_start3A_97 = tpu.memref_slice %arg8[%add3A_89, %dma_start3A_96] : memref<40x128xi32, #tpu.memory_space<vmem>> -> memref<1x128xi32, #tpu.memory_space<vmem>>
      %dma_start3A_98 = tpu.memref_squeeze %dma_start3A_97 : memref<1x128xi32, #tpu.memory_space<vmem>> -> memref<128xi32, #tpu.memory_space<vmem>>
      %dma_start3A_99 = arith.constant 0 : i32
      %dma_start3A_100 = arith.constant 0 : i32
      %dma_start3A_101 = tpu.memref_slice %arg11[%dma_start3A_99, %dma_start3A_100] : memref<10112x128xf32, #tpu.memory_space<vmem_shared>> -> memref<10112x128xf32, #tpu.memory_space<vmem_shared>>
      tpu.enqueue_indirect_dma source(%arg10 : memref<128x128xf32, #tpu.memory_space<vmem>>) target(%dma_start3A_101 : memref<10112x128xf32, #tpu.memory_space<vmem_shared>>) offsets(%dma_start3A_98 : memref<128xi32, #tpu.memory_space<vmem>>) semaphore(%arg15 : memref<!tpu.dma_semaphore, #tpu.memory_space<semaphore_mem>>) {add = true}
      %mul3A_102 = arith.constant 2 : i32
      %mul3A_103 = arith.muli %scan3A_69, %mul3A_102 : i32
      %add3A_104 = arith.constant 0 : i32
      %add3A_105 = arith.addi %mul3A_103, %add3A_104 : i32
      %dma_wait3A_106 = arith.constant 0 : i32
      %dma_wait3A_107 = tpu.memref_slice %arg8[%add3A_105, %dma_wait3A_106] : memref<40x128xi32, #tpu.memory_space<vmem>> -> memref<1x128xi32, #tpu.memory_space<vmem>>
      %dma_wait3A_108 = tpu.memref_squeeze %dma_wait3A_107 : memref<1x128xi32, #tpu.memory_space<vmem>> -> memref<128xi32, #tpu.memory_space<vmem>>
      %dma_wait3A_109 = arith.constant 0 : i32
      %dma_wait3A_110 = arith.constant 0 : i32
      %dma_wait3A_111 = tpu.memref_slice %arg11[%dma_wait3A_109, %dma_wait3A_110] : memref<10112x128xf32, #tpu.memory_space<vmem_shared>> -> memref<10112x128xf32, #tpu.memory_space<vmem_shared>>
      tpu.wait_indirect_dma semaphore(%arg14 : memref<!tpu.dma_semaphore, #tpu.memory_space<semaphore_mem>>) src(%arg9 : memref<128x128xf32, #tpu.memory_space<vmem>>) dst(%dma_wait3A_111 : memref<10112x128xf32, #tpu.memory_space<vmem_shared>>)
      %add3A_112 = arith.constant 2 : i32
      %add3A_113 = arith.addi %add3A_105, %add3A_112 : i32
      %min3A = arith.constant 39 : i32
      %min3A_114 = arith.minsi %add3A_113, %min3A : i32
      %dma_start3A_115 = arith.constant 0 : i32
      %dma_start3A_116 = tpu.memref_slice %arg7[%min3A_114, %dma_start3A_115] : memref<40x128xi32, #tpu.memory_space<vmem>> -> memref<1x128xi32, #tpu.memory_space<vmem>>
      %dma_start3A_117 = tpu.memref_squeeze %dma_start3A_116 : memref<1x128xi32, #tpu.memory_space<vmem>> -> memref<128xi32, #tpu.memory_space<vmem>>
      %dma_start3A_118 = arith.constant 0 : i32
      %dma_start3A_119 = arith.constant 0 : i32
      %dma_start3A_120 = tpu.memref_slice %arg2[%dma_start3A_118, %dma_start3A_119] : memref<10000x128xf32, #tpu.memory_space<hbm>> -> memref<10000x128xf32, #tpu.memory_space<hbm>>
      tpu.enqueue_indirect_dma source(%dma_start3A_120 : memref<10000x128xf32, #tpu.memory_space<hbm>>) target(%arg9 : memref<128x128xf32, #tpu.memory_space<vmem>>) offsets(%dma_start3A_117 : memref<128xi32, #tpu.memory_space<vmem>>) semaphore(%arg12 : memref<!tpu.dma_semaphore, #tpu.memory_space<semaphore_mem>>)
      %mul3A_121 = arith.constant 2 : i32
      %mul3A_122 = arith.muli %scan3A_69, %mul3A_121 : i32
      %add3A_123 = arith.constant 1 : i32
      %add3A_124 = arith.addi %mul3A_122, %add3A_123 : i32
      %dma_wait3A_125 = arith.constant 0 : i32
      %dma_wait3A_126 = tpu.memref_slice %arg8[%add3A_124, %dma_wait3A_125] : memref<40x128xi32, #tpu.memory_space<vmem>> -> memref<1x128xi32, #tpu.memory_space<vmem>>
      %dma_wait3A_127 = tpu.memref_squeeze %dma_wait3A_126 : memref<1x128xi32, #tpu.memory_space<vmem>> -> memref<128xi32, #tpu.memory_space<vmem>>
      %dma_wait3A_128 = arith.constant 0 : i32
      %dma_wait3A_129 = arith.constant 0 : i32
      %dma_wait3A_130 = tpu.memref_slice %arg11[%dma_wait3A_128, %dma_wait3A_129] : memref<10112x128xf32, #tpu.memory_space<vmem_shared>> -> memref<10112x128xf32, #tpu.memory_space<vmem_shared>>
      tpu.wait_indirect_dma semaphore(%arg15 : memref<!tpu.dma_semaphore, #tpu.memory_space<semaphore_mem>>) src(%arg10 : memref<128x128xf32, #tpu.memory_space<vmem>>) dst(%dma_wait3A_130 : memref<10112x128xf32, #tpu.memory_space<vmem_shared>>)
      %add3A_131 = arith.constant 2 : i32
      %add3A_132 = arith.addi %add3A_124, %add3A_131 : i32
      %min3A_133 = arith.constant 39 : i32
      %min3A_134 = arith.minsi %add3A_132, %min3A_133 : i32
      %dma_start3A_135 = arith.constant 0 : i32
      %dma_start3A_136 = tpu.memref_slice %arg7[%min3A_134, %dma_start3A_135] : memref<40x128xi32, #tpu.memory_space<vmem>> -> memref<1x128xi32, #tpu.memory_space<vmem>>
      %dma_start3A_137 = tpu.memref_squeeze %dma_start3A_136 : memref<1x128xi32, #tpu.memory_space<vmem>> -> memref<128xi32, #tpu.memory_space<vmem>>
      %dma_start3A_138 = arith.constant 0 : i32
      %dma_start3A_139 = arith.constant 0 : i32
      %dma_start3A_140 = tpu.memref_slice %arg2[%dma_start3A_138, %dma_start3A_139] : memref<10000x128xf32, #tpu.memory_space<hbm>> -> memref<10000x128xf32, #tpu.memory_space<hbm>>
      tpu.enqueue_indirect_dma source(%dma_start3A_140 : memref<10000x128xf32, #tpu.memory_space<hbm>>) target(%arg10 : memref<128x128xf32, #tpu.memory_space<vmem>>) offsets(%dma_start3A_137 : memref<128xi32, #tpu.memory_space<vmem>>) semaphore(%arg13 : memref<!tpu.dma_semaphore, #tpu.memory_space<semaphore_mem>>)
    }
    %scan3A_20 = arith.constant 20 : i32
    %dma_wait3A = arith.constant 0 : i32
    %dma_wait3A_21 = arith.constant 0 : i32
    %dma_wait3A_22 = tpu.memref_slice %arg7[%dma_wait3A, %dma_wait3A_21] : memref<40x128xi32, #tpu.memory_space<vmem>> -> memref<1x128xi32, #tpu.memory_space<vmem>>
    %dma_wait3A_23 = tpu.memref_squeeze %dma_wait3A_22 : memref<1x128xi32, #tpu.memory_space<vmem>> -> memref<128xi32, #tpu.memory_space<vmem>>
    %dma_wait3A_24 = arith.constant 0 : i32
    %dma_wait3A_25 = arith.constant 0 : i32
    %dma_wait3A_26 = tpu.memref_slice %arg2[%dma_wait3A_24, %dma_wait3A_25] : memref<10000x128xf32, #tpu.memory_space<hbm>> -> memref<10000x128xf32, #tpu.memory_space<hbm>>
    tpu.wait_indirect_dma semaphore(%arg12 : memref<!tpu.dma_semaphore, #tpu.memory_space<semaphore_mem>>) src(%dma_wait3A_26 : memref<10000x128xf32, #tpu.memory_space<hbm>>) dst(%arg9 : memref<128x128xf32, #tpu.memory_space<vmem>>)
    %dma_wait3A_27 = arith.constant 0 : i32
    %dma_wait3A_28 = arith.constant 0 : i32
    %dma_wait3A_29 = tpu.memref_slice %arg7[%dma_wait3A_27, %dma_wait3A_28] : memref<40x128xi32, #tpu.memory_space<vmem>> -> memref<1x128xi32, #tpu.memory_space<vmem>>
    %dma_wait3A_30 = tpu.memref_squeeze %dma_wait3A_29 : memref<1x128xi32, #tpu.memory_space<vmem>> -> memref<128xi32, #tpu.memory_space<vmem>>
    %dma_wait3A_31 = arith.constant 0 : i32
    %dma_wait3A_32 = arith.constant 0 : i32
    %dma_wait3A_33 = tpu.memref_slice %arg2[%dma_wait3A_31, %dma_wait3A_32] : memref<10000x128xf32, #tpu.memory_space<hbm>> -> memref<10000x128xf32, #tpu.memory_space<hbm>>
    tpu.wait_indirect_dma semaphore(%arg13 : memref<!tpu.dma_semaphore, #tpu.memory_space<semaphore_mem>>) src(%dma_wait3A_33 : memref<10000x128xf32, #tpu.memory_space<hbm>>) dst(%arg10 : memref<128x128xf32, #tpu.memory_space<vmem>>)
    "tpu.region"() ({
      %run_scoped3A = tpu.sem_alloc : memref<!tpu.dma_semaphore, #tpu.memory_space<semaphore_mem>>
      %dma_start3A_69 = arith.constant 40 : i32
      %dma_start3A_70 = arith.constant 0 : i32
      %dma_start3A_71 = tpu.memref_slice %arg3[%add3A, %dma_start3A_69, %dma_start3A_70] : memref<32x80x128xi32, #tpu.memory_space<hbm>> -> memref<1x40x128xi32, #tpu.memory_space<hbm>>
      %dma_start3A_72 = tpu.memref_squeeze %dma_start3A_71 : memref<1x40x128xi32, #tpu.memory_space<hbm>> -> memref<40x128xi32, #tpu.memory_space<hbm>>
      %dma_start3A_73 = arith.constant 40 : i32
      %dma_start3A_74 = arith.constant 0 : i32
      %dma_start3A_75 = tpu.memref_slice %arg3[%add3A, %dma_start3A_73, %dma_start3A_74] : memref<32x80x128xi32, #tpu.memory_space<hbm>> -> memref<1x40x128xi32, #tpu.memory_space<hbm>>
      %dma_start3A_76 = tpu.memref_squeeze %dma_start3A_75 : memref<1x40x128xi32, #tpu.memory_space<hbm>> -> memref<40x128xi32, #tpu.memory_space<hbm>>
      tpu.enqueue_dma source(%dma_start3A_76 : memref<40x128xi32, #tpu.memory_space<hbm>>) target(%arg7 : memref<40x128xi32, #tpu.memory_space<vmem>>) target_semaphore(%run_scoped3A : memref<!tpu.dma_semaphore, #tpu.memory_space<semaphore_mem>>)
      %dma_wait3A_77 = arith.constant 40 : i32
      %dma_wait3A_78 = arith.constant 0 : i32
      %dma_wait3A_79 = tpu.memref_slice %arg3[%add3A, %dma_wait3A_77, %dma_wait3A_78] : memref<32x80x128xi32, #tpu.memory_space<hbm>> -> memref<1x40x128xi32, #tpu.memory_space<hbm>>
      %dma_wait3A_80 = tpu.memref_squeeze %dma_wait3A_79 : memref<1x40x128xi32, #tpu.memory_space<hbm>> -> memref<40x128xi32, #tpu.memory_space<hbm>>
      %dma_wait3A_81 = arith.constant 40 : i32
      %dma_wait3A_82 = arith.constant 0 : i32
      %dma_wait3A_83 = tpu.memref_slice %arg3[%add3A, %dma_wait3A_81, %dma_wait3A_82] : memref<32x80x128xi32, #tpu.memory_space<hbm>> -> memref<1x40x128xi32, #tpu.memory_space<hbm>>
      %dma_wait3A_84 = tpu.memref_squeeze %dma_wait3A_83 : memref<1x40x128xi32, #tpu.memory_space<hbm>> -> memref<40x128xi32, #tpu.memory_space<hbm>>
      tpu.wait_dma2 semaphore(%run_scoped3A : memref<!tpu.dma_semaphore, #tpu.memory_space<semaphore_mem>>) src(%dma_wait3A_84 : memref<40x128xi32, #tpu.memory_space<hbm>>) dst(%arg7 : memref<40x128xi32, #tpu.memory_space<vmem>>)
      tpu.yield
    }) : () -> ()
    "tpu.region"() ({
      %run_scoped3A = tpu.sem_alloc : memref<!tpu.dma_semaphore, #tpu.memory_space<semaphore_mem>>
      %dma_start3A_69 = arith.constant 40 : i32
      %dma_start3A_70 = arith.constant 0 : i32
      %dma_start3A_71 = tpu.memref_slice %arg4[%add3A, %dma_start3A_69, %dma_start3A_70] : memref<32x80x128xi32, #tpu.memory_space<hbm>> -> memref<1x40x128xi32, #tpu.memory_space<hbm>>
      %dma_start3A_72 = tpu.memref_squeeze %dma_start3A_71 : memref<1x40x128xi32, #tpu.memory_space<hbm>> -> memref<40x128xi32, #tpu.memory_space<hbm>>
      %dma_start3A_73 = arith.constant 40 : i32
      %dma_start3A_74 = arith.constant 0 : i32
      %dma_start3A_75 = tpu.memref_slice %arg4[%add3A, %dma_start3A_73, %dma_start3A_74] : memref<32x80x128xi32, #tpu.memory_space<hbm>> -> memref<1x40x128xi32, #tpu.memory_space<hbm>>
      %dma_start3A_76 = tpu.memref_squeeze %dma_start3A_75 : memref<1x40x128xi32, #tpu.memory_space<hbm>> -> memref<40x128xi32, #tpu.memory_space<hbm>>
      tpu.enqueue_dma source(%dma_start3A_76 : memref<40x128xi32, #tpu.memory_space<hbm>>) target(%arg8 : memref<40x128xi32, #tpu.memory_space<vmem>>) target_semaphore(%run_scoped3A : memref<!tpu.dma_semaphore, #tpu.memory_space<semaphore_mem>>)
      %dma_wait3A_77 = arith.constant 40 : i32
      %dma_wait3A_78 = arith.constant 0 : i32
      %dma_wait3A_79 = tpu.memref_slice %arg4[%add3A, %dma_wait3A_77, %dma_wait3A_78] : memref<32x80x128xi32, #tpu.memory_space<hbm>> -> memref<1x40x128xi32, #tpu.memory_space<hbm>>
      %dma_wait3A_80 = tpu.memref_squeeze %dma_wait3A_79 : memref<1x40x128xi32, #tpu.memory_space<hbm>> -> memref<40x128xi32, #tpu.memory_space<hbm>>
      %dma_wait3A_81 = arith.constant 40 : i32
      %dma_wait3A_82 = arith.constant 0 : i32
      %dma_wait3A_83 = tpu.memref_slice %arg4[%add3A, %dma_wait3A_81, %dma_wait3A_82] : memref<32x80x128xi32, #tpu.memory_space<hbm>> -> memref<1x40x128xi32, #tpu.memory_space<hbm>>
      %dma_wait3A_84 = tpu.memref_squeeze %dma_wait3A_83 : memref<1x40x128xi32, #tpu.memory_space<hbm>> -> memref<40x128xi32, #tpu.memory_space<hbm>>
      tpu.wait_dma2 semaphore(%run_scoped3A : memref<!tpu.dma_semaphore, #tpu.memory_space<semaphore_mem>>) src(%dma_wait3A_84 : memref<40x128xi32, #tpu.memory_space<hbm>>) dst(%arg8 : memref<40x128xi32, #tpu.memory_space<vmem>>)
      tpu.yield
    }) : () -> ()
    %dma_start3A_34 = arith.constant 0 : i32
    %dma_start3A_35 = arith.constant 0 : i32
    %dma_start3A_36 = tpu.memref_slice %arg7[%dma_start3A_34, %dma_start3A_35] : memref<40x128xi32, #tpu.memory_space<vmem>> -> memref<1x128xi32, #tpu.memory_space<vmem>>
    %dma_start3A_37 = tpu.memref_squeeze %dma_start3A_36 : memref<1x128xi32, #tpu.memory_space<vmem>> -> memref<128xi32, #tpu.memory_space<vmem>>
    %dma_start3A_38 = arith.constant 0 : i32
    %dma_start3A_39 = arith.constant 0 : i32
    %dma_start3A_40 = tpu.memref_slice %arg2[%dma_start3A_38, %dma_start3A_39] : memref<10000x128xf32, #tpu.memory_space<hbm>> -> memref<10000x128xf32, #tpu.memory_space<hbm>>
    tpu.enqueue_indirect_dma source(%dma_start3A_40 : memref<10000x128xf32, #tpu.memory_space<hbm>>) target(%arg9 : memref<128x128xf32, #tpu.memory_space<vmem>>) offsets(%dma_start3A_37 : memref<128xi32, #tpu.memory_space<vmem>>) semaphore(%arg12 : memref<!tpu.dma_semaphore, #tpu.memory_space<semaphore_mem>>)
    %dma_start3A_41 = arith.constant 1 : i32
    %dma_start3A_42 = arith.constant 0 : i32
    %dma_start3A_43 = tpu.memref_slice %arg7[%dma_start3A_41, %dma_start3A_42] : memref<40x128xi32, #tpu.memory_space<vmem>> -> memref<1x128xi32, #tpu.memory_space<vmem>>
    %dma_start3A_44 = tpu.memref_squeeze %dma_start3A_43 : memref<1x128xi32, #tpu.memory_space<vmem>> -> memref<128xi32, #tpu.memory_space<vmem>>
    %dma_start3A_45 = arith.constant 0 : i32
    %dma_start3A_46 = arith.constant 0 : i32
    %dma_start3A_47 = tpu.memref_slice %arg2[%dma_start3A_45, %dma_start3A_46] : memref<10000x128xf32, #tpu.memory_space<hbm>> -> memref<10000x128xf32, #tpu.memory_space<hbm>>
    tpu.enqueue_indirect_dma source(%dma_start3A_47 : memref<10000x128xf32, #tpu.memory_space<hbm>>) target(%arg10 : memref<128x128xf32, #tpu.memory_space<vmem>>) offsets(%dma_start3A_44 : memref<128xi32, #tpu.memory_space<vmem>>) semaphore(%arg13 : memref<!tpu.dma_semaphore, #tpu.memory_space<semaphore_mem>>)
    %scan3A_48 = arith.constant 0 : i32
    %scan3A_49 = arith.constant 0 : i32
    %scan3A_50 = arith.constant 20 : i32
    %scan3A_51 = arith.addi %scan3A_49, %scan3A_50 : i32
    %scan3A_52 = arith.constant 1 : i32
    scf.for %scan3A_69 = %scan3A_49 to %scan3A_51 step %scan3A_52  : i32 {
      %mul3A_70 = arith.constant 2 : i32
      %mul3A_71 = arith.muli %scan3A_69, %mul3A_70 : i32
      %add3A_72 = arith.constant 0 : i32
      %add3A_73 = arith.addi %mul3A_71, %add3A_72 : i32
      %dma_wait3A_74 = arith.constant 0 : i32
      %dma_wait3A_75 = tpu.memref_slice %arg7[%add3A_73, %dma_wait3A_74] : memref<40x128xi32, #tpu.memory_space<vmem>> -> memref<1x128xi32, #tpu.memory_space<vmem>>
      %dma_wait3A_76 = tpu.memref_squeeze %dma_wait3A_75 : memref<1x128xi32, #tpu.memory_space<vmem>> -> memref<128xi32, #tpu.memory_space<vmem>>
      %dma_wait3A_77 = arith.constant 0 : i32
      %dma_wait3A_78 = arith.constant 0 : i32
      %dma_wait3A_79 = tpu.memref_slice %arg2[%dma_wait3A_77, %dma_wait3A_78] : memref<10000x128xf32, #tpu.memory_space<hbm>> -> memref<10000x128xf32, #tpu.memory_space<hbm>>
      tpu.wait_indirect_dma semaphore(%arg12 : memref<!tpu.dma_semaphore, #tpu.memory_space<semaphore_mem>>) src(%dma_wait3A_79 : memref<10000x128xf32, #tpu.memory_space<hbm>>) dst(%arg9 : memref<128x128xf32, #tpu.memory_space<vmem>>)
      %dma_start3A_80 = arith.constant 0 : i32
      %dma_start3A_81 = tpu.memref_slice %arg8[%add3A_73, %dma_start3A_80] : memref<40x128xi32, #tpu.memory_space<vmem>> -> memref<1x128xi32, #tpu.memory_space<vmem>>
      %dma_start3A_82 = tpu.memref_squeeze %dma_start3A_81 : memref<1x128xi32, #tpu.memory_space<vmem>> -> memref<128xi32, #tpu.memory_space<vmem>>
      %dma_start3A_83 = arith.constant 0 : i32
      %dma_start3A_84 = arith.constant 0 : i32
      %dma_start3A_85 = tpu.memref_slice %arg11[%dma_start3A_83, %dma_start3A_84] : memref<10112x128xf32, #tpu.memory_space<vmem_shared>> -> memref<10112x128xf32, #tpu.memory_space<vmem_shared>>
      tpu.enqueue_indirect_dma source(%arg9 : memref<128x128xf32, #tpu.memory_space<vmem>>) target(%dma_start3A_85 : memref<10112x128xf32, #tpu.memory_space<vmem_shared>>) offsets(%dma_start3A_82 : memref<128xi32, #tpu.memory_space<vmem>>) semaphore(%arg14 : memref<!tpu.dma_semaphore, #tpu.memory_space<semaphore_mem>>) {add = true}
      %mul3A_86 = arith.constant 2 : i32
      %mul3A_87 = arith.muli %scan3A_69, %mul3A_86 : i32
      %add3A_88 = arith.constant 1 : i32
      %add3A_89 = arith.addi %mul3A_87, %add3A_88 : i32
      %dma_wait3A_90 = arith.constant 0 : i32
      %dma_wait3A_91 = tpu.memref_slice %arg7[%add3A_89, %dma_wait3A_90] : memref<40x128xi32, #tpu.memory_space<vmem>> -> memref<1x128xi32, #tpu.memory_space<vmem>>
      %dma_wait3A_92 = tpu.memref_squeeze %dma_wait3A_91 : memref<1x128xi32, #tpu.memory_space<vmem>> -> memref<128xi32, #tpu.memory_space<vmem>>
      %dma_wait3A_93 = arith.constant 0 : i32
      %dma_wait3A_94 = arith.constant 0 : i32
      %dma_wait3A_95 = tpu.memref_slice %arg2[%dma_wait3A_93, %dma_wait3A_94] : memref<10000x128xf32, #tpu.memory_space<hbm>> -> memref<10000x128xf32, #tpu.memory_space<hbm>>
      tpu.wait_indirect_dma semaphore(%arg13 : memref<!tpu.dma_semaphore, #tpu.memory_space<semaphore_mem>>) src(%dma_wait3A_95 : memref<10000x128xf32, #tpu.memory_space<hbm>>) dst(%arg10 : memref<128x128xf32, #tpu.memory_space<vmem>>)
      %dma_start3A_96 = arith.constant 0 : i32
      %dma_start3A_97 = tpu.memref_slice %arg8[%add3A_89, %dma_start3A_96] : memref<40x128xi32, #tpu.memory_space<vmem>> -> memref<1x128xi32, #tpu.memory_space<vmem>>
      %dma_start3A_98 = tpu.memref_squeeze %dma_start3A_97 : memref<1x128xi32, #tpu.memory_space<vmem>> -> memref<128xi32, #tpu.memory_space<vmem>>
      %dma_start3A_99 = arith.constant 0 : i32
      %dma_start3A_100 = arith.constant 0 : i32
      %dma_start3A_101 = tpu.memref_slice %arg11[%dma_start3A_99, %dma_start3A_100] : memref<10112x128xf32, #tpu.memory_space<vmem_shared>> -> memref<10112x128xf32, #tpu.memory_space<vmem_shared>>
      tpu.enqueue_indirect_dma source(%arg10 : memref<128x128xf32, #tpu.memory_space<vmem>>) target(%dma_start3A_101 : memref<10112x128xf32, #tpu.memory_space<vmem_shared>>) offsets(%dma_start3A_98 : memref<128xi32, #tpu.memory_space<vmem>>) semaphore(%arg15 : memref<!tpu.dma_semaphore, #tpu.memory_space<semaphore_mem>>) {add = true}
      %mul3A_102 = arith.constant 2 : i32
      %mul3A_103 = arith.muli %scan3A_69, %mul3A_102 : i32
      %add3A_104 = arith.constant 0 : i32
      %add3A_105 = arith.addi %mul3A_103, %add3A_104 : i32
      %dma_wait3A_106 = arith.constant 0 : i32
      %dma_wait3A_107 = tpu.memref_slice %arg8[%add3A_105, %dma_wait3A_106] : memref<40x128xi32, #tpu.memory_space<vmem>> -> memref<1x128xi32, #tpu.memory_space<vmem>>
      %dma_wait3A_108 = tpu.memref_squeeze %dma_wait3A_107 : memref<1x128xi32, #tpu.memory_space<vmem>> -> memref<128xi32, #tpu.memory_space<vmem>>
      %dma_wait3A_109 = arith.constant 0 : i32
      %dma_wait3A_110 = arith.constant 0 : i32
      %dma_wait3A_111 = tpu.memref_slice %arg11[%dma_wait3A_109, %dma_wait3A_110] : memref<10112x128xf32, #tpu.memory_space<vmem_shared>> -> memref<10112x128xf32, #tpu.memory_space<vmem_shared>>
      tpu.wait_indirect_dma semaphore(%arg14 : memref<!tpu.dma_semaphore, #tpu.memory_space<semaphore_mem>>) src(%arg9 : memref<128x128xf32, #tpu.memory_space<vmem>>) dst(%dma_wait3A_111 : memref<10112x128xf32, #tpu.memory_space<vmem_shared>>)
      %add3A_112 = arith.constant 2 : i32
      %add3A_113 = arith.addi %add3A_105, %add3A_112 : i32
      %min3A = arith.constant 39 : i32
      %min3A_114 = arith.minsi %add3A_113, %min3A : i32
      %dma_start3A_115 = arith.constant 0 : i32
      %dma_start3A_116 = tpu.memref_slice %arg7[%min3A_114, %dma_start3A_115] : memref<40x128xi32, #tpu.memory_space<vmem>> -> memref<1x128xi32, #tpu.memory_space<vmem>>
      %dma_start3A_117 = tpu.memref_squeeze %dma_start3A_116 : memref<1x128xi32, #tpu.memory_space<vmem>> -> memref<128xi32, #tpu.memory_space<vmem>>
      %dma_start3A_118 = arith.constant 0 : i32
      %dma_start3A_119 = arith.constant 0 : i32
      %dma_start3A_120 = tpu.memref_slice %arg2[%dma_start3A_118, %dma_start3A_119] : memref<10000x128xf32, #tpu.memory_space<hbm>> -> memref<10000x128xf32, #tpu.memory_space<hbm>>
      tpu.enqueue_indirect_dma source(%dma_start3A_120 : memref<10000x128xf32, #tpu.memory_space<hbm>>) target(%arg9 : memref<128x128xf32, #tpu.memory_space<vmem>>) offsets(%dma_start3A_117 : memref<128xi32, #tpu.memory_space<vmem>>) semaphore(%arg12 : memref<!tpu.dma_semaphore, #tpu.memory_space<semaphore_mem>>)
      %mul3A_121 = arith.constant 2 : i32
      %mul3A_122 = arith.muli %scan3A_69, %mul3A_121 : i32
      %add3A_123 = arith.constant 1 : i32
      %add3A_124 = arith.addi %mul3A_122, %add3A_123 : i32
      %dma_wait3A_125 = arith.constant 0 : i32
      %dma_wait3A_126 = tpu.memref_slice %arg8[%add3A_124, %dma_wait3A_125] : memref<40x128xi32, #tpu.memory_space<vmem>> -> memref<1x128xi32, #tpu.memory_space<vmem>>
      %dma_wait3A_127 = tpu.memref_squeeze %dma_wait3A_126 : memref<1x128xi32, #tpu.memory_space<vmem>> -> memref<128xi32, #tpu.memory_space<vmem>>
      %dma_wait3A_128 = arith.constant 0 : i32
      %dma_wait3A_129 = arith.constant 0 : i32
      %dma_wait3A_130 = tpu.memref_slice %arg11[%dma_wait3A_128, %dma_wait3A_129] : memref<10112x128xf32, #tpu.memory_space<vmem_shared>> -> memref<10112x128xf32, #tpu.memory_space<vmem_shared>>
      tpu.wait_indirect_dma semaphore(%arg15 : memref<!tpu.dma_semaphore, #tpu.memory_space<semaphore_mem>>) src(%arg10 : memref<128x128xf32, #tpu.memory_space<vmem>>) dst(%dma_wait3A_130 : memref<10112x128xf32, #tpu.memory_space<vmem_shared>>)
      %add3A_131 = arith.constant 2 : i32
      %add3A_132 = arith.addi %add3A_124, %add3A_131 : i32
      %min3A_133 = arith.constant 39 : i32
      %min3A_134 = arith.minsi %add3A_132, %min3A_133 : i32
      %dma_start3A_135 = arith.constant 0 : i32
      %dma_start3A_136 = tpu.memref_slice %arg7[%min3A_134, %dma_start3A_135] : memref<40x128xi32, #tpu.memory_space<vmem>> -> memref<1x128xi32, #tpu.memory_space<vmem>>
      %dma_start3A_137 = tpu.memref_squeeze %dma_start3A_136 : memref<1x128xi32, #tpu.memory_space<vmem>> -> memref<128xi32, #tpu.memory_space<vmem>>
      %dma_start3A_138 = arith.constant 0 : i32
      %dma_start3A_139 = arith.constant 0 : i32
      %dma_start3A_140 = tpu.memref_slice %arg2[%dma_start3A_138, %dma_start3A_139] : memref<10000x128xf32, #tpu.memory_space<hbm>> -> memref<10000x128xf32, #tpu.memory_space<hbm>>
      tpu.enqueue_indirect_dma source(%dma_start3A_140 : memref<10000x128xf32, #tpu.memory_space<hbm>>) target(%arg10 : memref<128x128xf32, #tpu.memory_space<vmem>>) offsets(%dma_start3A_137 : memref<128xi32, #tpu.memory_space<vmem>>) semaphore(%arg13 : memref<!tpu.dma_semaphore, #tpu.memory_space<semaphore_mem>>)
    }
    %scan3A_53 = arith.constant 20 : i32
    %dma_wait3A_54 = arith.constant 0 : i32
    %dma_wait3A_55 = arith.constant 0 : i32
    %dma_wait3A_56 = tpu.memref_slice %arg7[%dma_wait3A_54, %dma_wait3A_55] : memref<40x128xi32, #tpu.memory_space<vmem>> -> memref<1x128xi32, #tpu.memory_space<vmem>>
    %dma_wait3A_57 = tpu.memref_squeeze %dma_wait3A_56 : memref<1x128xi32, #tpu.memory_space<vmem>> -> memref<128xi32, #tpu.memory_space<vmem>>
    %dma_wait3A_58 = arith.constant 0 : i32
    %dma_wait3A_59 = arith.constant 0 : i32
    %dma_wait3A_60 = tpu.memref_slice %arg2[%dma_wait3A_58, %dma_wait3A_59] : memref<10000x128xf32, #tpu.memory_space<hbm>> -> memref<10000x128xf32, #tpu.memory_space<hbm>>
    tpu.wait_indirect_dma semaphore(%arg12 : memref<!tpu.dma_semaphore, #tpu.memory_space<semaphore_mem>>) src(%dma_wait3A_60 : memref<10000x128xf32, #tpu.memory_space<hbm>>) dst(%arg9 : memref<128x128xf32, #tpu.memory_space<vmem>>)
    %dma_wait3A_61 = arith.constant 0 : i32
    %dma_wait3A_62 = arith.constant 0 : i32
    %dma_wait3A_63 = tpu.memref_slice %arg7[%dma_wait3A_61, %dma_wait3A_62] : memref<40x128xi32, #tpu.memory_space<vmem>> -> memref<1x128xi32, #tpu.memory_space<vmem>>
    %dma_wait3A_64 = tpu.memref_squeeze %dma_wait3A_63 : memref<1x128xi32, #tpu.memory_space<vmem>> -> memref<128xi32, #tpu.memory_space<vmem>>
    %dma_wait3A_65 = arith.constant 0 : i32
    %dma_wait3A_66 = arith.constant 0 : i32
    %dma_wait3A_67 = tpu.memref_slice %arg2[%dma_wait3A_65, %dma_wait3A_66] : memref<10000x128xf32, #tpu.memory_space<hbm>> -> memref<10000x128xf32, #tpu.memory_space<hbm>>
    tpu.wait_indirect_dma semaphore(%arg13 : memref<!tpu.dma_semaphore, #tpu.memory_space<semaphore_mem>>) src(%dma_wait3A_67 : memref<10000x128xf32, #tpu.memory_space<hbm>>) dst(%arg10 : memref<128x128xf32, #tpu.memory_space<vmem>>)
    %barrier3A_68 = arith.constant 0 : index
    tpu.barrier barrier_id(%barrier3A_68)
    "tpu.region"() ({
      %run_scoped3A = tpu.sem_alloc : memref<!tpu.dma_semaphore, #tpu.memory_space<semaphore_mem>>
      %dma_start3A_69 = arith.constant 0 : i32
      %dma_start3A_70 = tpu.memref_slice %arg6[%arg0, %mul3A_2, %dma_start3A_69] : memref<2x10112x128xf32, #tpu.memory_space<hbm>> -> memref<1x632x128xf32, #tpu.memory_space<hbm>>
      %dma_start3A_71 = tpu.memref_squeeze %dma_start3A_70 : memref<1x632x128xf32, #tpu.memory_space<hbm>> -> memref<632x128xf32, #tpu.memory_space<hbm>>
      %dma_start3A_72 = arith.constant 0 : i32
      %dma_start3A_73 = tpu.memref_slice %arg11[%mul3A_2, %dma_start3A_72] : memref<10112x128xf32, #tpu.memory_space<vmem_shared>> -> memref<632x128xf32, #tpu.memory_space<vmem_shared>>
      tpu.enqueue_dma source(%dma_start3A_73 : memref<632x128xf32, #tpu.memory_space<vmem_shared>>) target(%dma_start3A_71 : memref<632x128xf32, #tpu.memory_space<hbm>>) target_semaphore(%run_scoped3A : memref<!tpu.dma_semaphore, #tpu.memory_space<semaphore_mem>>)
      %dma_wait3A_74 = arith.constant 0 : i32
      %dma_wait3A_75 = tpu.memref_slice %arg6[%arg0, %mul3A_2, %dma_wait3A_74] : memref<2x10112x128xf32, #tpu.memory_space<hbm>> -> memref<1x632x128xf32, #tpu.memory_space<hbm>>
      %dma_wait3A_76 = tpu.memref_squeeze %dma_wait3A_75 : memref<1x632x128xf32, #tpu.memory_space<hbm>> -> memref<632x128xf32, #tpu.memory_space<hbm>>
      %dma_wait3A_77 = arith.constant 0 : i32
      %dma_wait3A_78 = tpu.memref_slice %arg11[%mul3A_2, %dma_wait3A_77] : memref<10112x128xf32, #tpu.memory_space<vmem_shared>> -> memref<632x128xf32, #tpu.memory_space<vmem_shared>>
      tpu.wait_dma2 semaphore(%run_scoped3A : memref<!tpu.dma_semaphore, #tpu.memory_space<semaphore_mem>>) src(%dma_wait3A_78 : memref<632x128xf32, #tpu.memory_space<vmem_shared>>) dst(%dma_wait3A_76 : memref<632x128xf32, #tpu.memory_space<hbm>>)
      tpu.yield
    }) : () -> ()
    return
  }
}

#map = affine_map<(d0, d1) -> (0, 0)>
#map1 = affine_map<(d0, d1) -> (0, 0, 0)>
module attributes {stable_mosaic.version = 14 : i64} {
  func.func @spmm(%arg0: i32, %arg1: i32, %arg2: memref<10000x128xf32, #tpu.memory_space<hbm>>, %arg3: memref<32x80x128xi32, #tpu.memory_space<hbm>>, %arg4: memref<32x80x128xi32, #tpu.memory_space<hbm>>, %arg5: memref<10112x128xf32, #tpu.memory_space<hbm>>, %arg6: memref<2x10112x128xf32, #tpu.memory_space<hbm>>, %arg7: memref<40x128xi32, #tpu.memory_space<vmem>>, %arg8: memref<40x128xi32, #tpu.memory_space<vmem>>, %arg9: memref<128x128xf32, #tpu.memory_space<vmem>>, %arg10: memref<128x128xf32, #tpu.memory_space<vmem>>, %arg11: memref<10112x128xf32, #tpu.memory_space<vmem_shared>>, %arg12: memref<!tpu.dma_semaphore, #tpu.memory_space<semaphore_mem>>, %arg13: memref<!tpu.dma_semaphore, #tpu.memory_space<semaphore_mem>>, %arg14: memref<!tpu.dma_semaphore, #tpu.memory_space<semaphore_mem>>, %arg15: memref<!tpu.dma_semaphore, #tpu.memory_space<semaphore_mem>>) attributes {dimension_semantics = [#tpu.dimension_semantics<core_parallel>, #tpu.dimension_semantics<subcore_parallel>], iteration_bounds = array<i64: 2, 16>, scalar_prefetch = 0 : i64, scratch_operands = 9 : i64, tpu.core_type = #tpu.core_type<sc_vector_subcore>, window_params = [{transform_indices = #map}, {transform_indices = #map1}, {transform_indices = #map1}, {transform_indices = #map}, {transform_indices = #map1}]} {
    %mul3A = arith.constant 2 : i32
    %mul3A_0 = arith.muli %arg1, %mul3A : i32
    %add3A = arith.addi %mul3A_0, %arg0 : i32
    %mul3A_1 = arith.constant 632 : i32
    %mul3A_2 = arith.muli %arg1, %mul3A_1 : i32
    "tpu.region"() ({
      %run_scoped3A = tpu.sem_alloc : memref<!tpu.dma_semaphore, #tpu.memory_space<semaphore_mem>>
      %dma_start3A_69 = arith.constant 0 : i32
      %dma_start3A_70 = tpu.memref_slice %arg11[%mul3A_2, %dma_start3A_69] : memref<10112x128xf32, #tpu.memory_space<vmem_shared>> -> memref<632x128xf32, #tpu.memory_space<vmem_shared>>
      %dma_start3A_71 = arith.constant 0 : i32
      %dma_start3A_72 = tpu.memref_slice %arg5[%mul3A_2, %dma_start3A_71] : memref<10112x128xf32, #tpu.memory_space<hbm>> -> memref<632x128xf32, #tpu.memory_space<hbm>>
      tpu.enqueue_dma source(%dma_start3A_72 : memref<632x128xf32, #tpu.memory_space<hbm>>) target(%dma_start3A_70 : memref<632x128xf32, #tpu.memory_space<vmem_shared>>) target_semaphore(%run_scoped3A : memref<!tpu.dma_semaphore, #tpu.memory_space<semaphore_mem>>)
      %dma_wait3A_73 = arith.constant 0 : i32
      %dma_wait3A_74 = tpu.memref_slice %arg11[%mul3A_2, %dma_wait3A_73] : memref<10112x128xf32, #tpu.memory_space<vmem_shared>> -> memref<632x128xf32, #tpu.memory_space<vmem_shared>>
      %dma_wait3A_75 = arith.constant 0 : i32
      %dma_wait3A_76 = tpu.memref_slice %arg5[%mul3A_2, %dma_wait3A_75] : memref<10112x128xf32, #tpu.memory_space<hbm>> -> memref<632x128xf32, #tpu.memory_space<hbm>>
      tpu.wait_dma2 semaphore(%run_scoped3A : memref<!tpu.dma_semaphore, #tpu.memory_space<semaphore_mem>>) src(%dma_wait3A_76 : memref<632x128xf32, #tpu.memory_space<hbm>>) dst(%dma_wait3A_74 : memref<632x128xf32, #tpu.memory_space<vmem_shared>>)
      tpu.yield
    }) : () -> ()
    %barrier3A = arith.constant 0 : index
    tpu.barrier barrier_id(%barrier3A)
    "tpu.region"() ({
      %run_scoped3A = tpu.sem_alloc : memref<!tpu.dma_semaphore, #tpu.memory_space<semaphore_mem>>
      %dma_start3A_69 = arith.constant 0 : i32
      %dma_start3A_70 = arith.constant 0 : i32
      %dma_start3A_71 = tpu.memref_slice %arg3[%add3A, %dma_start3A_69, %dma_start3A_70] : memref<32x80x128xi32, #tpu.memory_space<hbm>> -> memref<1x40x128xi32, #tpu.memory_space<hbm>>
      %dma_start3A_72 = tpu.memref_squeeze %dma_start3A_71 : memref<1x40x128xi32, #tpu.memory_space<hbm>> -> memref<40x128xi32, #tpu.memory_space<hbm>>
      %dma_start3A_73 = arith.constant 0 : i32
      %dma_start3A_74 = arith.constant 0 : i32
      %dma_start3A_75 = tpu.memref_slice %arg3[%add3A, %dma_start3A_73, %dma_start3A_74] : memref<32x80x128xi32, #tpu.memory_space<hbm>> -> memref<1x40x128xi32, #tpu.memory_space<hbm>>
      %dma_start3A_76 = tpu.memref_squeeze %dma_start3A_75 : memref<1x40x128xi32, #tpu.memory_space<hbm>> -> memref<40x128xi32, #tpu.memory_space<hbm>>
      tpu.enqueue_dma source(%dma_start3A_76 : memref<40x128xi32, #tpu.memory_space<hbm>>) target(%arg7 : memref<40x128xi32, #tpu.memory_space<vmem>>) target_semaphore(%run_scoped3A : memref<!tpu.dma_semaphore, #tpu.memory_space<semaphore_mem>>)
      %dma_wait3A_77 = arith.constant 0 : i32
      %dma_wait3A_78 = arith.constant 0 : i32
      %dma_wait3A_79 = tpu.memref_slice %arg3[%add3A, %dma_wait3A_77, %dma_wait3A_78] : memref<32x80x128xi32, #tpu.memory_space<hbm>> -> memref<1x40x128xi32, #tpu.memory_space<hbm>>
      %dma_wait3A_80 = tpu.memref_squeeze %dma_wait3A_79 : memref<1x40x128xi32, #tpu.memory_space<hbm>> -> memref<40x128xi32, #tpu.memory_space<hbm>>
      %dma_wait3A_81 = arith.constant 0 : i32
      %dma_wait3A_82 = arith.constant 0 : i32
      %dma_wait3A_83 = tpu.memref_slice %arg3[%add3A, %dma_wait3A_81, %dma_wait3A_82] : memref<32x80x128xi32, #tpu.memory_space<hbm>> -> memref<1x40x128xi32, #tpu.memory_space<hbm>>
      %dma_wait3A_84 = tpu.memref_squeeze %dma_wait3A_83 : memref<1x40x128xi32, #tpu.memory_space<hbm>> -> memref<40x128xi32, #tpu.memory_space<hbm>>
      tpu.wait_dma2 semaphore(%run_scoped3A : memref<!tpu.dma_semaphore, #tpu.memory_space<semaphore_mem>>) src(%dma_wait3A_84 : memref<40x128xi32, #tpu.memory_space<hbm>>) dst(%arg7 : memref<40x128xi32, #tpu.memory_space<vmem>>)
      tpu.yield
    }) : () -> ()
    "tpu.region"() ({
      %run_scoped3A = tpu.sem_alloc : memref<!tpu.dma_semaphore, #tpu.memory_space<semaphore_mem>>
      %dma_start3A_69 = arith.constant 0 : i32
      %dma_start3A_70 = arith.constant 0 : i32
      %dma_start3A_71 = tpu.memref_slice %arg4[%add3A, %dma_start3A_69, %dma_start3A_70] : memref<32x80x128xi32, #tpu.memory_space<hbm>> -> memref<1x40x128xi32, #tpu.memory_space<hbm>>
      %dma_start3A_72 = tpu.memref_squeeze %dma_start3A_71 : memref<1x40x128xi32, #tpu.memory_space<hbm>> -> memref<40x128xi32, #tpu.memory_space<hbm>>
      %dma_start3A_73 = arith.constant 0 : i32
      %dma_start3A_74 = arith.constant 0 : i32
      %dma_start3A_75 = tpu.memref_slice %arg4[%add3A, %dma_start3A_73, %dma_start3A_74] : memref<32x80x128xi32, #tpu.memory_space<hbm>> -> memref<1x40x128xi32, #tpu.memory_space<hbm>>
      %dma_start3A_76 = tpu.memref_squeeze %dma_start3A_75 : memref<1x40x128xi32, #tpu.memory_space<hbm>> -> memref<40x128xi32, #tpu.memory_space<hbm>>
      tpu.enqueue_dma source(%dma_start3A_76 : memref<40x128xi32, #tpu.memory_space<hbm>>) target(%arg8 : memref<40x128xi32, #tpu.memory_space<vmem>>) target_semaphore(%run_scoped3A : memref<!tpu.dma_semaphore, #tpu.memory_space<semaphore_mem>>)
      %dma_wait3A_77 = arith.constant 0 : i32
      %dma_wait3A_78 = arith.constant 0 : i32
      %dma_wait3A_79 = tpu.memref_slice %arg4[%add3A, %dma_wait3A_77, %dma_wait3A_78] : memref<32x80x128xi32, #tpu.memory_space<hbm>> -> memref<1x40x128xi32, #tpu.memory_space<hbm>>
      %dma_wait3A_80 = tpu.memref_squeeze %dma_wait3A_79 : memref<1x40x128xi32, #tpu.memory_space<hbm>> -> memref<40x128xi32, #tpu.memory_space<hbm>>
      %dma_wait3A_81 = arith.constant 0 : i32
      %dma_wait3A_82 = arith.constant 0 : i32
      %dma_wait3A_83 = tpu.memref_slice %arg4[%add3A, %dma_wait3A_81, %dma_wait3A_82] : memref<32x80x128xi32, #tpu.memory_space<hbm>> -> memref<1x40x128xi32, #tpu.memory_space<hbm>>
      %dma_wait3A_84 = tpu.memref_squeeze %dma_wait3A_83 : memref<1x40x128xi32, #tpu.memory_space<hbm>> -> memref<40x128xi32, #tpu.memory_space<hbm>>
      tpu.wait_dma2 semaphore(%run_scoped3A : memref<!tpu.dma_semaphore, #tpu.memory_space<semaphore_mem>>) src(%dma_wait3A_84 : memref<40x128xi32, #tpu.memory_space<hbm>>) dst(%arg8 : memref<40x128xi32, #tpu.memory_space<vmem>>)
      tpu.yield
    }) : () -> ()
    %dma_start3A = arith.constant 0 : i32
    %dma_start3A_3 = arith.constant 0 : i32
    %dma_start3A_4 = tpu.memref_slice %arg7[%dma_start3A, %dma_start3A_3] : memref<40x128xi32, #tpu.memory_space<vmem>> -> memref<1x128xi32, #tpu.memory_space<vmem>>
    %dma_start3A_5 = tpu.memref_squeeze %dma_start3A_4 : memref<1x128xi32, #tpu.memory_space<vmem>> -> memref<128xi32, #tpu.memory_space<vmem>>
    %dma_start3A_6 = arith.constant 0 : i32
    %dma_start3A_7 = arith.constant 0 : i32
    %dma_start3A_8 = tpu.memref_slice %arg2[%dma_start3A_6, %dma_start3A_7] : memref<10000x128xf32, #tpu.memory_space<hbm>> -> memref<10000x128xf32, #tpu.memory_space<hbm>>
    tpu.enqueue_indirect_dma source(%dma_start3A_8 : memref<10000x128xf32, #tpu.memory_space<hbm>>) target(%arg9 : memref<128x128xf32, #tpu.memory_space<vmem>>) offsets(%dma_start3A_5 : memref<128xi32, #tpu.memory_space<vmem>>) semaphore(%arg12 : memref<!tpu.dma_semaphore, #tpu.memory_space<semaphore_mem>>)
    %dma_start3A_9 = arith.constant 1 : i32
    %dma_start3A_10 = arith.constant 0 : i32
    %dma_start3A_11 = tpu.memref_slice %arg7[%dma_start3A_9, %dma_start3A_10] : memref<40x128xi32, #tpu.memory_space<vmem>> -> memref<1x128xi32, #tpu.memory_space<vmem>>
    %dma_start3A_12 = tpu.memref_squeeze %dma_start3A_11 : memref<1x128xi32, #tpu.memory_space<vmem>> -> memref<128xi32, #tpu.memory_space<vmem>>
    %dma_start3A_13 = arith.constant 0 : i32
    %dma_start3A_14 = arith.constant 0 : i32
    %dma_start3A_15 = tpu.memref_slice %arg2[%dma_start3A_13, %dma_start3A_14] : memref<10000x128xf32, #tpu.memory_space<hbm>> -> memref<10000x128xf32, #tpu.memory_space<hbm>>
    tpu.enqueue_indirect_dma source(%dma_start3A_15 : memref<10000x128xf32, #tpu.memory_space<hbm>>) target(%arg10 : memref<128x128xf32, #tpu.memory_space<vmem>>) offsets(%dma_start3A_12 : memref<128xi32, #tpu.memory_space<vmem>>) semaphore(%arg13 : memref<!tpu.dma_semaphore, #tpu.memory_space<semaphore_mem>>)
    %scan3A = arith.constant 0 : i32
    %scan3A_16 = arith.constant 0 : i32
    %scan3A_17 = arith.constant 20 : i32
    %scan3A_18 = arith.addi %scan3A_16, %scan3A_17 : i32
    %scan3A_19 = arith.constant 1 : i32
    scf.for %scan3A_69 = %scan3A_16 to %scan3A_18 step %scan3A_19  : i32 {
      %mul3A_70 = arith.constant 2 : i32
      %mul3A_71 = arith.muli %scan3A_69, %mul3A_70 : i32
      %add3A_72 = arith.constant 0 : i32
      %add3A_73 = arith.addi %mul3A_71, %add3A_72 : i32
      %dma_wait3A_74 = arith.constant 0 : i32
      %dma_wait3A_75 = tpu.memref_slice %arg7[%add3A_73, %dma_wait3A_74] : memref<40x128xi32, #tpu.memory_space<vmem>> -> memref<1x128xi32, #tpu.memory_space<vmem>>
      %dma_wait3A_76 = tpu.memref_squeeze %dma_wait3A_75 : memref<1x128xi32, #tpu.memory_space<vmem>> -> memref<128xi32, #tpu.memory_space<vmem>>
      %dma_wait3A_77 = arith.constant 0 : i32
      %dma_wait3A_78 = arith.constant 0 : i32
      %dma_wait3A_79 = tpu.memref_slice %arg2[%dma_wait3A_77, %dma_wait3A_78] : memref<10000x128xf32, #tpu.memory_space<hbm>> -> memref<10000x128xf32, #tpu.memory_space<hbm>>
      tpu.wait_indirect_dma semaphore(%arg12 : memref<!tpu.dma_semaphore, #tpu.memory_space<semaphore_mem>>) src(%dma_wait3A_79 : memref<10000x128xf32, #tpu.memory_space<hbm>>) dst(%arg9 : memref<128x128xf32, #tpu.memory_space<vmem>>)
      %dma_start3A_80 = arith.constant 0 : i32
      %dma_start3A_81 = tpu.memref_slice %arg8[%add3A_73, %dma_start3A_80] : memref<40x128xi32, #tpu.memory_space<vmem>> -> memref<1x128xi32, #tpu.memory_space<vmem>>
      %dma_start3A_82 = tpu.memref_squeeze %dma_start3A_81 : memref<1x128xi32, #tpu.memory_space<vmem>> -> memref<128xi32, #tpu.memory_space<vmem>>
      %dma_start3A_83 = arith.constant 0 : i32
      %dma_start3A_84 = arith.constant 0 : i32
      %dma_start3A_85 = tpu.memref_slice %arg11[%dma_start3A_83, %dma_start3A_84] : memref<10112x128xf32, #tpu.memory_space<vmem_shared>> -> memref<10112x128xf32, #tpu.memory_space<vmem_shared>>
      tpu.enqueue_indirect_dma source(%arg9 : memref<128x128xf32, #tpu.memory_space<vmem>>) target(%dma_start3A_85 : memref<10112x128xf32, #tpu.memory_space<vmem_shared>>) offsets(%dma_start3A_82 : memref<128xi32, #tpu.memory_space<vmem>>) semaphore(%arg14 : memref<!tpu.dma_semaphore, #tpu.memory_space<semaphore_mem>>) {add = true}
      %mul3A_86 = arith.constant 2 : i32
      %mul3A_87 = arith.muli %scan3A_69, %mul3A_86 : i32
      %add3A_88 = arith.constant 1 : i32
      %add3A_89 = arith.addi %mul3A_87, %add3A_88 : i32
      %dma_wait3A_90 = arith.constant 0 : i32
      %dma_wait3A_91 = tpu.memref_slice %arg7[%add3A_89, %dma_wait3A_90] : memref<40x128xi32, #tpu.memory_space<vmem>> -> memref<1x128xi32, #tpu.memory_space<vmem>>
      %dma_wait3A_92 = tpu.memref_squeeze %dma_wait3A_91 : memref<1x128xi32, #tpu.memory_space<vmem>> -> memref<128xi32, #tpu.memory_space<vmem>>
      %dma_wait3A_93 = arith.constant 0 : i32
      %dma_wait3A_94 = arith.constant 0 : i32
      %dma_wait3A_95 = tpu.memref_slice %arg2[%dma_wait3A_93, %dma_wait3A_94] : memref<10000x128xf32, #tpu.memory_space<hbm>> -> memref<10000x128xf32, #tpu.memory_space<hbm>>
      tpu.wait_indirect_dma semaphore(%arg13 : memref<!tpu.dma_semaphore, #tpu.memory_space<semaphore_mem>>) src(%dma_wait3A_95 : memref<10000x128xf32, #tpu.memory_space<hbm>>) dst(%arg10 : memref<128x128xf32, #tpu.memory_space<vmem>>)
      %dma_start3A_96 = arith.constant 0 : i32
      %dma_start3A_97 = tpu.memref_slice %arg8[%add3A_89, %dma_start3A_96] : memref<40x128xi32, #tpu.memory_space<vmem>> -> memref<1x128xi32, #tpu.memory_space<vmem>>
      %dma_start3A_98 = tpu.memref_squeeze %dma_start3A_97 : memref<1x128xi32, #tpu.memory_space<vmem>> -> memref<128xi32, #tpu.memory_space<vmem>>
      %dma_start3A_99 = arith.constant 0 : i32
      %dma_start3A_100 = arith.constant 0 : i32
      %dma_start3A_101 = tpu.memref_slice %arg11[%dma_start3A_99, %dma_start3A_100] : memref<10112x128xf32, #tpu.memory_space<vmem_shared>> -> memref<10112x128xf32, #tpu.memory_space<vmem_shared>>
      tpu.enqueue_indirect_dma source(%arg10 : memref<128x128xf32, #tpu.memory_space<vmem>>) target(%dma_start3A_101 : memref<10112x128xf32, #tpu.memory_space<vmem_shared>>) offsets(%dma_start3A_98 : memref<128xi32, #tpu.memory_space<vmem>>) semaphore(%arg15 : memref<!tpu.dma_semaphore, #tpu.memory_space<semaphore_mem>>) {add = true}
      %mul3A_102 = arith.constant 2 : i32
      %mul3A_103 = arith.muli %scan3A_69, %mul3A_102 : i32
      %add3A_104 = arith.constant 0 : i32
      %add3A_105 = arith.addi %mul3A_103, %add3A_104 : i32
      %dma_wait3A_106 = arith.constant 0 : i32
      %dma_wait3A_107 = tpu.memref_slice %arg8[%add3A_105, %dma_wait3A_106] : memref<40x128xi32, #tpu.memory_space<vmem>> -> memref<1x128xi32, #tpu.memory_space<vmem>>
      %dma_wait3A_108 = tpu.memref_squeeze %dma_wait3A_107 : memref<1x128xi32, #tpu.memory_space<vmem>> -> memref<128xi32, #tpu.memory_space<vmem>>
      %dma_wait3A_109 = arith.constant 0 : i32
      %dma_wait3A_110 = arith.constant 0 : i32
      %dma_wait3A_111 = tpu.memref_slice %arg11[%dma_wait3A_109, %dma_wait3A_110] : memref<10112x128xf32, #tpu.memory_space<vmem_shared>> -> memref<10112x128xf32, #tpu.memory_space<vmem_shared>>
      tpu.wait_indirect_dma semaphore(%arg14 : memref<!tpu.dma_semaphore, #tpu.memory_space<semaphore_mem>>) src(%arg9 : memref<128x128xf32, #tpu.memory_space<vmem>>) dst(%dma_wait3A_111 : memref<10112x128xf32, #tpu.memory_space<vmem_shared>>)
      %add3A_112 = arith.constant 2 : i32
      %add3A_113 = arith.addi %add3A_105, %add3A_112 : i32
      %min3A = arith.constant 39 : i32
      %min3A_114 = arith.minsi %add3A_113, %min3A : i32
      %dma_start3A_115 = arith.constant 0 : i32
      %dma_start3A_116 = tpu.memref_slice %arg7[%min3A_114, %dma_start3A_115] : memref<40x128xi32, #tpu.memory_space<vmem>> -> memref<1x128xi32, #tpu.memory_space<vmem>>
      %dma_start3A_117 = tpu.memref_squeeze %dma_start3A_116 : memref<1x128xi32, #tpu.memory_space<vmem>> -> memref<128xi32, #tpu.memory_space<vmem>>
      %dma_start3A_118 = arith.constant 0 : i32
      %dma_start3A_119 = arith.constant 0 : i32
      %dma_start3A_120 = tpu.memref_slice %arg2[%dma_start3A_118, %dma_start3A_119] : memref<10000x128xf32, #tpu.memory_space<hbm>> -> memref<10000x128xf32, #tpu.memory_space<hbm>>
      tpu.enqueue_indirect_dma source(%dma_start3A_120 : memref<10000x128xf32, #tpu.memory_space<hbm>>) target(%arg9 : memref<128x128xf32, #tpu.memory_space<vmem>>) offsets(%dma_start3A_117 : memref<128xi32, #tpu.memory_space<vmem>>) semaphore(%arg12 : memref<!tpu.dma_semaphore, #tpu.memory_space<semaphore_mem>>)
      %mul3A_121 = arith.constant 2 : i32
      %mul3A_122 = arith.muli %scan3A_69, %mul3A_121 : i32
      %add3A_123 = arith.constant 1 : i32
      %add3A_124 = arith.addi %mul3A_122, %add3A_123 : i32
      %dma_wait3A_125 = arith.constant 0 : i32
      %dma_wait3A_126 = tpu.memref_slice %arg8[%add3A_124, %dma_wait3A_125] : memref<40x128xi32, #tpu.memory_space<vmem>> -> memref<1x128xi32, #tpu.memory_space<vmem>>
      %dma_wait3A_127 = tpu.memref_squeeze %dma_wait3A_126 : memref<1x128xi32, #tpu.memory_space<vmem>> -> memref<128xi32, #tpu.memory_space<vmem>>
      %dma_wait3A_128 = arith.constant 0 : i32
      %dma_wait3A_129 = arith.constant 0 : i32
      %dma_wait3A_130 = tpu.memref_slice %arg11[%dma_wait3A_128, %dma_wait3A_129] : memref<10112x128xf32, #tpu.memory_space<vmem_shared>> -> memref<10112x128xf32, #tpu.memory_space<vmem_shared>>
      tpu.wait_indirect_dma semaphore(%arg15 : memref<!tpu.dma_semaphore, #tpu.memory_space<semaphore_mem>>) src(%arg10 : memref<128x128xf32, #tpu.memory_space<vmem>>) dst(%dma_wait3A_130 : memref<10112x128xf32, #tpu.memory_space<vmem_shared>>)
      %add3A_131 = arith.constant 2 : i32
      %add3A_132 = arith.addi %add3A_124, %add3A_131 : i32
      %min3A_133 = arith.constant 39 : i32
      %min3A_134 = arith.minsi %add3A_132, %min3A_133 : i32
      %dma_start3A_135 = arith.constant 0 : i32
      %dma_start3A_136 = tpu.memref_slice %arg7[%min3A_134, %dma_start3A_135] : memref<40x128xi32, #tpu.memory_space<vmem>> -> memref<1x128xi32, #tpu.memory_space<vmem>>
      %dma_start3A_137 = tpu.memref_squeeze %dma_start3A_136 : memref<1x128xi32, #tpu.memory_space<vmem>> -> memref<128xi32, #tpu.memory_space<vmem>>
      %dma_start3A_138 = arith.constant 0 : i32
      %dma_start3A_139 = arith.constant 0 : i32
      %dma_start3A_140 = tpu.memref_slice %arg2[%dma_start3A_138, %dma_start3A_139] : memref<10000x128xf32, #tpu.memory_space<hbm>> -> memref<10000x128xf32, #tpu.memory_space<hbm>>
      tpu.enqueue_indirect_dma source(%dma_start3A_140 : memref<10000x128xf32, #tpu.memory_space<hbm>>) target(%arg10 : memref<128x128xf32, #tpu.memory_space<vmem>>) offsets(%dma_start3A_137 : memref<128xi32, #tpu.memory_space<vmem>>) semaphore(%arg13 : memref<!tpu.dma_semaphore, #tpu.memory_space<semaphore_mem>>)
    }
    %scan3A_20 = arith.constant 20 : i32
    %dma_wait3A = arith.constant 0 : i32
    %dma_wait3A_21 = arith.constant 0 : i32
    %dma_wait3A_22 = tpu.memref_slice %arg7[%dma_wait3A, %dma_wait3A_21] : memref<40x128xi32, #tpu.memory_space<vmem>> -> memref<1x128xi32, #tpu.memory_space<vmem>>
    %dma_wait3A_23 = tpu.memref_squeeze %dma_wait3A_22 : memref<1x128xi32, #tpu.memory_space<vmem>> -> memref<128xi32, #tpu.memory_space<vmem>>
    %dma_wait3A_24 = arith.constant 0 : i32
    %dma_wait3A_25 = arith.constant 0 : i32
    %dma_wait3A_26 = tpu.memref_slice %arg2[%dma_wait3A_24, %dma_wait3A_25] : memref<10000x128xf32, #tpu.memory_space<hbm>> -> memref<10000x128xf32, #tpu.memory_space<hbm>>
    tpu.wait_indirect_dma semaphore(%arg12 : memref<!tpu.dma_semaphore, #tpu.memory_space<semaphore_mem>>) src(%dma_wait3A_26 : memref<10000x128xf32, #tpu.memory_space<hbm>>) dst(%arg9 : memref<128x128xf32, #tpu.memory_space<vmem>>)
    %dma_wait3A_27 = arith.constant 0 : i32
    %dma_wait3A_28 = arith.constant 0 : i32
    %dma_wait3A_29 = tpu.memref_slice %arg7[%dma_wait3A_27, %dma_wait3A_28] : memref<40x128xi32, #tpu.memory_space<vmem>> -> memref<1x128xi32, #tpu.memory_space<vmem>>
    %dma_wait3A_30 = tpu.memref_squeeze %dma_wait3A_29 : memref<1x128xi32, #tpu.memory_space<vmem>> -> memref<128xi32, #tpu.memory_space<vmem>>
    %dma_wait3A_31 = arith.constant 0 : i32
    %dma_wait3A_32 = arith.constant 0 : i32
    %dma_wait3A_33 = tpu.memref_slice %arg2[%dma_wait3A_31, %dma_wait3A_32] : memref<10000x128xf32, #tpu.memory_space<hbm>> -> memref<10000x128xf32, #tpu.memory_space<hbm>>
    tpu.wait_indirect_dma semaphore(%arg13 : memref<!tpu.dma_semaphore, #tpu.memory_space<semaphore_mem>>) src(%dma_wait3A_33 : memref<10000x128xf32, #tpu.memory_space<hbm>>) dst(%arg10 : memref<128x128xf32, #tpu.memory_space<vmem>>)
    "tpu.region"() ({
      %run_scoped3A = tpu.sem_alloc : memref<!tpu.dma_semaphore, #tpu.memory_space<semaphore_mem>>
      %dma_start3A_69 = arith.constant 40 : i32
      %dma_start3A_70 = arith.constant 0 : i32
      %dma_start3A_71 = tpu.memref_slice %arg3[%add3A, %dma_start3A_69, %dma_start3A_70] : memref<32x80x128xi32, #tpu.memory_space<hbm>> -> memref<1x40x128xi32, #tpu.memory_space<hbm>>
      %dma_start3A_72 = tpu.memref_squeeze %dma_start3A_71 : memref<1x40x128xi32, #tpu.memory_space<hbm>> -> memref<40x128xi32, #tpu.memory_space<hbm>>
      %dma_start3A_73 = arith.constant 40 : i32
      %dma_start3A_74 = arith.constant 0 : i32
      %dma_start3A_75 = tpu.memref_slice %arg3[%add3A, %dma_start3A_73, %dma_start3A_74] : memref<32x80x128xi32, #tpu.memory_space<hbm>> -> memref<1x40x128xi32, #tpu.memory_space<hbm>>
      %dma_start3A_76 = tpu.memref_squeeze %dma_start3A_75 : memref<1x40x128xi32, #tpu.memory_space<hbm>> -> memref<40x128xi32, #tpu.memory_space<hbm>>
      tpu.enqueue_dma source(%dma_start3A_76 : memref<40x128xi32, #tpu.memory_space<hbm>>) target(%arg7 : memref<40x128xi32, #tpu.memory_space<vmem>>) target_semaphore(%run_scoped3A : memref<!tpu.dma_semaphore, #tpu.memory_space<semaphore_mem>>)
      %dma_wait3A_77 = arith.constant 40 : i32
      %dma_wait3A_78 = arith.constant 0 : i32
      %dma_wait3A_79 = tpu.memref_slice %arg3[%add3A, %dma_wait3A_77, %dma_wait3A_78] : memref<32x80x128xi32, #tpu.memory_space<hbm>> -> memref<1x40x128xi32, #tpu.memory_space<hbm>>
      %dma_wait3A_80 = tpu.memref_squeeze %dma_wait3A_79 : memref<1x40x128xi32, #tpu.memory_space<hbm>> -> memref<40x128xi32, #tpu.memory_space<hbm>>
      %dma_wait3A_81 = arith.constant 40 : i32
      %dma_wait3A_82 = arith.constant 0 : i32
      %dma_wait3A_83 = tpu.memref_slice %arg3[%add3A, %dma_wait3A_81, %dma_wait3A_82] : memref<32x80x128xi32, #tpu.memory_space<hbm>> -> memref<1x40x128xi32, #tpu.memory_space<hbm>>
      %dma_wait3A_84 = tpu.memref_squeeze %dma_wait3A_83 : memref<1x40x128xi32, #tpu.memory_space<hbm>> -> memref<40x128xi32, #tpu.memory_space<hbm>>
      tpu.wait_dma2 semaphore(%run_scoped3A : memref<!tpu.dma_semaphore, #tpu.memory_space<semaphore_mem>>) src(%dma_wait3A_84 : memref<40x128xi32, #tpu.memory_space<hbm>>) dst(%arg7 : memref<40x128xi32, #tpu.memory_space<vmem>>)
      tpu.yield
    }) : () -> ()
    "tpu.region"() ({
      %run_scoped3A = tpu.sem_alloc : memref<!tpu.dma_semaphore, #tpu.memory_space<semaphore_mem>>
      %dma_start3A_69 = arith.constant 40 : i32
      %dma_start3A_70 = arith.constant 0 : i32
      %dma_start3A_71 = tpu.memref_slice %arg4[%add3A, %dma_start3A_69, %dma_start3A_70] : memref<32x80x128xi32, #tpu.memory_space<hbm>> -> memref<1x40x128xi32, #tpu.memory_space<hbm>>
      %dma_start3A_72 = tpu.memref_squeeze %dma_start3A_71 : memref<1x40x128xi32, #tpu.memory_space<hbm>> -> memref<40x128xi32, #tpu.memory_space<hbm>>
      %dma_start3A_73 = arith.constant 40 : i32
      %dma_start3A_74 = arith.constant 0 : i32
      %dma_start3A_75 = tpu.memref_slice %arg4[%add3A, %dma_start3A_73, %dma_start3A_74] : memref<32x80x128xi32, #tpu.memory_space<hbm>> -> memref<1x40x128xi32, #tpu.memory_space<hbm>>
      %dma_start3A_76 = tpu.memref_squeeze %dma_start3A_75 : memref<1x40x128xi32, #tpu.memory_space<hbm>> -> memref<40x128xi32, #tpu.memory_space<hbm>>
      tpu.enqueue_dma source(%dma_start3A_76 : memref<40x128xi32, #tpu.memory_space<hbm>>) target(%arg8 : memref<40x128xi32, #tpu.memory_space<vmem>>) target_semaphore(%run_scoped3A : memref<!tpu.dma_semaphore, #tpu.memory_space<semaphore_mem>>)
      %dma_wait3A_77 = arith.constant 40 : i32
      %dma_wait3A_78 = arith.constant 0 : i32
      %dma_wait3A_79 = tpu.memref_slice %arg4[%add3A, %dma_wait3A_77, %dma_wait3A_78] : memref<32x80x128xi32, #tpu.memory_space<hbm>> -> memref<1x40x128xi32, #tpu.memory_space<hbm>>
      %dma_wait3A_80 = tpu.memref_squeeze %dma_wait3A_79 : memref<1x40x128xi32, #tpu.memory_space<hbm>> -> memref<40x128xi32, #tpu.memory_space<hbm>>
      %dma_wait3A_81 = arith.constant 40 : i32
      %dma_wait3A_82 = arith.constant 0 : i32
      %dma_wait3A_83 = tpu.memref_slice %arg4[%add3A, %dma_wait3A_81, %dma_wait3A_82] : memref<32x80x128xi32, #tpu.memory_space<hbm>> -> memref<1x40x128xi32, #tpu.memory_space<hbm>>
      %dma_wait3A_84 = tpu.memref_squeeze %dma_wait3A_83 : memref<1x40x128xi32, #tpu.memory_space<hbm>> -> memref<40x128xi32, #tpu.memory_space<hbm>>
      tpu.wait_dma2 semaphore(%run_scoped3A : memref<!tpu.dma_semaphore, #tpu.memory_space<semaphore_mem>>) src(%dma_wait3A_84 : memref<40x128xi32, #tpu.memory_space<hbm>>) dst(%arg8 : memref<40x128xi32, #tpu.memory_space<vmem>>)
      tpu.yield
    }) : () -> ()
    %dma_start3A_34 = arith.constant 0 : i32
    %dma_start3A_35 = arith.constant 0 : i32
    %dma_start3A_36 = tpu.memref_slice %arg7[%dma_start3A_34, %dma_start3A_35] : memref<40x128xi32, #tpu.memory_space<vmem>> -> memref<1x128xi32, #tpu.memory_space<vmem>>
    %dma_start3A_37 = tpu.memref_squeeze %dma_start3A_36 : memref<1x128xi32, #tpu.memory_space<vmem>> -> memref<128xi32, #tpu.memory_space<vmem>>
    %dma_start3A_38 = arith.constant 0 : i32
    %dma_start3A_39 = arith.constant 0 : i32
    %dma_start3A_40 = tpu.memref_slice %arg2[%dma_start3A_38, %dma_start3A_39] : memref<10000x128xf32, #tpu.memory_space<hbm>> -> memref<10000x128xf32, #tpu.memory_space<hbm>>
    tpu.enqueue_indirect_dma source(%dma_start3A_40 : memref<10000x128xf32, #tpu.memory_space<hbm>>) target(%arg9 : memref<128x128xf32, #tpu.memory_space<vmem>>) offsets(%dma_start3A_37 : memref<128xi32, #tpu.memory_space<vmem>>) semaphore(%arg12 : memref<!tpu.dma_semaphore, #tpu.memory_space<semaphore_mem>>)
    %dma_start3A_41 = arith.constant 1 : i32
    %dma_start3A_42 = arith.constant 0 : i32
    %dma_start3A_43 = tpu.memref_slice %arg7[%dma_start3A_41, %dma_start3A_42] : memref<40x128xi32, #tpu.memory_space<vmem>> -> memref<1x128xi32, #tpu.memory_space<vmem>>
    %dma_start3A_44 = tpu.memref_squeeze %dma_start3A_43 : memref<1x128xi32, #tpu.memory_space<vmem>> -> memref<128xi32, #tpu.memory_space<vmem>>
    %dma_start3A_45 = arith.constant 0 : i32
    %dma_start3A_46 = arith.constant 0 : i32
    %dma_start3A_47 = tpu.memref_slice %arg2[%dma_start3A_45, %dma_start3A_46] : memref<10000x128xf32, #tpu.memory_space<hbm>> -> memref<10000x128xf32, #tpu.memory_space<hbm>>
    tpu.enqueue_indirect_dma source(%dma_start3A_47 : memref<10000x128xf32, #tpu.memory_space<hbm>>) target(%arg10 : memref<128x128xf32, #tpu.memory_space<vmem>>) offsets(%dma_start3A_44 : memref<128xi32, #tpu.memory_space<vmem>>) semaphore(%arg13 : memref<!tpu.dma_semaphore, #tpu.memory_space<semaphore_mem>>)
    %scan3A_48 = arith.constant 0 : i32
    %scan3A_49 = arith.constant 0 : i32
    %scan3A_50 = arith.constant 20 : i32
    %scan3A_51 = arith.addi %scan3A_49, %scan3A_50 : i32
    %scan3A_52 = arith.constant 1 : i32
    scf.for %scan3A_69 = %scan3A_49 to %scan3A_51 step %scan3A_52  : i32 {
      %mul3A_70 = arith.constant 2 : i32
      %mul3A_71 = arith.muli %scan3A_69, %mul3A_70 : i32
      %add3A_72 = arith.constant 0 : i32
      %add3A_73 = arith.addi %mul3A_71, %add3A_72 : i32
      %dma_wait3A_74 = arith.constant 0 : i32
      %dma_wait3A_75 = tpu.memref_slice %arg7[%add3A_73, %dma_wait3A_74] : memref<40x128xi32, #tpu.memory_space<vmem>> -> memref<1x128xi32, #tpu.memory_space<vmem>>
      %dma_wait3A_76 = tpu.memref_squeeze %dma_wait3A_75 : memref<1x128xi32, #tpu.memory_space<vmem>> -> memref<128xi32, #tpu.memory_space<vmem>>
      %dma_wait3A_77 = arith.constant 0 : i32
      %dma_wait3A_78 = arith.constant 0 : i32
      %dma_wait3A_79 = tpu.memref_slice %arg2[%dma_wait3A_77, %dma_wait3A_78] : memref<10000x128xf32, #tpu.memory_space<hbm>> -> memref<10000x128xf32, #tpu.memory_space<hbm>>
      tpu.wait_indirect_dma semaphore(%arg12 : memref<!tpu.dma_semaphore, #tpu.memory_space<semaphore_mem>>) src(%dma_wait3A_79 : memref<10000x128xf32, #tpu.memory_space<hbm>>) dst(%arg9 : memref<128x128xf32, #tpu.memory_space<vmem>>)
      %dma_start3A_80 = arith.constant 0 : i32
      %dma_start3A_81 = tpu.memref_slice %arg8[%add3A_73, %dma_start3A_80] : memref<40x128xi32, #tpu.memory_space<vmem>> -> memref<1x128xi32, #tpu.memory_space<vmem>>
      %dma_start3A_82 = tpu.memref_squeeze %dma_start3A_81 : memref<1x128xi32, #tpu.memory_space<vmem>> -> memref<128xi32, #tpu.memory_space<vmem>>
      %dma_start3A_83 = arith.constant 0 : i32
      %dma_start3A_84 = arith.constant 0 : i32
      %dma_start3A_85 = tpu.memref_slice %arg11[%dma_start3A_83, %dma_start3A_84] : memref<10112x128xf32, #tpu.memory_space<vmem_shared>> -> memref<10112x128xf32, #tpu.memory_space<vmem_shared>>
      tpu.enqueue_indirect_dma source(%arg9 : memref<128x128xf32, #tpu.memory_space<vmem>>) target(%dma_start3A_85 : memref<10112x128xf32, #tpu.memory_space<vmem_shared>>) offsets(%dma_start3A_82 : memref<128xi32, #tpu.memory_space<vmem>>) semaphore(%arg14 : memref<!tpu.dma_semaphore, #tpu.memory_space<semaphore_mem>>) {add = true}
      %mul3A_86 = arith.constant 2 : i32
      %mul3A_87 = arith.muli %scan3A_69, %mul3A_86 : i32
      %add3A_88 = arith.constant 1 : i32
      %add3A_89 = arith.addi %mul3A_87, %add3A_88 : i32
      %dma_wait3A_90 = arith.constant 0 : i32
      %dma_wait3A_91 = tpu.memref_slice %arg7[%add3A_89, %dma_wait3A_90] : memref<40x128xi32, #tpu.memory_space<vmem>> -> memref<1x128xi32, #tpu.memory_space<vmem>>
      %dma_wait3A_92 = tpu.memref_squeeze %dma_wait3A_91 : memref<1x128xi32, #tpu.memory_space<vmem>> -> memref<128xi32, #tpu.memory_space<vmem>>
      %dma_wait3A_93 = arith.constant 0 : i32
      %dma_wait3A_94 = arith.constant 0 : i32
      %dma_wait3A_95 = tpu.memref_slice %arg2[%dma_wait3A_93, %dma_wait3A_94] : memref<10000x128xf32, #tpu.memory_space<hbm>> -> memref<10000x128xf32, #tpu.memory_space<hbm>>
      tpu.wait_indirect_dma semaphore(%arg13 : memref<!tpu.dma_semaphore, #tpu.memory_space<semaphore_mem>>) src(%dma_wait3A_95 : memref<10000x128xf32, #tpu.memory_space<hbm>>) dst(%arg10 : memref<128x128xf32, #tpu.memory_space<vmem>>)
      %dma_start3A_96 = arith.constant 0 : i32
      %dma_start3A_97 = tpu.memref_slice %arg8[%add3A_89, %dma_start3A_96] : memref<40x128xi32, #tpu.memory_space<vmem>> -> memref<1x128xi32, #tpu.memory_space<vmem>>
      %dma_start3A_98 = tpu.memref_squeeze %dma_start3A_97 : memref<1x128xi32, #tpu.memory_space<vmem>> -> memref<128xi32, #tpu.memory_space<vmem>>
      %dma_start3A_99 = arith.constant 0 : i32
      %dma_start3A_100 = arith.constant 0 : i32
      %dma_start3A_101 = tpu.memref_slice %arg11[%dma_start3A_99, %dma_start3A_100] : memref<10112x128xf32, #tpu.memory_space<vmem_shared>> -> memref<10112x128xf32, #tpu.memory_space<vmem_shared>>
      tpu.enqueue_indirect_dma source(%arg10 : memref<128x128xf32, #tpu.memory_space<vmem>>) target(%dma_start3A_101 : memref<10112x128xf32, #tpu.memory_space<vmem_shared>>) offsets(%dma_start3A_98 : memref<128xi32, #tpu.memory_space<vmem>>) semaphore(%arg15 : memref<!tpu.dma_semaphore, #tpu.memory_space<semaphore_mem>>) {add = true}
      %mul3A_102 = arith.constant 2 : i32
      %mul3A_103 = arith.muli %scan3A_69, %mul3A_102 : i32
      %add3A_104 = arith.constant 0 : i32
      %add3A_105 = arith.addi %mul3A_103, %add3A_104 : i32
      %dma_wait3A_106 = arith.constant 0 : i32
      %dma_wait3A_107 = tpu.memref_slice %arg8[%add3A_105, %dma_wait3A_106] : memref<40x128xi32, #tpu.memory_space<vmem>> -> memref<1x128xi32, #tpu.memory_space<vmem>>
      %dma_wait3A_108 = tpu.memref_squeeze %dma_wait3A_107 : memref<1x128xi32, #tpu.memory_space<vmem>> -> memref<128xi32, #tpu.memory_space<vmem>>
      %dma_wait3A_109 = arith.constant 0 : i32
      %dma_wait3A_110 = arith.constant 0 : i32
      %dma_wait3A_111 = tpu.memref_slice %arg11[%dma_wait3A_109, %dma_wait3A_110] : memref<10112x128xf32, #tpu.memory_space<vmem_shared>> -> memref<10112x128xf32, #tpu.memory_space<vmem_shared>>
      tpu.wait_indirect_dma semaphore(%arg14 : memref<!tpu.dma_semaphore, #tpu.memory_space<semaphore_mem>>) src(%arg9 : memref<128x128xf32, #tpu.memory_space<vmem>>) dst(%dma_wait3A_111 : memref<10112x128xf32, #tpu.memory_space<vmem_shared>>)
      %add3A_112 = arith.constant 2 : i32
      %add3A_113 = arith.addi %add3A_105, %add3A_112 : i32
      %min3A = arith.constant 39 : i32
      %min3A_114 = arith.minsi %add3A_113, %min3A : i32
      %dma_start3A_115 = arith.constant 0 : i32
      %dma_start3A_116 = tpu.memref_slice %arg7[%min3A_114, %dma_start3A_115] : memref<40x128xi32, #tpu.memory_space<vmem>> -> memref<1x128xi32, #tpu.memory_space<vmem>>
      %dma_start3A_117 = tpu.memref_squeeze %dma_start3A_116 : memref<1x128xi32, #tpu.memory_space<vmem>> -> memref<128xi32, #tpu.memory_space<vmem>>
      %dma_start3A_118 = arith.constant 0 : i32
      %dma_start3A_119 = arith.constant 0 : i32
      %dma_start3A_120 = tpu.memref_slice %arg2[%dma_start3A_118, %dma_start3A_119] : memref<10000x128xf32, #tpu.memory_space<hbm>> -> memref<10000x128xf32, #tpu.memory_space<hbm>>
      tpu.enqueue_indirect_dma source(%dma_start3A_120 : memref<10000x128xf32, #tpu.memory_space<hbm>>) target(%arg9 : memref<128x128xf32, #tpu.memory_space<vmem>>) offsets(%dma_start3A_117 : memref<128xi32, #tpu.memory_space<vmem>>) semaphore(%arg12 : memref<!tpu.dma_semaphore, #tpu.memory_space<semaphore_mem>>)
      %mul3A_121 = arith.constant 2 : i32
      %mul3A_122 = arith.muli %scan3A_69, %mul3A_121 : i32
      %add3A_123 = arith.constant 1 : i32
      %add3A_124 = arith.addi %mul3A_122, %add3A_123 : i32
      %dma_wait3A_125 = arith.constant 0 : i32
      %dma_wait3A_126 = tpu.memref_slice %arg8[%add3A_124, %dma_wait3A_125] : memref<40x128xi32, #tpu.memory_space<vmem>> -> memref<1x128xi32, #tpu.memory_space<vmem>>
      %dma_wait3A_127 = tpu.memref_squeeze %dma_wait3A_126 : memref<1x128xi32, #tpu.memory_space<vmem>> -> memref<128xi32, #tpu.memory_space<vmem>>
      %dma_wait3A_128 = arith.constant 0 : i32
      %dma_wait3A_129 = arith.constant 0 : i32
      %dma_wait3A_130 = tpu.memref_slice %arg11[%dma_wait3A_128, %dma_wait3A_129] : memref<10112x128xf32, #tpu.memory_space<vmem_shared>> -> memref<10112x128xf32, #tpu.memory_space<vmem_shared>>
      tpu.wait_indirect_dma semaphore(%arg15 : memref<!tpu.dma_semaphore, #tpu.memory_space<semaphore_mem>>) src(%arg10 : memref<128x128xf32, #tpu.memory_space<vmem>>) dst(%dma_wait3A_130 : memref<10112x128xf32, #tpu.memory_space<vmem_shared>>)
      %add3A_131 = arith.constant 2 : i32
      %add3A_132 = arith.addi %add3A_124, %add3A_131 : i32
      %min3A_133 = arith.constant 39 : i32
      %min3A_134 = arith.minsi %add3A_132, %min3A_133 : i32
      %dma_start3A_135 = arith.constant 0 : i32
      %dma_start3A_136 = tpu.memref_slice %arg7[%min3A_134, %dma_start3A_135] : memref<40x128xi32, #tpu.memory_space<vmem>> -> memref<1x128xi32, #tpu.memory_space<vmem>>
      %dma_start3A_137 = tpu.memref_squeeze %dma_start3A_136 : memref<1x128xi32, #tpu.memory_space<vmem>> -> memref<128xi32, #tpu.memory_space<vmem>>
      %dma_start3A_138 = arith.constant 0 : i32
      %dma_start3A_139 = arith.constant 0 : i32
      %dma_start3A_140 = tpu.memref_slice %arg2[%dma_start3A_138, %dma_start3A_139] : memref<10000x128xf32, #tpu.memory_space<hbm>> -> memref<10000x128xf32, #tpu.memory_space<hbm>>
      tpu.enqueue_indirect_dma source(%dma_start3A_140 : memref<10000x128xf32, #tpu.memory_space<hbm>>) target(%arg10 : memref<128x128xf32, #tpu.memory_space<vmem>>) offsets(%dma_start3A_137 : memref<128xi32, #tpu.memory_space<vmem>>) semaphore(%arg13 : memref<!tpu.dma_semaphore, #tpu.memory_space<semaphore_mem>>)
    }
    %scan3A_53 = arith.constant 20 : i32
    %dma_wait3A_54 = arith.constant 0 : i32
    %dma_wait3A_55 = arith.constant 0 : i32
    %dma_wait3A_56 = tpu.memref_slice %arg7[%dma_wait3A_54, %dma_wait3A_55] : memref<40x128xi32, #tpu.memory_space<vmem>> -> memref<1x128xi32, #tpu.memory_space<vmem>>
    %dma_wait3A_57 = tpu.memref_squeeze %dma_wait3A_56 : memref<1x128xi32, #tpu.memory_space<vmem>> -> memref<128xi32, #tpu.memory_space<vmem>>
    %dma_wait3A_58 = arith.constant 0 : i32
    %dma_wait3A_59 = arith.constant 0 : i32
    %dma_wait3A_60 = tpu.memref_slice %arg2[%dma_wait3A_58, %dma_wait3A_59] : memref<10000x128xf32, #tpu.memory_space<hbm>> -> memref<10000x128xf32, #tpu.memory_space<hbm>>
    tpu.wait_indirect_dma semaphore(%arg12 : memref<!tpu.dma_semaphore, #tpu.memory_space<semaphore_mem>>) src(%dma_wait3A_60 : memref<10000x128xf32, #tpu.memory_space<hbm>>) dst(%arg9 : memref<128x128xf32, #tpu.memory_space<vmem>>)
    %dma_wait3A_61 = arith.constant 0 : i32
    %dma_wait3A_62 = arith.constant 0 : i32
    %dma_wait3A_63 = tpu.memref_slice %arg7[%dma_wait3A_61, %dma_wait3A_62] : memref<40x128xi32, #tpu.memory_space<vmem>> -> memref<1x128xi32, #tpu.memory_space<vmem>>
    %dma_wait3A_64 = tpu.memref_squeeze %dma_wait3A_63 : memref<1x128xi32, #tpu.memory_space<vmem>> -> memref<128xi32, #tpu.memory_space<vmem>>
    %dma_wait3A_65 = arith.constant 0 : i32
    %dma_wait3A_66 = arith.constant 0 : i32
    %dma_wait3A_67 = tpu.memref_slice %arg2[%dma_wait3A_65, %dma_wait3A_66] : memref<10000x128xf32, #tpu.memory_space<hbm>> -> memref<10000x128xf32, #tpu.memory_space<hbm>>
    tpu.wait_indirect_dma semaphore(%arg13 : memref<!tpu.dma_semaphore, #tpu.memory_space<semaphore_mem>>) src(%dma_wait3A_67 : memref<10000x128xf32, #tpu.memory_space<hbm>>) dst(%arg10 : memref<128x128xf32, #tpu.memory_space<vmem>>)
    %barrier3A_68 = arith.constant 0 : index
    tpu.barrier barrier_id(%barrier3A_68)
    "tpu.region"() ({
      %run_scoped3A = tpu.sem_alloc : memref<!tpu.dma_semaphore, #tpu.memory_space<semaphore_mem>>
      %dma_start3A_69 = arith.constant 0 : i32
      %dma_start3A_70 = tpu.memref_slice %arg6[%arg0, %mul3A_2, %dma_start3A_69] : memref<2x10112x128xf32, #tpu.memory_space<hbm>> -> memref<1x632x128xf32, #tpu.memory_space<hbm>>
      %dma_start3A_71 = tpu.memref_squeeze %dma_start3A_70 : memref<1x632x128xf32, #tpu.memory_space<hbm>> -> memref<632x128xf32, #tpu.memory_space<hbm>>
      %dma_start3A_72 = arith.constant 0 : i32
      %dma_start3A_73 = tpu.memref_slice %arg11[%mul3A_2, %dma_start3A_72] : memref<10112x128xf32, #tpu.memory_space<vmem_shared>> -> memref<632x128xf32, #tpu.memory_space<vmem_shared>>
      tpu.enqueue_dma source(%dma_start3A_73 : memref<632x128xf32, #tpu.memory_space<vmem_shared>>) target(%dma_start3A_71 : memref<632x128xf32, #tpu.memory_space<hbm>>) target_semaphore(%run_scoped3A : memref<!tpu.dma_semaphore, #tpu.memory_space<semaphore_mem>>)
      %dma_wait3A_74 = arith.constant 0 : i32
      %dma_wait3A_75 = tpu.memref_slice %arg6[%arg0, %mul3A_2, %dma_wait3A_74] : memref<2x10112x128xf32, #tpu.memory_space<hbm>> -> memref<1x632x128xf32, #tpu.memory_space<hbm>>
      %dma_wait3A_76 = tpu.memref_squeeze %dma_wait3A_75 : memref<1x632x128xf32, #tpu.memory_space<hbm>> -> memref<632x128xf32, #tpu.memory_space<hbm>>
      %dma_wait3A_77 = arith.constant 0 : i32
      %dma_wait3A_78 = tpu.memref_slice %arg11[%mul3A_2, %dma_wait3A_77] : memref<10112x128xf32, #tpu.memory_space<vmem_shared>> -> memref<632x128xf32, #tpu.memory_space<vmem_shared>>
      tpu.wait_dma2 semaphore(%run_scoped3A : memref<!tpu.dma_semaphore, #tpu.memory_space<semaphore_mem>>) src(%dma_wait3A_78 : memref<632x128xf32, #tpu.memory_space<vmem_shared>>) dst(%dma_wait3A_76 : memref<632x128xf32, #tpu.memory_space<hbm>>)
      tpu.yield
    }) : () -> ()
    return
  }
}

module attributes {stable_mosaic.version = 14 : i64} {
  func.func @body(%arg0: i32, %arg1: i32, %arg2: memref<2x2000x128xf32, #tpu.memory_space<vmem>>, %arg3: memref<2000x128xf32, #tpu.memory_space<vmem>>, %arg4: memref<2000x1xf32, #tpu.memory_space<vmem>>, %arg5: memref<128x128xf32, #tpu.memory_space<vmem>>, %arg6: memref<1x128xf32, #tpu.memory_space<vmem>>, %arg7: memref<1x128xf32, #tpu.memory_space<vmem>>, %arg8: memref<1x128xf32, #tpu.memory_space<vmem>>, %arg9: memref<2000x128xf32, #tpu.memory_space<vmem>>, %arg10: memref<2000x128xf32, #tpu.memory_space<vmem>>, %arg11: memref<10000x128xf32, #tpu.memory_space<vmem>>, %arg12: memref<2x128xf32, #tpu.memory_space<vmem>>) attributes {dimension_semantics = [#tpu.dimension_semantics<arbitrary>, #tpu.dimension_semantics<arbitrary>], iteration_bounds = array<i64: 2, 5>, scalar_prefetch = 0 : i64, scratch_operands = 2 : i64, tpu.core_type = #tpu.core_type<tc>, window_params = [{transform_indices = @transform_0, window_bounds = array<i64: 2, 2000, 128>}, {transform_indices = @transform_1, window_bounds = array<i64: 2000, 128>}, {transform_indices = @transform_2, window_bounds = array<i64: 2000, 1>}, {pipeline_mode = #tpu.pipeline_mode<synchronous>, transform_indices = @transform_3, window_bounds = array<i64: 128, 128>}, {pipeline_mode = #tpu.pipeline_mode<synchronous>, transform_indices = @transform_4, window_bounds = array<i64: 1, 128>}, {pipeline_mode = #tpu.pipeline_mode<synchronous>, transform_indices = @transform_5, window_bounds = array<i64: 1, 128>}, {pipeline_mode = #tpu.pipeline_mode<synchronous>, transform_indices = @transform_6, window_bounds = array<i64: 1, 128>}, {transform_indices = @transform_7, window_bounds = array<i64: 2000, 128>}, {transform_indices = @transform_8, window_bounds = array<i64: 2000, 128>}]} {
    %eq3A = arith.constant 0 : i32
    %eq3A_0 = arith.cmpi eq, %arg0, %eq3A : i32
    %convert_element_type3A = arith.extui %eq3A_0 : i1 to i32
    %cond3A = arith.constant 0 : i32
    %cond3A_1 = arith.cmpi ne, %convert_element_type3A, %cond3A : i32
    scf.if %cond3A_1 {
      %get3A = arith.constant 0 : index
      %get3A_7 = arith.constant 0 : index
      %get3A_8 = arith.constant 0 : index
      %get3A_9 = vector.load %arg2[%get3A, %get3A_7, %get3A_8] : memref<2x2000x128xf32, #tpu.memory_space<vmem>>, vector<1x2000x128xf32>
      %get3A_10 = vector.shape_cast %get3A_9 : vector<1x2000x128xf32> to vector<2000x128xf32>
      %get3A_11 = arith.constant 1 : index
      %get3A_12 = arith.constant 0 : index
      %get3A_13 = arith.constant 0 : index
      %get3A_14 = vector.load %arg2[%get3A_11, %get3A_12, %get3A_13] : memref<2x2000x128xf32, #tpu.memory_space<vmem>>, vector<1x2000x128xf32>
      %get3A_15 = vector.shape_cast %get3A_14 : vector<1x2000x128xf32> to vector<2000x128xf32>
      %add3A = arith.addf %get3A_10, %get3A_15 : vector<2000x128xf32>
      %get3A_16 = arith.constant 0 : index
      %get3A_17 = arith.constant 0 : index
      %get3A_18 = vector.load %arg3[%get3A_16, %get3A_17] : memref<2000x128xf32, #tpu.memory_space<vmem>>, vector<2000x128xf32>
      %add3A_19 = arith.addf %add3A, %get3A_18 : vector<2000x128xf32>
      %get3A_20 = arith.constant 0 : index
      %get3A_21 = arith.constant 0 : index
      %get3A_22 = vector.load %arg4[%get3A_20, %get3A_21] : memref<2000x1xf32, #tpu.memory_space<vmem>>, vector<2000x1xf32>
      %mul3A = vector.broadcast %get3A_22 : vector<2000x1xf32> to vector<2000x128xf32>
      %mul3A_23 = arith.mulf %add3A_19, %mul3A : vector<2000x128xf32>
      %get3A_24 = arith.constant 0 : index
      %get3A_25 = arith.constant 0 : index
      %get3A_26 = vector.load %arg5[%get3A_24, %get3A_25] : memref<128x128xf32, #tpu.memory_space<vmem>>, vector<128x128xf32>
      %dot_general3A = arith.constant dense<0.000000e+00> : vector<2000x128xf32>
      %dot_general3A_27 = tpu.matmul %mul3A_23, %get3A_26, %dot_general3A {dimension_numbers = #tpu.dot_dimension_numbers<[1], [0], [0], [1], [0, 0, 1, 1], [], []>, transpose_lhs_hint = false} : vector<2000x128xf32>, vector<128x128xf32>, vector<2000x128xf32> -> vector<2000x128xf32>
      %get3A_28 = arith.constant 0 : index
      %get3A_29 = arith.constant 0 : index
      %get3A_30 = vector.load %arg6[%get3A_28, %get3A_29] : memref<1x128xf32, #tpu.memory_space<vmem>>, vector<1x128xf32>
      %add3A_31 = vector.broadcast %get3A_30 : vector<1x128xf32> to vector<2000x128xf32>
      %add3A_32 = arith.addf %dot_general3A_27, %add3A_31 : vector<2000x128xf32>
      %mul3A_33 = arith.constant 2000 : i32
      %mul3A_34 = arith.muli %arg1, %mul3A_33 : i32
      %swap3A = arith.index_cast %mul3A_34 : i32 to index
      %swap3A_35 = arith.constant 0 : index
      %swap3A_36 = vector.load %arg11[%swap3A, %swap3A_35] : memref<10000x128xf32, #tpu.memory_space<vmem>>, vector<2000x128xf32>
      tpu.vector_store %arg11[%swap3A, %swap3A_35], %add3A_32 {strides = array<i32>} : memref<10000x128xf32, #tpu.memory_space<vmem>>, vector<2000x128xf32>,
      %reduce_sum3A = arith.constant dense<0.000000e+00> : vector<128xf32>
      %reduce_sum3A_37 = vector.multi_reduction <add>, %add3A_32, %reduce_sum3A [0] : vector<2000x128xf32> to vector<128xf32>
      %broadcast_in_dim3A = vector.shape_cast %reduce_sum3A_37 : vector<128xf32> to vector<1x128xf32>
      %mul3A_38 = arith.mulf %add3A_32, %add3A_32 : vector<2000x128xf32>
      %reduce_sum3A_39 = arith.constant dense<0.000000e+00> : vector<128xf32>
      %reduce_sum3A_40 = vector.multi_reduction <add>, %mul3A_38, %reduce_sum3A_39 [0] : vector<2000x128xf32> to vector<128xf32>
      %broadcast_in_dim3A_41 = vector.shape_cast %reduce_sum3A_40 : vector<128xf32> to vector<1x128xf32>
      %concatenate3A = tpu.concatenate %broadcast_in_dim3A, %broadcast_in_dim3A_41 in 0 : vector<1x128xf32>, vector<1x128xf32> -> vector<2x128xf32>
      %eq3A_42 = arith.constant 0 : i32
      %eq3A_43 = arith.cmpi eq, %arg1, %eq3A_42 : i32
      %convert_element_type3A_44 = arith.extui %eq3A_43 : i1 to i32
      %cond3A_45 = arith.constant 0 : i32
      %cond3A_46 = arith.cmpi ne, %convert_element_type3A_44, %cond3A_45 : i32
      scf.if %cond3A_46 {
        %swap3A_51 = arith.constant 0 : index
        %swap3A_52 = arith.constant 0 : index
        %swap3A_53 = vector.load %arg12[%swap3A_51, %swap3A_52] : memref<2x128xf32, #tpu.memory_space<vmem>>, vector<2x128xf32>
        tpu.vector_store %arg12[%swap3A_51, %swap3A_52], %concatenate3A {strides = array<i32>} : memref<2x128xf32, #tpu.memory_space<vmem>>, vector<2x128xf32>,
      } else {
      }
      %gt3A = arith.constant 0 : i32
      %gt3A_47 = arith.cmpi sgt, %arg1, %gt3A : i32
      %convert_element_type3A_48 = arith.extui %gt3A_47 : i1 to i32
      %cond3A_49 = arith.constant 0 : i32
      %cond3A_50 = arith.cmpi ne, %convert_element_type3A_48, %cond3A_49 : i32
      scf.if %cond3A_50 {
        %get3A_51 = arith.constant 0 : index
        %get3A_52 = arith.constant 0 : index
        %get3A_53 = vector.load %arg12[%get3A_51, %get3A_52] : memref<2x128xf32, #tpu.memory_space<vmem>>, vector<2x128xf32>
        %add3A_54 = arith.addf %get3A_53, %concatenate3A : vector<2x128xf32>
        %swap3A_55 = arith.constant 0 : index
        %swap3A_56 = arith.constant 0 : index
        %swap3A_57 = vector.load %arg12[%swap3A_55, %swap3A_56] : memref<2x128xf32, #tpu.memory_space<vmem>>, vector<2x128xf32>
        tpu.vector_store %arg12[%swap3A_55, %swap3A_56], %add3A_54 {strides = array<i32>} : memref<2x128xf32, #tpu.memory_space<vmem>>, vector<2x128xf32>,
      } else {
      }
    } else {
    }
    %eq3A_2 = arith.constant 1 : i32
    %eq3A_3 = arith.cmpi eq, %arg0, %eq3A_2 : i32
    %convert_element_type3A_4 = arith.extui %eq3A_3 : i1 to i32
    %cond3A_5 = arith.constant 0 : i32
    %cond3A_6 = arith.cmpi ne, %convert_element_type3A_4, %cond3A_5 : i32
    scf.if %cond3A_6 {
      %mul3A = arith.constant 2000 : i32
      %mul3A_7 = arith.muli %arg1, %mul3A : i32
      %get3A = arith.index_cast %mul3A_7 : i32 to index
      %get3A_8 = arith.constant 0 : index
      %get3A_9 = vector.load %arg11[%get3A, %get3A_8] : memref<10000x128xf32, #tpu.memory_space<vmem>>, vector<2000x128xf32>
      %get3A_10 = arith.constant 0 : index
      %get3A_11 = arith.constant 0 : index
      %get3A_12 = vector.load %arg12[%get3A_10, %get3A_11] : memref<2x128xf32, #tpu.memory_space<vmem>>, vector<1x128xf32>
      %mul3A_13 = arith.constant 9.99999974E-5 : f32
      %mul3A_14 = vector.broadcast %mul3A_13 : f32 to vector<1x128xf32>
      %mul3A_15 = arith.mulf %get3A_12, %mul3A_14 : vector<1x128xf32>
      %get3A_16 = arith.constant 1 : index
      %get3A_17 = arith.constant 0 : index
      %get3A_18 = vector.load %arg12[%get3A_16, %get3A_17] : memref<2x128xf32, #tpu.memory_space<vmem>>, vector<1x128xf32>
      %mul3A_19 = arith.constant 9.99999974E-5 : f32
      %mul3A_20 = vector.broadcast %mul3A_19 : f32 to vector<1x128xf32>
      %mul3A_21 = arith.mulf %get3A_18, %mul3A_20 : vector<1x128xf32>
      %mul3A_22 = arith.mulf %mul3A_15, %mul3A_15 : vector<1x128xf32>
      %sub3A = arith.subf %mul3A_21, %mul3A_22 : vector<1x128xf32>
      %sub3A_23 = vector.broadcast %mul3A_15 : vector<1x128xf32> to vector<2000x128xf32>
      %sub3A_24 = arith.subf %get3A_9, %sub3A_23 : vector<2000x128xf32>
      %add3A = arith.constant 9.99999974E-6 : f32
      %add3A_25 = vector.broadcast %add3A : f32 to vector<1x128xf32>
      %add3A_26 = arith.addf %sub3A, %add3A_25 : vector<1x128xf32>
      %rsqrt3A = math.rsqrt %add3A_26 : vector<1x128xf32>
      %mul3A_27 = vector.broadcast %rsqrt3A : vector<1x128xf32> to vector<2000x128xf32>
      %mul3A_28 = arith.mulf %sub3A_24, %mul3A_27 : vector<2000x128xf32>
      %get3A_29 = arith.constant 0 : index
      %get3A_30 = arith.constant 0 : index
      %get3A_31 = vector.load %arg7[%get3A_29, %get3A_30] : memref<1x128xf32, #tpu.memory_space<vmem>>, vector<1x128xf32>
      %mul3A_32 = vector.broadcast %get3A_31 : vector<1x128xf32> to vector<2000x128xf32>
      %mul3A_33 = arith.mulf %mul3A_28, %mul3A_32 : vector<2000x128xf32>
      %get3A_34 = arith.constant 0 : index
      %get3A_35 = arith.constant 0 : index
      %get3A_36 = vector.load %arg8[%get3A_34, %get3A_35] : memref<1x128xf32, #tpu.memory_space<vmem>>, vector<1x128xf32>
      %add3A_37 = vector.broadcast %get3A_36 : vector<1x128xf32> to vector<2000x128xf32>
      %add3A_38 = arith.addf %mul3A_33, %add3A_37 : vector<2000x128xf32>
      %max3A = arith.constant 0.000000e+00 : f32
      %max3A_39 = vector.broadcast %max3A : f32 to vector<2000x128xf32>
      %max3A_40 = arith.maximumf %add3A_38, %max3A_39 : vector<2000x128xf32>
      %swap3A = arith.constant 0 : index
      %swap3A_41 = arith.constant 0 : index
      %swap3A_42 = vector.load %arg9[%swap3A, %swap3A_41] : memref<2000x128xf32, #tpu.memory_space<vmem>>, vector<2000x128xf32>
      tpu.vector_store %arg9[%swap3A, %swap3A_41], %max3A_40 {strides = array<i32>} : memref<2000x128xf32, #tpu.memory_space<vmem>>, vector<2000x128xf32>,
      %get3A_43 = arith.constant 0 : index
      %get3A_44 = arith.constant 0 : index
      %get3A_45 = vector.load %arg4[%get3A_43, %get3A_44] : memref<2000x1xf32, #tpu.memory_space<vmem>>, vector<2000x1xf32>
      %mul3A_46 = vector.broadcast %get3A_45 : vector<2000x1xf32> to vector<2000x128xf32>
      %mul3A_47 = arith.mulf %max3A_40, %mul3A_46 : vector<2000x128xf32>
      %swap3A_48 = arith.constant 0 : index
      %swap3A_49 = arith.constant 0 : index
      %swap3A_50 = vector.load %arg10[%swap3A_48, %swap3A_49] : memref<2000x128xf32, #tpu.memory_space<vmem>>, vector<2000x128xf32>
      tpu.vector_store %arg10[%swap3A_48, %swap3A_49], %mul3A_47 {strides = array<i32>} : memref<2000x128xf32, #tpu.memory_space<vmem>>, vector<2000x128xf32>,
    } else {
    }
    return
  }
  func.func @transform_0(%arg0: i32, %arg1: i32) -> (i32, i32, i32) {
    %eq3A = arith.constant 0 : i32
    %eq3A_0 = arith.cmpi eq, %arg0, %eq3A : i32
    %jit3A = arith.constant 4 : i32
    %select_n3A = arith.select %eq3A_0, %arg1, %jit3A : i32
    %c0_i32 = arith.constant 0 : i32
    %c0_i32_1 = arith.constant 0 : i32
    %c0_i32_2 = arith.constant 0 : i32
    return %c0_i32, %select_n3A, %c0_i32_1 : i32, i32, i32
  }
  func.func @transform_1(%arg0: i32, %arg1: i32) -> (i32, i32) {
    %eq3A = arith.constant 0 : i32
    %eq3A_0 = arith.cmpi eq, %arg0, %eq3A : i32
    %jit3A = arith.constant 4 : i32
    %select_n3A = arith.select %eq3A_0, %arg1, %jit3A : i32
    %c0_i32 = arith.constant 0 : i32
    %c0_i32_1 = arith.constant 0 : i32
    return %select_n3A, %c0_i32 : i32, i32
  }
  func.func @transform_2(%arg0: i32, %arg1: i32) -> (i32, i32) {
    %c0_i32 = arith.constant 0 : i32
    %c0_i32_0 = arith.constant 0 : i32
    return %arg1, %c0_i32 : i32, i32
  }
  func.func @transform_3(%arg0: i32, %arg1: i32) -> (i32, i32) {
    %c0_i32 = arith.constant 0 : i32
    %c0_i32_0 = arith.constant 0 : i32
    %c0_i32_1 = arith.constant 0 : i32
    return %c0_i32, %c0_i32_0 : i32, i32
  }
  func.func @transform_4(%arg0: i32, %arg1: i32) -> (i32, i32) {
    %c0_i32 = arith.constant 0 : i32
    %c0_i32_0 = arith.constant 0 : i32
    %c0_i32_1 = arith.constant 0 : i32
    return %c0_i32, %c0_i32_0 : i32, i32
  }
  func.func @transform_5(%arg0: i32, %arg1: i32) -> (i32, i32) {
    %c0_i32 = arith.constant 0 : i32
    %c0_i32_0 = arith.constant 0 : i32
    %c0_i32_1 = arith.constant 0 : i32
    return %c0_i32, %c0_i32_0 : i32, i32
  }
  func.func @transform_6(%arg0: i32, %arg1: i32) -> (i32, i32) {
    %c0_i32 = arith.constant 0 : i32
    %c0_i32_0 = arith.constant 0 : i32
    %c0_i32_1 = arith.constant 0 : i32
    return %c0_i32, %c0_i32_0 : i32, i32
  }
  func.func @transform_7(%arg0: i32, %arg1: i32) -> (i32, i32) {
    %c0_i32 = arith.constant 0 : i32
    %c0_i32_0 = arith.constant 0 : i32
    return %arg1, %c0_i32 : i32, i32
  }
  func.func @transform_8(%arg0: i32, %arg1: i32) -> (i32, i32) {
    %c0_i32 = arith.constant 0 : i32
    %c0_i32_0 = arith.constant 0 : i32
    return %arg1, %c0_i32 : i32, i32
  }
}

module attributes {stable_mosaic.version = 14 : i64} {
  func.func @body(%arg0: i32, %arg1: memref<2x2000x128xf32, #tpu.memory_space<vmem>>, %arg2: memref<2000x128xf32, #tpu.memory_space<vmem>>, %arg3: memref<2000x1xf32, #tpu.memory_space<vmem>>, %arg4: memref<2000x128xf32, #tpu.memory_space<vmem>>) attributes {dimension_semantics = [#tpu.dimension_semantics<arbitrary>], iteration_bounds = array<i64: 5>, scalar_prefetch = 0 : i64, scratch_operands = 0 : i64, tpu.core_type = #tpu.core_type<tc>, window_params = [{transform_indices = @transform_0, window_bounds = array<i64: 2, 2000, 128>}, {transform_indices = @transform_1, window_bounds = array<i64: 2000, 128>}, {transform_indices = @transform_2, window_bounds = array<i64: 2000, 1>}, {transform_indices = @transform_3, window_bounds = array<i64: 2000, 128>}]} {
    %get3A = arith.constant 0 : index
    %get3A_0 = arith.constant 0 : index
    %get3A_1 = arith.constant 0 : index
    %get3A_2 = vector.load %arg1[%get3A, %get3A_0, %get3A_1] : memref<2x2000x128xf32, #tpu.memory_space<vmem>>, vector<1x2000x1xf32>
    %get3A_3 = vector.shape_cast %get3A_2 : vector<1x2000x1xf32> to vector<2000x1xf32>
    %get3A_4 = arith.constant 1 : index
    %get3A_5 = arith.constant 0 : index
    %get3A_6 = arith.constant 0 : index
    %get3A_7 = vector.load %arg1[%get3A_4, %get3A_5, %get3A_6] : memref<2x2000x128xf32, #tpu.memory_space<vmem>>, vector<1x2000x1xf32>
    %get3A_8 = vector.shape_cast %get3A_7 : vector<1x2000x1xf32> to vector<2000x1xf32>
    %add3A = arith.addf %get3A_3, %get3A_8 : vector<2000x1xf32>
    %add3A_9 = arith.constant 1.000000e+00 : f32
    %add3A_10 = vector.broadcast %add3A_9 : f32 to vector<2000x1xf32>
    %add3A_11 = arith.addf %add3A, %add3A_10 : vector<2000x1xf32>
    %rsqrt3A = math.rsqrt %add3A_11 : vector<2000x1xf32>
    %swap3A = arith.constant 0 : index
    %swap3A_12 = arith.constant 0 : index
    %swap3A_13 = vector.load %arg3[%swap3A, %swap3A_12] : memref<2000x1xf32, #tpu.memory_space<vmem>>, vector<2000x1xf32>
    tpu.vector_store %arg3[%swap3A, %swap3A_12], %rsqrt3A {strides = array<i32>} : memref<2000x1xf32, #tpu.memory_space<vmem>>, vector<2000x1xf32>,
    %get3A_14 = arith.constant 0 : index
    %get3A_15 = arith.constant 0 : index
    %get3A_16 = vector.load %arg2[%get3A_14, %get3A_15] : memref<2000x128xf32, #tpu.memory_space<vmem>>, vector<2000x128xf32>
    %mul3A = vector.broadcast %rsqrt3A : vector<2000x1xf32> to vector<2000x128xf32>
    %mul3A_17 = arith.mulf %get3A_16, %mul3A : vector<2000x128xf32>
    %swap3A_18 = arith.constant 0 : index
    %swap3A_19 = arith.constant 0 : index
    %swap3A_20 = vector.load %arg4[%swap3A_18, %swap3A_19] : memref<2000x128xf32, #tpu.memory_space<vmem>>, vector<2000x128xf32>
    tpu.vector_store %arg4[%swap3A_18, %swap3A_19], %mul3A_17 {strides = array<i32>} : memref<2000x128xf32, #tpu.memory_space<vmem>>, vector<2000x128xf32>,
    return
  }
  func.func @transform_0(%arg0: i32) -> (i32, i32, i32) {
    %c0_i32 = arith.constant 0 : i32
    %c0_i32_0 = arith.constant 0 : i32
    %c0_i32_1 = arith.constant 0 : i32
    return %c0_i32, %arg0, %c0_i32_0 : i32, i32, i32
  }
  func.func @transform_1(%arg0: i32) -> (i32, i32) {
    %c0_i32 = arith.constant 0 : i32
    %c0_i32_0 = arith.constant 0 : i32
    return %arg0, %c0_i32 : i32, i32
  }
  func.func @transform_2(%arg0: i32) -> (i32, i32) {
    %c0_i32 = arith.constant 0 : i32
    %c0_i32_0 = arith.constant 0 : i32
    return %arg0, %c0_i32 : i32, i32
  }
  func.func @transform_3(%arg0: i32) -> (i32, i32) {
    %c0_i32 = arith.constant 0 : i32
    %c0_i32_0 = arith.constant 0 : i32
    return %arg0, %c0_i32 : i32, i32
  }
}

module attributes {stable_mosaic.version = 14 : i64} {
  func.func @body(%arg0: i32, %arg1: i32, %arg2: memref<2x2000x128xf32, #tpu.memory_space<vmem>>, %arg3: memref<2000x128xf32, #tpu.memory_space<vmem>>, %arg4: memref<2000x1xf32, #tpu.memory_space<vmem>>, %arg5: memref<128x128xf32, #tpu.memory_space<vmem>>, %arg6: memref<1x128xf32, #tpu.memory_space<vmem>>, %arg7: memref<1x128xf32, #tpu.memory_space<vmem>>, %arg8: memref<1x128xf32, #tpu.memory_space<vmem>>, %arg9: memref<2000x128xf32, #tpu.memory_space<vmem>>, %arg10: memref<2000x128xf32, #tpu.memory_space<vmem>>, %arg11: memref<2000x128xf32, #tpu.memory_space<vmem>>, %arg12: memref<10000x128xf32, #tpu.memory_space<vmem>>, %arg13: memref<2x128xf32, #tpu.memory_space<vmem>>) attributes {dimension_semantics = [#tpu.dimension_semantics<arbitrary>, #tpu.dimension_semantics<arbitrary>], iteration_bounds = array<i64: 2, 5>, scalar_prefetch = 0 : i64, scratch_operands = 2 : i64, tpu.core_type = #tpu.core_type<tc>, window_params = [{transform_indices = @transform_0, window_bounds = array<i64: 2, 2000, 128>}, {transform_indices = @transform_1, window_bounds = array<i64: 2000, 128>}, {transform_indices = @transform_2, window_bounds = array<i64: 2000, 1>}, {pipeline_mode = #tpu.pipeline_mode<synchronous>, transform_indices = @transform_3, window_bounds = array<i64: 128, 128>}, {pipeline_mode = #tpu.pipeline_mode<synchronous>, transform_indices = @transform_4, window_bounds = array<i64: 1, 128>}, {pipeline_mode = #tpu.pipeline_mode<synchronous>, transform_indices = @transform_5, window_bounds = array<i64: 1, 128>}, {pipeline_mode = #tpu.pipeline_mode<synchronous>, transform_indices = @transform_6, window_bounds = array<i64: 1, 128>}, {transform_indices = @transform_7, window_bounds = array<i64: 2000, 128>}, {transform_indices = @transform_8, window_bounds = array<i64: 2000, 128>}, {transform_indices = @transform_9, window_bounds = array<i64: 2000, 128>}]} {
    %eq3A = arith.constant 0 : i32
    %eq3A_0 = arith.cmpi eq, %arg0, %eq3A : i32
    %convert_element_type3A = arith.extui %eq3A_0 : i1 to i32
    %cond3A = arith.constant 0 : i32
    %cond3A_1 = arith.cmpi ne, %convert_element_type3A, %cond3A : i32
    scf.if %cond3A_1 {
      %get3A = arith.constant 0 : index
      %get3A_7 = arith.constant 0 : index
      %get3A_8 = arith.constant 0 : index
      %get3A_9 = vector.load %arg2[%get3A, %get3A_7, %get3A_8] : memref<2x2000x128xf32, #tpu.memory_space<vmem>>, vector<1x2000x128xf32>
      %get3A_10 = vector.shape_cast %get3A_9 : vector<1x2000x128xf32> to vector<2000x128xf32>
      %get3A_11 = arith.constant 1 : index
      %get3A_12 = arith.constant 0 : index
      %get3A_13 = arith.constant 0 : index
      %get3A_14 = vector.load %arg2[%get3A_11, %get3A_12, %get3A_13] : memref<2x2000x128xf32, #tpu.memory_space<vmem>>, vector<1x2000x128xf32>
      %get3A_15 = vector.shape_cast %get3A_14 : vector<1x2000x128xf32> to vector<2000x128xf32>
      %add3A = arith.addf %get3A_10, %get3A_15 : vector<2000x128xf32>
      %get3A_16 = arith.constant 0 : index
      %get3A_17 = arith.constant 0 : index
      %get3A_18 = vector.load %arg3[%get3A_16, %get3A_17] : memref<2000x128xf32, #tpu.memory_space<vmem>>, vector<2000x128xf32>
      %add3A_19 = arith.addf %add3A, %get3A_18 : vector<2000x128xf32>
      %get3A_20 = arith.constant 0 : index
      %get3A_21 = arith.constant 0 : index
      %get3A_22 = vector.load %arg4[%get3A_20, %get3A_21] : memref<2000x1xf32, #tpu.memory_space<vmem>>, vector<2000x1xf32>
      %mul3A = vector.broadcast %get3A_22 : vector<2000x1xf32> to vector<2000x128xf32>
      %mul3A_23 = arith.mulf %add3A_19, %mul3A : vector<2000x128xf32>
      %get3A_24 = arith.constant 0 : index
      %get3A_25 = arith.constant 0 : index
      %get3A_26 = vector.load %arg5[%get3A_24, %get3A_25] : memref<128x128xf32, #tpu.memory_space<vmem>>, vector<128x128xf32>
      %dot_general3A = arith.constant dense<0.000000e+00> : vector<2000x128xf32>
      %dot_general3A_27 = tpu.matmul %mul3A_23, %get3A_26, %dot_general3A {dimension_numbers = #tpu.dot_dimension_numbers<[1], [0], [0], [1], [0, 0, 1, 1], [], []>, transpose_lhs_hint = false} : vector<2000x128xf32>, vector<128x128xf32>, vector<2000x128xf32> -> vector<2000x128xf32>
      %get3A_28 = arith.constant 0 : index
      %get3A_29 = arith.constant 0 : index
      %get3A_30 = vector.load %arg6[%get3A_28, %get3A_29] : memref<1x128xf32, #tpu.memory_space<vmem>>, vector<1x128xf32>
      %add3A_31 = vector.broadcast %get3A_30 : vector<1x128xf32> to vector<2000x128xf32>
      %add3A_32 = arith.addf %dot_general3A_27, %add3A_31 : vector<2000x128xf32>
      %mul3A_33 = arith.constant 2000 : i32
      %mul3A_34 = arith.muli %arg1, %mul3A_33 : i32
      %swap3A = arith.index_cast %mul3A_34 : i32 to index
      %swap3A_35 = arith.constant 0 : index
      %swap3A_36 = vector.load %arg12[%swap3A, %swap3A_35] : memref<10000x128xf32, #tpu.memory_space<vmem>>, vector<2000x128xf32>
      tpu.vector_store %arg12[%swap3A, %swap3A_35], %add3A_32 {strides = array<i32>} : memref<10000x128xf32, #tpu.memory_space<vmem>>, vector<2000x128xf32>,
      %reduce_sum3A = arith.constant dense<0.000000e+00> : vector<128xf32>
      %reduce_sum3A_37 = vector.multi_reduction <add>, %add3A_32, %reduce_sum3A [0] : vector<2000x128xf32> to vector<128xf32>
      %broadcast_in_dim3A = vector.shape_cast %reduce_sum3A_37 : vector<128xf32> to vector<1x128xf32>
      %mul3A_38 = arith.mulf %add3A_32, %add3A_32 : vector<2000x128xf32>
      %reduce_sum3A_39 = arith.constant dense<0.000000e+00> : vector<128xf32>
      %reduce_sum3A_40 = vector.multi_reduction <add>, %mul3A_38, %reduce_sum3A_39 [0] : vector<2000x128xf32> to vector<128xf32>
      %broadcast_in_dim3A_41 = vector.shape_cast %reduce_sum3A_40 : vector<128xf32> to vector<1x128xf32>
      %concatenate3A = tpu.concatenate %broadcast_in_dim3A, %broadcast_in_dim3A_41 in 0 : vector<1x128xf32>, vector<1x128xf32> -> vector<2x128xf32>
      %eq3A_42 = arith.constant 0 : i32
      %eq3A_43 = arith.cmpi eq, %arg1, %eq3A_42 : i32
      %convert_element_type3A_44 = arith.extui %eq3A_43 : i1 to i32
      %cond3A_45 = arith.constant 0 : i32
      %cond3A_46 = arith.cmpi ne, %convert_element_type3A_44, %cond3A_45 : i32
      scf.if %cond3A_46 {
        %swap3A_51 = arith.constant 0 : index
        %swap3A_52 = arith.constant 0 : index
        %swap3A_53 = vector.load %arg13[%swap3A_51, %swap3A_52] : memref<2x128xf32, #tpu.memory_space<vmem>>, vector<2x128xf32>
        tpu.vector_store %arg13[%swap3A_51, %swap3A_52], %concatenate3A {strides = array<i32>} : memref<2x128xf32, #tpu.memory_space<vmem>>, vector<2x128xf32>,
      } else {
      }
      %gt3A = arith.constant 0 : i32
      %gt3A_47 = arith.cmpi sgt, %arg1, %gt3A : i32
      %convert_element_type3A_48 = arith.extui %gt3A_47 : i1 to i32
      %cond3A_49 = arith.constant 0 : i32
      %cond3A_50 = arith.cmpi ne, %convert_element_type3A_48, %cond3A_49 : i32
      scf.if %cond3A_50 {
        %get3A_51 = arith.constant 0 : index
        %get3A_52 = arith.constant 0 : index
        %get3A_53 = vector.load %arg13[%get3A_51, %get3A_52] : memref<2x128xf32, #tpu.memory_space<vmem>>, vector<2x128xf32>
        %add3A_54 = arith.addf %get3A_53, %concatenate3A : vector<2x128xf32>
        %swap3A_55 = arith.constant 0 : index
        %swap3A_56 = arith.constant 0 : index
        %swap3A_57 = vector.load %arg13[%swap3A_55, %swap3A_56] : memref<2x128xf32, #tpu.memory_space<vmem>>, vector<2x128xf32>
        tpu.vector_store %arg13[%swap3A_55, %swap3A_56], %add3A_54 {strides = array<i32>} : memref<2x128xf32, #tpu.memory_space<vmem>>, vector<2x128xf32>,
      } else {
      }
    } else {
    }
    %eq3A_2 = arith.constant 1 : i32
    %eq3A_3 = arith.cmpi eq, %arg0, %eq3A_2 : i32
    %convert_element_type3A_4 = arith.extui %eq3A_3 : i1 to i32
    %cond3A_5 = arith.constant 0 : i32
    %cond3A_6 = arith.cmpi ne, %convert_element_type3A_4, %cond3A_5 : i32
    scf.if %cond3A_6 {
      %mul3A = arith.constant 2000 : i32
      %mul3A_7 = arith.muli %arg1, %mul3A : i32
      %get3A = arith.index_cast %mul3A_7 : i32 to index
      %get3A_8 = arith.constant 0 : index
      %get3A_9 = vector.load %arg12[%get3A, %get3A_8] : memref<10000x128xf32, #tpu.memory_space<vmem>>, vector<2000x128xf32>
      %get3A_10 = arith.constant 0 : index
      %get3A_11 = arith.constant 0 : index
      %get3A_12 = vector.load %arg13[%get3A_10, %get3A_11] : memref<2x128xf32, #tpu.memory_space<vmem>>, vector<1x128xf32>
      %mul3A_13 = arith.constant 9.99999974E-5 : f32
      %mul3A_14 = vector.broadcast %mul3A_13 : f32 to vector<1x128xf32>
      %mul3A_15 = arith.mulf %get3A_12, %mul3A_14 : vector<1x128xf32>
      %get3A_16 = arith.constant 1 : index
      %get3A_17 = arith.constant 0 : index
      %get3A_18 = vector.load %arg13[%get3A_16, %get3A_17] : memref<2x128xf32, #tpu.memory_space<vmem>>, vector<1x128xf32>
      %mul3A_19 = arith.constant 9.99999974E-5 : f32
      %mul3A_20 = vector.broadcast %mul3A_19 : f32 to vector<1x128xf32>
      %mul3A_21 = arith.mulf %get3A_18, %mul3A_20 : vector<1x128xf32>
      %mul3A_22 = arith.mulf %mul3A_15, %mul3A_15 : vector<1x128xf32>
      %sub3A = arith.subf %mul3A_21, %mul3A_22 : vector<1x128xf32>
      %sub3A_23 = vector.broadcast %mul3A_15 : vector<1x128xf32> to vector<2000x128xf32>
      %sub3A_24 = arith.subf %get3A_9, %sub3A_23 : vector<2000x128xf32>
      %add3A = arith.constant 9.99999974E-6 : f32
      %add3A_25 = vector.broadcast %add3A : f32 to vector<1x128xf32>
      %add3A_26 = arith.addf %sub3A, %add3A_25 : vector<1x128xf32>
      %rsqrt3A = math.rsqrt %add3A_26 : vector<1x128xf32>
      %mul3A_27 = vector.broadcast %rsqrt3A : vector<1x128xf32> to vector<2000x128xf32>
      %mul3A_28 = arith.mulf %sub3A_24, %mul3A_27 : vector<2000x128xf32>
      %get3A_29 = arith.constant 0 : index
      %get3A_30 = arith.constant 0 : index
      %get3A_31 = vector.load %arg7[%get3A_29, %get3A_30] : memref<1x128xf32, #tpu.memory_space<vmem>>, vector<1x128xf32>
      %mul3A_32 = vector.broadcast %get3A_31 : vector<1x128xf32> to vector<2000x128xf32>
      %mul3A_33 = arith.mulf %mul3A_28, %mul3A_32 : vector<2000x128xf32>
      %get3A_34 = arith.constant 0 : index
      %get3A_35 = arith.constant 0 : index
      %get3A_36 = vector.load %arg8[%get3A_34, %get3A_35] : memref<1x128xf32, #tpu.memory_space<vmem>>, vector<1x128xf32>
      %add3A_37 = vector.broadcast %get3A_36 : vector<1x128xf32> to vector<2000x128xf32>
      %add3A_38 = arith.addf %mul3A_33, %add3A_37 : vector<2000x128xf32>
      %max3A = arith.constant 0.000000e+00 : f32
      %max3A_39 = vector.broadcast %max3A : f32 to vector<2000x128xf32>
      %max3A_40 = arith.maximumf %add3A_38, %max3A_39 : vector<2000x128xf32>
      %get3A_41 = arith.constant 0 : index
      %get3A_42 = arith.constant 0 : index
      %get3A_43 = vector.load %arg9[%get3A_41, %get3A_42] : memref<2000x128xf32, #tpu.memory_space<vmem>>, vector<2000x128xf32>
      %add3A_44 = arith.addf %max3A_40, %get3A_43 : vector<2000x128xf32>
      %swap3A = arith.constant 0 : index
      %swap3A_45 = arith.constant 0 : index
      %swap3A_46 = vector.load %arg10[%swap3A, %swap3A_45] : memref<2000x128xf32, #tpu.memory_space<vmem>>, vector<2000x128xf32>
      tpu.vector_store %arg10[%swap3A, %swap3A_45], %add3A_44 {strides = array<i32>} : memref<2000x128xf32, #tpu.memory_space<vmem>>, vector<2000x128xf32>,
      %get3A_47 = arith.constant 0 : index
      %get3A_48 = arith.constant 0 : index
      %get3A_49 = vector.load %arg4[%get3A_47, %get3A_48] : memref<2000x1xf32, #tpu.memory_space<vmem>>, vector<2000x1xf32>
      %mul3A_50 = vector.broadcast %get3A_49 : vector<2000x1xf32> to vector<2000x128xf32>
      %mul3A_51 = arith.mulf %add3A_44, %mul3A_50 : vector<2000x128xf32>
      %swap3A_52 = arith.constant 0 : index
      %swap3A_53 = arith.constant 0 : index
      %swap3A_54 = vector.load %arg11[%swap3A_52, %swap3A_53] : memref<2000x128xf32, #tpu.memory_space<vmem>>, vector<2000x128xf32>
      tpu.vector_store %arg11[%swap3A_52, %swap3A_53], %mul3A_51 {strides = array<i32>} : memref<2000x128xf32, #tpu.memory_space<vmem>>, vector<2000x128xf32>,
    } else {
    }
    return
  }
  func.func @transform_0(%arg0: i32, %arg1: i32) -> (i32, i32, i32) {
    %eq3A = arith.constant 0 : i32
    %eq3A_0 = arith.cmpi eq, %arg0, %eq3A : i32
    %jit3A = arith.constant 4 : i32
    %select_n3A = arith.select %eq3A_0, %arg1, %jit3A : i32
    %c0_i32 = arith.constant 0 : i32
    %c0_i32_1 = arith.constant 0 : i32
    %c0_i32_2 = arith.constant 0 : i32
    return %c0_i32, %select_n3A, %c0_i32_1 : i32, i32, i32
  }
  func.func @transform_1(%arg0: i32, %arg1: i32) -> (i32, i32) {
    %eq3A = arith.constant 0 : i32
    %eq3A_0 = arith.cmpi eq, %arg0, %eq3A : i32
    %jit3A = arith.constant 4 : i32
    %select_n3A = arith.select %eq3A_0, %arg1, %jit3A : i32
    %c0_i32 = arith.constant 0 : i32
    %c0_i32_1 = arith.constant 0 : i32
    return %select_n3A, %c0_i32 : i32, i32
  }
  func.func @transform_2(%arg0: i32, %arg1: i32) -> (i32, i32) {
    %c0_i32 = arith.constant 0 : i32
    %c0_i32_0 = arith.constant 0 : i32
    return %arg1, %c0_i32 : i32, i32
  }
  func.func @transform_3(%arg0: i32, %arg1: i32) -> (i32, i32) {
    %c0_i32 = arith.constant 0 : i32
    %c0_i32_0 = arith.constant 0 : i32
    %c0_i32_1 = arith.constant 0 : i32
    return %c0_i32, %c0_i32_0 : i32, i32
  }
  func.func @transform_4(%arg0: i32, %arg1: i32) -> (i32, i32) {
    %c0_i32 = arith.constant 0 : i32
    %c0_i32_0 = arith.constant 0 : i32
    %c0_i32_1 = arith.constant 0 : i32
    return %c0_i32, %c0_i32_0 : i32, i32
  }
  func.func @transform_5(%arg0: i32, %arg1: i32) -> (i32, i32) {
    %c0_i32 = arith.constant 0 : i32
    %c0_i32_0 = arith.constant 0 : i32
    %c0_i32_1 = arith.constant 0 : i32
    return %c0_i32, %c0_i32_0 : i32, i32
  }
  func.func @transform_6(%arg0: i32, %arg1: i32) -> (i32, i32) {
    %c0_i32 = arith.constant 0 : i32
    %c0_i32_0 = arith.constant 0 : i32
    %c0_i32_1 = arith.constant 0 : i32
    return %c0_i32, %c0_i32_0 : i32, i32
  }
  func.func @transform_7(%arg0: i32, %arg1: i32) -> (i32, i32) {
    %eq3A = arith.constant 1 : i32
    %eq3A_0 = arith.cmpi eq, %arg0, %eq3A : i32
    %jit3A = arith.constant 0 : i32
    %select_n3A = arith.select %eq3A_0, %arg1, %jit3A : i32
    %c0_i32 = arith.constant 0 : i32
    %c0_i32_1 = arith.constant 0 : i32
    return %select_n3A, %c0_i32 : i32, i32
  }
  func.func @transform_8(%arg0: i32, %arg1: i32) -> (i32, i32) {
    %c0_i32 = arith.constant 0 : i32
    %c0_i32_0 = arith.constant 0 : i32
    return %arg1, %c0_i32 : i32, i32
  }
  func.func @transform_9(%arg0: i32, %arg1: i32) -> (i32, i32) {
    %c0_i32 = arith.constant 0 : i32
    %c0_i32_0 = arith.constant 0 : i32
    return %arg1, %c0_i32 : i32, i32
  }
}

module attributes {stable_mosaic.version = 14 : i64} {
  func.func @body(%arg0: i32, %arg1: memref<2x2000x128xf32, #tpu.memory_space<vmem>>, %arg2: memref<2000x128xf32, #tpu.memory_space<vmem>>, %arg3: memref<2000x1xf32, #tpu.memory_space<vmem>>, %arg4: memref<128x64xf32, #tpu.memory_space<vmem>>, %arg5: memref<1x64xf32, #tpu.memory_space<vmem>>, %arg6: memref<128x64xf32, #tpu.memory_space<vmem>>, %arg7: memref<1x64xf32, #tpu.memory_space<vmem>>, %arg8: memref<2000x64xf32, #tpu.memory_space<vmem>>, %arg9: memref<2000x64xf32, #tpu.memory_space<vmem>>, %arg10: memref<2000x64xf32, #tpu.memory_space<vmem>>, %arg11: memref<2000x64xf32, #tpu.memory_space<vmem>>) attributes {dimension_semantics = [#tpu.dimension_semantics<arbitrary>], iteration_bounds = array<i64: 5>, scalar_prefetch = 0 : i64, scratch_operands = 0 : i64, tpu.core_type = #tpu.core_type<tc>, window_params = [{transform_indices = @transform_0, window_bounds = array<i64: 2, 2000, 128>}, {transform_indices = @transform_1, window_bounds = array<i64: 2000, 128>}, {transform_indices = @transform_2, window_bounds = array<i64: 2000, 1>}, {pipeline_mode = #tpu.pipeline_mode<synchronous>, transform_indices = @transform_3, window_bounds = array<i64: 128, 64>}, {pipeline_mode = #tpu.pipeline_mode<synchronous>, transform_indices = @transform_4, window_bounds = array<i64: 1, 64>}, {pipeline_mode = #tpu.pipeline_mode<synchronous>, transform_indices = @transform_5, window_bounds = array<i64: 128, 64>}, {pipeline_mode = #tpu.pipeline_mode<synchronous>, transform_indices = @transform_6, window_bounds = array<i64: 1, 64>}, {transform_indices = @transform_7, window_bounds = array<i64: 2000, 64>}, {transform_indices = @transform_8, window_bounds = array<i64: 2000, 64>}, {transform_indices = @transform_9, window_bounds = array<i64: 2000, 64>}, {transform_indices = @transform_10, window_bounds = array<i64: 2000, 64>}]} {
    %get3A = arith.constant 0 : index
    %get3A_0 = arith.constant 0 : index
    %get3A_1 = arith.constant 0 : index
    %get3A_2 = vector.load %arg1[%get3A, %get3A_0, %get3A_1] : memref<2x2000x128xf32, #tpu.memory_space<vmem>>, vector<1x2000x128xf32>
    %get3A_3 = vector.shape_cast %get3A_2 : vector<1x2000x128xf32> to vector<2000x128xf32>
    %get3A_4 = arith.constant 1 : index
    %get3A_5 = arith.constant 0 : index
    %get3A_6 = arith.constant 0 : index
    %get3A_7 = vector.load %arg1[%get3A_4, %get3A_5, %get3A_6] : memref<2x2000x128xf32, #tpu.memory_space<vmem>>, vector<1x2000x128xf32>
    %get3A_8 = vector.shape_cast %get3A_7 : vector<1x2000x128xf32> to vector<2000x128xf32>
    %add3A = arith.addf %get3A_3, %get3A_8 : vector<2000x128xf32>
    %get3A_9 = arith.constant 0 : index
    %get3A_10 = arith.constant 0 : index
    %get3A_11 = vector.load %arg2[%get3A_9, %get3A_10] : memref<2000x128xf32, #tpu.memory_space<vmem>>, vector<2000x128xf32>
    %add3A_12 = arith.addf %add3A, %get3A_11 : vector<2000x128xf32>
    %get3A_13 = arith.constant 0 : index
    %get3A_14 = arith.constant 0 : index
    %get3A_15 = vector.load %arg3[%get3A_13, %get3A_14] : memref<2000x1xf32, #tpu.memory_space<vmem>>, vector<2000x1xf32>
    %mul3A = vector.broadcast %get3A_15 : vector<2000x1xf32> to vector<2000x128xf32>
    %mul3A_16 = arith.mulf %add3A_12, %mul3A : vector<2000x128xf32>
    %get3A_17 = arith.constant 0 : index
    %get3A_18 = arith.constant 0 : index
    %get3A_19 = vector.load %arg4[%get3A_17, %get3A_18] : memref<128x64xf32, #tpu.memory_space<vmem>>, vector<128x64xf32>
    %dot_general3A = arith.constant dense<0.000000e+00> : vector<2000x64xf32>
    %dot_general3A_20 = tpu.matmul %mul3A_16, %get3A_19, %dot_general3A {dimension_numbers = #tpu.dot_dimension_numbers<[1], [0], [0], [1], [0, 0, 1, 1], [], []>, transpose_lhs_hint = false} : vector<2000x128xf32>, vector<128x64xf32>, vector<2000x64xf32> -> vector<2000x64xf32>
    %get3A_21 = arith.constant 0 : index
    %get3A_22 = arith.constant 0 : index
    %get3A_23 = vector.load %arg5[%get3A_21, %get3A_22] : memref<1x64xf32, #tpu.memory_space<vmem>>, vector<1x64xf32>
    %add3A_24 = vector.broadcast %get3A_23 : vector<1x64xf32> to vector<2000x64xf32>
    %add3A_25 = arith.addf %dot_general3A_20, %add3A_24 : vector<2000x64xf32>
    %get3A_26 = arith.constant 0 : index
    %get3A_27 = arith.constant 0 : index
    %get3A_28 = vector.load %arg6[%get3A_26, %get3A_27] : memref<128x64xf32, #tpu.memory_space<vmem>>, vector<128x64xf32>
    %dot_general3A_29 = arith.constant dense<0.000000e+00> : vector<2000x64xf32>
    %dot_general3A_30 = tpu.matmul %mul3A_16, %get3A_28, %dot_general3A_29 {dimension_numbers = #tpu.dot_dimension_numbers<[1], [0], [0], [1], [0, 0, 1, 1], [], []>, transpose_lhs_hint = false} : vector<2000x128xf32>, vector<128x64xf32>, vector<2000x64xf32> -> vector<2000x64xf32>
    %get3A_31 = arith.constant 0 : index
    %get3A_32 = arith.constant 0 : index
    %get3A_33 = vector.load %arg7[%get3A_31, %get3A_32] : memref<1x64xf32, #tpu.memory_space<vmem>>, vector<1x64xf32>
    %add3A_34 = vector.broadcast %get3A_33 : vector<1x64xf32> to vector<2000x64xf32>
    %add3A_35 = arith.addf %dot_general3A_30, %add3A_34 : vector<2000x64xf32>
    %custom_jvp_call3A = arith.constant 0.000000e+00 : f32
    %max3A = vector.broadcast %custom_jvp_call3A : f32 to vector<2000x64xf32>
    %max3A_36 = arith.maximumf %add3A_35, %max3A : vector<2000x64xf32>
    %sub3A = vector.broadcast %custom_jvp_call3A : f32 to vector<2000x64xf32>
    %sub3A_37 = arith.subf %add3A_35, %sub3A : vector<2000x64xf32>
    %ne3A = arith.cmpf one, %sub3A_37, %sub3A_37 : vector<2000x64xf32>
    %add3A_38 = vector.broadcast %custom_jvp_call3A : f32 to vector<2000x64xf32>
    %add3A_39 = arith.addf %add3A_35, %add3A_38 : vector<2000x64xf32>
    %abs3A = math.absf %sub3A_37 : vector<2000x64xf32>
    %neg3A = arith.constant 0.000000e+00 : f32
    %neg3A_40 = vector.broadcast %neg3A : f32 to vector<2000x64xf32>
    %neg3A_41 = arith.subf %neg3A_40, %abs3A : vector<2000x64xf32>
    %exp3A = math.exp %neg3A_41 : vector<2000x64xf32>
    %log1p3A = math.log1p %exp3A : vector<2000x64xf32>
    %add3A_42 = arith.addf %max3A_36, %log1p3A : vector<2000x64xf32>
    %select_n3A = arith.select %ne3A, %add3A_39, %add3A_42 : vector<2000x64xi1>, vector<2000x64xf32>
    %add3A_43 = arith.constant 9.99999997E-7 : f32
    %add3A_44 = vector.broadcast %add3A_43 : f32 to vector<2000x64xf32>
    %add3A_45 = arith.addf %select_n3A, %add3A_44 : vector<2000x64xf32>
    %swap3A = arith.constant 0 : index
    %swap3A_46 = arith.constant 0 : index
    %swap3A_47 = vector.load %arg10[%swap3A, %swap3A_46] : memref<2000x64xf32, #tpu.memory_space<vmem>>, vector<2000x64xf32>
    tpu.vector_store %arg10[%swap3A, %swap3A_46], %add3A_25 {strides = array<i32>} : memref<2000x64xf32, #tpu.memory_space<vmem>>, vector<2000x64xf32>,
    %swap3A_48 = arith.constant 0 : index
    %swap3A_49 = arith.constant 0 : index
    %swap3A_50 = vector.load %arg11[%swap3A_48, %swap3A_49] : memref<2000x64xf32, #tpu.memory_space<vmem>>, vector<2000x64xf32>
    tpu.vector_store %arg11[%swap3A_48, %swap3A_49], %add3A_35 {strides = array<i32>} : memref<2000x64xf32, #tpu.memory_space<vmem>>, vector<2000x64xf32>,
    %get3A_51 = arith.constant 0 : index
    %get3A_52 = arith.constant 0 : index
    %get3A_53 = vector.load %arg8[%get3A_51, %get3A_52] : memref<2000x64xf32, #tpu.memory_space<vmem>>, vector<2000x64xf32>
    %mul3A_54 = arith.mulf %add3A_45, %get3A_53 : vector<2000x64xf32>
    %add3A_55 = arith.addf %add3A_25, %mul3A_54 : vector<2000x64xf32>
    %swap3A_56 = arith.constant 0 : index
    %swap3A_57 = arith.constant 0 : index
    %swap3A_58 = vector.load %arg9[%swap3A_56, %swap3A_57] : memref<2000x64xf32, #tpu.memory_space<vmem>>, vector<2000x64xf32>
    tpu.vector_store %arg9[%swap3A_56, %swap3A_57], %add3A_55 {strides = array<i32>} : memref<2000x64xf32, #tpu.memory_space<vmem>>, vector<2000x64xf32>,
    return
  }
  func.func @transform_0(%arg0: i32) -> (i32, i32, i32) {
    %c0_i32 = arith.constant 0 : i32
    %c0_i32_0 = arith.constant 0 : i32
    %c0_i32_1 = arith.constant 0 : i32
    return %c0_i32, %arg0, %c0_i32_0 : i32, i32, i32
  }
  func.func @transform_1(%arg0: i32) -> (i32, i32) {
    %c0_i32 = arith.constant 0 : i32
    %c0_i32_0 = arith.constant 0 : i32
    return %arg0, %c0_i32 : i32, i32
  }
  func.func @transform_2(%arg0: i32) -> (i32, i32) {
    %c0_i32 = arith.constant 0 : i32
    %c0_i32_0 = arith.constant 0 : i32
    return %arg0, %c0_i32 : i32, i32
  }
  func.func @transform_3(%arg0: i32) -> (i32, i32) {
    %c0_i32 = arith.constant 0 : i32
    %c0_i32_0 = arith.constant 0 : i32
    %c0_i32_1 = arith.constant 0 : i32
    return %c0_i32, %c0_i32_0 : i32, i32
  }
  func.func @transform_4(%arg0: i32) -> (i32, i32) {
    %c0_i32 = arith.constant 0 : i32
    %c0_i32_0 = arith.constant 0 : i32
    %c0_i32_1 = arith.constant 0 : i32
    return %c0_i32, %c0_i32_0 : i32, i32
  }
  func.func @transform_5(%arg0: i32) -> (i32, i32) {
    %c0_i32 = arith.constant 0 : i32
    %c0_i32_0 = arith.constant 0 : i32
    %c0_i32_1 = arith.constant 0 : i32
    return %c0_i32, %c0_i32_0 : i32, i32
  }
  func.func @transform_6(%arg0: i32) -> (i32, i32) {
    %c0_i32 = arith.constant 0 : i32
    %c0_i32_0 = arith.constant 0 : i32
    %c0_i32_1 = arith.constant 0 : i32
    return %c0_i32, %c0_i32_0 : i32, i32
  }
  func.func @transform_7(%arg0: i32) -> (i32, i32) {
    %c0_i32 = arith.constant 0 : i32
    %c0_i32_0 = arith.constant 0 : i32
    return %arg0, %c0_i32 : i32, i32
  }
  func.func @transform_8(%arg0: i32) -> (i32, i32) {
    %c0_i32 = arith.constant 0 : i32
    %c0_i32_0 = arith.constant 0 : i32
    return %arg0, %c0_i32 : i32, i32
  }
  func.func @transform_9(%arg0: i32) -> (i32, i32) {
    %c0_i32 = arith.constant 0 : i32
    %c0_i32_0 = arith.constant 0 : i32
    return %arg0, %c0_i32 : i32, i32
  }
  func.func @transform_10(%arg0: i32) -> (i32, i32) {
    %c0_i32 = arith.constant 0 : i32
    %c0_i32_0 = arith.constant 0 : i32
    return %arg0, %c0_i32 : i32, i32
  }
}

</mosaic_0001>

<sc_bundles>
// kernel: kernel.10.cloned.1.call-start
scs
__scs_entry_jumppad:
0x0: {  	(pc) =	sbr.rel $0x88, $3  }
0x1: {  	(tag) =	ssettag $0x0;
	lr =	simm.s32 $0x1  }
0x2: {  	[smem:$0x3F93] =	sst lr;
	_ =	strace $0xD0000000  }
0x3: {  	_ = 	snop  }
0x4: {  	_ = 	snop  }
0x5: {  	_ = 	snop  }
0x6: {  	_ = 	snop  }
0x7: {  	_ = 	snop  }
__scs_overlays_trampoline_lowered:
0x8: {  	[smem:$0x3FA2] =	sst s0  }
0x9: {  	[smem:$0x3FA3] =	sst s1  }
0xa: {  	[smem:$0x3FA4] =	sst s2  }
0xb: {  	[smem:$0x3FA5] =	sst s3  }
0xc: {  	[smem:$0x3FA6] =	sst s4  }
0xd: {  	[smem:$0x3FA7] =	sst s5  }
0xe: {  	[smem:$0x3FA8] =	sst s6  }
0xf: {  	[smem:$0x3FA9] =	sst s7  }
0x10: {  	[smem:$0x3FAA] =	sst s8  }
0x11: {  	[smem:$0x3FAB] =	sst s9;
	s0 =	simm.s32 @!p0 $0x0  }
0x12: {  	s1 =	sld [smem:$0x3F91];
	s0 =	simm.s32 @p0 $0x1  }
0x13: {  	[smem:$0x3FAC] =	sst s0;
	s0 =	simm.s32 @!p1 $0x0  }
0x14: {  	s2 =	sld [smem:$0x3F90];
	s0 =	simm.s32 @p1 $0x1  }
0x15: {  	[smem:$0x3FAD] =	sst s0;
	s0 =	simm.s32 @!p2 $0x0  }
0x16: {  	s3 =	sld [smem:$0x3FDB];
	s0 =	simm.s32 @p2 $0x1  }
0x17: {  	s4 =	simm.s32 $0x1BF5;
	[smem:$0x3FAF] =	sst s0  }
0x18: {  	s0 =	sld [smem:$0x3F92];
	_ =	swait.ge [sflag:s4], $0x0  }
0x19: {  	s7 =	sld [smem:$0x3F93]  }
0x1a: {  	s8 =	sadd.s32 $0xFFFFE003, lr  }
0x1b: {  	s9 =	sadd.s32 $0xFFFFFEF7, lr;
	s5 =	simm.s32 $0xFFFFFFFF;
	p2 =	slt.u32 s8, $0xFFFFF086  }
0x1c: {  	p1 =	slt.u32 s9, $0xF7A;
	s5 =	simm.s32 @!p2 $0x0  }
0x1d: {  	s5 =	simm.s32 @p1 $0x1;
	p0 =	seq.s32 s7, s2  }
0x1e: {  	s7 =	smul.u32 @!p0 $0xF7A, s2;
	p2 =	seq.s32 @!p0 s5, $0x0  }
0x1f: {  	s9 =	smul.u32 $0xF7A, s1;
	s8 =	simm.s32 @!p0 $0x1BF5;
	p2 =	por !p2, p0  }
0x20: {  	[sflag:s8] =	ssyncset.s32 @!p0 $0xFFFFF086;
	s6 =	sadd.s32 @!p0 s3, s7;
	s7 =	simm.s32 @!p0 $0x108  }
0x21: {  	s3 =	sadd.s32 s3, s9;
	s6 =	sadd.s32 @!p0 $0x88, s6;
	s7 =	simm.s32 @p2 $0x1082  }
0x22: {  	[simem:s7], [sflag:s8] =	dma.local @!p0 [hbm:s6], $0xF7A  }
0x23: {  	s9 =	sor.u32 $0xD0000000, s2;
	s6 =	simm.s32 $0x108;
	_ =	swait.ge @!p0 [sflag:s8], $0x0  }
0x24: {  	s3 =	sadd.s32 $0x88, s3;
	s6 =	simm.s32 @!p1 $0x1082;
	[sflag:s4] =	ssyncset.s32 $0xFFFFF086  }
0x25: {  	[simem:s6], [sflag:s4] =	dma.local [hbm:s3], $0xF7A  }
0x26: {  	[smem:$0x3F93] =	sst s1;
	(tag) =	ssettag s2;
	_ =	strace s9  }
0x27: {  	s1 =	sld [smem:$0x3FA3]  }
0x28: {  	s2 =	sld [smem:$0x3FA4]  }
0x29: {  	s4 =	sld [smem:$0x3FA6]  }
0x2a: {  	p0 =	seq.s32 s5, $0x0;
	s5 =	sld [smem:$0x3FA7]  }
0x2b: {  	s6 =	sld [smem:$0x3FA8]  }
0x2c: {  	s7 =	sld [smem:$0x3FA9]  }
0x2d: {  	s3 =	simm.s32 $0x108;
	s8 =	sld [smem:$0x3FAA]  }
0x2e: {  	s3 =	simm.s32 @!p0 $0x1082;
	s9 =	sld [smem:$0x3FAB]  }
0x2f: {  	lr =	sadd.s32 s0, s3;
	s0 =	sld [smem:$0x3FA2]  }
0x30: {  	s3 =	sld [smem:$0x3FA5]  }
0x31: {  	[smem:$0x3FAE] =	sst s10  }
0x32: {  	s10 =	sld [smem:$0x3FAC];
	_ =	sdelay $0x3  }
0x33: {  	p0 =	seq.s32 s10, $0x1;
	s10 =	sld [smem:$0x3FAE];
	_ =	sdelay $0x3  }
0x34: {  	[smem:$0x3FAE] =	sst s10  }
0x35: {  	s10 =	sld [smem:$0x3FAD];
	_ =	sdelay $0x3  }
0x36: {  	p1 =	seq.s32 s10, $0x1;
	s10 =	sld [smem:$0x3FAE];
	_ =	sdelay $0x3  }
0x37: {  	[smem:$0x3FAE] =	sst s10  }
0x38: {  	s10 =	sld [smem:$0x3FAF]  }
0x39: {  	_ = 	snop;
	(pc) =	sbr.ind lr, $3  }
0x3a: {  	_ = 	snop  }
0x3b: {  	_ = 	snop  }
0x3c: {  	p2 =	seq.s32 s10, $0x1;
	s10 =	sld [smem:$0x3FAE]  }
0x3d: {  	_ =	shalt  }
0x3e: {  	_ =	shalt  }
0x3f: {  	_ =	shalt  }
0x40: {  	_ =	shalt  }
0x41: {  	_ =	shalt  }
0x42: {  	_ =	shalt  }
0x43: {  	_ =	shalt  }
0x44: {  	_ =	shalt  }
0x45: {  	_ =	shalt  }
0x46: {  	_ =	shalt  }
0x47: {  	_ =	shalt  }
0x48: {  	_ =	shalt  }
0x49: {  	_ =	shalt  }
0x4a: {  	_ =	shalt  }
0x4b: {  	_ =	shalt  }
0x4c: {  	_ =	shalt  }
0x4d: {  	_ =	shalt  }
0x4e: {  	_ =	shalt  }
0x4f: {  	_ =	shalt  }
0x50: {  	_ =	shalt  }
0x51: {  	_ =	shalt  }
0x52: {  	_ =	shalt  }
0x53: {  	_ =	shalt  }
0x54: {  	_ =	shalt  }
0x55: {  	_ =	shalt  }
0x56: {  	_ =	shalt  }
0x57: {  	_ =	shalt  }
0x58: {  	_ =	shalt  }
0x59: {  	_ =	shalt  }
0x5a: {  	_ =	shalt  }
0x5b: {  	_ =	shalt  }
0x5c: {  	_ =	shalt  }
0x5d: {  	_ =	shalt  }
0x5e: {  	_ =	shalt  }
0x5f: {  	_ =	shalt  }
0x60: {  	_ =	shalt  }
0x61: {  	_ =	shalt  }
0x62: {  	_ =	shalt  }
0x63: {  	_ =	shalt  }
0x64: {  	_ =	shalt  }
0x65: {  	_ =	shalt  }
0x66: {  	_ =	shalt  }
0x67: {  	_ =	shalt  }
0x68: {  	_ =	shalt  }
0x69: {  	_ =	shalt  }
0x6a: {  	_ =	shalt  }
0x6b: {  	_ =	shalt  }
0x6c: {  	_ =	shalt  }
0x6d: {  	_ =	shalt  }
0x6e: {  	_ =	shalt  }
0x6f: {  	_ =	shalt  }
0x70: {  	_ =	shalt  }
0x71: {  	_ =	shalt  }
0x72: {  	_ =	shalt  }
0x73: {  	_ =	shalt  }
0x74: {  	_ =	shalt  }
0x75: {  	_ =	shalt  }
0x76: {  	_ =	shalt  }
0x77: {  	_ =	shalt  }
0x78: {  	_ =	shalt  }
0x79: {  	_ =	shalt  }
0x7a: {  	_ =	shalt  }
0x7b: {  	_ =	shalt  }
0x7c: {  	_ =	shalt  }
0x7d: {  	_ =	shalt  }
0x7e: {  	_ =	shalt  }
0x7f: {  	_ =	shalt  }
0x80: {  	_ =	shalt  }
0x81: {  	_ =	shalt  }
0x82: {  	_ =	shalt  }
0x83: {  	_ =	shalt  }
0x84: {  	_ =	shalt  }
0x85: {  	_ =	shalt  }
0x86: {  	_ =	shalt  }
0x87: {  	_ =	shalt  }
.Lfunc_end0:
.L_simem_size_0:
called_computation_lowered:
.L_overlay_start_0:
0x88: {  	s2 =	sld [smem:$0x3FD9]  }
0x89: {  	s3 =	sld [smem:$0x3FFE];
	_ =	sdelay $0x1  }
0x8a: {  	s1 =	srdreg.scid  }
0x8b: {  	s0 =	sand.u32 $0x1, s1  }
0x8c: {  	s14 =	sshll.u32 s0, $0xA;
	s2 =	sadd.s32 s3, s2  }
0x8d: {  	s2 =	sadd.s32 s2, s14  }
0x8e: {  	[smem:$0x3FBA] =	sst s2  }
0x8f: {  	_ = 	snop  }
0x90: {  	s2 =	sld [smem:$0x3FD0];
	_ =	sdelay $0x2  }
0x91: {  	s15 =	simm.s32 $0xA;
	s4 =	simm.s32 $0x10  }
0x92: {  	[smem:s4], [sflag:s15] =	dma.local [hbm:s2], $0x1  }
0x93: {  	_ =	swait.eq [sflag:s15], $0x1  }
0x94: {  	[sflag:s15] =	ssyncset.done $0x0  }
0x95: {  	s16 =	sld [smem:$0x10];
	[sflag:s15] =	ssyncadd.s32 $0xFFFFFFFF  }
0x96: {  	s17 =	sld [smem:$0x12];
	(tm) =	ssettm $0x1  }
0x97: {  	s18 =	sld [smem:$0x3FFB];
	_ =	sdelay $0x3  }
0x98: {  	_ =	strace s18  }
0x99: {  	s4 =	sld [smem:$0x3FFC];
	_ =	sdelay $0x3  }
0x9a: {  	_ =	strace s4  }
0x9b: {  	s4 =	sld [smem:$0x3FFD];
	_ =	sdelay $0x3  }
0x9c: {  	_ =	strace s4  }
0x9d: {  	_ =	strace $0x8FFFFFFF  }
0x9e: {  	s19 =	sld [smem:$0x3FDB];
	_ =	sdelay $0x1  }
0x9f: {  	s5 =	simm.s32 $_scs_section_size  }
0xa0: {  	s6 =	simm.s32 $_size__tile_overlayer_lowered;
	s7 =	simm.s32 $_tile_overlayer_lowered  }
0xa1: {  	s22 =	simm.s32 $0x1BFF;
	s21 =	sshll.u32 s7, $0x1;
	s4 =	sadd.s32 s5, s19  }
0xa2: {  	s8 =	simm.s32 $0x0;
	s20 =	sshll.u32 s6, $0x1;
	s6 =	sadd.s32 s21, s4  }
0xa3: {  	[timem:s8], [sflag:s22] =	dma.local [hbm:s6], s20  }
0xa4: {  	_ =	swait.ge [sflag:s22], s20  }
0xa5: {  	s5 =	ssub.s32 $0x0, s20;
	[sflag:s22] =	ssyncset.done $0x0  }
0xa6: {  	[sflag:s22] =	ssyncadd.s32 s5;
	_ =	sdelay $0x1  }
0xa7: {  	s23 =	simm.s32 $0x1B8B  }
0xa8: {  	_ =	swait.ge [sflag:s23], $0x1  }
0xa9: {  	[sflag:s23] =	ssyncset.done $0x0  }
0xaa: {  	s25 =	simm.s32 $0x1B8E;
	s24 =	sld [smem:$0x3FFE];
	[sflag:s23] =	ssyncadd.s32 $0xFFFFFFFF  }
0xab: {  	s26 =	simm.s32 $execute0_lowered;
	[smem:$0x3FD2] =	sst s25  }
0xac: {  	s6 =	sshll.u32 s26, $0x1;
	_ =	strace $0x80000046;
	[dreg:$0x1] =	wrdreg $0xFFFFFFFF  }
0xad: {  	s28 =	simm.s32 $_size_execute0_lowered;
	s4 =	sadd.s32 s4, s6;
	[dreg:$0x0] =	wrdreg $0x0  }
0xae: {  	s6 =	sshll.u32 s28, $0x1;
	[dreg:$0x2] =	wrdreg s4  }
0xaf: {  	[dreg:$0x3] =	wrdreg s6  }
0xb0: {  	[dreg:$0x4] =	wrdreg $0xC0  }
0xb1: {  	_ =	task [dreg:s8], $0x5FFFF  }
0xb2: {  	[dreg:$0x1] =	wrdreg $0xFFFFFFFF  }
0xb3: {  	[dreg:$0x0] =	wrdreg $0x60  }
0xb4: {  	[dreg:$0x2] =	wrdreg s17  }
0xb5: {  	[dreg:$0x3] =	wrdreg s16  }
0xb6: {  	[dreg:$0x4] =	wrdreg s24  }
0xb7: {  	[dreg:$0x5] =	wrdreg $0x68000  }
0xb8: {  	[dreg:$0x6] =	wrdreg $0x9  }
0xb9: {  	_ =	task.clear_ibuf [dreg:s8], $0x7FFFF;
	_ =	strace $0x90000046  }
0xba: {  	s29 =	simm.s32 $0x9;
	_ =	strace $0x80000048  }
0xbb: {  	_ =	swait.ge [sflag:s29], $0x1  }
0xbc: {  	[sflag:s29] =	ssyncadd.s32 $0xFFFFFFFF  }
0xbd: {  	_ =	strace $0x90000048  }
0xbe: {  	_ =	sfence  }
0xbf: {  	s30 =	sld [smem:$0x0];
	_ =	sdelay $0x2  }
0xc0: {  	s31 =	sshll.u32 s1, $0xD;
	s1 =	sshrl.u32 s1, $0x2  }
0xc1: {  	s3 =	sand.u32 $0x4000, s31;
	s1 =	sadd.s32 s1, s30  }
0xc2: {  	s0 =	sor.u32 s3, s0;
	s1 =	sshll.u32 s1, $0x11  }
0xc3: {  	s0 =	sor.u32 s1, s0  }
0xc4: {  	s0 =	sadd.s32 $0x8F2B, s0  }
0xc5: {  	[sflag:s0] =	ssyncadd.remote.s32 $0x1  }
0xc6: {  	_ =	sfence.sel $0xFFFF  }
0xc7: {  	[dreg:$0x0] =	wrdreg $0xFFFFFFFF;
	(pc) =	sbr.abs _section_cstart, $3  }
0xc8: {  	[dreg:$0x1] =	wrdreg $0xFFFFFFFF  }
0xc9: {  	_ =	task.clear_ibuf [dreg:s8], $0x2FFFF;
	_ =	strace $0x9FFFFFFF  }
0xca: {  	(tm) =	ssettm $0x7FFFFFFF  }
0xcb: {  	_ =	shalt  }
tec
execute0_lowered:
.L_overlay_start_1:
0x0: {  	(tag) =	ssettag $0x1  }
0x1: {  	s7 =	rddreg [dreg:$0x0]  }
0x2: {  	s1 =	rddreg [dreg:$0x1]  }
0x3: {  	s5 =	rddreg [dreg:$0x2];
	s0 =	stileid.u32  }
0x4: {  	s2 =	srdreg.scid;
	s3 =	rddreg [dreg:$0x3]  }
0x5: {  	s4 =	simm.s32 $0x0;
	s8 =	sand.u32 $0x1, s2;
	s2 =	rddreg [dreg:$0x4]  }
0x6: {  	s15 =	simm.s32 $0x0;
	s6 =	smul.u32 $0x13C00, s0;
	[smem:$0x7FF] =	sst s4  }
0x7: {  	s12 =	smul.u32 $0x4F000, s0;
	s13 =	sshll.u32 s0, $0x1;
	s30 =	sshll.u32 s0, $0x6  }
0x8: {  	s9 =	smul.u32 $0x13C000, s8;
	_ =	strace $0x80000047;
	s26 =	ssub.s32 $0x2, s8  }
0x9: {  	s28 =	sor.u32 s8, s13;
	s13 =	simm.s32 $0x80;
	s10 =	sshrl.u32 s6, $0x3  }
0xa: {  	s11 =	sshrl.u32 s26, $0x1;
	s29 =	sshrl.u32 s12, $0x2;
	s31 =	smul.u32 $0x500, s28  }
0xb: {  	s6 =	sadd.s32 s6, s9;
	s25 =	sadd.s32 s10, s5;
	s10 =	ssub.s32 s26, s11  }
0xc: {  	s12 =	sadd.s32 s29, s3;
	s11 =	simm.s32 $0x2;
	s6 =	sshrl.u32 s6, $0x3  }
0xd: {  	s7 =	sadd.s32 s7, s31;
	s9 =	smax.u32 s10, $0x1;
	s10 =	sshrl.u32 s12, $0x3  }
0xe: {  	s12 =	simm.s32 $0x2800;
	s14 =	sadd.s32 s6, s5;
	s5 =	sadd.s32 $0x4A00, s25  }
0xf: {  	s6 =	sor.u32 $0x1C02, s30;
	s8 =	sadd.s32 $0x2C200, s14;
	s14 =	simm.s32 $0x1  }
.LBB2_1:
0x10: {  	[spmem:s10], [sflag:s6] =	dma.local [hbm:s5], $0x2780  }
0x11: {  	_ =	swait.ge [sflag:s11], $0x2780  }
0x12: {  	[sflag:s11] =	ssyncset.done $0x0  }
0x13: {  	[sflag:s11] =	ssyncadd.s32 $0xFFFFD880  }
0x14: {  	[tilespmem:s4], [sflag:$0x2] =	stream.linear.gather [hbm4b:s7+s4], $0x2800, $0x38;
	[tilespmem:$0x1A400] =	vst v63  }
0x15: {  	_ =	swait.ge [sflag:s11], $0x2800  }
0x16: {  	[sflag:s11] =	ssyncset.done $0x0  }
0x17: {  	[sflag:s11] =	ssyncadd.s32 $0xFFFFD800  }
0x18: {  	[tilespmem:s12], [sflag:$0x2] =	stream.linear.gather [hbm4b:s1+s4], $0x4000, $0x38;
	[tilespmem:$0x1A400] =	vst v63  }
0x19: {  	_ =	swait.ge [sflag:s11], $0x4000  }
0x1a: {  	[sflag:s11] =	ssyncset.done $0x0  }
0x1b: {  	[sflag:s11] =	ssyncadd.s32 $0xFFFFC000  }
0x1c: {  	s16 =	simm.s32 $0x0;
	[bflag:$0x0] =	sbarrier.arrive $0xFFFF  }
0x1d: {  	[spmem:s3] =	stream.indirect.scatter.add.f32 [tilespmem:s12], [sflag:$0x1], $0x80, s16, s13, $0xb8;
	[tilespmem:$0x1A400] =	vst v63  }
0x1e: {  	s22 =	simm.s32 $0x80  }
0x1f: {  	[spmem:s3] =	stream.indirect.scatter.add.f32 [tilespmem:s12], [sflag:$0x1], $0x80, s22, s13, $0xb8;
	[tilespmem:$0x1A400] =	vst v63  }
0x20: {  	s23 =	simm.s32 $0x100  }
0x21: {  	[spmem:s3] =	stream.indirect.scatter.add.f32 [tilespmem:s12], [sflag:$0x1], $0x80, s23, s13, $0xb8;
	[tilespmem:$0x1A400] =	vst v63  }
0x22: {  	s24 =	simm.s32 $0x180  }
0x23: {  	[spmem:s3] =	stream.indirect.scatter.add.f32 [tilespmem:s12], [sflag:$0x1], $0x80, s24, s13, $0xb8;
	[tilespmem:$0x1A400] =	vst v63  }
0x24: {  	s25 =	simm.s32 $0x200  }
0x25: {  	[spmem:s3] =	stream.indirect.scatter.add.f32 [tilespmem:s12], [sflag:$0x1], $0x80, s25, s13, $0xb8;
	[tilespmem:$0x1A400] =	vst v63  }
0x26: {  	s26 =	simm.s32 $0x280  }
0x27: {  	[spmem:s3] =	stream.indirect.scatter.add.f32 [tilespmem:s12], [sflag:$0x1], $0x80, s26, s13, $0xb8;
	[tilespmem:$0x1A400] =	vst v63  }
0x28: {  	s28 =	simm.s32 $0x300  }
0x29: {  	[spmem:s3] =	stream.indirect.scatter.add.f32 [tilespmem:s12], [sflag:$0x1], $0x80, s28, s13, $0xb8;
	[tilespmem:$0x1A400] =	vst v63  }
0x2a: {  	s29 =	simm.s32 $0x380  }
0x2b: {  	[spmem:s3] =	stream.indirect.scatter.add.f32 [tilespmem:s12], [sflag:$0x1], $0x80, s29, s13, $0xb8;
	[tilespmem:$0x1A400] =	vst v63  }
0x2c: {  	s30 =	simm.s32 $0x400  }
0x2d: {  	[spmem:s3] =	stream.indirect.scatter.add.f32 [tilespmem:s12], [sflag:$0x1], $0x80, s30, s13, $0xb8;
	[tilespmem:$0x1A400] =	vst v63  }
0x2e: {  	s31 =	simm.s32 $0x480  }
0x2f: {  	[spmem:s3] =	stream.indirect.scatter.add.f32 [tilespmem:s12], [sflag:$0x1], $0x80, s31, s13, $0xb8;
	[tilespmem:$0x1A400] =	vst v63  }
0x30: {  	_ =	swait.ge [sflag:s14], $0x4000  }
0x31: {  	[sflag:s14] =	ssyncset.done $0x0  }
0x32: {  	[sflag:s14] =	ssyncadd.s32 $0xFFFFC000  }
0x33: {  	_ =	swait.ge [sflag:s14], $0x4000  }
0x34: {  	[sflag:s14] =	ssyncset.done $0x0  }
0x35: {  	[sflag:s14] =	ssyncadd.s32 $0xFFFFC000  }
0x36: {  	_ =	swait.ge [sflag:s14], $0x4000  }
0x37: {  	[sflag:s14] =	ssyncset.done $0x0  }
0x38: {  	[sflag:s14] =	ssyncadd.s32 $0xFFFFC000  }
0x39: {  	_ =	swait.ge [sflag:s14], $0x4000  }
0x3a: {  	[sflag:s14] =	ssyncset.done $0x0  }
0x3b: {  	[sflag:s14] =	ssyncadd.s32 $0xFFFFC000  }
0x3c: {  	_ =	swait.ge [sflag:s14], $0x4000  }
0x3d: {  	[sflag:s14] =	ssyncset.done $0x0  }
0x3e: {  	[sflag:s14] =	ssyncadd.s32 $0xFFFFC000  }
0x3f: {  	_ =	swait.ge [sflag:s14], $0x4000  }
0x40: {  	[sflag:s14] =	ssyncset.done $0x0  }
0x41: {  	[sflag:s14] =	ssyncadd.s32 $0xFFFFC000  }
0x42: {  	_ =	swait.ge [sflag:s14], $0x4000  }
0x43: {  	[sflag:s14] =	ssyncset.done $0x0  }
0x44: {  	[sflag:s14] =	ssyncadd.s32 $0xFFFFC000  }
0x45: {  	_ =	swait.ge [sflag:s14], $0x4000  }
0x46: {  	[sflag:s14] =	ssyncset.done $0x0  }
0x47: {  	[sflag:s14] =	ssyncadd.s32 $0xFFFFC000  }
0x48: {  	_ =	swait.ge [sflag:s14], $0x4000  }
0x49: {  	[sflag:s14] =	ssyncset.done $0x0  }
0x4a: {  	[sflag:s14] =	ssyncadd.s32 $0xFFFFC000  }
0x4b: {  	_ =	swait.ge [sflag:s14], $0x4000  }
0x4c: {  	s18 =	simm.s32 $0x2800;
	s16 =	simm.s32 $0x1400;
	[sflag:s14] =	ssyncset.done $0x0  }
.LBB2_2:
0x4d: {  	s19 =	sshra.s32 s16, $0x2  }
0x4e: {  	[sflag:s14] =	ssyncadd.s32 $0xFFFFC000;
	s16 =	smov.u32 s18;
	s17 =	sadd.s32 $0x1400, s18  }
0x4f: {  	[spmem:s3] =	stream.indirect.scatter.add.f32 [tilespmem:s12], [sflag:$0x1], $0x80, s19, s13, $0xb8;
	[tilespmem:$0x1A400] =	vst v63  }
0x50: {  	p0 =	sne.s32 s18, $0x8C00;
	s18 =	sadd.s32 $0x80, s19  }
0x51: {  	[spmem:s3] =	stream.indirect.scatter.add.f32 [tilespmem:s12], [sflag:$0x1], $0x80, s18, s13, $0xb8;
	[tilespmem:$0x1A400] =	vst v63  }
0x52: {  	s18 =	sadd.s32 $0x100, s19  }
0x53: {  	[spmem:s3] =	stream.indirect.scatter.add.f32 [tilespmem:s12], [sflag:$0x1], $0x80, s18, s13, $0xb8;
	[tilespmem:$0x1A400] =	vst v63  }
0x54: {  	s18 =	sadd.s32 $0x180, s19  }
0x55: {  	[spmem:s3] =	stream.indirect.scatter.add.f32 [tilespmem:s12], [sflag:$0x1], $0x80, s18, s13, $0xb8;
	[tilespmem:$0x1A400] =	vst v63  }
0x56: {  	s18 =	sadd.s32 $0x200, s19  }
0x57: {  	[spmem:s3] =	stream.indirect.scatter.add.f32 [tilespmem:s12], [sflag:$0x1], $0x80, s18, s13, $0xb8;
	[tilespmem:$0x1A400] =	vst v63  }
0x58: {  	s18 =	sadd.s32 $0x280, s19  }
0x59: {  	[spmem:s3] =	stream.indirect.scatter.add.f32 [tilespmem:s12], [sflag:$0x1], $0x80, s18, s13, $0xb8;
	[tilespmem:$0x1A400] =	vst v63  }
0x5a: {  	s18 =	sadd.s32 $0x300, s19  }
0x5b: {  	[spmem:s3] =	stream.indirect.scatter.add.f32 [tilespmem:s12], [sflag:$0x1], $0x80, s18, s13, $0xb8;
	[tilespmem:$0x1A400] =	vst v63  }
0x5c: {  	s18 =	sadd.s32 $0x380, s19  }
0x5d: {  	[spmem:s3] =	stream.indirect.scatter.add.f32 [tilespmem:s12], [sflag:$0x1], $0x80, s18, s13, $0xb8;
	[tilespmem:$0x1A400] =	vst v63  }
0x5e: {  	s18 =	sadd.s32 $0x400, s19  }
0x5f: {  	[spmem:s3] =	stream.indirect.scatter.add.f32 [tilespmem:s12], [sflag:$0x1], $0x80, s18, s13, $0xb8;
	[tilespmem:$0x1A400] =	vst v63  }
0x60: {  	s18 =	sadd.s32 $0x480, s19  }
0x61: {  	[spmem:s3] =	stream.indirect.scatter.add.f32 [tilespmem:s12], [sflag:$0x1], $0x80, s18, s13, $0xb8;
	[tilespmem:$0x1A400] =	vst v63  }
0x62: {  	_ =	swait.ge [sflag:s14], $0x4000  }
0x63: {  	[sflag:s14] =	ssyncset.done $0x0  }
0x64: {  	[sflag:s14] =	ssyncadd.s32 $0xFFFFC000  }
0x65: {  	_ =	swait.ge [sflag:s14], $0x4000  }
0x66: {  	[sflag:s14] =	ssyncset.done $0x0  }
0x67: {  	[sflag:s14] =	ssyncadd.s32 $0xFFFFC000  }
0x68: {  	_ =	swait.ge [sflag:s14], $0x4000  }
0x69: {  	[sflag:s14] =	ssyncset.done $0x0  }
0x6a: {  	[sflag:s14] =	ssyncadd.s32 $0xFFFFC000  }
0x6b: {  	_ =	swait.ge [sflag:s14], $0x4000  }
0x6c: {  	[sflag:s14] =	ssyncset.done $0x0  }
0x6d: {  	[sflag:s14] =	ssyncadd.s32 $0xFFFFC000  }
0x6e: {  	_ =	swait.ge [sflag:s14], $0x4000  }
0x6f: {  	[sflag:s14] =	ssyncset.done $0x0  }
0x70: {  	[sflag:s14] =	ssyncadd.s32 $0xFFFFC000  }
0x71: {  	_ =	swait.ge [sflag:s14], $0x4000  }
0x72: {  	[sflag:s14] =	ssyncset.done $0x0  }
0x73: {  	[sflag:s14] =	ssyncadd.s32 $0xFFFFC000  }
0x74: {  	_ =	swait.ge [sflag:s14], $0x4000  }
0x75: {  	[sflag:s14] =	ssyncset.done $0x0  }
0x76: {  	[sflag:s14] =	ssyncadd.s32 $0xFFFFC000  }
0x77: {  	_ =	swait.ge [sflag:s14], $0x4000  }
0x78: {  	[sflag:s14] =	ssyncset.done $0x0  }
0x79: {  	[sflag:s14] =	ssyncadd.s32 $0xFFFFC000  }
.Ltmp0:
0x7a: {  	_ =	swait.ge [sflag:s14], $0x4000;
	(pc) =	sbr.rel @p0 .LBB2_2-.Ltmp0, $4  }
0x7b: {  	[sflag:s14] =	ssyncset.done $0x0  }
0x7c: {  	[sflag:s14] =	ssyncadd.s32 $0xFFFFC000  }
0x7d: {  	_ =	swait.ge [sflag:s14], $0x4000  }
0x7e: {  	s18 =	smov.u32 s17;
	[sflag:s14] =	ssyncset.done $0x0  }
0x7f: {  	s16 =	sshra.s32 s16, $0x2;
	[sflag:s14] =	ssyncadd.s32 $0xFFFFC000  }
0x80: {  	[spmem:s3] =	stream.indirect.scatter.add.f32 [tilespmem:s12], [sflag:$0x1], $0x80, s16, s13, $0xb8;
	[tilespmem:$0x1A400] =	vst v63  }
0x81: {  	s17 =	sadd.s32 $0x80, s16  }
0x82: {  	[spmem:s3] =	stream.indirect.scatter.add.f32 [tilespmem:s12], [sflag:$0x1], $0x80, s17, s13, $0xb8;
	[tilespmem:$0x1A400] =	vst v63  }
0x83: {  	s24 =	sadd.s32 $0x100, s16  }
0x84: {  	[spmem:s3] =	stream.indirect.scatter.add.f32 [tilespmem:s12], [sflag:$0x1], $0x80, s24, s13, $0xb8;
	[tilespmem:$0x1A400] =	vst v63  }
0x85: {  	s25 =	sadd.s32 $0x180, s16  }
0x86: {  	[spmem:s3] =	stream.indirect.scatter.add.f32 [tilespmem:s12], [sflag:$0x1], $0x80, s25, s13, $0xb8;
	[tilespmem:$0x1A400] =	vst v63  }
0x87: {  	s26 =	sadd.s32 $0x200, s16  }
0x88: {  	[spmem:s3] =	stream.indirect.scatter.add.f32 [tilespmem:s12], [sflag:$0x1], $0x80, s26, s13, $0xb8;
	[tilespmem:$0x1A400] =	vst v63  }
0x89: {  	s28 =	sadd.s32 $0x280, s16  }
0x8a: {  	[spmem:s3] =	stream.indirect.scatter.add.f32 [tilespmem:s12], [sflag:$0x1], $0x80, s28, s13, $0xb8;
	[tilespmem:$0x1A400] =	vst v63  }
0x8b: {  	s29 =	sadd.s32 $0x300, s16  }
0x8c: {  	[spmem:s3] =	stream.indirect.scatter.add.f32 [tilespmem:s12], [sflag:$0x1], $0x80, s29, s13, $0xb8;
	[tilespmem:$0x1A400] =	vst v63  }
0x8d: {  	s30 =	sadd.s32 $0x380, s16  }
0x8e: {  	[spmem:s3] =	stream.indirect.scatter.add.f32 [tilespmem:s12], [sflag:$0x1], $0x80, s30, s13, $0xb8;
	[tilespmem:$0x1A400] =	vst v63  }
0x8f: {  	s31 =	sadd.s32 $0x400, s16  }
0x90: {  	[spmem:s3] =	stream.indirect.scatter.add.f32 [tilespmem:s12], [sflag:$0x1], $0x80, s31, s13, $0xb8;
	[tilespmem:$0x1A400] =	vst v63  }
0x91: {  	s16 =	sadd.s32 $0x480, s16  }
0x92: {  	[spmem:s3] =	stream.indirect.scatter.add.f32 [tilespmem:s12], [sflag:$0x1], $0x80, s16, s13, $0xb8;
	[tilespmem:$0x1A400] =	vst v63  }
0x93: {  	_ =	swait.ge [sflag:s14], $0x4000  }
0x94: {  	[sflag:s14] =	ssyncset.done $0x0  }
0x95: {  	[sflag:s14] =	ssyncadd.s32 $0xFFFFC000  }
0x96: {  	_ =	swait.ge [sflag:s14], $0x4000  }
0x97: {  	[sflag:s14] =	ssyncset.done $0x0  }
0x98: {  	[sflag:s14] =	ssyncadd.s32 $0xFFFFC000  }
0x99: {  	_ =	swait.ge [sflag:s14], $0x4000  }
0x9a: {  	[sflag:s14] =	ssyncset.done $0x0  }
0x9b: {  	[sflag:s14] =	ssyncadd.s32 $0xFFFFC000  }
0x9c: {  	_ =	swait.ge [sflag:s14], $0x4000  }
0x9d: {  	[sflag:s14] =	ssyncset.done $0x0  }
0x9e: {  	[sflag:s14] =	ssyncadd.s32 $0xFFFFC000  }
0x9f: {  	_ =	swait.ge [sflag:s14], $0x4000  }
0xa0: {  	[sflag:s14] =	ssyncset.done $0x0  }
0xa1: {  	[sflag:s14] =	ssyncadd.s32 $0xFFFFC000  }
0xa2: {  	_ =	swait.ge [sflag:s14], $0x4000  }
0xa3: {  	[sflag:s14] =	ssyncset.done $0x0  }
0xa4: {  	[sflag:s14] =	ssyncadd.s32 $0xFFFFC000  }
0xa5: {  	_ =	swait.ge [sflag:s14], $0x4000  }
0xa6: {  	[sflag:s14] =	ssyncset.done $0x0  }
0xa7: {  	[sflag:s14] =	ssyncadd.s32 $0xFFFFC000  }
0xa8: {  	_ =	swait.ge [sflag:s14], $0x4000  }
0xa9: {  	[sflag:s14] =	ssyncset.done $0x0  }
0xaa: {  	[sflag:s14] =	ssyncadd.s32 $0xFFFFC000  }
0xab: {  	_ =	swait.ge [sflag:s14], $0x4000  }
0xac: {  	[sflag:s14] =	ssyncset.done $0x0  }
0xad: {  	[sflag:s14] =	ssyncadd.s32 $0xFFFFC000  }
0xae: {  	_ =	swait.ge [sflag:s14], $0x4000  }
0xaf: {  	s15 =	sadd.s32 $0x1, s15;
	[sflag:s14] =	ssyncset.done $0x0  }
0xb0: {  	p0 =	sne.s32 s15, s9;
	[sflag:s14] =	ssyncadd.s32 $0xFFFFC000  }
.Ltmp1:
0xb1: {  	[bflag:$0x0] =	sbarrier.arrive $0xFFFF;
	(pc) =	sbr.rel @p0 .LBB2_1-.Ltmp1, $4  }
0xb2: {  	[hbm:s8], [sflag:s6] =	dma.local [spmem:s10], $0x2780  }
0xb3: {  	_ =	swait.ge [sflag:s11], $0x2780  }
0xb4: {  	[sflag:s11] =	ssyncset.done $0x0  }
0xb5: {  	[sflag:s11] =	ssyncadd.s32 $0xFFFFD880  }
0xb6: {  	_ =	sfence.sel $0x180000  }
0xb7: {  	[bflag:$0x0] =	sbarrier.arrive $0xFFFF  }
0xb8: {  	p0 =	sne.s32 s0, $0x0;
	_ =	strace $0x90000047  }
0xb9: {  	s0 =	sadd.s32 @!p0 $0x100000, s2;
	[bflag:$0x2] =	sbarrier.arrive $0xFFFF  }
0xba: {  	[sflag:s0] =	ssyncadd.tile.s32 @!p0 $0x1;
	_ =	shalt  }
.Lfunc_end2:
_tile_overlayer_lowered:
.L_overlay_start_2:
0xbb: {  	(tag) =	ssettag $0x2  }
0xbc: {  	s0 =	rddreg [dreg:$0x0];
	s2 =	stileid.u32  }
0xbd: {  	s1 =	rddreg [dreg:$0x1];
	p0 =	sne.s32 s2, $0x0  }
0xbe: {  	s3 =	rddreg [dreg:$0x2];
	[bflag:$0x3] =	sbarrier.arrive $0xFFFF;
	s2 =	simm.s32 @!p0 $0x1C02  }
0xbf: {  	[timem:s3], [sflag:s2] =	dma.local @!p0 [hbm:s0], s1  }
0xc0: {  	s0 =	simm.s32 @!p0 $0x2  }
0xc1: {  	_ =	swait.ge @!p0 [sflag:s0], s1  }
0xc2: {  	s1 =	ssub.s32 @!p0 $0x0, s1;
	[sflag:s0] =	ssyncset.done @!p0 $0x0  }
0xc3: {  	[sflag:s0] =	ssyncadd.s32 @!p0 s1  }
0xc4: {  	[bflag:$0x3] =	sbarrier.arrive $0xFFFF  }
0xc5: {  	_ =	shalt  }

// kernel: kernel.13.cloned.1.call-start
scs
__scs_entry_jumppad:
0x0: {  	(pc) =	sbr.rel $0x88, $3  }
0x1: {  	(tag) =	ssettag $0x0;
	lr =	simm.s32 $0x1  }
0x2: {  	[smem:$0x3F93] =	sst lr;
	_ =	strace $0xD0000000  }
0x3: {  	_ = 	snop  }
0x4: {  	_ = 	snop  }
0x5: {  	_ = 	snop  }
0x6: {  	_ = 	snop  }
0x7: {  	_ = 	snop  }
__scs_overlays_trampoline_lowered:
0x8: {  	[smem:$0x3FA2] =	sst s0  }
0x9: {  	[smem:$0x3FA3] =	sst s1  }
0xa: {  	[smem:$0x3FA4] =	sst s2  }
0xb: {  	[smem:$0x3FA5] =	sst s3  }
0xc: {  	[smem:$0x3FA6] =	sst s4  }
0xd: {  	[smem:$0x3FA7] =	sst s5  }
0xe: {  	[smem:$0x3FA8] =	sst s6  }
0xf: {  	[smem:$0x3FA9] =	sst s7  }
0x10: {  	[smem:$0x3FAA] =	sst s8  }
0x11: {  	[smem:$0x3FAB] =	sst s9;
	s0 =	simm.s32 @!p0 $0x0  }
0x12: {  	s1 =	sld [smem:$0x3F91];
	s0 =	simm.s32 @p0 $0x1  }
0x13: {  	[smem:$0x3FAC] =	sst s0;
	s0 =	simm.s32 @!p1 $0x0  }
0x14: {  	s2 =	sld [smem:$0x3F90];
	s0 =	simm.s32 @p1 $0x1  }
0x15: {  	[smem:$0x3FAD] =	sst s0;
	s0 =	simm.s32 @!p2 $0x0  }
0x16: {  	s3 =	sld [smem:$0x3FDB];
	s0 =	simm.s32 @p2 $0x1  }
0x17: {  	s4 =	simm.s32 $0x1BF5;
	[smem:$0x3FAF] =	sst s0  }
0x18: {  	s0 =	sld [smem:$0x3F92];
	_ =	swait.ge [sflag:s4], $0x0  }
0x19: {  	s7 =	sld [smem:$0x3F93]  }
0x1a: {  	s8 =	sadd.s32 $0xFFFFE003, lr  }
0x1b: {  	s9 =	sadd.s32 $0xFFFFFEF7, lr;
	s5 =	simm.s32 $0xFFFFFFFF;
	p2 =	slt.u32 s8, $0xFFFFF086  }
0x1c: {  	p1 =	slt.u32 s9, $0xF7A;
	s5 =	simm.s32 @!p2 $0x0  }
0x1d: {  	s5 =	simm.s32 @p1 $0x1;
	p0 =	seq.s32 s7, s2  }
0x1e: {  	s7 =	smul.u32 @!p0 $0xF7A, s2;
	p2 =	seq.s32 @!p0 s5, $0x0  }
0x1f: {  	s9 =	smul.u32 $0xF7A, s1;
	s8 =	simm.s32 @!p0 $0x1BF5;
	p2 =	por !p2, p0  }
0x20: {  	[sflag:s8] =	ssyncset.s32 @!p0 $0xFFFFF086;
	s6 =	sadd.s32 @!p0 s3, s7;
	s7 =	simm.s32 @!p0 $0x108  }
0x21: {  	s3 =	sadd.s32 s3, s9;
	s6 =	sadd.s32 @!p0 $0x88, s6;
	s7 =	simm.s32 @p2 $0x1082  }
0x22: {  	[simem:s7], [sflag:s8] =	dma.local @!p0 [hbm:s6], $0xF7A  }
0x23: {  	s9 =	sor.u32 $0xD0000000, s2;
	s6 =	simm.s32 $0x108;
	_ =	swait.ge @!p0 [sflag:s8], $0x0  }
0x24: {  	s3 =	sadd.s32 $0x88, s3;
	s6 =	simm.s32 @!p1 $0x1082;
	[sflag:s4] =	ssyncset.s32 $0xFFFFF086  }
0x25: {  	[simem:s6], [sflag:s4] =	dma.local [hbm:s3], $0xF7A  }
0x26: {  	[smem:$0x3F93] =	sst s1;
	(tag) =	ssettag s2;
	_ =	strace s9  }
0x27: {  	s1 =	sld [smem:$0x3FA3]  }
0x28: {  	s2 =	sld [smem:$0x3FA4]  }
0x29: {  	s4 =	sld [smem:$0x3FA6]  }
0x2a: {  	p0 =	seq.s32 s5, $0x0;
	s5 =	sld [smem:$0x3FA7]  }
0x2b: {  	s6 =	sld [smem:$0x3FA8]  }
0x2c: {  	s7 =	sld [smem:$0x3FA9]  }
0x2d: {  	s3 =	simm.s32 $0x108;
	s8 =	sld [smem:$0x3FAA]  }
0x2e: {  	s3 =	simm.s32 @!p0 $0x1082;
	s9 =	sld [smem:$0x3FAB]  }
0x2f: {  	lr =	sadd.s32 s0, s3;
	s0 =	sld [smem:$0x3FA2]  }
0x30: {  	s3 =	sld [smem:$0x3FA5]  }
0x31: {  	[smem:$0x3FAE] =	sst s10  }
0x32: {  	s10 =	sld [smem:$0x3FAC];
	_ =	sdelay $0x3  }
0x33: {  	p0 =	seq.s32 s10, $0x1;
	s10 =	sld [smem:$0x3FAE];
	_ =	sdelay $0x3  }
0x34: {  	[smem:$0x3FAE] =	sst s10  }
0x35: {  	s10 =	sld [smem:$0x3FAD];
	_ =	sdelay $0x3  }
0x36: {  	p1 =	seq.s32 s10, $0x1;
	s10 =	sld [smem:$0x3FAE];
	_ =	sdelay $0x3  }
0x37: {  	[smem:$0x3FAE] =	sst s10  }
0x38: {  	s10 =	sld [smem:$0x3FAF]  }
0x39: {  	_ = 	snop;
	(pc) =	sbr.ind lr, $3  }
0x3a: {  	_ = 	snop  }
0x3b: {  	_ = 	snop  }
0x3c: {  	p2 =	seq.s32 s10, $0x1;
	s10 =	sld [smem:$0x3FAE]  }
0x3d: {  	_ =	shalt  }
0x3e: {  	_ =	shalt  }
0x3f: {  	_ =	shalt  }
0x40: {  	_ =	shalt  }
0x41: {  	_ =	shalt  }
0x42: {  	_ =	shalt  }
0x43: {  	_ =	shalt  }
0x44: {  	_ =	shalt  }
0x45: {  	_ =	shalt  }
0x46: {  	_ =	shalt  }
0x47: {  	_ =	shalt  }
0x48: {  	_ =	shalt  }
0x49: {  	_ =	shalt  }
0x4a: {  	_ =	shalt  }
0x4b: {  	_ =	shalt  }
0x4c: {  	_ =	shalt  }
0x4d: {  	_ =	shalt  }
0x4e: {  	_ =	shalt  }
0x4f: {  	_ =	shalt  }
0x50: {  	_ =	shalt  }
0x51: {  	_ =	shalt  }
0x52: {  	_ =	shalt  }
0x53: {  	_ =	shalt  }
0x54: {  	_ =	shalt  }
0x55: {  	_ =	shalt  }
0x56: {  	_ =	shalt  }
0x57: {  	_ =	shalt  }
0x58: {  	_ =	shalt  }
0x59: {  	_ =	shalt  }
0x5a: {  	_ =	shalt  }
0x5b: {  	_ =	shalt  }
0x5c: {  	_ =	shalt  }
0x5d: {  	_ =	shalt  }
0x5e: {  	_ =	shalt  }
0x5f: {  	_ =	shalt  }
0x60: {  	_ =	shalt  }
0x61: {  	_ =	shalt  }
0x62: {  	_ =	shalt  }
0x63: {  	_ =	shalt  }
0x64: {  	_ =	shalt  }
0x65: {  	_ =	shalt  }
0x66: {  	_ =	shalt  }
0x67: {  	_ =	shalt  }
0x68: {  	_ =	shalt  }
0x69: {  	_ =	shalt  }
0x6a: {  	_ =	shalt  }
0x6b: {  	_ =	shalt  }
0x6c: {  	_ =	shalt  }
0x6d: {  	_ =	shalt  }
0x6e: {  	_ =	shalt  }
0x6f: {  	_ =	shalt  }
0x70: {  	_ =	shalt  }
0x71: {  	_ =	shalt  }
0x72: {  	_ =	shalt  }
0x73: {  	_ =	shalt  }
0x74: {  	_ =	shalt  }
0x75: {  	_ =	shalt  }
0x76: {  	_ =	shalt  }
0x77: {  	_ =	shalt  }
0x78: {  	_ =	shalt  }
0x79: {  	_ =	shalt  }
0x7a: {  	_ =	shalt  }
0x7b: {  	_ =	shalt  }
0x7c: {  	_ =	shalt  }
0x7d: {  	_ =	shalt  }
0x7e: {  	_ =	shalt  }
0x7f: {  	_ =	shalt  }
0x80: {  	_ =	shalt  }
0x81: {  	_ =	shalt  }
0x82: {  	_ =	shalt  }
0x83: {  	_ =	shalt  }
0x84: {  	_ =	shalt  }
0x85: {  	_ =	shalt  }
0x86: {  	_ =	shalt  }
0x87: {  	_ =	shalt  }
.Lfunc_end0:
.L_simem_size_0:
called_computation.1_lowered:
.L_overlay_start_0:
0x88: {  	s2 =	sld [smem:$0x3FD9]  }
0x89: {  	s3 =	sld [smem:$0x3FFE];
	_ =	sdelay $0x1  }
0x8a: {  	s1 =	srdreg.scid  }
0x8b: {  	s0 =	sand.u32 $0x1, s1  }
0x8c: {  	s14 =	sshll.u32 s0, $0xA;
	s2 =	sadd.s32 s3, s2  }
0x8d: {  	s2 =	sadd.s32 s2, s14  }
0x8e: {  	[smem:$0x3FBA] =	sst s2  }
0x8f: {  	_ = 	snop  }
0x90: {  	s2 =	sld [smem:$0x3FD0];
	_ =	sdelay $0x2  }
0x91: {  	s15 =	simm.s32 $0xA;
	s4 =	simm.s32 $0x10  }
0x92: {  	[smem:s4], [sflag:s15] =	dma.local [hbm:s2], $0x1  }
0x93: {  	_ =	swait.eq [sflag:s15], $0x1  }
0x94: {  	[sflag:s15] =	ssyncset.done $0x0  }
0x95: {  	s16 =	sld [smem:$0x11];
	[sflag:s15] =	ssyncadd.s32 $0xFFFFFFFF  }
0x96: {  	s17 =	sld [smem:$0x12];
	(tm) =	ssettm $0x1  }
0x97: {  	s18 =	sld [smem:$0x3FFB];
	_ =	sdelay $0x3  }
0x98: {  	_ =	strace s18  }
0x99: {  	s4 =	sld [smem:$0x3FFC];
	_ =	sdelay $0x3  }
0x9a: {  	_ =	strace s4  }
0x9b: {  	s4 =	sld [smem:$0x3FFD];
	_ =	sdelay $0x3  }
0x9c: {  	_ =	strace s4  }
0x9d: {  	_ =	strace $0x8FFFFFFF  }
0x9e: {  	s19 =	sld [smem:$0x3FDB];
	_ =	sdelay $0x1  }
0x9f: {  	s5 =	simm.s32 $_scs_section_size  }
0xa0: {  	s6 =	simm.s32 $_size__tile_overlayer_lowered;
	s7 =	simm.s32 $_tile_overlayer_lowered  }
0xa1: {  	s22 =	simm.s32 $0x1BFF;
	s21 =	sshll.u32 s7, $0x1;
	s4 =	sadd.s32 s5, s19  }
0xa2: {  	s8 =	simm.s32 $0x0;
	s20 =	sshll.u32 s6, $0x1;
	s6 =	sadd.s32 s21, s4  }
0xa3: {  	[timem:s8], [sflag:s22] =	dma.local [hbm:s6], s20  }
0xa4: {  	_ =	swait.ge [sflag:s22], s20  }
0xa5: {  	s5 =	ssub.s32 $0x0, s20;
	[sflag:s22] =	ssyncset.done $0x0  }
0xa6: {  	[sflag:s22] =	ssyncadd.s32 s5;
	_ =	sdelay $0x1  }
0xa7: {  	s23 =	simm.s32 $0x1B8B  }
0xa8: {  	_ =	swait.ge [sflag:s23], $0x1  }
0xa9: {  	[sflag:s23] =	ssyncset.done $0x0  }
0xaa: {  	s25 =	simm.s32 $0x1B8E;
	s24 =	sld [smem:$0x3FFE];
	[sflag:s23] =	ssyncadd.s32 $0xFFFFFFFF  }
0xab: {  	s26 =	simm.s32 $execute0_lowered;
	[smem:$0x3FD2] =	sst s25  }
0xac: {  	s6 =	sshll.u32 s26, $0x1;
	_ =	strace $0x80000049;
	[dreg:$0x1] =	wrdreg $0xFFFFFFFF  }
0xad: {  	s28 =	simm.s32 $_size_execute0_lowered;
	s4 =	sadd.s32 s4, s6;
	[dreg:$0x0] =	wrdreg $0x0  }
0xae: {  	s6 =	sshll.u32 s28, $0x1;
	[dreg:$0x2] =	wrdreg s4  }
0xaf: {  	[dreg:$0x3] =	wrdreg s6  }
0xb0: {  	[dreg:$0x4] =	wrdreg $0xC0  }
0xb1: {  	_ =	task [dreg:s8], $0x5FFFF  }
0xb2: {  	[dreg:$0x1] =	wrdreg $0xFFFFFFFF  }
0xb3: {  	[dreg:$0x0] =	wrdreg $0x60  }
0xb4: {  	[dreg:$0x2] =	wrdreg s24  }
0xb5: {  	[dreg:$0x3] =	wrdreg s16  }
0xb6: {  	[dreg:$0x4] =	wrdreg s17  }
0xb7: {  	[dreg:$0x5] =	wrdreg $0xA8000  }
0xb8: {  	[dreg:$0x6] =	wrdreg $0x9  }
0xb9: {  	_ =	task.clear_ibuf [dreg:s8], $0x7FFFF;
	_ =	strace $0x90000049  }
0xba: {  	s29 =	simm.s32 $0x9;
	_ =	strace $0x8000004B  }
0xbb: {  	_ =	swait.ge [sflag:s29], $0x1  }
0xbc: {  	[sflag:s29] =	ssyncadd.s32 $0xFFFFFFFF  }
0xbd: {  	_ =	strace $0x9000004B  }
0xbe: {  	_ =	sfence  }
0xbf: {  	s30 =	sld [smem:$0x0];
	_ =	sdelay $0x2  }
0xc0: {  	s31 =	sshll.u32 s1, $0xD;
	s1 =	sshrl.u32 s1, $0x2  }
0xc1: {  	s3 =	sand.u32 $0x4000, s31;
	s1 =	sadd.s32 s1, s30  }
0xc2: {  	s0 =	sor.u32 s3, s0;
	s1 =	sshll.u32 s1, $0x11  }
0xc3: {  	s0 =	sor.u32 s1, s0  }
0xc4: {  	s0 =	sadd.s32 $0x8F2B, s0  }
0xc5: {  	[sflag:s0] =	ssyncadd.remote.s32 $0x1  }
0xc6: {  	_ =	sfence.sel $0xFFFF  }
0xc7: {  	[dreg:$0x0] =	wrdreg $0xFFFFFFFF;
	(pc) =	sbr.abs _section_cstart, $3  }
0xc8: {  	[dreg:$0x1] =	wrdreg $0xFFFFFFFF  }
0xc9: {  	_ =	task.clear_ibuf [dreg:s8], $0x2FFFF;
	_ =	strace $0x9FFFFFFF  }
0xca: {  	(tm) =	ssettm $0x7FFFFFFF  }
0xcb: {  	_ =	shalt  }
tec
execute0_lowered:
.L_overlay_start_1:
0x0: {  	(tag) =	ssettag $0x1  }
0x1: {  	s0 =	rddreg [dreg:$0x0]  }
0x2: {  	s9 =	rddreg [dreg:$0x1]  }
0x3: {  	s10 =	rddreg [dreg:$0x2]  }
0x4: {  	s2 =	rddreg [dreg:$0x3]  }
0x5: {  	s1 =	stileid.u32;
	s4 =	srdreg.scid;
	s3 =	simm.s32 $0x0  }
0x6: {  	s15 =	simm.s32 $0x1400;
	s16 =	simm.s32 $0x80;
	s17 =	simm.s32 $0x2800  }
0x7: {  	s18 =	simm.s32 $0x6800;
	s19 =	simm.s32 $0x1;
	s20 =	simm.s32 $0x2  }
0x8: {  	s21 =	simm.s32 $0x3;
	s22 =	simm.s32 $0x4;
	s28 =	simm.s32 $0x2700  }
0x9: {  	s29 =	simm.s32 $0x2780;
	s30 =	simm.s32 $0x0;
	s5 =	smul.u32 $0x13C00, s1  }
0xa: {  	s6 =	sand.u32 $0x1, s4;
	[smem:$0x7FF] =	sst s3;
	s4 =	sadd.s32 $0x2C200, s0  }
0xb: {  	s23 =	smul.u32 $0x4F000, s1;
	s11 =	sshll.u32 s1, $0x1;
	s26 =	sshll.u32 s1, $0x6  }
0xc: {  	s7 =	smul.u32 $0x13C000, s6;
	_ =	strace $0x8000004A;
	s24 =	ssub.s32 $0x2, s6  }
0xd: {  	s6 =	sor.u32 s6, s11;
	s8 =	sshrl.u32 s5, $0x3;
	s25 =	sshrl.u32 s24, $0x1  }
0xe: {  	s12 =	smul.u32 $0x2800, s6;
	s6 =	sor.u32 $0x1C05, s26;
	s26 =	simm.s32 $0x1380  }
0xf: {  	s8 =	sadd.s32 s8, s0;
	s5 =	sadd.s32 s5, s7;
	s7 =	sshrl.u32 s23, $0x2  }
0x10: {  	s13 =	ssub.s32 s24, s25;
	s23 =	simm.s32 $0x2600;
	s24 =	simm.s32 $0x2680  }
0x11: {  	s25 =	simm.s32 $0x1300;
	s5 =	sshrl.u32 s5, $0x3;
	s14 =	sadd.s32 s7, s2  }
0x12: {  	s31 =	sshrl.u32 s12, $0x3;
	s12 =	smax.u32 s13, $0x1;
	s0 =	sadd.s32 s5, s0  }
0x13: {  	s5 =	sadd.s32 $0x4A00, s8;
	s7 =	sadd.s32 s9, s31;
	s8 =	sadd.s32 s10, s31  }
0x14: {  	s11 =	sadd.s32 $0x280, s31;
	s13 =	sshrl.u32 s14, $0x3;
	s14 =	simm.s32 $0x5  }
0x15: {  	s9 =	sadd.s32 s9, s11;
	s10 =	sadd.s32 s10, s11;
	s11 =	sadd.s32 $0x7A600, s0  }
.LBB2_1:
0x16: {  	[spmem:s13], [sflag:s6] =	dma.local [hbm:s5], $0x2780  }
0x17: {  	_ =	swait.ge [sflag:s14], $0x2780  }
0x18: {  	[sflag:s14] =	ssyncset.done $0x0  }
0x19: {  	[sflag:s14] =	ssyncadd.s32 $0xFFFFD880  }
0x1a: {  	[bflag:$0x0] =	sbarrier.arrive $0xFFFF  }
0x1b: {  	[tilespmem:s3], [sflag:$0x5] =	stream.linear.gather [hbm4b:s7+s3], $0x1400, $0x38;
	[tilespmem:$0x1E400] =	vst v63  }
0x1c: {  	_ =	swait.ge [sflag:s14], $0x1400  }
0x1d: {  	[sflag:s14] =	ssyncset.done $0x0  }
0x1e: {  	[sflag:s14] =	ssyncadd.s32 $0xFFFFEC00  }
0x1f: {  	[tilespmem:s15], [sflag:$0x5] =	stream.linear.gather [hbm4b:s8+s3], $0x1400, $0x38;
	[tilespmem:$0x1E400] =	vst v63  }
0x20: {  	_ =	swait.ge [sflag:s14], $0x1400  }
0x21: {  	[sflag:s14] =	ssyncset.done $0x0  }
0x22: {  	[sflag:s14] =	ssyncadd.s32 $0xFFFFEC00  }
0x23: {  	[tilespmem:s17], [sflag:$0x1] =	stream.indirect.gather [hbm4b:s4+s16], $0x80, s3, s16, $0xb8;
	[tilespmem:$0x1E400] =	vst v63  }
0x24: {  	_ = 	snop  }
0x25: {  	[tilespmem:s18], [sflag:$0x2] =	stream.indirect.gather [hbm4b:s4+s16], $0x80, s16, s16, $0xb8;
	[tilespmem:$0x1E400] =	vst v63  }
0x26: {  	_ =	swait.ge [sflag:s19], $0x4000  }
0x27: {  	[sflag:s19] =	ssyncset.done $0x0  }
0x28: {  	s0 =	simm.s32 $0x1400;
	[sflag:s19] =	ssyncadd.s32 $0xFFFFC000  }
0x29: {  	[spmem:s2] =	stream.indirect.scatter.add.f32 [tilespmem:s17], [sflag:$0x3], $0x80, s0, s16, $0xb8;
	[tilespmem:$0x1E400] =	vst v63  }
0x2a: {  	_ =	swait.ge [sflag:s20], $0x4000  }
0x2b: {  	[sflag:s20] =	ssyncset.done $0x0  }
0x2c: {  	s1 =	simm.s32 $0x1480;
	[sflag:s20] =	ssyncadd.s32 $0xFFFFC000  }
0x2d: {  	[spmem:s2] =	stream.indirect.scatter.add.f32 [tilespmem:s18], [sflag:$0x4], $0x80, s1, s16, $0xb8;
	[tilespmem:$0x1E400] =	vst v63  }
0x2e: {  	_ =	swait.ge [sflag:s21], $0x4000  }
0x2f: {  	[sflag:s21] =	ssyncset.done $0x0  }
0x30: {  	s1 =	simm.s32 $0x100;
	[sflag:s21] =	ssyncadd.s32 $0xFFFFC000  }
0x31: {  	[tilespmem:s17], [sflag:$0x1] =	stream.indirect.gather [hbm4b:s4+s16], $0x80, s1, s16, $0xb8;
	[tilespmem:$0x1E400] =	vst v63  }
0x32: {  	_ =	swait.ge [sflag:s22], $0x4000  }
0x33: {  	[sflag:s22] =	ssyncset.done $0x0  }
0x34: {  	s31 =	simm.s32 $0x400;
	s0 =	simm.s32 $0x180;
	[sflag:s22] =	ssyncadd.s32 $0xFFFFC000  }
.LBB2_2:
0x35: {  	[tilespmem:s18], [sflag:$0x2] =	stream.indirect.gather [hbm4b:s4+s16], $0x80, s0, s16, $0xb8;
	[tilespmem:$0x1E400] =	vst v63  }
0x36: {  	s0 =	smov.u32 s31  }
0x37: {  	p0 =	sne.s32 s31, $0x4400;
	s31 =	sadd.s32 $0x400, s31;
	_ =	swait.ge [sflag:s19], $0x4000  }
0x38: {  	s0 =	sshra.s32 s0, $0x2;
	[sflag:s19] =	ssyncset.done $0x0  }
0x39: {  	s1 =	sadd.s32 $0x1400, s0;
	[sflag:s19] =	ssyncadd.s32 $0xFFFFC000  }
0x3a: {  	[spmem:s2] =	stream.indirect.scatter.add.f32 [tilespmem:s17], [sflag:$0x3], $0x80, s1, s16, $0xb8;
	[tilespmem:$0x1E400] =	vst v63  }
0x3b: {  	_ =	swait.ge [sflag:s20], $0x4000  }
0x3c: {  	[sflag:s20] =	ssyncset.done $0x0  }
0x3d: {  	s1 =	sadd.s32 $0x1480, s0;
	[sflag:s20] =	ssyncadd.s32 $0xFFFFC000  }
0x3e: {  	[spmem:s2] =	stream.indirect.scatter.add.f32 [tilespmem:s18], [sflag:$0x4], $0x80, s1, s16, $0xb8;
	[tilespmem:$0x1E400] =	vst v63  }
0x3f: {  	_ =	swait.ge [sflag:s21], $0x4000  }
0x40: {  	[sflag:s21] =	ssyncset.done $0x0  }
.Ltmp0:
0x41: {  	s1 =	sadd.s32 $0x100, s0;
	[sflag:s21] =	ssyncadd.s32 $0xFFFFC000;
	(pc) =	sbr.rel @p0 .LBB2_2-.Ltmp0, $4  }
0x42: {  	[tilespmem:s17], [sflag:$0x1] =	stream.indirect.gather [hbm4b:s4+s16], $0x80, s1, s16, $0xb8;
	[tilespmem:$0x1E400] =	vst v63  }
0x43: {  	_ =	swait.ge [sflag:s22], $0x4000  }
0x44: {  	[sflag:s22] =	ssyncset.done $0x0  }
0x45: {  	s0 =	sadd.s32 $0x180, s0;
	[sflag:s22] =	ssyncadd.s32 $0xFFFFC000  }
0x46: {  	[tilespmem:s18], [sflag:$0x2] =	stream.indirect.gather [hbm4b:s4+s16], $0x80, s0, s16, $0xb8;
	[tilespmem:$0x1E400] =	vst v63  }
0x47: {  	_ =	swait.ge [sflag:s19], $0x4000  }
0x48: {  	[sflag:s19] =	ssyncset.done $0x0  }
0x49: {  	[sflag:s19] =	ssyncadd.s32 $0xFFFFC000  }
0x4a: {  	[spmem:s2] =	stream.indirect.scatter.add.f32 [tilespmem:s17], [sflag:$0x3], $0x80, s23, s16, $0xb8;
	[tilespmem:$0x1E400] =	vst v63  }
0x4b: {  	_ =	swait.ge [sflag:s20], $0x4000  }
0x4c: {  	[sflag:s20] =	ssyncset.done $0x0  }
0x4d: {  	[sflag:s20] =	ssyncadd.s32 $0xFFFFC000  }
0x4e: {  	[spmem:s2] =	stream.indirect.scatter.add.f32 [tilespmem:s18], [sflag:$0x4], $0x80, s24, s16, $0xb8;
	[tilespmem:$0x1E400] =	vst v63  }
0x4f: {  	_ =	swait.ge [sflag:s21], $0x4000  }
0x50: {  	[sflag:s21] =	ssyncset.done $0x0  }
0x51: {  	[sflag:s21] =	ssyncadd.s32 $0xFFFFC000  }
0x52: {  	[tilespmem:s17], [sflag:$0x1] =	stream.indirect.gather [hbm4b:s4+s16], $0x80, s25, s16, $0xb8;
	[tilespmem:$0x1E400] =	vst v63  }
0x53: {  	_ =	swait.ge [sflag:s22], $0x4000  }
0x54: {  	[sflag:s22] =	ssyncset.done $0x0  }
0x55: {  	[sflag:s22] =	ssyncadd.s32 $0xFFFFC000  }
0x56: {  	[tilespmem:s18], [sflag:$0x2] =	stream.indirect.gather [hbm4b:s4+s16], $0x80, s26, s16, $0xb8;
	[tilespmem:$0x1E400] =	vst v63  }
0x57: {  	_ =	swait.ge [sflag:s19], $0x4000  }
0x58: {  	[sflag:s19] =	ssyncset.done $0x0  }
0x59: {  	[sflag:s19] =	ssyncadd.s32 $0xFFFFC000  }
0x5a: {  	[spmem:s2] =	stream.indirect.scatter.add.f32 [tilespmem:s17], [sflag:$0x3], $0x80, s28, s16, $0xb8;
	[tilespmem:$0x1E400] =	vst v63  }
0x5b: {  	_ =	swait.ge [sflag:s20], $0x4000  }
0x5c: {  	[sflag:s20] =	ssyncset.done $0x0  }
0x5d: {  	[sflag:s20] =	ssyncadd.s32 $0xFFFFC000  }
0x5e: {  	[spmem:s2] =	stream.indirect.scatter.add.f32 [tilespmem:s18], [sflag:$0x4], $0x80, s29, s16, $0xb8;
	[tilespmem:$0x1E400] =	vst v63  }
0x5f: {  	_ =	swait.ge [sflag:s21], $0x4000  }
0x60: {  	[sflag:s21] =	ssyncset.done $0x0  }
0x61: {  	[sflag:s21] =	ssyncadd.s32 $0xFFFFC000  }
0x62: {  	[tilespmem:s17], [sflag:$0x1] =	stream.indirect.gather [hbm4b:s4+s16], $0x80, s26, s16, $0xb8;
	[tilespmem:$0x1E400] =	vst v63  }
0x63: {  	_ =	swait.ge [sflag:s22], $0x4000  }
0x64: {  	[sflag:s22] =	ssyncset.done $0x0  }
0x65: {  	[sflag:s22] =	ssyncadd.s32 $0xFFFFC000  }
0x66: {  	[tilespmem:s18], [sflag:$0x2] =	stream.indirect.gather [hbm4b:s4+s16], $0x80, s26, s16, $0xb8;
	[tilespmem:$0x1E400] =	vst v63  }
0x67: {  	_ =	swait.ge [sflag:s19], $0x4000  }
0x68: {  	[sflag:s19] =	ssyncset.done $0x0  }
0x69: {  	[sflag:s19] =	ssyncadd.s32 $0xFFFFC000  }
0x6a: {  	_ =	swait.ge [sflag:s20], $0x4000  }
0x6b: {  	[sflag:s20] =	ssyncset.done $0x0  }
0x6c: {  	s1 =	simm.s32 $0x0;
	[sflag:s20] =	ssyncadd.s32 $0xFFFFC000  }
0x6d: {  	[tilespmem:s1], [sflag:$0x5] =	stream.linear.gather [hbm4b:s9+s1], $0x1400, $0x38;
	[tilespmem:$0x1E400] =	vst v63  }
0x6e: {  	_ =	swait.ge [sflag:s14], $0x1400  }
0x6f: {  	[sflag:s14] =	ssyncset.done $0x0  }
0x70: {  	[sflag:s14] =	ssyncadd.s32 $0xFFFFEC00  }
0x71: {  	[tilespmem:s15], [sflag:$0x5] =	stream.linear.gather [hbm4b:s10+s1], $0x1400, $0x38;
	[tilespmem:$0x1E400] =	vst v63  }
0x72: {  	_ =	swait.ge [sflag:s14], $0x1400  }
0x73: {  	[sflag:s14] =	ssyncset.done $0x0  }
0x74: {  	[sflag:s14] =	ssyncadd.s32 $0xFFFFEC00  }
0x75: {  	[tilespmem:s17], [sflag:$0x1] =	stream.indirect.gather [hbm4b:s4+s16], $0x80, s1, s16, $0xb8;
	[tilespmem:$0x1E400] =	vst v63  }
0x76: {  	_ = 	snop  }
0x77: {  	[tilespmem:s18], [sflag:$0x2] =	stream.indirect.gather [hbm4b:s4+s16], $0x80, s16, s16, $0xb8;
	[tilespmem:$0x1E400] =	vst v63  }
0x78: {  	_ =	swait.ge [sflag:s19], $0x4000  }
0x79: {  	[sflag:s19] =	ssyncset.done $0x0  }
0x7a: {  	s1 =	simm.s32 $0x1400;
	[sflag:s19] =	ssyncadd.s32 $0xFFFFC000  }
0x7b: {  	[spmem:s2] =	stream.indirect.scatter.add.f32 [tilespmem:s17], [sflag:$0x3], $0x80, s1, s16, $0xb8;
	[tilespmem:$0x1E400] =	vst v63  }
0x7c: {  	_ =	swait.ge [sflag:s20], $0x4000  }
0x7d: {  	[sflag:s20] =	ssyncset.done $0x0  }
0x7e: {  	s1 =	simm.s32 $0x1480;
	[sflag:s20] =	ssyncadd.s32 $0xFFFFC000  }
0x7f: {  	[spmem:s2] =	stream.indirect.scatter.add.f32 [tilespmem:s18], [sflag:$0x4], $0x80, s1, s16, $0xb8;
	[tilespmem:$0x1E400] =	vst v63  }
0x80: {  	_ =	swait.ge [sflag:s21], $0x4000  }
0x81: {  	[sflag:s21] =	ssyncset.done $0x0  }
0x82: {  	s1 =	simm.s32 $0x100;
	[sflag:s21] =	ssyncadd.s32 $0xFFFFC000  }
0x83: {  	[tilespmem:s17], [sflag:$0x1] =	stream.indirect.gather [hbm4b:s4+s16], $0x80, s1, s16, $0xb8;
	[tilespmem:$0x1E400] =	vst v63  }
0x84: {  	_ =	swait.ge [sflag:s22], $0x4000  }
0x85: {  	[sflag:s22] =	ssyncset.done $0x0  }
0x86: {  	s31 =	simm.s32 $0x400;
	s0 =	simm.s32 $0x180;
	[sflag:s22] =	ssyncadd.s32 $0xFFFFC000  }
.LBB2_4:
0x87: {  	[tilespmem:s18], [sflag:$0x2] =	stream.indirect.gather [hbm4b:s4+s16], $0x80, s0, s16, $0xb8;
	[tilespmem:$0x1E400] =	vst v63  }
0x88: {  	s0 =	smov.u32 s31  }
0x89: {  	p0 =	sne.s32 s31, $0x4400;
	s31 =	sadd.s32 $0x400, s31;
	_ =	swait.ge [sflag:s19], $0x4000  }
0x8a: {  	s0 =	sshra.s32 s0, $0x2;
	[sflag:s19] =	ssyncset.done $0x0  }
0x8b: {  	s1 =	sadd.s32 $0x1400, s0;
	[sflag:s19] =	ssyncadd.s32 $0xFFFFC000  }
0x8c: {  	[spmem:s2] =	stream.indirect.scatter.add.f32 [tilespmem:s17], [sflag:$0x3], $0x80, s1, s16, $0xb8;
	[tilespmem:$0x1E400] =	vst v63  }
0x8d: {  	_ =	swait.ge [sflag:s20], $0x4000  }
0x8e: {  	[sflag:s20] =	ssyncset.done $0x0  }
0x8f: {  	s1 =	sadd.s32 $0x1480, s0;
	[sflag:s20] =	ssyncadd.s32 $0xFFFFC000  }
0x90: {  	[spmem:s2] =	stream.indirect.scatter.add.f32 [tilespmem:s18], [sflag:$0x4], $0x80, s1, s16, $0xb8;
	[tilespmem:$0x1E400] =	vst v63  }
0x91: {  	_ =	swait.ge [sflag:s21], $0x4000  }
0x92: {  	[sflag:s21] =	ssyncset.done $0x0  }
.Ltmp1:
0x93: {  	s1 =	sadd.s32 $0x100, s0;
	[sflag:s21] =	ssyncadd.s32 $0xFFFFC000;
	(pc) =	sbr.rel @p0 .LBB2_4-.Ltmp1, $4  }
0x94: {  	[tilespmem:s17], [sflag:$0x1] =	stream.indirect.gather [hbm4b:s4+s16], $0x80, s1, s16, $0xb8;
	[tilespmem:$0x1E400] =	vst v63  }
0x95: {  	_ =	swait.ge [sflag:s22], $0x4000  }
0x96: {  	[sflag:s22] =	ssyncset.done $0x0  }
0x97: {  	s0 =	sadd.s32 $0x180, s0;
	[sflag:s22] =	ssyncadd.s32 $0xFFFFC000  }
0x98: {  	[tilespmem:s18], [sflag:$0x2] =	stream.indirect.gather [hbm4b:s4+s16], $0x80, s0, s16, $0xb8;
	[tilespmem:$0x1E400] =	vst v63  }
0x99: {  	_ =	swait.ge [sflag:s19], $0x4000  }
0x9a: {  	[sflag:s19] =	ssyncset.done $0x0  }
0x9b: {  	[sflag:s19] =	ssyncadd.s32 $0xFFFFC000  }
0x9c: {  	[spmem:s2] =	stream.indirect.scatter.add.f32 [tilespmem:s17], [sflag:$0x3], $0x80, s23, s16, $0xb8;
	[tilespmem:$0x1E400] =	vst v63  }
0x9d: {  	_ =	swait.ge [sflag:s20], $0x4000  }
0x9e: {  	[sflag:s20] =	ssyncset.done $0x0  }
0x9f: {  	[sflag:s20] =	ssyncadd.s32 $0xFFFFC000  }
0xa0: {  	[spmem:s2] =	stream.indirect.scatter.add.f32 [tilespmem:s18], [sflag:$0x4], $0x80, s24, s16, $0xb8;
	[tilespmem:$0x1E400] =	vst v63  }
0xa1: {  	_ =	swait.ge [sflag:s21], $0x4000  }
0xa2: {  	[sflag:s21] =	ssyncset.done $0x0  }
0xa3: {  	[sflag:s21] =	ssyncadd.s32 $0xFFFFC000  }
0xa4: {  	[tilespmem:s17], [sflag:$0x1] =	stream.indirect.gather [hbm4b:s4+s16], $0x80, s25, s16, $0xb8;
	[tilespmem:$0x1E400] =	vst v63  }
0xa5: {  	_ =	swait.ge [sflag:s22], $0x4000  }
0xa6: {  	[sflag:s22] =	ssyncset.done $0x0  }
0xa7: {  	[sflag:s22] =	ssyncadd.s32 $0xFFFFC000  }
0xa8: {  	[tilespmem:s18], [sflag:$0x2] =	stream.indirect.gather [hbm4b:s4+s16], $0x80, s26, s16, $0xb8;
	[tilespmem:$0x1E400] =	vst v63  }
0xa9: {  	_ =	swait.ge [sflag:s19], $0x4000  }
0xaa: {  	[sflag:s19] =	ssyncset.done $0x0  }
0xab: {  	[sflag:s19] =	ssyncadd.s32 $0xFFFFC000  }
0xac: {  	[spmem:s2] =	stream.indirect.scatter.add.f32 [tilespmem:s17], [sflag:$0x3], $0x80, s28, s16, $0xb8;
	[tilespmem:$0x1E400] =	vst v63  }
0xad: {  	_ =	swait.ge [sflag:s20], $0x4000  }
0xae: {  	[sflag:s20] =	ssyncset.done $0x0  }
0xaf: {  	[sflag:s20] =	ssyncadd.s32 $0xFFFFC000  }
0xb0: {  	[spmem:s2] =	stream.indirect.scatter.add.f32 [tilespmem:s18], [sflag:$0x4], $0x80, s29, s16, $0xb8;
	[tilespmem:$0x1E400] =	vst v63  }
0xb1: {  	_ =	swait.ge [sflag:s21], $0x4000  }
0xb2: {  	[sflag:s21] =	ssyncset.done $0x0  }
0xb3: {  	[sflag:s21] =	ssyncadd.s32 $0xFFFFC000  }
0xb4: {  	[tilespmem:s17], [sflag:$0x1] =	stream.indirect.gather [hbm4b:s4+s16], $0x80, s26, s16, $0xb8;
	[tilespmem:$0x1E400] =	vst v63  }
0xb5: {  	_ =	swait.ge [sflag:s22], $0x4000  }
0xb6: {  	[sflag:s22] =	ssyncset.done $0x0  }
0xb7: {  	[sflag:s22] =	ssyncadd.s32 $0xFFFFC000  }
0xb8: {  	[tilespmem:s18], [sflag:$0x2] =	stream.indirect.gather [hbm4b:s4+s16], $0x80, s26, s16, $0xb8;
	[tilespmem:$0x1E400] =	vst v63  }
0xb9: {  	_ =	swait.ge [sflag:s19], $0x4000  }
0xba: {  	[sflag:s19] =	ssyncset.done $0x0  }
0xbb: {  	[sflag:s19] =	ssyncadd.s32 $0xFFFFC000  }
0xbc: {  	_ =	swait.ge [sflag:s20], $0x4000  }
0xbd: {  	s30 =	sadd.s32 $0x1, s30;
	[sflag:s20] =	ssyncset.done $0x0  }
0xbe: {  	p0 =	sne.s32 s30, s12;
	[sflag:s20] =	ssyncadd.s32 $0xFFFFC000  }
.Ltmp2:
0xbf: {  	[bflag:$0x0] =	sbarrier.arrive $0xFFFF;
	(pc) =	sbr.rel @p0 .LBB2_1-.Ltmp2, $4  }
0xc0: {  	[hbm:s11], [sflag:s6] =	dma.local [spmem:s13], $0x2780  }
0xc1: {  	_ =	swait.ge [sflag:s14], $0x2780  }
0xc2: {  	[sflag:s14] =	ssyncset.done $0x0  }
0xc3: {  	[sflag:s14] =	ssyncadd.s32 $0xFFFFD880  }
0xc4: {  	_ =	sfence.sel $0x180000  }
0xc5: {  	[bflag:$0x0] =	sbarrier.arrive $0xFFFF  }
0xc6: {  	_ =	strace $0x9000004A  }
0xc7: {  	s0 =	stileid.u32;
	[bflag:$0x2] =	sbarrier.arrive $0xFFFF  }
0xc8: {  	p0 =	sne.s32 s0, $0x0;
	s0 =	rddreg [dreg:$0x4]  }
0xc9: {  	s0 =	sadd.s32 @!p0 $0x100000, s0  }
0xca: {  	[sflag:s0] =	ssyncadd.tile.s32 @!p0 $0x1;
	_ =	shalt  }
.Lfunc_end2:
_tile_overlayer_lowered:
.L_overlay_start_2:
0xcb: {  	(tag) =	ssettag $0x2  }
0xcc: {  	s0 =	rddreg [dreg:$0x0];
	s2 =	stileid.u32  }
0xcd: {  	s1 =	rddreg [dreg:$0x1];
	p0 =	sne.s32 s2, $0x0  }
0xce: {  	s3 =	rddreg [dreg:$0x2];
	[bflag:$0x3] =	sbarrier.arrive $0xFFFF;
	s2 =	simm.s32 @!p0 $0x1C05  }
0xcf: {  	[timem:s3], [sflag:s2] =	dma.local @!p0 [hbm:s0], s1  }
0xd0: {  	s0 =	simm.s32 @!p0 $0x5  }
0xd1: {  	_ =	swait.ge @!p0 [sflag:s0], s1  }
0xd2: {  	s1 =	ssub.s32 @!p0 $0x0, s1;
	[sflag:s0] =	ssyncset.done @!p0 $0x0  }
0xd3: {  	[sflag:s0] =	ssyncadd.s32 @!p0 s1  }
0xd4: {  	[bflag:$0x3] =	sbarrier.arrive $0xFFFF  }
0xd5: {  	_ =	shalt  }

// kernel: kernel.16.cloned.1.call-start
scs
__scs_entry_jumppad:
0x0: {  	(pc) =	sbr.rel $0x88, $3  }
0x1: {  	(tag) =	ssettag $0x0;
	lr =	simm.s32 $0x1  }
0x2: {  	[smem:$0x3F93] =	sst lr;
	_ =	strace $0xD0000000  }
0x3: {  	_ = 	snop  }
0x4: {  	_ = 	snop  }
0x5: {  	_ = 	snop  }
0x6: {  	_ = 	snop  }
0x7: {  	_ = 	snop  }
__scs_overlays_trampoline_lowered:
0x8: {  	[smem:$0x3FA2] =	sst s0  }
0x9: {  	[smem:$0x3FA3] =	sst s1  }
0xa: {  	[smem:$0x3FA4] =	sst s2  }
0xb: {  	[smem:$0x3FA5] =	sst s3  }
0xc: {  	[smem:$0x3FA6] =	sst s4  }
0xd: {  	[smem:$0x3FA7] =	sst s5  }
0xe: {  	[smem:$0x3FA8] =	sst s6  }
0xf: {  	[smem:$0x3FA9] =	sst s7  }
0x10: {  	[smem:$0x3FAA] =	sst s8  }
0x11: {  	[smem:$0x3FAB] =	sst s9;
	s0 =	simm.s32 @!p0 $0x0  }
0x12: {  	s1 =	sld [smem:$0x3F91];
	s0 =	simm.s32 @p0 $0x1  }
0x13: {  	[smem:$0x3FAC] =	sst s0;
	s0 =	simm.s32 @!p1 $0x0  }
0x14: {  	s2 =	sld [smem:$0x3F90];
	s0 =	simm.s32 @p1 $0x1  }
0x15: {  	[smem:$0x3FAD] =	sst s0;
	s0 =	simm.s32 @!p2 $0x0  }
0x16: {  	s3 =	sld [smem:$0x3FDB];
	s0 =	simm.s32 @p2 $0x1  }
0x17: {  	s4 =	simm.s32 $0x1BF5;
	[smem:$0x3FAF] =	sst s0  }
0x18: {  	s0 =	sld [smem:$0x3F92];
	_ =	swait.ge [sflag:s4], $0x0  }
0x19: {  	s7 =	sld [smem:$0x3F93]  }
0x1a: {  	s8 =	sadd.s32 $0xFFFFE003, lr  }
0x1b: {  	s9 =	sadd.s32 $0xFFFFFEF7, lr;
	s5 =	simm.s32 $0xFFFFFFFF;
	p2 =	slt.u32 s8, $0xFFFFF086  }
0x1c: {  	p1 =	slt.u32 s9, $0xF7A;
	s5 =	simm.s32 @!p2 $0x0  }
0x1d: {  	s5 =	simm.s32 @p1 $0x1;
	p0 =	seq.s32 s7, s2  }
0x1e: {  	s7 =	smul.u32 @!p0 $0xF7A, s2;
	p2 =	seq.s32 @!p0 s5, $0x0  }
0x1f: {  	s9 =	smul.u32 $0xF7A, s1;
	s8 =	simm.s32 @!p0 $0x1BF5;
	p2 =	por !p2, p0  }
0x20: {  	[sflag:s8] =	ssyncset.s32 @!p0 $0xFFFFF086;
	s6 =	sadd.s32 @!p0 s3, s7;
	s7 =	simm.s32 @!p0 $0x108  }
0x21: {  	s3 =	sadd.s32 s3, s9;
	s6 =	sadd.s32 @!p0 $0x88, s6;
	s7 =	simm.s32 @p2 $0x1082  }
0x22: {  	[simem:s7], [sflag:s8] =	dma.local @!p0 [hbm:s6], $0xF7A  }
0x23: {  	s9 =	sor.u32 $0xD0000000, s2;
	s6 =	simm.s32 $0x108;
	_ =	swait.ge @!p0 [sflag:s8], $0x0  }
0x24: {  	s3 =	sadd.s32 $0x88, s3;
	s6 =	simm.s32 @!p1 $0x1082;
	[sflag:s4] =	ssyncset.s32 $0xFFFFF086  }
0x25: {  	[simem:s6], [sflag:s4] =	dma.local [hbm:s3], $0xF7A  }
0x26: {  	[smem:$0x3F93] =	sst s1;
	(tag) =	ssettag s2;
	_ =	strace s9  }
0x27: {  	s1 =	sld [smem:$0x3FA3]  }
0x28: {  	s2 =	sld [smem:$0x3FA4]  }
0x29: {  	s4 =	sld [smem:$0x3FA6]  }
0x2a: {  	p0 =	seq.s32 s5, $0x0;
	s5 =	sld [smem:$0x3FA7]  }
0x2b: {  	s6 =	sld [smem:$0x3FA8]  }
0x2c: {  	s7 =	sld [smem:$0x3FA9]  }
0x2d: {  	s3 =	simm.s32 $0x108;
	s8 =	sld [smem:$0x3FAA]  }
0x2e: {  	s3 =	simm.s32 @!p0 $0x1082;
	s9 =	sld [smem:$0x3FAB]  }
0x2f: {  	lr =	sadd.s32 s0, s3;
	s0 =	sld [smem:$0x3FA2]  }
0x30: {  	s3 =	sld [smem:$0x3FA5]  }
0x31: {  	[smem:$0x3FAE] =	sst s10  }
0x32: {  	s10 =	sld [smem:$0x3FAC];
	_ =	sdelay $0x3  }
0x33: {  	p0 =	seq.s32 s10, $0x1;
	s10 =	sld [smem:$0x3FAE];
	_ =	sdelay $0x3  }
0x34: {  	[smem:$0x3FAE] =	sst s10  }
0x35: {  	s10 =	sld [smem:$0x3FAD];
	_ =	sdelay $0x3  }
0x36: {  	p1 =	seq.s32 s10, $0x1;
	s10 =	sld [smem:$0x3FAE];
	_ =	sdelay $0x3  }
0x37: {  	[smem:$0x3FAE] =	sst s10  }
0x38: {  	s10 =	sld [smem:$0x3FAF]  }
0x39: {  	_ = 	snop;
	(pc) =	sbr.ind lr, $3  }
0x3a: {  	_ = 	snop  }
0x3b: {  	_ = 	snop  }
0x3c: {  	p2 =	seq.s32 s10, $0x1;
	s10 =	sld [smem:$0x3FAE]  }
0x3d: {  	_ =	shalt  }
0x3e: {  	_ =	shalt  }
0x3f: {  	_ =	shalt  }
0x40: {  	_ =	shalt  }
0x41: {  	_ =	shalt  }
0x42: {  	_ =	shalt  }
0x43: {  	_ =	shalt  }
0x44: {  	_ =	shalt  }
0x45: {  	_ =	shalt  }
0x46: {  	_ =	shalt  }
0x47: {  	_ =	shalt  }
0x48: {  	_ =	shalt  }
0x49: {  	_ =	shalt  }
0x4a: {  	_ =	shalt  }
0x4b: {  	_ =	shalt  }
0x4c: {  	_ =	shalt  }
0x4d: {  	_ =	shalt  }
0x4e: {  	_ =	shalt  }
0x4f: {  	_ =	shalt  }
0x50: {  	_ =	shalt  }
0x51: {  	_ =	shalt  }
0x52: {  	_ =	shalt  }
0x53: {  	_ =	shalt  }
0x54: {  	_ =	shalt  }
0x55: {  	_ =	shalt  }
0x56: {  	_ =	shalt  }
0x57: {  	_ =	shalt  }
0x58: {  	_ =	shalt  }
0x59: {  	_ =	shalt  }
0x5a: {  	_ =	shalt  }
0x5b: {  	_ =	shalt  }
0x5c: {  	_ =	shalt  }
0x5d: {  	_ =	shalt  }
0x5e: {  	_ =	shalt  }
0x5f: {  	_ =	shalt  }
0x60: {  	_ =	shalt  }
0x61: {  	_ =	shalt  }
0x62: {  	_ =	shalt  }
0x63: {  	_ =	shalt  }
0x64: {  	_ =	shalt  }
0x65: {  	_ =	shalt  }
0x66: {  	_ =	shalt  }
0x67: {  	_ =	shalt  }
0x68: {  	_ =	shalt  }
0x69: {  	_ =	shalt  }
0x6a: {  	_ =	shalt  }
0x6b: {  	_ =	shalt  }
0x6c: {  	_ =	shalt  }
0x6d: {  	_ =	shalt  }
0x6e: {  	_ =	shalt  }
0x6f: {  	_ =	shalt  }
0x70: {  	_ =	shalt  }
0x71: {  	_ =	shalt  }
0x72: {  	_ =	shalt  }
0x73: {  	_ =	shalt  }
0x74: {  	_ =	shalt  }
0x75: {  	_ =	shalt  }
0x76: {  	_ =	shalt  }
0x77: {  	_ =	shalt  }
0x78: {  	_ =	shalt  }
0x79: {  	_ =	shalt  }
0x7a: {  	_ =	shalt  }
0x7b: {  	_ =	shalt  }
0x7c: {  	_ =	shalt  }
0x7d: {  	_ =	shalt  }
0x7e: {  	_ =	shalt  }
0x7f: {  	_ =	shalt  }
0x80: {  	_ =	shalt  }
0x81: {  	_ =	shalt  }
0x82: {  	_ =	shalt  }
0x83: {  	_ =	shalt  }
0x84: {  	_ =	shalt  }
0x85: {  	_ =	shalt  }
0x86: {  	_ =	shalt  }
0x87: {  	_ =	shalt  }
.Lfunc_end0:
.L_simem_size_0:
called_computation.2_lowered:
.L_overlay_start_0:
0x88: {  	s2 =	sld [smem:$0x3FD9]  }
0x89: {  	s3 =	sld [smem:$0x3FFE];
	_ =	sdelay $0x1  }
0x8a: {  	s1 =	srdreg.scid  }
0x8b: {  	s0 =	sand.u32 $0x1, s1  }
0x8c: {  	s14 =	sshll.u32 s0, $0xA;
	s2 =	sadd.s32 s3, s2  }
0x8d: {  	s2 =	sadd.s32 s2, s14  }
0x8e: {  	[smem:$0x3FBA] =	sst s2  }
0x8f: {  	_ = 	snop  }
0x90: {  	s2 =	sld [smem:$0x3FD0];
	_ =	sdelay $0x2  }
0x91: {  	s15 =	simm.s32 $0xA;
	s4 =	simm.s32 $0x10  }
0x92: {  	[smem:s4], [sflag:s15] =	dma.local [hbm:s2], $0x1  }
0x93: {  	_ =	swait.eq [sflag:s15], $0x1  }
0x94: {  	[sflag:s15] =	ssyncset.done $0x0  }
0x95: {  	s16 =	sld [smem:$0x11];
	[sflag:s15] =	ssyncadd.s32 $0xFFFFFFFF  }
0x96: {  	s17 =	sld [smem:$0x12];
	(tm) =	ssettm $0x1  }
0x97: {  	s18 =	sld [smem:$0x3FFB];
	_ =	sdelay $0x3  }
0x98: {  	_ =	strace s18  }
0x99: {  	s4 =	sld [smem:$0x3FFC];
	_ =	sdelay $0x3  }
0x9a: {  	_ =	strace s4  }
0x9b: {  	s4 =	sld [smem:$0x3FFD];
	_ =	sdelay $0x3  }
0x9c: {  	_ =	strace s4  }
0x9d: {  	_ =	strace $0x8FFFFFFF  }
0x9e: {  	s19 =	sld [smem:$0x3FDB];
	_ =	sdelay $0x1  }
0x9f: {  	s5 =	simm.s32 $_scs_section_size  }
0xa0: {  	s6 =	simm.s32 $_size__tile_overlayer_lowered;
	s7 =	simm.s32 $_tile_overlayer_lowered  }
0xa1: {  	s22 =	simm.s32 $0x1BFF;
	s21 =	sshll.u32 s7, $0x1;
	s4 =	sadd.s32 s5, s19  }
0xa2: {  	s8 =	simm.s32 $0x0;
	s20 =	sshll.u32 s6, $0x1;
	s6 =	sadd.s32 s21, s4  }
0xa3: {  	[timem:s8], [sflag:s22] =	dma.local [hbm:s6], s20  }
0xa4: {  	_ =	swait.ge [sflag:s22], s20  }
0xa5: {  	s5 =	ssub.s32 $0x0, s20;
	[sflag:s22] =	ssyncset.done $0x0  }
0xa6: {  	[sflag:s22] =	ssyncadd.s32 s5;
	_ =	sdelay $0x1  }
0xa7: {  	s23 =	simm.s32 $0x1B8B  }
0xa8: {  	_ =	swait.ge [sflag:s23], $0x1  }
0xa9: {  	[sflag:s23] =	ssyncset.done $0x0  }
0xaa: {  	s25 =	simm.s32 $0x1B8E;
	s24 =	sld [smem:$0x3FFE];
	[sflag:s23] =	ssyncadd.s32 $0xFFFFFFFF  }
0xab: {  	s26 =	simm.s32 $execute0_lowered;
	[smem:$0x3FD2] =	sst s25  }
0xac: {  	s6 =	sshll.u32 s26, $0x1;
	_ =	strace $0x8000004C;
	[dreg:$0x1] =	wrdreg $0xFFFFFFFF  }
0xad: {  	s28 =	simm.s32 $_size_execute0_lowered;
	s4 =	sadd.s32 s4, s6;
	[dreg:$0x0] =	wrdreg $0x0  }
0xae: {  	s6 =	sshll.u32 s28, $0x1;
	[dreg:$0x2] =	wrdreg s4  }
0xaf: {  	[dreg:$0x3] =	wrdreg s6  }
0xb0: {  	[dreg:$0x4] =	wrdreg $0xC0  }
0xb1: {  	_ =	task [dreg:s8], $0x5FFFF  }
0xb2: {  	[dreg:$0x1] =	wrdreg $0xFFFFFFFF  }
0xb3: {  	[dreg:$0x0] =	wrdreg $0x60  }
0xb4: {  	[dreg:$0x2] =	wrdreg s24  }
0xb5: {  	[dreg:$0x3] =	wrdreg s16  }
0xb6: {  	[dreg:$0x4] =	wrdreg s17  }
0xb7: {  	[dreg:$0x5] =	wrdreg $0xA8000  }
0xb8: {  	[dreg:$0x6] =	wrdreg $0x9  }
0xb9: {  	_ =	task.clear_ibuf [dreg:s8], $0x7FFFF;
	_ =	strace $0x9000004C  }
0xba: {  	s29 =	simm.s32 $0x9;
	_ =	strace $0x8000004E  }
0xbb: {  	_ =	swait.ge [sflag:s29], $0x1  }
0xbc: {  	[sflag:s29] =	ssyncadd.s32 $0xFFFFFFFF  }
0xbd: {  	_ =	strace $0x9000004E  }
0xbe: {  	_ =	sfence  }
0xbf: {  	s30 =	sld [smem:$0x0];
	_ =	sdelay $0x2  }
0xc0: {  	s31 =	sshll.u32 s1, $0xD;
	s1 =	sshrl.u32 s1, $0x2  }
0xc1: {  	s3 =	sand.u32 $0x4000, s31;
	s1 =	sadd.s32 s1, s30  }
0xc2: {  	s0 =	sor.u32 s3, s0;
	s1 =	sshll.u32 s1, $0x11  }
0xc3: {  	s0 =	sor.u32 s1, s0  }
0xc4: {  	s0 =	sadd.s32 $0x8F2B, s0  }
0xc5: {  	[sflag:s0] =	ssyncadd.remote.s32 $0x1  }
0xc6: {  	_ =	sfence.sel $0xFFFF  }
0xc7: {  	[dreg:$0x0] =	wrdreg $0xFFFFFFFF;
	(pc) =	sbr.abs _section_cstart, $3  }
0xc8: {  	[dreg:$0x1] =	wrdreg $0xFFFFFFFF  }
0xc9: {  	_ =	task.clear_ibuf [dreg:s8], $0x2FFFF;
	_ =	strace $0x9FFFFFFF  }
0xca: {  	(tm) =	ssettm $0x7FFFFFFF  }
0xcb: {  	_ =	shalt  }
tec
execute0_lowered:
.L_overlay_start_1:
0x0: {  	(tag) =	ssettag $0x1  }
0x1: {  	s0 =	rddreg [dreg:$0x0]  }
0x2: {  	s9 =	rddreg [dreg:$0x1]  }
0x3: {  	s10 =	rddreg [dreg:$0x2]  }
0x4: {  	s2 =	rddreg [dreg:$0x3]  }
0x5: {  	s1 =	stileid.u32;
	s4 =	srdreg.scid;
	s3 =	simm.s32 $0x0  }
0x6: {  	s15 =	simm.s32 $0x1400;
	s16 =	simm.s32 $0x80;
	s17 =	simm.s32 $0x2800  }
0x7: {  	s18 =	simm.s32 $0x6800;
	s19 =	simm.s32 $0x1;
	s20 =	simm.s32 $0x2  }
0x8: {  	s21 =	simm.s32 $0x3;
	s22 =	simm.s32 $0x4;
	s28 =	simm.s32 $0x2700  }
0x9: {  	s29 =	simm.s32 $0x2780;
	s30 =	simm.s32 $0x0;
	s5 =	smul.u32 $0x13C00, s1  }
0xa: {  	s6 =	sand.u32 $0x1, s4;
	[smem:$0x7FF] =	sst s3;
	s4 =	sadd.s32 $0x2C200, s0  }
0xb: {  	s23 =	smul.u32 $0x4F000, s1;
	s11 =	sshll.u32 s1, $0x1;
	s26 =	sshll.u32 s1, $0x6  }
0xc: {  	s7 =	smul.u32 $0x13C000, s6;
	_ =	strace $0x8000004D;
	s24 =	ssub.s32 $0x2, s6  }
0xd: {  	s6 =	sor.u32 s6, s11;
	s8 =	sshrl.u32 s5, $0x3;
	s25 =	sshrl.u32 s24, $0x1  }
0xe: {  	s12 =	smul.u32 $0x2800, s6;
	s6 =	sor.u32 $0x1C05, s26;
	s26 =	simm.s32 $0x1380  }
0xf: {  	s8 =	sadd.s32 s8, s0;
	s5 =	sadd.s32 s5, s7;
	s7 =	sshrl.u32 s23, $0x2  }
0x10: {  	s13 =	ssub.s32 s24, s25;
	s23 =	simm.s32 $0x2600;
	s24 =	simm.s32 $0x2680  }
0x11: {  	s25 =	simm.s32 $0x1300;
	s5 =	sshrl.u32 s5, $0x3;
	s14 =	sadd.s32 s7, s2  }
0x12: {  	s31 =	sshrl.u32 s12, $0x3;
	s12 =	smax.u32 s13, $0x1;
	s0 =	sadd.s32 s5, s0  }
0x13: {  	s5 =	sadd.s32 $0x4A00, s8;
	s7 =	sadd.s32 s9, s31;
	s8 =	sadd.s32 s10, s31  }
0x14: {  	s11 =	sadd.s32 $0x280, s31;
	s13 =	sshrl.u32 s14, $0x3;
	s14 =	simm.s32 $0x5  }
0x15: {  	s9 =	sadd.s32 s9, s11;
	s10 =	sadd.s32 s10, s11;
	s11 =	sadd.s32 $0xA1800, s0  }
.LBB2_1:
0x16: {  	[spmem:s13], [sflag:s6] =	dma.local [hbm:s5], $0x2780  }
0x17: {  	_ =	swait.ge [sflag:s14], $0x2780  }
0x18: {  	[sflag:s14] =	ssyncset.done $0x0  }
0x19: {  	[sflag:s14] =	ssyncadd.s32 $0xFFFFD880  }
0x1a: {  	[bflag:$0x0] =	sbarrier.arrive $0xFFFF  }
0x1b: {  	[tilespmem:s3], [sflag:$0x5] =	stream.linear.gather [hbm4b:s7+s3], $0x1400, $0x38;
	[tilespmem:$0x1E400] =	vst v63  }
0x1c: {  	_ =	swait.ge [sflag:s14], $0x1400  }
0x1d: {  	[sflag:s14] =	ssyncset.done $0x0  }
0x1e: {  	[sflag:s14] =	ssyncadd.s32 $0xFFFFEC00  }
0x1f: {  	[tilespmem:s15], [sflag:$0x5] =	stream.linear.gather [hbm4b:s8+s3], $0x1400, $0x38;
	[tilespmem:$0x1E400] =	vst v63  }
0x20: {  	_ =	swait.ge [sflag:s14], $0x1400  }
0x21: {  	[sflag:s14] =	ssyncset.done $0x0  }
0x22: {  	[sflag:s14] =	ssyncadd.s32 $0xFFFFEC00  }
0x23: {  	[tilespmem:s17], [sflag:$0x1] =	stream.indirect.gather [hbm4b:s4+s16], $0x80, s3, s16, $0xb8;
	[tilespmem:$0x1E400] =	vst v63  }
0x24: {  	_ = 	snop  }
0x25: {  	[tilespmem:s18], [sflag:$0x2] =	stream.indirect.gather [hbm4b:s4+s16], $0x80, s16, s16, $0xb8;
	[tilespmem:$0x1E400] =	vst v63  }
0x26: {  	_ =	swait.ge [sflag:s19], $0x4000  }
0x27: {  	[sflag:s19] =	ssyncset.done $0x0  }
0x28: {  	s0 =	simm.s32 $0x1400;
	[sflag:s19] =	ssyncadd.s32 $0xFFFFC000  }
0x29: {  	[spmem:s2] =	stream.indirect.scatter.add.f32 [tilespmem:s17], [sflag:$0x3], $0x80, s0, s16, $0xb8;
	[tilespmem:$0x1E400] =	vst v63  }
0x2a: {  	_ =	swait.ge [sflag:s20], $0x4000  }
0x2b: {  	[sflag:s20] =	ssyncset.done $0x0  }
0x2c: {  	s1 =	simm.s32 $0x1480;
	[sflag:s20] =	ssyncadd.s32 $0xFFFFC000  }
0x2d: {  	[spmem:s2] =	stream.indirect.scatter.add.f32 [tilespmem:s18], [sflag:$0x4], $0x80, s1, s16, $0xb8;
	[tilespmem:$0x1E400] =	vst v63  }
0x2e: {  	_ =	swait.ge [sflag:s21], $0x4000  }
0x2f: {  	[sflag:s21] =	ssyncset.done $0x0  }
0x30: {  	s1 =	simm.s32 $0x100;
	[sflag:s21] =	ssyncadd.s32 $0xFFFFC000  }
0x31: {  	[tilespmem:s17], [sflag:$0x1] =	stream.indirect.gather [hbm4b:s4+s16], $0x80, s1, s16, $0xb8;
	[tilespmem:$0x1E400] =	vst v63  }
0x32: {  	_ =	swait.ge [sflag:s22], $0x4000  }
0x33: {  	[sflag:s22] =	ssyncset.done $0x0  }
0x34: {  	s31 =	simm.s32 $0x400;
	s0 =	simm.s32 $0x180;
	[sflag:s22] =	ssyncadd.s32 $0xFFFFC000  }
.LBB2_2:
0x35: {  	[tilespmem:s18], [sflag:$0x2] =	stream.indirect.gather [hbm4b:s4+s16], $0x80, s0, s16, $0xb8;
	[tilespmem:$0x1E400] =	vst v63  }
0x36: {  	s0 =	smov.u32 s31  }
0x37: {  	p0 =	sne.s32 s31, $0x4400;
	s31 =	sadd.s32 $0x400, s31;
	_ =	swait.ge [sflag:s19], $0x4000  }
0x38: {  	s0 =	sshra.s32 s0, $0x2;
	[sflag:s19] =	ssyncset.done $0x0  }
0x39: {  	s1 =	sadd.s32 $0x1400, s0;
	[sflag:s19] =	ssyncadd.s32 $0xFFFFC000  }
0x3a: {  	[spmem:s2] =	stream.indirect.scatter.add.f32 [tilespmem:s17], [sflag:$0x3], $0x80, s1, s16, $0xb8;
	[tilespmem:$0x1E400] =	vst v63  }
0x3b: {  	_ =	swait.ge [sflag:s20], $0x4000  }
0x3c: {  	[sflag:s20] =	ssyncset.done $0x0  }
0x3d: {  	s1 =	sadd.s32 $0x1480, s0;
	[sflag:s20] =	ssyncadd.s32 $0xFFFFC000  }
0x3e: {  	[spmem:s2] =	stream.indirect.scatter.add.f32 [tilespmem:s18], [sflag:$0x4], $0x80, s1, s16, $0xb8;
	[tilespmem:$0x1E400] =	vst v63  }
0x3f: {  	_ =	swait.ge [sflag:s21], $0x4000  }
0x40: {  	[sflag:s21] =	ssyncset.done $0x0  }
.Ltmp0:
0x41: {  	s1 =	sadd.s32 $0x100, s0;
	[sflag:s21] =	ssyncadd.s32 $0xFFFFC000;
	(pc) =	sbr.rel @p0 .LBB2_2-.Ltmp0, $4  }
0x42: {  	[tilespmem:s17], [sflag:$0x1] =	stream.indirect.gather [hbm4b:s4+s16], $0x80, s1, s16, $0xb8;
	[tilespmem:$0x1E400] =	vst v63  }
0x43: {  	_ =	swait.ge [sflag:s22], $0x4000  }
0x44: {  	[sflag:s22] =	ssyncset.done $0x0  }
0x45: {  	s0 =	sadd.s32 $0x180, s0;
	[sflag:s22] =	ssyncadd.s32 $0xFFFFC000  }
0x46: {  	[tilespmem:s18], [sflag:$0x2] =	stream.indirect.gather [hbm4b:s4+s16], $0x80, s0, s16, $0xb8;
	[tilespmem:$0x1E400] =	vst v63  }
0x47: {  	_ =	swait.ge [sflag:s19], $0x4000  }
0x48: {  	[sflag:s19] =	ssyncset.done $0x0  }
0x49: {  	[sflag:s19] =	ssyncadd.s32 $0xFFFFC000  }
0x4a: {  	[spmem:s2] =	stream.indirect.scatter.add.f32 [tilespmem:s17], [sflag:$0x3], $0x80, s23, s16, $0xb8;
	[tilespmem:$0x1E400] =	vst v63  }
0x4b: {  	_ =	swait.ge [sflag:s20], $0x4000  }
0x4c: {  	[sflag:s20] =	ssyncset.done $0x0  }
0x4d: {  	[sflag:s20] =	ssyncadd.s32 $0xFFFFC000  }
0x4e: {  	[spmem:s2] =	stream.indirect.scatter.add.f32 [tilespmem:s18], [sflag:$0x4], $0x80, s24, s16, $0xb8;
	[tilespmem:$0x1E400] =	vst v63  }
0x4f: {  	_ =	swait.ge [sflag:s21], $0x4000  }
0x50: {  	[sflag:s21] =	ssyncset.done $0x0  }
0x51: {  	[sflag:s21] =	ssyncadd.s32 $0xFFFFC000  }
0x52: {  	[tilespmem:s17], [sflag:$0x1] =	stream.indirect.gather [hbm4b:s4+s16], $0x80, s25, s16, $0xb8;
	[tilespmem:$0x1E400] =	vst v63  }
0x53: {  	_ =	swait.ge [sflag:s22], $0x4000  }
0x54: {  	[sflag:s22] =	ssyncset.done $0x0  }
0x55: {  	[sflag:s22] =	ssyncadd.s32 $0xFFFFC000  }
0x56: {  	[tilespmem:s18], [sflag:$0x2] =	stream.indirect.gather [hbm4b:s4+s16], $0x80, s26, s16, $0xb8;
	[tilespmem:$0x1E400] =	vst v63  }
0x57: {  	_ =	swait.ge [sflag:s19], $0x4000  }
0x58: {  	[sflag:s19] =	ssyncset.done $0x0  }
0x59: {  	[sflag:s19] =	ssyncadd.s32 $0xFFFFC000  }
0x5a: {  	[spmem:s2] =	stream.indirect.scatter.add.f32 [tilespmem:s17], [sflag:$0x3], $0x80, s28, s16, $0xb8;
	[tilespmem:$0x1E400] =	vst v63  }
0x5b: {  	_ =	swait.ge [sflag:s20], $0x4000  }
0x5c: {  	[sflag:s20] =	ssyncset.done $0x0  }
0x5d: {  	[sflag:s20] =	ssyncadd.s32 $0xFFFFC000  }
0x5e: {  	[spmem:s2] =	stream.indirect.scatter.add.f32 [tilespmem:s18], [sflag:$0x4], $0x80, s29, s16, $0xb8;
	[tilespmem:$0x1E400] =	vst v63  }
0x5f: {  	_ =	swait.ge [sflag:s21], $0x4000  }
0x60: {  	[sflag:s21] =	ssyncset.done $0x0  }
0x61: {  	[sflag:s21] =	ssyncadd.s32 $0xFFFFC000  }
0x62: {  	[tilespmem:s17], [sflag:$0x1] =	stream.indirect.gather [hbm4b:s4+s16], $0x80, s26, s16, $0xb8;
	[tilespmem:$0x1E400] =	vst v63  }
0x63: {  	_ =	swait.ge [sflag:s22], $0x4000  }
0x64: {  	[sflag:s22] =	ssyncset.done $0x0  }
0x65: {  	[sflag:s22] =	ssyncadd.s32 $0xFFFFC000  }
0x66: {  	[tilespmem:s18], [sflag:$0x2] =	stream.indirect.gather [hbm4b:s4+s16], $0x80, s26, s16, $0xb8;
	[tilespmem:$0x1E400] =	vst v63  }
0x67: {  	_ =	swait.ge [sflag:s19], $0x4000  }
0x68: {  	[sflag:s19] =	ssyncset.done $0x0  }
0x69: {  	[sflag:s19] =	ssyncadd.s32 $0xFFFFC000  }
0x6a: {  	_ =	swait.ge [sflag:s20], $0x4000  }
0x6b: {  	[sflag:s20] =	ssyncset.done $0x0  }
0x6c: {  	s1 =	simm.s32 $0x0;
	[sflag:s20] =	ssyncadd.s32 $0xFFFFC000  }
0x6d: {  	[tilespmem:s1], [sflag:$0x5] =	stream.linear.gather [hbm4b:s9+s1], $0x1400, $0x38;
	[tilespmem:$0x1E400] =	vst v63  }
0x6e: {  	_ =	swait.ge [sflag:s14], $0x1400  }
0x6f: {  	[sflag:s14] =	ssyncset.done $0x0  }
0x70: {  	[sflag:s14] =	ssyncadd.s32 $0xFFFFEC00  }
0x71: {  	[tilespmem:s15], [sflag:$0x5] =	stream.linear.gather [hbm4b:s10+s1], $0x1400, $0x38;
	[tilespmem:$0x1E400] =	vst v63  }
0x72: {  	_ =	swait.ge [sflag:s14], $0x1400  }
0x73: {  	[sflag:s14] =	ssyncset.done $0x0  }
0x74: {  	[sflag:s14] =	ssyncadd.s32 $0xFFFFEC00  }
0x75: {  	[tilespmem:s17], [sflag:$0x1] =	stream.indirect.gather [hbm4b:s4+s16], $0x80, s1, s16, $0xb8;
	[tilespmem:$0x1E400] =	vst v63  }
0x76: {  	_ = 	snop  }
0x77: {  	[tilespmem:s18], [sflag:$0x2] =	stream.indirect.gather [hbm4b:s4+s16], $0x80, s16, s16, $0xb8;
	[tilespmem:$0x1E400] =	vst v63  }
0x78: {  	_ =	swait.ge [sflag:s19], $0x4000  }
0x79: {  	[sflag:s19] =	ssyncset.done $0x0  }
0x7a: {  	s1 =	simm.s32 $0x1400;
	[sflag:s19] =	ssyncadd.s32 $0xFFFFC000  }
0x7b: {  	[spmem:s2] =	stream.indirect.scatter.add.f32 [tilespmem:s17], [sflag:$0x3], $0x80, s1, s16, $0xb8;
	[tilespmem:$0x1E400] =	vst v63  }
0x7c: {  	_ =	swait.ge [sflag:s20], $0x4000  }
0x7d: {  	[sflag:s20] =	ssyncset.done $0x0  }
0x7e: {  	s1 =	simm.s32 $0x1480;
	[sflag:s20] =	ssyncadd.s32 $0xFFFFC000  }
0x7f: {  	[spmem:s2] =	stream.indirect.scatter.add.f32 [tilespmem:s18], [sflag:$0x4], $0x80, s1, s16, $0xb8;
	[tilespmem:$0x1E400] =	vst v63  }
0x80: {  	_ =	swait.ge [sflag:s21], $0x4000  }
0x81: {  	[sflag:s21] =	ssyncset.done $0x0  }
0x82: {  	s1 =	simm.s32 $0x100;
	[sflag:s21] =	ssyncadd.s32 $0xFFFFC000  }
0x83: {  	[tilespmem:s17], [sflag:$0x1] =	stream.indirect.gather [hbm4b:s4+s16], $0x80, s1, s16, $0xb8;
	[tilespmem:$0x1E400] =	vst v63  }
0x84: {  	_ =	swait.ge [sflag:s22], $0x4000  }
0x85: {  	[sflag:s22] =	ssyncset.done $0x0  }
0x86: {  	s31 =	simm.s32 $0x400;
	s0 =	simm.s32 $0x180;
	[sflag:s22] =	ssyncadd.s32 $0xFFFFC000  }
.LBB2_4:
0x87: {  	[tilespmem:s18], [sflag:$0x2] =	stream.indirect.gather [hbm4b:s4+s16], $0x80, s0, s16, $0xb8;
	[tilespmem:$0x1E400] =	vst v63  }
0x88: {  	s0 =	smov.u32 s31  }
0x89: {  	p0 =	sne.s32 s31, $0x4400;
	s31 =	sadd.s32 $0x400, s31;
	_ =	swait.ge [sflag:s19], $0x4000  }
0x8a: {  	s0 =	sshra.s32 s0, $0x2;
	[sflag:s19] =	ssyncset.done $0x0  }
0x8b: {  	s1 =	sadd.s32 $0x1400, s0;
	[sflag:s19] =	ssyncadd.s32 $0xFFFFC000  }
0x8c: {  	[spmem:s2] =	stream.indirect.scatter.add.f32 [tilespmem:s17], [sflag:$0x3], $0x80, s1, s16, $0xb8;
	[tilespmem:$0x1E400] =	vst v63  }
0x8d: {  	_ =	swait.ge [sflag:s20], $0x4000  }
0x8e: {  	[sflag:s20] =	ssyncset.done $0x0  }
0x8f: {  	s1 =	sadd.s32 $0x1480, s0;
	[sflag:s20] =	ssyncadd.s32 $0xFFFFC000  }
0x90: {  	[spmem:s2] =	stream.indirect.scatter.add.f32 [tilespmem:s18], [sflag:$0x4], $0x80, s1, s16, $0xb8;
	[tilespmem:$0x1E400] =	vst v63  }
0x91: {  	_ =	swait.ge [sflag:s21], $0x4000  }
0x92: {  	[sflag:s21] =	ssyncset.done $0x0  }
.Ltmp1:
0x93: {  	s1 =	sadd.s32 $0x100, s0;
	[sflag:s21] =	ssyncadd.s32 $0xFFFFC000;
	(pc) =	sbr.rel @p0 .LBB2_4-.Ltmp1, $4  }
0x94: {  	[tilespmem:s17], [sflag:$0x1] =	stream.indirect.gather [hbm4b:s4+s16], $0x80, s1, s16, $0xb8;
	[tilespmem:$0x1E400] =	vst v63  }
0x95: {  	_ =	swait.ge [sflag:s22], $0x4000  }
0x96: {  	[sflag:s22] =	ssyncset.done $0x0  }
0x97: {  	s0 =	sadd.s32 $0x180, s0;
	[sflag:s22] =	ssyncadd.s32 $0xFFFFC000  }
0x98: {  	[tilespmem:s18], [sflag:$0x2] =	stream.indirect.gather [hbm4b:s4+s16], $0x80, s0, s16, $0xb8;
	[tilespmem:$0x1E400] =	vst v63  }
0x99: {  	_ =	swait.ge [sflag:s19], $0x4000  }
0x9a: {  	[sflag:s19] =	ssyncset.done $0x0  }
0x9b: {  	[sflag:s19] =	ssyncadd.s32 $0xFFFFC000  }
0x9c: {  	[spmem:s2] =	stream.indirect.scatter.add.f32 [tilespmem:s17], [sflag:$0x3], $0x80, s23, s16, $0xb8;
	[tilespmem:$0x1E400] =	vst v63  }
0x9d: {  	_ =	swait.ge [sflag:s20], $0x4000  }
0x9e: {  	[sflag:s20] =	ssyncset.done $0x0  }
0x9f: {  	[sflag:s20] =	ssyncadd.s32 $0xFFFFC000  }
0xa0: {  	[spmem:s2] =	stream.indirect.scatter.add.f32 [tilespmem:s18], [sflag:$0x4], $0x80, s24, s16, $0xb8;
	[tilespmem:$0x1E400] =	vst v63  }
0xa1: {  	_ =	swait.ge [sflag:s21], $0x4000  }
0xa2: {  	[sflag:s21] =	ssyncset.done $0x0  }
0xa3: {  	[sflag:s21] =	ssyncadd.s32 $0xFFFFC000  }
0xa4: {  	[tilespmem:s17], [sflag:$0x1] =	stream.indirect.gather [hbm4b:s4+s16], $0x80, s25, s16, $0xb8;
	[tilespmem:$0x1E400] =	vst v63  }
0xa5: {  	_ =	swait.ge [sflag:s22], $0x4000  }
0xa6: {  	[sflag:s22] =	ssyncset.done $0x0  }
0xa7: {  	[sflag:s22] =	ssyncadd.s32 $0xFFFFC000  }
0xa8: {  	[tilespmem:s18], [sflag:$0x2] =	stream.indirect.gather [hbm4b:s4+s16], $0x80, s26, s16, $0xb8;
	[tilespmem:$0x1E400] =	vst v63  }
0xa9: {  	_ =	swait.ge [sflag:s19], $0x4000  }
0xaa: {  	[sflag:s19] =	ssyncset.done $0x0  }
0xab: {  	[sflag:s19] =	ssyncadd.s32 $0xFFFFC000  }
0xac: {  	[spmem:s2] =	stream.indirect.scatter.add.f32 [tilespmem:s17], [sflag:$0x3], $0x80, s28, s16, $0xb8;
	[tilespmem:$0x1E400] =	vst v63  }
0xad: {  	_ =	swait.ge [sflag:s20], $0x4000  }
0xae: {  	[sflag:s20] =	ssyncset.done $0x0  }
0xaf: {  	[sflag:s20] =	ssyncadd.s32 $0xFFFFC000  }
0xb0: {  	[spmem:s2] =	stream.indirect.scatter.add.f32 [tilespmem:s18], [sflag:$0x4], $0x80, s29, s16, $0xb8;
	[tilespmem:$0x1E400] =	vst v63  }
0xb1: {  	_ =	swait.ge [sflag:s21], $0x4000  }
0xb2: {  	[sflag:s21] =	ssyncset.done $0x0  }
0xb3: {  	[sflag:s21] =	ssyncadd.s32 $0xFFFFC000  }
0xb4: {  	[tilespmem:s17], [sflag:$0x1] =	stream.indirect.gather [hbm4b:s4+s16], $0x80, s26, s16, $0xb8;
	[tilespmem:$0x1E400] =	vst v63  }
0xb5: {  	_ =	swait.ge [sflag:s22], $0x4000  }
0xb6: {  	[sflag:s22] =	ssyncset.done $0x0  }
0xb7: {  	[sflag:s22] =	ssyncadd.s32 $0xFFFFC000  }
0xb8: {  	[tilespmem:s18], [sflag:$0x2] =	stream.indirect.gather [hbm4b:s4+s16], $0x80, s26, s16, $0xb8;
	[tilespmem:$0x1E400] =	vst v63  }
0xb9: {  	_ =	swait.ge [sflag:s19], $0x4000  }
0xba: {  	[sflag:s19] =	ssyncset.done $0x0  }
0xbb: {  	[sflag:s19] =	ssyncadd.s32 $0xFFFFC000  }
0xbc: {  	_ =	swait.ge [sflag:s20], $0x4000  }
0xbd: {  	s30 =	sadd.s32 $0x1, s30;
	[sflag:s20] =	ssyncset.done $0x0  }
0xbe: {  	p0 =	sne.s32 s30, s12;
	[sflag:s20] =	ssyncadd.s32 $0xFFFFC000  }
.Ltmp2:
0xbf: {  	[bflag:$0x0] =	sbarrier.arrive $0xFFFF;
	(pc) =	sbr.rel @p0 .LBB2_1-.Ltmp2, $4  }
0xc0: {  	[hbm:s11], [sflag:s6] =	dma.local [spmem:s13], $0x2780  }
0xc1: {  	_ =	swait.ge [sflag:s14], $0x2780  }
0xc2: {  	[sflag:s14] =	ssyncset.done $0x0  }
0xc3: {  	[sflag:s14] =	ssyncadd.s32 $0xFFFFD880  }
0xc4: {  	_ =	sfence.sel $0x180000  }
0xc5: {  	[bflag:$0x0] =	sbarrier.arrive $0xFFFF  }
0xc6: {  	_ =	strace $0x9000004D  }
0xc7: {  	s0 =	stileid.u32;
	[bflag:$0x2] =	sbarrier.arrive $0xFFFF  }
0xc8: {  	p0 =	sne.s32 s0, $0x0;
	s0 =	rddreg [dreg:$0x4]  }
0xc9: {  	s0 =	sadd.s32 @!p0 $0x100000, s0  }
0xca: {  	[sflag:s0] =	ssyncadd.tile.s32 @!p0 $0x1;
	_ =	shalt  }
.Lfunc_end2:
_tile_overlayer_lowered:
.L_overlay_start_2:
0xcb: {  	(tag) =	ssettag $0x2  }
0xcc: {  	s0 =	rddreg [dreg:$0x0];
	s2 =	stileid.u32  }
0xcd: {  	s1 =	rddreg [dreg:$0x1];
	p0 =	sne.s32 s2, $0x0  }
0xce: {  	s3 =	rddreg [dreg:$0x2];
	[bflag:$0x3] =	sbarrier.arrive $0xFFFF;
	s2 =	simm.s32 @!p0 $0x1C05  }
0xcf: {  	[timem:s3], [sflag:s2] =	dma.local @!p0 [hbm:s0], s1  }
0xd0: {  	s0 =	simm.s32 @!p0 $0x5  }
0xd1: {  	_ =	swait.ge @!p0 [sflag:s0], s1  }
0xd2: {  	s1 =	ssub.s32 @!p0 $0x0, s1;
	[sflag:s0] =	ssyncset.done @!p0 $0x0  }
0xd3: {  	[sflag:s0] =	ssyncadd.s32 @!p0 s1  }
0xd4: {  	[bflag:$0x3] =	sbarrier.arrive $0xFFFF  }
0xd5: {  	_ =	shalt  }

// kernel: kernel.19.cloned.1.call-start
scs
__scs_entry_jumppad:
0x0: {  	(pc) =	sbr.rel $0x88, $3  }
0x1: {  	(tag) =	ssettag $0x0;
	lr =	simm.s32 $0x1  }
0x2: {  	[smem:$0x3F93] =	sst lr;
	_ =	strace $0xD0000000  }
0x3: {  	_ = 	snop  }
0x4: {  	_ = 	snop  }
0x5: {  	_ = 	snop  }
0x6: {  	_ = 	snop  }
0x7: {  	_ = 	snop  }
__scs_overlays_trampoline_lowered:
0x8: {  	[smem:$0x3FA2] =	sst s0  }
0x9: {  	[smem:$0x3FA3] =	sst s1  }
0xa: {  	[smem:$0x3FA4] =	sst s2  }
0xb: {  	[smem:$0x3FA5] =	sst s3  }
0xc: {  	[smem:$0x3FA6] =	sst s4  }
0xd: {  	[smem:$0x3FA7] =	sst s5  }
0xe: {  	[smem:$0x3FA8] =	sst s6  }
0xf: {  	[smem:$0x3FA9] =	sst s7  }
0x10: {  	[smem:$0x3FAA] =	sst s8  }
0x11: {  	[smem:$0x3FAB] =	sst s9;
	s0 =	simm.s32 @!p0 $0x0  }
0x12: {  	s1 =	sld [smem:$0x3F91];
	s0 =	simm.s32 @p0 $0x1  }
0x13: {  	[smem:$0x3FAC] =	sst s0;
	s0 =	simm.s32 @!p1 $0x0  }
0x14: {  	s2 =	sld [smem:$0x3F90];
	s0 =	simm.s32 @p1 $0x1  }
0x15: {  	[smem:$0x3FAD] =	sst s0;
	s0 =	simm.s32 @!p2 $0x0  }
0x16: {  	s3 =	sld [smem:$0x3FDB];
	s0 =	simm.s32 @p2 $0x1  }
0x17: {  	s4 =	simm.s32 $0x1BF5;
	[smem:$0x3FAF] =	sst s0  }
0x18: {  	s0 =	sld [smem:$0x3F92];
	_ =	swait.ge [sflag:s4], $0x0  }
0x19: {  	s7 =	sld [smem:$0x3F93]  }
0x1a: {  	s8 =	sadd.s32 $0xFFFFE003, lr  }
0x1b: {  	s9 =	sadd.s32 $0xFFFFFEF7, lr;
	s5 =	simm.s32 $0xFFFFFFFF;
	p2 =	slt.u32 s8, $0xFFFFF086  }
0x1c: {  	p1 =	slt.u32 s9, $0xF7A;
	s5 =	simm.s32 @!p2 $0x0  }
0x1d: {  	s5 =	simm.s32 @p1 $0x1;
	p0 =	seq.s32 s7, s2  }
0x1e: {  	s7 =	smul.u32 @!p0 $0xF7A, s2;
	p2 =	seq.s32 @!p0 s5, $0x0  }
0x1f: {  	s9 =	smul.u32 $0xF7A, s1;
	s8 =	simm.s32 @!p0 $0x1BF5;
	p2 =	por !p2, p0  }
0x20: {  	[sflag:s8] =	ssyncset.s32 @!p0 $0xFFFFF086;
	s6 =	sadd.s32 @!p0 s3, s7;
	s7 =	simm.s32 @!p0 $0x108  }
0x21: {  	s3 =	sadd.s32 s3, s9;
	s6 =	sadd.s32 @!p0 $0x88, s6;
	s7 =	simm.s32 @p2 $0x1082  }
0x22: {  	[simem:s7], [sflag:s8] =	dma.local @!p0 [hbm:s6], $0xF7A  }
0x23: {  	s9 =	sor.u32 $0xD0000000, s2;
	s6 =	simm.s32 $0x108;
	_ =	swait.ge @!p0 [sflag:s8], $0x0  }
0x24: {  	s3 =	sadd.s32 $0x88, s3;
	s6 =	simm.s32 @!p1 $0x1082;
	[sflag:s4] =	ssyncset.s32 $0xFFFFF086  }
0x25: {  	[simem:s6], [sflag:s4] =	dma.local [hbm:s3], $0xF7A  }
0x26: {  	[smem:$0x3F93] =	sst s1;
	(tag) =	ssettag s2;
	_ =	strace s9  }
0x27: {  	s1 =	sld [smem:$0x3FA3]  }
0x28: {  	s2 =	sld [smem:$0x3FA4]  }
0x29: {  	s4 =	sld [smem:$0x3FA6]  }
0x2a: {  	p0 =	seq.s32 s5, $0x0;
	s5 =	sld [smem:$0x3FA7]  }
0x2b: {  	s6 =	sld [smem:$0x3FA8]  }
0x2c: {  	s7 =	sld [smem:$0x3FA9]  }
0x2d: {  	s3 =	simm.s32 $0x108;
	s8 =	sld [smem:$0x3FAA]  }
0x2e: {  	s3 =	simm.s32 @!p0 $0x1082;
	s9 =	sld [smem:$0x3FAB]  }
0x2f: {  	lr =	sadd.s32 s0, s3;
	s0 =	sld [smem:$0x3FA2]  }
0x30: {  	s3 =	sld [smem:$0x3FA5]  }
0x31: {  	[smem:$0x3FAE] =	sst s10  }
0x32: {  	s10 =	sld [smem:$0x3FAC];
	_ =	sdelay $0x3  }
0x33: {  	p0 =	seq.s32 s10, $0x1;
	s10 =	sld [smem:$0x3FAE];
	_ =	sdelay $0x3  }
0x34: {  	[smem:$0x3FAE] =	sst s10  }
0x35: {  	s10 =	sld [smem:$0x3FAD];
	_ =	sdelay $0x3  }
0x36: {  	p1 =	seq.s32 s10, $0x1;
	s10 =	sld [smem:$0x3FAE];
	_ =	sdelay $0x3  }
0x37: {  	[smem:$0x3FAE] =	sst s10  }
0x38: {  	s10 =	sld [smem:$0x3FAF]  }
0x39: {  	_ = 	snop;
	(pc) =	sbr.ind lr, $3  }
0x3a: {  	_ = 	snop  }
0x3b: {  	_ = 	snop  }
0x3c: {  	p2 =	seq.s32 s10, $0x1;
	s10 =	sld [smem:$0x3FAE]  }
0x3d: {  	_ =	shalt  }
0x3e: {  	_ =	shalt  }
0x3f: {  	_ =	shalt  }
0x40: {  	_ =	shalt  }
0x41: {  	_ =	shalt  }
0x42: {  	_ =	shalt  }
0x43: {  	_ =	shalt  }
0x44: {  	_ =	shalt  }
0x45: {  	_ =	shalt  }
0x46: {  	_ =	shalt  }
0x47: {  	_ =	shalt  }
0x48: {  	_ =	shalt  }
0x49: {  	_ =	shalt  }
0x4a: {  	_ =	shalt  }
0x4b: {  	_ =	shalt  }
0x4c: {  	_ =	shalt  }
0x4d: {  	_ =	shalt  }
0x4e: {  	_ =	shalt  }
0x4f: {  	_ =	shalt  }
0x50: {  	_ =	shalt  }
0x51: {  	_ =	shalt  }
0x52: {  	_ =	shalt  }
0x53: {  	_ =	shalt  }
0x54: {  	_ =	shalt  }
0x55: {  	_ =	shalt  }
0x56: {  	_ =	shalt  }
0x57: {  	_ =	shalt  }
0x58: {  	_ =	shalt  }
0x59: {  	_ =	shalt  }
0x5a: {  	_ =	shalt  }
0x5b: {  	_ =	shalt  }
0x5c: {  	_ =	shalt  }
0x5d: {  	_ =	shalt  }
0x5e: {  	_ =	shalt  }
0x5f: {  	_ =	shalt  }
0x60: {  	_ =	shalt  }
0x61: {  	_ =	shalt  }
0x62: {  	_ =	shalt  }
0x63: {  	_ =	shalt  }
0x64: {  	_ =	shalt  }
0x65: {  	_ =	shalt  }
0x66: {  	_ =	shalt  }
0x67: {  	_ =	shalt  }
0x68: {  	_ =	shalt  }
0x69: {  	_ =	shalt  }
0x6a: {  	_ =	shalt  }
0x6b: {  	_ =	shalt  }
0x6c: {  	_ =	shalt  }
0x6d: {  	_ =	shalt  }
0x6e: {  	_ =	shalt  }
0x6f: {  	_ =	shalt  }
0x70: {  	_ =	shalt  }
0x71: {  	_ =	shalt  }
0x72: {  	_ =	shalt  }
0x73: {  	_ =	shalt  }
0x74: {  	_ =	shalt  }
0x75: {  	_ =	shalt  }
0x76: {  	_ =	shalt  }
0x77: {  	_ =	shalt  }
0x78: {  	_ =	shalt  }
0x79: {  	_ =	shalt  }
0x7a: {  	_ =	shalt  }
0x7b: {  	_ =	shalt  }
0x7c: {  	_ =	shalt  }
0x7d: {  	_ =	shalt  }
0x7e: {  	_ =	shalt  }
0x7f: {  	_ =	shalt  }
0x80: {  	_ =	shalt  }
0x81: {  	_ =	shalt  }
0x82: {  	_ =	shalt  }
0x83: {  	_ =	shalt  }
0x84: {  	_ =	shalt  }
0x85: {  	_ =	shalt  }
0x86: {  	_ =	shalt  }
0x87: {  	_ =	shalt  }
.Lfunc_end0:
.L_simem_size_0:
called_computation.3_lowered:
.L_overlay_start_0:
0x88: {  	s2 =	sld [smem:$0x3FD9]  }
0x89: {  	s3 =	sld [smem:$0x3FFE];
	_ =	sdelay $0x1  }
0x8a: {  	s1 =	srdreg.scid  }
0x8b: {  	s0 =	sand.u32 $0x1, s1  }
0x8c: {  	s14 =	sshll.u32 s0, $0xA;
	s2 =	sadd.s32 s3, s2  }
0x8d: {  	s2 =	sadd.s32 s2, s14  }
0x8e: {  	[smem:$0x3FBA] =	sst s2  }
0x8f: {  	_ = 	snop  }
0x90: {  	s2 =	sld [smem:$0x3FD0];
	_ =	sdelay $0x2  }
0x91: {  	s15 =	simm.s32 $0xA;
	s4 =	simm.s32 $0x10  }
0x92: {  	[smem:s4], [sflag:s15] =	dma.local [hbm:s2], $0x1  }
0x93: {  	_ =	swait.eq [sflag:s15], $0x1  }
0x94: {  	[sflag:s15] =	ssyncset.done $0x0  }
0x95: {  	s16 =	sld [smem:$0x11];
	[sflag:s15] =	ssyncadd.s32 $0xFFFFFFFF  }
0x96: {  	s17 =	sld [smem:$0x12];
	(tm) =	ssettm $0x1  }
0x97: {  	s18 =	sld [smem:$0x3FFB];
	_ =	sdelay $0x3  }
0x98: {  	_ =	strace s18  }
0x99: {  	s4 =	sld [smem:$0x3FFC];
	_ =	sdelay $0x3  }
0x9a: {  	_ =	strace s4  }
0x9b: {  	s4 =	sld [smem:$0x3FFD];
	_ =	sdelay $0x3  }
0x9c: {  	_ =	strace s4  }
0x9d: {  	_ =	strace $0x8FFFFFFF  }
0x9e: {  	s19 =	sld [smem:$0x3FDB];
	_ =	sdelay $0x1  }
0x9f: {  	s5 =	simm.s32 $_scs_section_size  }
0xa0: {  	s6 =	simm.s32 $_size__tile_overlayer_lowered;
	s7 =	simm.s32 $_tile_overlayer_lowered  }
0xa1: {  	s22 =	simm.s32 $0x1BFF;
	s21 =	sshll.u32 s7, $0x1;
	s4 =	sadd.s32 s5, s19  }
0xa2: {  	s8 =	simm.s32 $0x0;
	s20 =	sshll.u32 s6, $0x1;
	s6 =	sadd.s32 s21, s4  }
0xa3: {  	[timem:s8], [sflag:s22] =	dma.local [hbm:s6], s20  }
0xa4: {  	_ =	swait.ge [sflag:s22], s20  }
0xa5: {  	s5 =	ssub.s32 $0x0, s20;
	[sflag:s22] =	ssyncset.done $0x0  }
0xa6: {  	[sflag:s22] =	ssyncadd.s32 s5;
	_ =	sdelay $0x1  }
0xa7: {  	s23 =	simm.s32 $0x1B8B  }
0xa8: {  	_ =	swait.ge [sflag:s23], $0x1  }
0xa9: {  	[sflag:s23] =	ssyncset.done $0x0  }
0xaa: {  	s25 =	simm.s32 $0x1B8E;
	s24 =	sld [smem:$0x3FFE];
	[sflag:s23] =	ssyncadd.s32 $0xFFFFFFFF  }
0xab: {  	s26 =	simm.s32 $execute0_lowered;
	[smem:$0x3FD2] =	sst s25  }
0xac: {  	s6 =	sshll.u32 s26, $0x1;
	_ =	strace $0x8000004F;
	[dreg:$0x1] =	wrdreg $0xFFFFFFFF  }
0xad: {  	s28 =	simm.s32 $_size_execute0_lowered;
	s4 =	sadd.s32 s4, s6;
	[dreg:$0x0] =	wrdreg $0x0  }
0xae: {  	s6 =	sshll.u32 s28, $0x1;
	[dreg:$0x2] =	wrdreg s4  }
0xaf: {  	[dreg:$0x3] =	wrdreg s6  }
0xb0: {  	[dreg:$0x4] =	wrdreg $0xC0  }
0xb1: {  	_ =	task [dreg:s8], $0x5FFFF  }
0xb2: {  	[dreg:$0x1] =	wrdreg $0xFFFFFFFF  }
0xb3: {  	[dreg:$0x0] =	wrdreg $0x60  }
0xb4: {  	[dreg:$0x2] =	wrdreg s24  }
0xb5: {  	[dreg:$0x3] =	wrdreg s16  }
0xb6: {  	[dreg:$0x4] =	wrdreg s17  }
0xb7: {  	[dreg:$0x5] =	wrdreg $0xA8000  }
0xb8: {  	[dreg:$0x6] =	wrdreg $0x9  }
0xb9: {  	_ =	task.clear_ibuf [dreg:s8], $0x7FFFF;
	_ =	strace $0x9000004F  }
0xba: {  	s29 =	simm.s32 $0x9;
	_ =	strace $0x80000051  }
0xbb: {  	_ =	swait.ge [sflag:s29], $0x1  }
0xbc: {  	[sflag:s29] =	ssyncadd.s32 $0xFFFFFFFF  }
0xbd: {  	_ =	strace $0x90000051  }
0xbe: {  	_ =	sfence  }
0xbf: {  	s30 =	sld [smem:$0x0];
	_ =	sdelay $0x2  }
0xc0: {  	s31 =	sshll.u32 s1, $0xD;
	s1 =	sshrl.u32 s1, $0x2  }
0xc1: {  	s3 =	sand.u32 $0x4000, s31;
	s1 =	sadd.s32 s1, s30  }
0xc2: {  	s0 =	sor.u32 s3, s0;
	s1 =	sshll.u32 s1, $0x11  }
0xc3: {  	s0 =	sor.u32 s1, s0  }
0xc4: {  	s0 =	sadd.s32 $0x8F2B, s0  }
0xc5: {  	[sflag:s0] =	ssyncadd.remote.s32 $0x1  }
0xc6: {  	_ =	sfence.sel $0xFFFF  }
0xc7: {  	[dreg:$0x0] =	wrdreg $0xFFFFFFFF;
	(pc) =	sbr.abs _section_cstart, $3  }
0xc8: {  	[dreg:$0x1] =	wrdreg $0xFFFFFFFF  }
0xc9: {  	_ =	task.clear_ibuf [dreg:s8], $0x2FFFF;
	_ =	strace $0x9FFFFFFF  }
0xca: {  	(tm) =	ssettm $0x7FFFFFFF  }
0xcb: {  	_ =	shalt  }
tec
execute0_lowered:
.L_overlay_start_1:
0x0: {  	(tag) =	ssettag $0x1  }
0x1: {  	s0 =	rddreg [dreg:$0x0]  }
0x2: {  	s9 =	rddreg [dreg:$0x1]  }
0x3: {  	s10 =	rddreg [dreg:$0x2]  }
0x4: {  	s2 =	rddreg [dreg:$0x3]  }
0x5: {  	s1 =	stileid.u32;
	s4 =	srdreg.scid;
	s3 =	simm.s32 $0x0  }
0x6: {  	s15 =	simm.s32 $0x1400;
	s16 =	simm.s32 $0x80;
	s17 =	simm.s32 $0x2800  }
0x7: {  	s18 =	simm.s32 $0x6800;
	s19 =	simm.s32 $0x1;
	s20 =	simm.s32 $0x2  }
0x8: {  	s21 =	simm.s32 $0x3;
	s22 =	simm.s32 $0x4;
	s28 =	simm.s32 $0x2700  }
0x9: {  	s29 =	simm.s32 $0x2780;
	s30 =	simm.s32 $0x0;
	s5 =	smul.u32 $0x13C00, s1  }
0xa: {  	s6 =	sand.u32 $0x1, s4;
	[smem:$0x7FF] =	sst s3;
	s4 =	sadd.s32 $0x2C200, s0  }
0xb: {  	s23 =	smul.u32 $0x4F000, s1;
	s11 =	sshll.u32 s1, $0x1;
	s26 =	sshll.u32 s1, $0x6  }
0xc: {  	s7 =	smul.u32 $0x13C000, s6;
	_ =	strace $0x80000050;
	s24 =	ssub.s32 $0x2, s6  }
0xd: {  	s6 =	sor.u32 s6, s11;
	s8 =	sshrl.u32 s5, $0x3;
	s25 =	sshrl.u32 s24, $0x1  }
0xe: {  	s12 =	smul.u32 $0x2800, s6;
	s6 =	sor.u32 $0x1C05, s26;
	s26 =	simm.s32 $0x1380  }
0xf: {  	s8 =	sadd.s32 s8, s0;
	s5 =	sadd.s32 s5, s7;
	s7 =	sshrl.u32 s23, $0x2  }
0x10: {  	s13 =	ssub.s32 s24, s25;
	s23 =	simm.s32 $0x2600;
	s24 =	simm.s32 $0x2680  }
0x11: {  	s25 =	simm.s32 $0x1300;
	s5 =	sshrl.u32 s5, $0x3;
	s14 =	sadd.s32 s7, s2  }
0x12: {  	s31 =	sshrl.u32 s12, $0x3;
	s12 =	smax.u32 s13, $0x1;
	s0 =	sadd.s32 s5, s0  }
0x13: {  	s5 =	sadd.s32 $0x4A00, s8;
	s7 =	sadd.s32 s9, s31;
	s8 =	sadd.s32 s10, s31  }
0x14: {  	s11 =	sadd.s32 $0x280, s31;
	s13 =	sshrl.u32 s14, $0x3;
	s14 =	simm.s32 $0x5  }
0x15: {  	s9 =	sadd.s32 s9, s11;
	s10 =	sadd.s32 s10, s11;
	s11 =	sadd.s32 $0x7A600, s0  }
.LBB2_1:
0x16: {  	[spmem:s13], [sflag:s6] =	dma.local [hbm:s5], $0x2780  }
0x17: {  	_ =	swait.ge [sflag:s14], $0x2780  }
0x18: {  	[sflag:s14] =	ssyncset.done $0x0  }
0x19: {  	[sflag:s14] =	ssyncadd.s32 $0xFFFFD880  }
0x1a: {  	[bflag:$0x0] =	sbarrier.arrive $0xFFFF  }
0x1b: {  	[tilespmem:s3], [sflag:$0x5] =	stream.linear.gather [hbm4b:s7+s3], $0x1400, $0x38;
	[tilespmem:$0x1E400] =	vst v63  }
0x1c: {  	_ =	swait.ge [sflag:s14], $0x1400  }
0x1d: {  	[sflag:s14] =	ssyncset.done $0x0  }
0x1e: {  	[sflag:s14] =	ssyncadd.s32 $0xFFFFEC00  }
0x1f: {  	[tilespmem:s15], [sflag:$0x5] =	stream.linear.gather [hbm4b:s8+s3], $0x1400, $0x38;
	[tilespmem:$0x1E400] =	vst v63  }
0x20: {  	_ =	swait.ge [sflag:s14], $0x1400  }
0x21: {  	[sflag:s14] =	ssyncset.done $0x0  }
0x22: {  	[sflag:s14] =	ssyncadd.s32 $0xFFFFEC00  }
0x23: {  	[tilespmem:s17], [sflag:$0x1] =	stream.indirect.gather [hbm4b:s4+s16], $0x80, s3, s16, $0xb8;
	[tilespmem:$0x1E400] =	vst v63  }
0x24: {  	_ = 	snop  }
0x25: {  	[tilespmem:s18], [sflag:$0x2] =	stream.indirect.gather [hbm4b:s4+s16], $0x80, s16, s16, $0xb8;
	[tilespmem:$0x1E400] =	vst v63  }
0x26: {  	_ =	swait.ge [sflag:s19], $0x4000  }
0x27: {  	[sflag:s19] =	ssyncset.done $0x0  }
0x28: {  	s0 =	simm.s32 $0x1400;
	[sflag:s19] =	ssyncadd.s32 $0xFFFFC000  }
0x29: {  	[spmem:s2] =	stream.indirect.scatter.add.f32 [tilespmem:s17], [sflag:$0x3], $0x80, s0, s16, $0xb8;
	[tilespmem:$0x1E400] =	vst v63  }
0x2a: {  	_ =	swait.ge [sflag:s20], $0x4000  }
0x2b: {  	[sflag:s20] =	ssyncset.done $0x0  }
0x2c: {  	s1 =	simm.s32 $0x1480;
	[sflag:s20] =	ssyncadd.s32 $0xFFFFC000  }
0x2d: {  	[spmem:s2] =	stream.indirect.scatter.add.f32 [tilespmem:s18], [sflag:$0x4], $0x80, s1, s16, $0xb8;
	[tilespmem:$0x1E400] =	vst v63  }
0x2e: {  	_ =	swait.ge [sflag:s21], $0x4000  }
0x2f: {  	[sflag:s21] =	ssyncset.done $0x0  }
0x30: {  	s1 =	simm.s32 $0x100;
	[sflag:s21] =	ssyncadd.s32 $0xFFFFC000  }
0x31: {  	[tilespmem:s17], [sflag:$0x1] =	stream.indirect.gather [hbm4b:s4+s16], $0x80, s1, s16, $0xb8;
	[tilespmem:$0x1E400] =	vst v63  }
0x32: {  	_ =	swait.ge [sflag:s22], $0x4000  }
0x33: {  	[sflag:s22] =	ssyncset.done $0x0  }
0x34: {  	s31 =	simm.s32 $0x400;
	s0 =	simm.s32 $0x180;
	[sflag:s22] =	ssyncadd.s32 $0xFFFFC000  }
.LBB2_2:
0x35: {  	[tilespmem:s18], [sflag:$0x2] =	stream.indirect.gather [hbm4b:s4+s16], $0x80, s0, s16, $0xb8;
	[tilespmem:$0x1E400] =	vst v63  }
0x36: {  	s0 =	smov.u32 s31  }
0x37: {  	p0 =	sne.s32 s31, $0x4400;
	s31 =	sadd.s32 $0x400, s31;
	_ =	swait.ge [sflag:s19], $0x4000  }
0x38: {  	s0 =	sshra.s32 s0, $0x2;
	[sflag:s19] =	ssyncset.done $0x0  }
0x39: {  	s1 =	sadd.s32 $0x1400, s0;
	[sflag:s19] =	ssyncadd.s32 $0xFFFFC000  }
0x3a: {  	[spmem:s2] =	stream.indirect.scatter.add.f32 [tilespmem:s17], [sflag:$0x3], $0x80, s1, s16, $0xb8;
	[tilespmem:$0x1E400] =	vst v63  }
0x3b: {  	_ =	swait.ge [sflag:s20], $0x4000  }
0x3c: {  	[sflag:s20] =	ssyncset.done $0x0  }
0x3d: {  	s1 =	sadd.s32 $0x1480, s0;
	[sflag:s20] =	ssyncadd.s32 $0xFFFFC000  }
0x3e: {  	[spmem:s2] =	stream.indirect.scatter.add.f32 [tilespmem:s18], [sflag:$0x4], $0x80, s1, s16, $0xb8;
	[tilespmem:$0x1E400] =	vst v63  }
0x3f: {  	_ =	swait.ge [sflag:s21], $0x4000  }
0x40: {  	[sflag:s21] =	ssyncset.done $0x0  }
.Ltmp0:
0x41: {  	s1 =	sadd.s32 $0x100, s0;
	[sflag:s21] =	ssyncadd.s32 $0xFFFFC000;
	(pc) =	sbr.rel @p0 .LBB2_2-.Ltmp0, $4  }
0x42: {  	[tilespmem:s17], [sflag:$0x1] =	stream.indirect.gather [hbm4b:s4+s16], $0x80, s1, s16, $0xb8;
	[tilespmem:$0x1E400] =	vst v63  }
0x43: {  	_ =	swait.ge [sflag:s22], $0x4000  }
0x44: {  	[sflag:s22] =	ssyncset.done $0x0  }
0x45: {  	s0 =	sadd.s32 $0x180, s0;
	[sflag:s22] =	ssyncadd.s32 $0xFFFFC000  }
0x46: {  	[tilespmem:s18], [sflag:$0x2] =	stream.indirect.gather [hbm4b:s4+s16], $0x80, s0, s16, $0xb8;
	[tilespmem:$0x1E400] =	vst v63  }
0x47: {  	_ =	swait.ge [sflag:s19], $0x4000  }
0x48: {  	[sflag:s19] =	ssyncset.done $0x0  }
0x49: {  	[sflag:s19] =	ssyncadd.s32 $0xFFFFC000  }
0x4a: {  	[spmem:s2] =	stream.indirect.scatter.add.f32 [tilespmem:s17], [sflag:$0x3], $0x80, s23, s16, $0xb8;
	[tilespmem:$0x1E400] =	vst v63  }
0x4b: {  	_ =	swait.ge [sflag:s20], $0x4000  }
0x4c: {  	[sflag:s20] =	ssyncset.done $0x0  }
0x4d: {  	[sflag:s20] =	ssyncadd.s32 $0xFFFFC000  }
0x4e: {  	[spmem:s2] =	stream.indirect.scatter.add.f32 [tilespmem:s18], [sflag:$0x4], $0x80, s24, s16, $0xb8;
	[tilespmem:$0x1E400] =	vst v63  }
0x4f: {  	_ =	swait.ge [sflag:s21], $0x4000  }
0x50: {  	[sflag:s21] =	ssyncset.done $0x0  }
0x51: {  	[sflag:s21] =	ssyncadd.s32 $0xFFFFC000  }
0x52: {  	[tilespmem:s17], [sflag:$0x1] =	stream.indirect.gather [hbm4b:s4+s16], $0x80, s25, s16, $0xb8;
	[tilespmem:$0x1E400] =	vst v63  }
0x53: {  	_ =	swait.ge [sflag:s22], $0x4000  }
0x54: {  	[sflag:s22] =	ssyncset.done $0x0  }
0x55: {  	[sflag:s22] =	ssyncadd.s32 $0xFFFFC000  }
0x56: {  	[tilespmem:s18], [sflag:$0x2] =	stream.indirect.gather [hbm4b:s4+s16], $0x80, s26, s16, $0xb8;
	[tilespmem:$0x1E400] =	vst v63  }
0x57: {  	_ =	swait.ge [sflag:s19], $0x4000  }
0x58: {  	[sflag:s19] =	ssyncset.done $0x0  }
0x59: {  	[sflag:s19] =	ssyncadd.s32 $0xFFFFC000  }
0x5a: {  	[spmem:s2] =	stream.indirect.scatter.add.f32 [tilespmem:s17], [sflag:$0x3], $0x80, s28, s16, $0xb8;
	[tilespmem:$0x1E400] =	vst v63  }
0x5b: {  	_ =	swait.ge [sflag:s20], $0x4000  }
0x5c: {  	[sflag:s20] =	ssyncset.done $0x0  }
0x5d: {  	[sflag:s20] =	ssyncadd.s32 $0xFFFFC000  }
0x5e: {  	[spmem:s2] =	stream.indirect.scatter.add.f32 [tilespmem:s18], [sflag:$0x4], $0x80, s29, s16, $0xb8;
	[tilespmem:$0x1E400] =	vst v63  }
0x5f: {  	_ =	swait.ge [sflag:s21], $0x4000  }
0x60: {  	[sflag:s21] =	ssyncset.done $0x0  }
0x61: {  	[sflag:s21] =	ssyncadd.s32 $0xFFFFC000  }
0x62: {  	[tilespmem:s17], [sflag:$0x1] =	stream.indirect.gather [hbm4b:s4+s16], $0x80, s26, s16, $0xb8;
	[tilespmem:$0x1E400] =	vst v63  }
0x63: {  	_ =	swait.ge [sflag:s22], $0x4000  }
0x64: {  	[sflag:s22] =	ssyncset.done $0x0  }
0x65: {  	[sflag:s22] =	ssyncadd.s32 $0xFFFFC000  }
0x66: {  	[tilespmem:s18], [sflag:$0x2] =	stream.indirect.gather [hbm4b:s4+s16], $0x80, s26, s16, $0xb8;
	[tilespmem:$0x1E400] =	vst v63  }
0x67: {  	_ =	swait.ge [sflag:s19], $0x4000  }
0x68: {  	[sflag:s19] =	ssyncset.done $0x0  }
0x69: {  	[sflag:s19] =	ssyncadd.s32 $0xFFFFC000  }
0x6a: {  	_ =	swait.ge [sflag:s20], $0x4000  }
0x6b: {  	[sflag:s20] =	ssyncset.done $0x0  }
0x6c: {  	s1 =	simm.s32 $0x0;
	[sflag:s20] =	ssyncadd.s32 $0xFFFFC000  }
0x6d: {  	[tilespmem:s1], [sflag:$0x5] =	stream.linear.gather [hbm4b:s9+s1], $0x1400, $0x38;
	[tilespmem:$0x1E400] =	vst v63  }
0x6e: {  	_ =	swait.ge [sflag:s14], $0x1400  }
0x6f: {  	[sflag:s14] =	ssyncset.done $0x0  }
0x70: {  	[sflag:s14] =	ssyncadd.s32 $0xFFFFEC00  }
0x71: {  	[tilespmem:s15], [sflag:$0x5] =	stream.linear.gather [hbm4b:s10+s1], $0x1400, $0x38;
	[tilespmem:$0x1E400] =	vst v63  }
0x72: {  	_ =	swait.ge [sflag:s14], $0x1400  }
0x73: {  	[sflag:s14] =	ssyncset.done $0x0  }
0x74: {  	[sflag:s14] =	ssyncadd.s32 $0xFFFFEC00  }
0x75: {  	[tilespmem:s17], [sflag:$0x1] =	stream.indirect.gather [hbm4b:s4+s16], $0x80, s1, s16, $0xb8;
	[tilespmem:$0x1E400] =	vst v63  }
0x76: {  	_ = 	snop  }
0x77: {  	[tilespmem:s18], [sflag:$0x2] =	stream.indirect.gather [hbm4b:s4+s16], $0x80, s16, s16, $0xb8;
	[tilespmem:$0x1E400] =	vst v63  }
0x78: {  	_ =	swait.ge [sflag:s19], $0x4000  }
0x79: {  	[sflag:s19] =	ssyncset.done $0x0  }
0x7a: {  	s1 =	simm.s32 $0x1400;
	[sflag:s19] =	ssyncadd.s32 $0xFFFFC000  }
0x7b: {  	[spmem:s2] =	stream.indirect.scatter.add.f32 [tilespmem:s17], [sflag:$0x3], $0x80, s1, s16, $0xb8;
	[tilespmem:$0x1E400] =	vst v63  }
0x7c: {  	_ =	swait.ge [sflag:s20], $0x4000  }
0x7d: {  	[sflag:s20] =	ssyncset.done $0x0  }
0x7e: {  	s1 =	simm.s32 $0x1480;
	[sflag:s20] =	ssyncadd.s32 $0xFFFFC000  }
0x7f: {  	[spmem:s2] =	stream.indirect.scatter.add.f32 [tilespmem:s18], [sflag:$0x4], $0x80, s1, s16, $0xb8;
	[tilespmem:$0x1E400] =	vst v63  }
0x80: {  	_ =	swait.ge [sflag:s21], $0x4000  }
0x81: {  	[sflag:s21] =	ssyncset.done $0x0  }
0x82: {  	s1 =	simm.s32 $0x100;
	[sflag:s21] =	ssyncadd.s32 $0xFFFFC000  }
0x83: {  	[tilespmem:s17], [sflag:$0x1] =	stream.indirect.gather [hbm4b:s4+s16], $0x80, s1, s16, $0xb8;
	[tilespmem:$0x1E400] =	vst v63  }
0x84: {  	_ =	swait.ge [sflag:s22], $0x4000  }
0x85: {  	[sflag:s22] =	ssyncset.done $0x0  }
0x86: {  	s31 =	simm.s32 $0x400;
	s0 =	simm.s32 $0x180;
	[sflag:s22] =	ssyncadd.s32 $0xFFFFC000  }
.LBB2_4:
0x87: {  	[tilespmem:s18], [sflag:$0x2] =	stream.indirect.gather [hbm4b:s4+s16], $0x80, s0, s16, $0xb8;
	[tilespmem:$0x1E400] =	vst v63  }
0x88: {  	s0 =	smov.u32 s31  }
0x89: {  	p0 =	sne.s32 s31, $0x4400;
	s31 =	sadd.s32 $0x400, s31;
	_ =	swait.ge [sflag:s19], $0x4000  }
0x8a: {  	s0 =	sshra.s32 s0, $0x2;
	[sflag:s19] =	ssyncset.done $0x0  }
0x8b: {  	s1 =	sadd.s32 $0x1400, s0;
	[sflag:s19] =	ssyncadd.s32 $0xFFFFC000  }
0x8c: {  	[spmem:s2] =	stream.indirect.scatter.add.f32 [tilespmem:s17], [sflag:$0x3], $0x80, s1, s16, $0xb8;
	[tilespmem:$0x1E400] =	vst v63  }
0x8d: {  	_ =	swait.ge [sflag:s20], $0x4000  }
0x8e: {  	[sflag:s20] =	ssyncset.done $0x0  }
0x8f: {  	s1 =	sadd.s32 $0x1480, s0;
	[sflag:s20] =	ssyncadd.s32 $0xFFFFC000  }
0x90: {  	[spmem:s2] =	stream.indirect.scatter.add.f32 [tilespmem:s18], [sflag:$0x4], $0x80, s1, s16, $0xb8;
	[tilespmem:$0x1E400] =	vst v63  }
0x91: {  	_ =	swait.ge [sflag:s21], $0x4000  }
0x92: {  	[sflag:s21] =	ssyncset.done $0x0  }
.Ltmp1:
0x93: {  	s1 =	sadd.s32 $0x100, s0;
	[sflag:s21] =	ssyncadd.s32 $0xFFFFC000;
	(pc) =	sbr.rel @p0 .LBB2_4-.Ltmp1, $4  }
0x94: {  	[tilespmem:s17], [sflag:$0x1] =	stream.indirect.gather [hbm4b:s4+s16], $0x80, s1, s16, $0xb8;
	[tilespmem:$0x1E400] =	vst v63  }
0x95: {  	_ =	swait.ge [sflag:s22], $0x4000  }
0x96: {  	[sflag:s22] =	ssyncset.done $0x0  }
0x97: {  	s0 =	sadd.s32 $0x180, s0;
	[sflag:s22] =	ssyncadd.s32 $0xFFFFC000  }
0x98: {  	[tilespmem:s18], [sflag:$0x2] =	stream.indirect.gather [hbm4b:s4+s16], $0x80, s0, s16, $0xb8;
	[tilespmem:$0x1E400] =	vst v63  }
0x99: {  	_ =	swait.ge [sflag:s19], $0x4000  }
0x9a: {  	[sflag:s19] =	ssyncset.done $0x0  }
0x9b: {  	[sflag:s19] =	ssyncadd.s32 $0xFFFFC000  }
0x9c: {  	[spmem:s2] =	stream.indirect.scatter.add.f32 [tilespmem:s17], [sflag:$0x3], $0x80, s23, s16, $0xb8;
	[tilespmem:$0x1E400] =	vst v63  }
0x9d: {  	_ =	swait.ge [sflag:s20], $0x4000  }
0x9e: {  	[sflag:s20] =	ssyncset.done $0x0  }
0x9f: {  	[sflag:s20] =	ssyncadd.s32 $0xFFFFC000  }
0xa0: {  	[spmem:s2] =	stream.indirect.scatter.add.f32 [tilespmem:s18], [sflag:$0x4], $0x80, s24, s16, $0xb8;
	[tilespmem:$0x1E400] =	vst v63  }
0xa1: {  	_ =	swait.ge [sflag:s21], $0x4000  }
0xa2: {  	[sflag:s21] =	ssyncset.done $0x0  }
0xa3: {  	[sflag:s21] =	ssyncadd.s32 $0xFFFFC000  }
0xa4: {  	[tilespmem:s17], [sflag:$0x1] =	stream.indirect.gather [hbm4b:s4+s16], $0x80, s25, s16, $0xb8;
	[tilespmem:$0x1E400] =	vst v63  }
0xa5: {  	_ =	swait.ge [sflag:s22], $0x4000  }
0xa6: {  	[sflag:s22] =	ssyncset.done $0x0  }
0xa7: {  	[sflag:s22] =	ssyncadd.s32 $0xFFFFC000  }
0xa8: {  	[tilespmem:s18], [sflag:$0x2] =	stream.indirect.gather [hbm4b:s4+s16], $0x80, s26, s16, $0xb8;
	[tilespmem:$0x1E400] =	vst v63  }
0xa9: {  	_ =	swait.ge [sflag:s19], $0x4000  }
0xaa: {  	[sflag:s19] =	ssyncset.done $0x0  }
0xab: {  	[sflag:s19] =	ssyncadd.s32 $0xFFFFC000  }
0xac: {  	[spmem:s2] =	stream.indirect.scatter.add.f32 [tilespmem:s17], [sflag:$0x3], $0x80, s28, s16, $0xb8;
	[tilespmem:$0x1E400] =	vst v63  }
0xad: {  	_ =	swait.ge [sflag:s20], $0x4000  }
0xae: {  	[sflag:s20] =	ssyncset.done $0x0  }
0xaf: {  	[sflag:s20] =	ssyncadd.s32 $0xFFFFC000  }
0xb0: {  	[spmem:s2] =	stream.indirect.scatter.add.f32 [tilespmem:s18], [sflag:$0x4], $0x80, s29, s16, $0xb8;
	[tilespmem:$0x1E400] =	vst v63  }
0xb1: {  	_ =	swait.ge [sflag:s21], $0x4000  }
0xb2: {  	[sflag:s21] =	ssyncset.done $0x0  }
0xb3: {  	[sflag:s21] =	ssyncadd.s32 $0xFFFFC000  }
0xb4: {  	[tilespmem:s17], [sflag:$0x1] =	stream.indirect.gather [hbm4b:s4+s16], $0x80, s26, s16, $0xb8;
	[tilespmem:$0x1E400] =	vst v63  }
0xb5: {  	_ =	swait.ge [sflag:s22], $0x4000  }
0xb6: {  	[sflag:s22] =	ssyncset.done $0x0  }
0xb7: {  	[sflag:s22] =	ssyncadd.s32 $0xFFFFC000  }
0xb8: {  	[tilespmem:s18], [sflag:$0x2] =	stream.indirect.gather [hbm4b:s4+s16], $0x80, s26, s16, $0xb8;
	[tilespmem:$0x1E400] =	vst v63  }
0xb9: {  	_ =	swait.ge [sflag:s19], $0x4000  }
0xba: {  	[sflag:s19] =	ssyncset.done $0x0  }
0xbb: {  	[sflag:s19] =	ssyncadd.s32 $0xFFFFC000  }
0xbc: {  	_ =	swait.ge [sflag:s20], $0x4000  }
0xbd: {  	s30 =	sadd.s32 $0x1, s30;
	[sflag:s20] =	ssyncset.done $0x0  }
0xbe: {  	p0 =	sne.s32 s30, s12;
	[sflag:s20] =	ssyncadd.s32 $0xFFFFC000  }
.Ltmp2:
0xbf: {  	[bflag:$0x0] =	sbarrier.arrive $0xFFFF;
	(pc) =	sbr.rel @p0 .LBB2_1-.Ltmp2, $4  }
0xc0: {  	[hbm:s11], [sflag:s6] =	dma.local [spmem:s13], $0x2780  }
0xc1: {  	_ =	swait.ge [sflag:s14], $0x2780  }
0xc2: {  	[sflag:s14] =	ssyncset.done $0x0  }
0xc3: {  	[sflag:s14] =	ssyncadd.s32 $0xFFFFD880  }
0xc4: {  	_ =	sfence.sel $0x180000  }
0xc5: {  	[bflag:$0x0] =	sbarrier.arrive $0xFFFF  }
0xc6: {  	_ =	strace $0x90000050  }
0xc7: {  	s0 =	stileid.u32;
	[bflag:$0x2] =	sbarrier.arrive $0xFFFF  }
0xc8: {  	p0 =	sne.s32 s0, $0x0;
	s0 =	rddreg [dreg:$0x4]  }
0xc9: {  	s0 =	sadd.s32 @!p0 $0x100000, s0  }
0xca: {  	[sflag:s0] =	ssyncadd.tile.s32 @!p0 $0x1;
	_ =	shalt  }
.Lfunc_end2:
_tile_overlayer_lowered:
.L_overlay_start_2:
0xcb: {  	(tag) =	ssettag $0x2  }
0xcc: {  	s0 =	rddreg [dreg:$0x0];
	s2 =	stileid.u32  }
0xcd: {  	s1 =	rddreg [dreg:$0x1];
	p0 =	sne.s32 s2, $0x0  }
0xce: {  	s3 =	rddreg [dreg:$0x2];
	[bflag:$0x3] =	sbarrier.arrive $0xFFFF;
	s2 =	simm.s32 @!p0 $0x1C05  }
0xcf: {  	[timem:s3], [sflag:s2] =	dma.local @!p0 [hbm:s0], s1  }
0xd0: {  	s0 =	simm.s32 @!p0 $0x5  }
0xd1: {  	_ =	swait.ge @!p0 [sflag:s0], s1  }
0xd2: {  	s1 =	ssub.s32 @!p0 $0x0, s1;
	[sflag:s0] =	ssyncset.done @!p0 $0x0  }
0xd3: {  	[sflag:s0] =	ssyncadd.s32 @!p0 s1  }
0xd4: {  	[bflag:$0x3] =	sbarrier.arrive $0xFFFF  }
0xd5: {  	_ =	shalt  }

</sc_bundles>
